<compile_context>
chip_gen: v7x
topology: tpu7x:2x2x1
jax: 0.10.2.dev20260603
libtpu: 0.0.44.dev20260713+nightly
codegen_flags: <defaults>
</compile_context>

<pallas_src>
import functools

import jax
import jax.numpy as jnp
from jax import lax
from jax.experimental import pallas as pl
from jax.experimental.pallas import tpu as pltpu
from jax.experimental.pallas import tpu_sc as plsc

INPUT_DIM = 1000000
EMBED_DIM = 32
B = 16384
T = 50

NC, NS = 2, 16
NW = NC * NS
BT = 128
ET = 8
K = 4
B_PER_W = K * BT
NBT = B // BT


def _make_kernel():
    mesh = plsc.VectorSubcoreMesh(core_axis_name="c", subcore_axis_name="s")

    @functools.partial(
        pl.kernel,
        out_type=jax.ShapeDtypeStruct((T, EMBED_DIM // ET, NBT, ET, BT),
                                      jnp.float32),
        mesh=mesh,
        scratch_types=[
            pltpu.VMEM((B_PER_W, T), jnp.int32),
            pltpu.VMEM((T, K, BT), jnp.int32),
            pltpu.VMEM((K, BT, EMBED_DIM), jnp.float32),
            pltpu.VMEM((2, EMBED_DIM, BT + 1), jnp.float32),
            pltpu.SemaphoreType.DMA,
            pltpu.SemaphoreType.DMA,
        ],
        compiler_params=pltpu.CompilerParams(use_tc_tiling_on_sc=False,
                                             needs_layout_passes=False),
    )
    def emb(x_hbm, table_hbm, out_hbm, idx_v, idxT_v, gbufs, sbufs,
            gsem, wsem):
        wid = lax.axis_index("s") * NC + lax.axis_index("c")
        base_b = wid * B_PER_W
        iota = jax.lax.iota(jnp.int32, 16)
        erows = [iota + h * 16 for h in range(2)]

        pltpu.sync_copy(x_hbm.at[pl.ds(base_b, B_PER_W)], idx_v)

        @pl.loop(0, T)
        def _(t):
            tcol = jnp.full((16,), t, jnp.int32)
            for k in range(K):
                for g in range(BT // 16):
                    rows = iota + (k * BT + g * 16)
                    v = plsc.load_gather(idx_v, [rows, tcol])
                    idxT_v[t, k, pl.ds(g * 16, 16)] = v

        def gstart(t, k):
            pltpu.make_async_copy(
                table_hbm.at[idxT_v.at[t, k]], gbufs.at[k], gsem).start()

        def gwait(k):
            pltpu.make_async_copy(
                table_hbm.at[pl.ds(0, BT)], gbufs.at[k], gsem).wait()

        def wdesc(t, k, s, et):
            return pltpu.make_async_copy(
                sbufs.at[s, pl.ds(et * ET, ET), pl.ds(0, BT)],
                out_hbm.at[t, et, wid * K + k], wsem)

        for k in range(K):
            gstart(0, k)

        @pl.loop(0, T)
        def _(t):
            for k in range(K):
                s = k % 2
                gwait(k)
                if k < 2:
                    @pl.when(t > 0)
                    def _():
                        for et in range(EMBED_DIM // ET):
                            wdesc(t - 1, k + 2, s, et).wait()
                else:
                    for et in range(EMBED_DIM // ET):
                        wdesc(t, k - 2, s, et).wait()

                @pl.loop(0, BT, unroll=8)
                def _(b):
                    bb = jnp.full((16,), b, jnp.int32)
                    for h in range(2):
                        v = gbufs[k, b, pl.ds(h * 16, 16)]
                        plsc.store_scatter(sbufs.at[s], [erows[h], bb], v)

                for et in range(EMBED_DIM // ET):
                    wdesc(t, k, s, et).start()

                @pl.when(t < T - 1)
                def _():
                    gstart(t + 1, k)

        for k in (2, 3):
            for et in range(EMBED_DIM // ET):
                wdesc(T - 1, k, k % 2, et).wait()

    return emb


_emb_kernel = _make_kernel()


def kernel(x, wts):
    out5 = _emb_kernel(x, wts)
    return out5.transpose(2, 4, 0, 1, 3).reshape(B, T, EMBED_DIM)

# --- scband reference (transcript-rebuilt; emitter-appended) ---
"""Pipeline reference for scband-embedding-58437325029790 (READ-ONLY COPY).

The authoritative reference and input builder live on the scoring server;
editing this copy changes nothing except your own understanding.
"""

import jax, jax.numpy as jnp
import numpy as np

INPUT_DIM = 1000000
EMBED_DIM = 32
B = 16384
T = 50

def setup_inputs(seed: int = 0) -> dict:
    key = jax.random.key(seed)
    k_x, k_w = jax.random.split(key)
    x = jax.random.randint(k_x, (B, T), 0, INPUT_DIM, dtype=jnp.int32)
    # He initialization (linear activation -> kaiming gain k = 1)
    he_stdev = jnp.sqrt(1.0) / jnp.sqrt(jnp.float32(INPUT_DIM))
    wts = jax.random.normal(k_w, (INPUT_DIM, EMBED_DIM), dtype=jnp.float32) * he_stdev
    return {"x": x, "wts": wts}

def reference(x, wts):
    # compute_net_input: gather embedding rows at the specified indices
    # tf.gather(self.wts, x) -> wts[x], shape (B, T, H)
    selected_weights = jnp.take(wts, x, axis=0)
    return selected_weights

if __name__ == "__main__":
    import jax
    _d = setup_inputs()
    print(jax.jit(kernel)(*tuple(_d.values())))

</pallas_src>

<mosaic_0001>
#map = affine_map<(d0, d1) -> (0, 0)>
#map1 = affine_map<(d0, d1) -> (0, 0, 0, 0, 0)>
module attributes {stable_mosaic.version = 14 : i64} {
  func.func @emb(%arg0: i32, %arg1: i32, %arg2: memref<16384x50xi32, #tpu.memory_space<hbm>>, %arg3: memref<1000000x32xf32, #tpu.memory_space<hbm>>, %arg4: memref<50x4x128x8x128xf32, #tpu.memory_space<hbm>>, %arg5: memref<512x50xi32, #tpu.memory_space<vmem>>, %arg6: memref<50x4x128xi32, #tpu.memory_space<vmem>>, %arg7: memref<4x128x32xf32, #tpu.memory_space<vmem>>, %arg8: memref<2x32x129xf32, #tpu.memory_space<vmem>>, %arg9: memref<!tpu.dma_semaphore, #tpu.memory_space<semaphore_mem>>, %arg10: memref<!tpu.dma_semaphore, #tpu.memory_space<semaphore_mem>>) attributes {dimension_semantics = [#tpu.dimension_semantics<core_parallel>, #tpu.dimension_semantics<subcore_parallel>], iteration_bounds = array<i64: 2, 16>, scalar_prefetch = 0 : i64, scratch_operands = 6 : i64, tpu.core_type = #tpu.core_type<sc_vector_subcore>, window_params = [{transform_indices = #map}, {transform_indices = #map}, {transform_indices = #map1}]} {
    %mul3A = arith.constant 2 : i32
    %mul3A_0 = arith.muli %arg1, %mul3A : i32
    %add3A = arith.addi %mul3A_0, %arg0 : i32
    %mul3A_1 = arith.constant 512 : i32
    %mul3A_2 = arith.muli %add3A, %mul3A_1 : i32
    %iota3A = tpu.iota {dimensions = array<i32: 0>} : vector<16xi32>
    %add3A_3 = arith.constant 0 : i32
    %add3A_4 = vector.broadcast %add3A_3 : i32 to vector<16xi32>
    %add3A_5 = arith.addi %iota3A, %add3A_4 : vector<16xi32>
    %add3A_6 = arith.constant 16 : i32
    %add3A_7 = vector.broadcast %add3A_6 : i32 to vector<16xi32>
    %add3A_8 = arith.addi %iota3A, %add3A_7 : vector<16xi32>
    "tpu.region"() ({
      %run_scoped3A = tpu.sem_alloc : memref<!tpu.dma_semaphore, #tpu.memory_space<semaphore_mem>>
      %dma_start3A_252 = arith.constant 0 : i32
      %dma_start3A_253 = tpu.memref_slice %arg2[%mul3A_2, %dma_start3A_252] : memref<16384x50xi32, #tpu.memory_space<hbm>> -> memref<512x50xi32, #tpu.memory_space<hbm>>
      %dma_start3A_254 = arith.constant 0 : i32
      %dma_start3A_255 = tpu.memref_slice %arg2[%mul3A_2, %dma_start3A_254] : memref<16384x50xi32, #tpu.memory_space<hbm>> -> memref<512x50xi32, #tpu.memory_space<hbm>>
      tpu.enqueue_dma source(%dma_start3A_255 : memref<512x50xi32, #tpu.memory_space<hbm>>) target(%arg5 : memref<512x50xi32, #tpu.memory_space<vmem>>) target_semaphore(%run_scoped3A : memref<!tpu.dma_semaphore, #tpu.memory_space<semaphore_mem>>)
      %dma_wait3A_256 = arith.constant 0 : i32
      %dma_wait3A_257 = tpu.memref_slice %arg2[%mul3A_2, %dma_wait3A_256] : memref<16384x50xi32, #tpu.memory_space<hbm>> -> memref<512x50xi32, #tpu.memory_space<hbm>>
      %dma_wait3A_258 = arith.constant 0 : i32
      %dma_wait3A_259 = tpu.memref_slice %arg2[%mul3A_2, %dma_wait3A_258] : memref<16384x50xi32, #tpu.memory_space<hbm>> -> memref<512x50xi32, #tpu.memory_space<hbm>>
      tpu.wait_dma2 semaphore(%run_scoped3A : memref<!tpu.dma_semaphore, #tpu.memory_space<semaphore_mem>>) src(%dma_wait3A_259 : memref<512x50xi32, #tpu.memory_space<hbm>>) dst(%arg5 : memref<512x50xi32, #tpu.memory_space<vmem>>)
      tpu.yield
    }) : () -> ()
    %scan3A = arith.constant 0 : i32
    %scan3A_9 = arith.constant 50 : i32
    %scan3A_10 = arith.addi %scan3A, %scan3A_9 : i32
    %scan3A_11 = arith.constant 1 : i32
    scf.for %scan3A_252 = %scan3A to %scan3A_10 step %scan3A_11  : i32 {
      %mul3A_253 = arith.constant 1 : i32
      %mul3A_254 = arith.muli %scan3A_252, %mul3A_253 : i32
      %add3A_255 = arith.constant 0 : i32
      %add3A_256 = arith.addi %add3A_255, %mul3A_254 : i32
      %broadcast_in_dim3A = vector.broadcast %add3A_256 : i32 to vector<16xi32>
      %add3A_257 = arith.constant 0 : i32
      %add3A_258 = vector.broadcast %add3A_257 : i32 to vector<16xi32>
      %add3A_259 = arith.addi %iota3A, %add3A_258 : vector<16xi32>
      %gather3A = tpu.vector_load_idx %arg5[%add3A_259, %broadcast_in_dim3A] : memref<512x50xi32, #tpu.memory_space<vmem>>[vector<16xi32>, vector<16xi32>], vector<16xi32>,
      %swap3A = arith.constant 0 : i32
      %swap3A_260 = arith.index_cast %add3A_256 : i32 to index
      %swap3A_261 = arith.index_cast %swap3A : i32 to index
      %swap3A_262 = arith.constant 0 : index
      %swap3A_263 = tpu.vector_load %arg6[%swap3A_260, %swap3A_261, %swap3A_262] {strides = array<i32>} : memref<50x4x128xi32, #tpu.memory_space<vmem>>, vector<16xi32>,
      tpu.vector_store %arg6[%swap3A_260, %swap3A_261, %swap3A_262], %gather3A {strides = array<i32>} : memref<50x4x128xi32, #tpu.memory_space<vmem>>, vector<16xi32>,
      %add3A_264 = arith.constant 16 : i32
      %add3A_265 = vector.broadcast %add3A_264 : i32 to vector<16xi32>
      %add3A_266 = arith.addi %iota3A, %add3A_265 : vector<16xi32>
      %gather3A_267 = tpu.vector_load_idx %arg5[%add3A_266, %broadcast_in_dim3A] : memref<512x50xi32, #tpu.memory_space<vmem>>[vector<16xi32>, vector<16xi32>], vector<16xi32>,
      %swap3A_268 = arith.constant 0 : i32
      %swap3A_269 = arith.index_cast %add3A_256 : i32 to index
      %swap3A_270 = arith.index_cast %swap3A_268 : i32 to index
      %swap3A_271 = arith.constant 16 : index
      %swap3A_272 = tpu.vector_load %arg6[%swap3A_269, %swap3A_270, %swap3A_271] {strides = array<i32>} : memref<50x4x128xi32, #tpu.memory_space<vmem>>, vector<16xi32>,
      tpu.vector_store %arg6[%swap3A_269, %swap3A_270, %swap3A_271], %gather3A_267 {strides = array<i32>} : memref<50x4x128xi32, #tpu.memory_space<vmem>>, vector<16xi32>,
      %add3A_273 = arith.constant 32 : i32
      %add3A_274 = vector.broadcast %add3A_273 : i32 to vector<16xi32>
      %add3A_275 = arith.addi %iota3A, %add3A_274 : vector<16xi32>
      %gather3A_276 = tpu.vector_load_idx %arg5[%add3A_275, %broadcast_in_dim3A] : memref<512x50xi32, #tpu.memory_space<vmem>>[vector<16xi32>, vector<16xi32>], vector<16xi32>,
      %swap3A_277 = arith.constant 0 : i32
      %swap3A_278 = arith.index_cast %add3A_256 : i32 to index
      %swap3A_279 = arith.index_cast %swap3A_277 : i32 to index
      %swap3A_280 = arith.constant 32 : index
      %swap3A_281 = tpu.vector_load %arg6[%swap3A_278, %swap3A_279, %swap3A_280] {strides = array<i32>} : memref<50x4x128xi32, #tpu.memory_space<vmem>>, vector<16xi32>,
      tpu.vector_store %arg6[%swap3A_278, %swap3A_279, %swap3A_280], %gather3A_276 {strides = array<i32>} : memref<50x4x128xi32, #tpu.memory_space<vmem>>, vector<16xi32>,
      %add3A_282 = arith.constant 48 : i32
      %add3A_283 = vector.broadcast %add3A_282 : i32 to vector<16xi32>
      %add3A_284 = arith.addi %iota3A, %add3A_283 : vector<16xi32>
      %gather3A_285 = tpu.vector_load_idx %arg5[%add3A_284, %broadcast_in_dim3A] : memref<512x50xi32, #tpu.memory_space<vmem>>[vector<16xi32>, vector<16xi32>], vector<16xi32>,
      %swap3A_286 = arith.constant 0 : i32
      %swap3A_287 = arith.index_cast %add3A_256 : i32 to index
      %swap3A_288 = arith.index_cast %swap3A_286 : i32 to index
      %swap3A_289 = arith.constant 48 : index
      %swap3A_290 = tpu.vector_load %arg6[%swap3A_287, %swap3A_288, %swap3A_289] {strides = array<i32>} : memref<50x4x128xi32, #tpu.memory_space<vmem>>, vector<16xi32>,
      tpu.vector_store %arg6[%swap3A_287, %swap3A_288, %swap3A_289], %gather3A_285 {strides = array<i32>} : memref<50x4x128xi32, #tpu.memory_space<vmem>>, vector<16xi32>,
      %add3A_291 = arith.constant 64 : i32
      %add3A_292 = vector.broadcast %add3A_291 : i32 to vector<16xi32>
      %add3A_293 = arith.addi %iota3A, %add3A_292 : vector<16xi32>
      %gather3A_294 = tpu.vector_load_idx %arg5[%add3A_293, %broadcast_in_dim3A] : memref<512x50xi32, #tpu.memory_space<vmem>>[vector<16xi32>, vector<16xi32>], vector<16xi32>,
      %swap3A_295 = arith.constant 0 : i32
      %swap3A_296 = arith.index_cast %add3A_256 : i32 to index
      %swap3A_297 = arith.index_cast %swap3A_295 : i32 to index
      %swap3A_298 = arith.constant 64 : index
      %swap3A_299 = tpu.vector_load %arg6[%swap3A_296, %swap3A_297, %swap3A_298] {strides = array<i32>} : memref<50x4x128xi32, #tpu.memory_space<vmem>>, vector<16xi32>,
      tpu.vector_store %arg6[%swap3A_296, %swap3A_297, %swap3A_298], %gather3A_294 {strides = array<i32>} : memref<50x4x128xi32, #tpu.memory_space<vmem>>, vector<16xi32>,
      %add3A_300 = arith.constant 80 : i32
      %add3A_301 = vector.broadcast %add3A_300 : i32 to vector<16xi32>
      %add3A_302 = arith.addi %iota3A, %add3A_301 : vector<16xi32>
      %gather3A_303 = tpu.vector_load_idx %arg5[%add3A_302, %broadcast_in_dim3A] : memref<512x50xi32, #tpu.memory_space<vmem>>[vector<16xi32>, vector<16xi32>], vector<16xi32>,
      %swap3A_304 = arith.constant 0 : i32
      %swap3A_305 = arith.index_cast %add3A_256 : i32 to index
      %swap3A_306 = arith.index_cast %swap3A_304 : i32 to index
      %swap3A_307 = arith.constant 80 : index
      %swap3A_308 = tpu.vector_load %arg6[%swap3A_305, %swap3A_306, %swap3A_307] {strides = array<i32>} : memref<50x4x128xi32, #tpu.memory_space<vmem>>, vector<16xi32>,
      tpu.vector_store %arg6[%swap3A_305, %swap3A_306, %swap3A_307], %gather3A_303 {strides = array<i32>} : memref<50x4x128xi32, #tpu.memory_space<vmem>>, vector<16xi32>,
      %add3A_309 = arith.constant 96 : i32
      %add3A_310 = vector.broadcast %add3A_309 : i32 to vector<16xi32>
      %add3A_311 = arith.addi %iota3A, %add3A_310 : vector<16xi32>
      %gather3A_312 = tpu.vector_load_idx %arg5[%add3A_311, %broadcast_in_dim3A] : memref<512x50xi32, #tpu.memory_space<vmem>>[vector<16xi32>, vector<16xi32>], vector<16xi32>,
      %swap3A_313 = arith.constant 0 : i32
      %swap3A_314 = arith.index_cast %add3A_256 : i32 to index
      %swap3A_315 = arith.index_cast %swap3A_313 : i32 to index
      %swap3A_316 = arith.constant 96 : index
      %swap3A_317 = tpu.vector_load %arg6[%swap3A_314, %swap3A_315, %swap3A_316] {strides = array<i32>} : memref<50x4x128xi32, #tpu.memory_space<vmem>>, vector<16xi32>,
      tpu.vector_store %arg6[%swap3A_314, %swap3A_315, %swap3A_316], %gather3A_312 {strides = array<i32>} : memref<50x4x128xi32, #tpu.memory_space<vmem>>, vector<16xi32>,
      %add3A_318 = arith.constant 112 : i32
      %add3A_319 = vector.broadcast %add3A_318 : i32 to vector<16xi32>
      %add3A_320 = arith.addi %iota3A, %add3A_319 : vector<16xi32>
      %gather3A_321 = tpu.vector_load_idx %arg5[%add3A_320, %broadcast_in_dim3A] : memref<512x50xi32, #tpu.memory_space<vmem>>[vector<16xi32>, vector<16xi32>], vector<16xi32>,
      %swap3A_322 = arith.constant 0 : i32
      %swap3A_323 = arith.index_cast %add3A_256 : i32 to index
      %swap3A_324 = arith.index_cast %swap3A_322 : i32 to index
      %swap3A_325 = arith.constant 112 : index
      %swap3A_326 = tpu.vector_load %arg6[%swap3A_323, %swap3A_324, %swap3A_325] {strides = array<i32>} : memref<50x4x128xi32, #tpu.memory_space<vmem>>, vector<16xi32>,
      tpu.vector_store %arg6[%swap3A_323, %swap3A_324, %swap3A_325], %gather3A_321 {strides = array<i32>} : memref<50x4x128xi32, #tpu.memory_space<vmem>>, vector<16xi32>,
      %add3A_327 = arith.constant 128 : i32
      %add3A_328 = vector.broadcast %add3A_327 : i32 to vector<16xi32>
      %add3A_329 = arith.addi %iota3A, %add3A_328 : vector<16xi32>
      %gather3A_330 = tpu.vector_load_idx %arg5[%add3A_329, %broadcast_in_dim3A] : memref<512x50xi32, #tpu.memory_space<vmem>>[vector<16xi32>, vector<16xi32>], vector<16xi32>,
      %swap3A_331 = arith.constant 1 : i32
      %swap3A_332 = arith.index_cast %add3A_256 : i32 to index
      %swap3A_333 = arith.index_cast %swap3A_331 : i32 to index
      %swap3A_334 = arith.constant 0 : index
      %swap3A_335 = tpu.vector_load %arg6[%swap3A_332, %swap3A_333, %swap3A_334] {strides = array<i32>} : memref<50x4x128xi32, #tpu.memory_space<vmem>>, vector<16xi32>,
      tpu.vector_store %arg6[%swap3A_332, %swap3A_333, %swap3A_334], %gather3A_330 {strides = array<i32>} : memref<50x4x128xi32, #tpu.memory_space<vmem>>, vector<16xi32>,
      %add3A_336 = arith.constant 144 : i32
      %add3A_337 = vector.broadcast %add3A_336 : i32 to vector<16xi32>
      %add3A_338 = arith.addi %iota3A, %add3A_337 : vector<16xi32>
      %gather3A_339 = tpu.vector_load_idx %arg5[%add3A_338, %broadcast_in_dim3A] : memref<512x50xi32, #tpu.memory_space<vmem>>[vector<16xi32>, vector<16xi32>], vector<16xi32>,
      %swap3A_340 = arith.constant 1 : i32
      %swap3A_341 = arith.index_cast %add3A_256 : i32 to index
      %swap3A_342 = arith.index_cast %swap3A_340 : i32 to index
      %swap3A_343 = arith.constant 16 : index
      %swap3A_344 = tpu.vector_load %arg6[%swap3A_341, %swap3A_342, %swap3A_343] {strides = array<i32>} : memref<50x4x128xi32, #tpu.memory_space<vmem>>, vector<16xi32>,
      tpu.vector_store %arg6[%swap3A_341, %swap3A_342, %swap3A_343], %gather3A_339 {strides = array<i32>} : memref<50x4x128xi32, #tpu.memory_space<vmem>>, vector<16xi32>,
      %add3A_345 = arith.constant 160 : i32
      %add3A_346 = vector.broadcast %add3A_345 : i32 to vector<16xi32>
      %add3A_347 = arith.addi %iota3A, %add3A_346 : vector<16xi32>
      %gather3A_348 = tpu.vector_load_idx %arg5[%add3A_347, %broadcast_in_dim3A] : memref<512x50xi32, #tpu.memory_space<vmem>>[vector<16xi32>, vector<16xi32>], vector<16xi32>,
      %swap3A_349 = arith.constant 1 : i32
      %swap3A_350 = arith.index_cast %add3A_256 : i32 to index
      %swap3A_351 = arith.index_cast %swap3A_349 : i32 to index
      %swap3A_352 = arith.constant 32 : index
      %swap3A_353 = tpu.vector_load %arg6[%swap3A_350, %swap3A_351, %swap3A_352] {strides = array<i32>} : memref<50x4x128xi32, #tpu.memory_space<vmem>>, vector<16xi32>,
      tpu.vector_store %arg6[%swap3A_350, %swap3A_351, %swap3A_352], %gather3A_348 {strides = array<i32>} : memref<50x4x128xi32, #tpu.memory_space<vmem>>, vector<16xi32>,
      %add3A_354 = arith.constant 176 : i32
      %add3A_355 = vector.broadcast %add3A_354 : i32 to vector<16xi32>
      %add3A_356 = arith.addi %iota3A, %add3A_355 : vector<16xi32>
      %gather3A_357 = tpu.vector_load_idx %arg5[%add3A_356, %broadcast_in_dim3A] : memref<512x50xi32, #tpu.memory_space<vmem>>[vector<16xi32>, vector<16xi32>], vector<16xi32>,
      %swap3A_358 = arith.constant 1 : i32
      %swap3A_359 = arith.index_cast %add3A_256 : i32 to index
      %swap3A_360 = arith.index_cast %swap3A_358 : i32 to index
      %swap3A_361 = arith.constant 48 : index
      %swap3A_362 = tpu.vector_load %arg6[%swap3A_359, %swap3A_360, %swap3A_361] {strides = array<i32>} : memref<50x4x128xi32, #tpu.memory_space<vmem>>, vector<16xi32>,
      tpu.vector_store %arg6[%swap3A_359, %swap3A_360, %swap3A_361], %gather3A_357 {strides = array<i32>} : memref<50x4x128xi32, #tpu.memory_space<vmem>>, vector<16xi32>,
      %add3A_363 = arith.constant 192 : i32
      %add3A_364 = vector.broadcast %add3A_363 : i32 to vector<16xi32>
      %add3A_365 = arith.addi %iota3A, %add3A_364 : vector<16xi32>
      %gather3A_366 = tpu.vector_load_idx %arg5[%add3A_365, %broadcast_in_dim3A] : memref<512x50xi32, #tpu.memory_space<vmem>>[vector<16xi32>, vector<16xi32>], vector<16xi32>,
      %swap3A_367 = arith.constant 1 : i32
      %swap3A_368 = arith.index_cast %add3A_256 : i32 to index
      %swap3A_369 = arith.index_cast %swap3A_367 : i32 to index
      %swap3A_370 = arith.constant 64 : index
      %swap3A_371 = tpu.vector_load %arg6[%swap3A_368, %swap3A_369, %swap3A_370] {strides = array<i32>} : memref<50x4x128xi32, #tpu.memory_space<vmem>>, vector<16xi32>,
      tpu.vector_store %arg6[%swap3A_368, %swap3A_369, %swap3A_370], %gather3A_366 {strides = array<i32>} : memref<50x4x128xi32, #tpu.memory_space<vmem>>, vector<16xi32>,
      %add3A_372 = arith.constant 208 : i32
      %add3A_373 = vector.broadcast %add3A_372 : i32 to vector<16xi32>
      %add3A_374 = arith.addi %iota3A, %add3A_373 : vector<16xi32>
      %gather3A_375 = tpu.vector_load_idx %arg5[%add3A_374, %broadcast_in_dim3A] : memref<512x50xi32, #tpu.memory_space<vmem>>[vector<16xi32>, vector<16xi32>], vector<16xi32>,
      %swap3A_376 = arith.constant 1 : i32
      %swap3A_377 = arith.index_cast %add3A_256 : i32 to index
      %swap3A_378 = arith.index_cast %swap3A_376 : i32 to index
      %swap3A_379 = arith.constant 80 : index
      %swap3A_380 = tpu.vector_load %arg6[%swap3A_377, %swap3A_378, %swap3A_379] {strides = array<i32>} : memref<50x4x128xi32, #tpu.memory_space<vmem>>, vector<16xi32>,
      tpu.vector_store %arg6[%swap3A_377, %swap3A_378, %swap3A_379], %gather3A_375 {strides = array<i32>} : memref<50x4x128xi32, #tpu.memory_space<vmem>>, vector<16xi32>,
      %add3A_381 = arith.constant 224 : i32
      %add3A_382 = vector.broadcast %add3A_381 : i32 to vector<16xi32>
      %add3A_383 = arith.addi %iota3A, %add3A_382 : vector<16xi32>
      %gather3A_384 = tpu.vector_load_idx %arg5[%add3A_383, %broadcast_in_dim3A] : memref<512x50xi32, #tpu.memory_space<vmem>>[vector<16xi32>, vector<16xi32>], vector<16xi32>,
      %swap3A_385 = arith.constant 1 : i32
      %swap3A_386 = arith.index_cast %add3A_256 : i32 to index
      %swap3A_387 = arith.index_cast %swap3A_385 : i32 to index
      %swap3A_388 = arith.constant 96 : index
      %swap3A_389 = tpu.vector_load %arg6[%swap3A_386, %swap3A_387, %swap3A_388] {strides = array<i32>} : memref<50x4x128xi32, #tpu.memory_space<vmem>>, vector<16xi32>,
      tpu.vector_store %arg6[%swap3A_386, %swap3A_387, %swap3A_388], %gather3A_384 {strides = array<i32>} : memref<50x4x128xi32, #tpu.memory_space<vmem>>, vector<16xi32>,
      %add3A_390 = arith.constant 240 : i32
      %add3A_391 = vector.broadcast %add3A_390 : i32 to vector<16xi32>
      %add3A_392 = arith.addi %iota3A, %add3A_391 : vector<16xi32>
      %gather3A_393 = tpu.vector_load_idx %arg5[%add3A_392, %broadcast_in_dim3A] : memref<512x50xi32, #tpu.memory_space<vmem>>[vector<16xi32>, vector<16xi32>], vector<16xi32>,
      %swap3A_394 = arith.constant 1 : i32
      %swap3A_395 = arith.index_cast %add3A_256 : i32 to index
      %swap3A_396 = arith.index_cast %swap3A_394 : i32 to index
      %swap3A_397 = arith.constant 112 : index
      %swap3A_398 = tpu.vector_load %arg6[%swap3A_395, %swap3A_396, %swap3A_397] {strides = array<i32>} : memref<50x4x128xi32, #tpu.memory_space<vmem>>, vector<16xi32>,
      tpu.vector_store %arg6[%swap3A_395, %swap3A_396, %swap3A_397], %gather3A_393 {strides = array<i32>} : memref<50x4x128xi32, #tpu.memory_space<vmem>>, vector<16xi32>,
      %add3A_399 = arith.constant 256 : i32
      %add3A_400 = vector.broadcast %add3A_399 : i32 to vector<16xi32>
      %add3A_401 = arith.addi %iota3A, %add3A_400 : vector<16xi32>
      %gather3A_402 = tpu.vector_load_idx %arg5[%add3A_401, %broadcast_in_dim3A] : memref<512x50xi32, #tpu.memory_space<vmem>>[vector<16xi32>, vector<16xi32>], vector<16xi32>,
      %swap3A_403 = arith.constant 2 : i32
      %swap3A_404 = arith.index_cast %add3A_256 : i32 to index
      %swap3A_405 = arith.index_cast %swap3A_403 : i32 to index
      %swap3A_406 = arith.constant 0 : index
      %swap3A_407 = tpu.vector_load %arg6[%swap3A_404, %swap3A_405, %swap3A_406] {strides = array<i32>} : memref<50x4x128xi32, #tpu.memory_space<vmem>>, vector<16xi32>,
      tpu.vector_store %arg6[%swap3A_404, %swap3A_405, %swap3A_406], %gather3A_402 {strides = array<i32>} : memref<50x4x128xi32, #tpu.memory_space<vmem>>, vector<16xi32>,
      %add3A_408 = arith.constant 272 : i32
      %add3A_409 = vector.broadcast %add3A_408 : i32 to vector<16xi32>
      %add3A_410 = arith.addi %iota3A, %add3A_409 : vector<16xi32>
      %gather3A_411 = tpu.vector_load_idx %arg5[%add3A_410, %broadcast_in_dim3A] : memref<512x50xi32, #tpu.memory_space<vmem>>[vector<16xi32>, vector<16xi32>], vector<16xi32>,
      %swap3A_412 = arith.constant 2 : i32
      %swap3A_413 = arith.index_cast %add3A_256 : i32 to index
      %swap3A_414 = arith.index_cast %swap3A_412 : i32 to index
      %swap3A_415 = arith.constant 16 : index
      %swap3A_416 = tpu.vector_load %arg6[%swap3A_413, %swap3A_414, %swap3A_415] {strides = array<i32>} : memref<50x4x128xi32, #tpu.memory_space<vmem>>, vector<16xi32>,
      tpu.vector_store %arg6[%swap3A_413, %swap3A_414, %swap3A_415], %gather3A_411 {strides = array<i32>} : memref<50x4x128xi32, #tpu.memory_space<vmem>>, vector<16xi32>,
      %add3A_417 = arith.constant 288 : i32
      %add3A_418 = vector.broadcast %add3A_417 : i32 to vector<16xi32>
      %add3A_419 = arith.addi %iota3A, %add3A_418 : vector<16xi32>
      %gather3A_420 = tpu.vector_load_idx %arg5[%add3A_419, %broadcast_in_dim3A] : memref<512x50xi32, #tpu.memory_space<vmem>>[vector<16xi32>, vector<16xi32>], vector<16xi32>,
      %swap3A_421 = arith.constant 2 : i32
      %swap3A_422 = arith.index_cast %add3A_256 : i32 to index
      %swap3A_423 = arith.index_cast %swap3A_421 : i32 to index
      %swap3A_424 = arith.constant 32 : index
      %swap3A_425 = tpu.vector_load %arg6[%swap3A_422, %swap3A_423, %swap3A_424] {strides = array<i32>} : memref<50x4x128xi32, #tpu.memory_space<vmem>>, vector<16xi32>,
      tpu.vector_store %arg6[%swap3A_422, %swap3A_423, %swap3A_424], %gather3A_420 {strides = array<i32>} : memref<50x4x128xi32, #tpu.memory_space<vmem>>, vector<16xi32>,
      %add3A_426 = arith.constant 304 : i32
      %add3A_427 = vector.broadcast %add3A_426 : i32 to vector<16xi32>
      %add3A_428 = arith.addi %iota3A, %add3A_427 : vector<16xi32>
      %gather3A_429 = tpu.vector_load_idx %arg5[%add3A_428, %broadcast_in_dim3A] : memref<512x50xi32, #tpu.memory_space<vmem>>[vector<16xi32>, vector<16xi32>], vector<16xi32>,
      %swap3A_430 = arith.constant 2 : i32
      %swap3A_431 = arith.index_cast %add3A_256 : i32 to index
      %swap3A_432 = arith.index_cast %swap3A_430 : i32 to index
      %swap3A_433 = arith.constant 48 : index
      %swap3A_434 = tpu.vector_load %arg6[%swap3A_431, %swap3A_432, %swap3A_433] {strides = array<i32>} : memref<50x4x128xi32, #tpu.memory_space<vmem>>, vector<16xi32>,
      tpu.vector_store %arg6[%swap3A_431, %swap3A_432, %swap3A_433], %gather3A_429 {strides = array<i32>} : memref<50x4x128xi32, #tpu.memory_space<vmem>>, vector<16xi32>,
      %add3A_435 = arith.constant 320 : i32
      %add3A_436 = vector.broadcast %add3A_435 : i32 to vector<16xi32>
      %add3A_437 = arith.addi %iota3A, %add3A_436 : vector<16xi32>
      %gather3A_438 = tpu.vector_load_idx %arg5[%add3A_437, %broadcast_in_dim3A] : memref<512x50xi32, #tpu.memory_space<vmem>>[vector<16xi32>, vector<16xi32>], vector<16xi32>,
      %swap3A_439 = arith.constant 2 : i32
      %swap3A_440 = arith.index_cast %add3A_256 : i32 to index
      %swap3A_441 = arith.index_cast %swap3A_439 : i32 to index
      %swap3A_442 = arith.constant 64 : index
      %swap3A_443 = tpu.vector_load %arg6[%swap3A_440, %swap3A_441, %swap3A_442] {strides = array<i32>} : memref<50x4x128xi32, #tpu.memory_space<vmem>>, vector<16xi32>,
      tpu.vector_store %arg6[%swap3A_440, %swap3A_441, %swap3A_442], %gather3A_438 {strides = array<i32>} : memref<50x4x128xi32, #tpu.memory_space<vmem>>, vector<16xi32>,
      %add3A_444 = arith.constant 336 : i32
      %add3A_445 = vector.broadcast %add3A_444 : i32 to vector<16xi32>
      %add3A_446 = arith.addi %iota3A, %add3A_445 : vector<16xi32>
      %gather3A_447 = tpu.vector_load_idx %arg5[%add3A_446, %broadcast_in_dim3A] : memref<512x50xi32, #tpu.memory_space<vmem>>[vector<16xi32>, vector<16xi32>], vector<16xi32>,
      %swap3A_448 = arith.constant 2 : i32
      %swap3A_449 = arith.index_cast %add3A_256 : i32 to index
      %swap3A_450 = arith.index_cast %swap3A_448 : i32 to index
      %swap3A_451 = arith.constant 80 : index
      %swap3A_452 = tpu.vector_load %arg6[%swap3A_449, %swap3A_450, %swap3A_451] {strides = array<i32>} : memref<50x4x128xi32, #tpu.memory_space<vmem>>, vector<16xi32>,
      tpu.vector_store %arg6[%swap3A_449, %swap3A_450, %swap3A_451], %gather3A_447 {strides = array<i32>} : memref<50x4x128xi32, #tpu.memory_space<vmem>>, vector<16xi32>,
      %add3A_453 = arith.constant 352 : i32
      %add3A_454 = vector.broadcast %add3A_453 : i32 to vector<16xi32>
      %add3A_455 = arith.addi %iota3A, %add3A_454 : vector<16xi32>
      %gather3A_456 = tpu.vector_load_idx %arg5[%add3A_455, %broadcast_in_dim3A] : memref<512x50xi32, #tpu.memory_space<vmem>>[vector<16xi32>, vector<16xi32>], vector<16xi32>,
      %swap3A_457 = arith.constant 2 : i32
      %swap3A_458 = arith.index_cast %add3A_256 : i32 to index
      %swap3A_459 = arith.index_cast %swap3A_457 : i32 to index
      %swap3A_460 = arith.constant 96 : index
      %swap3A_461 = tpu.vector_load %arg6[%swap3A_458, %swap3A_459, %swap3A_460] {strides = array<i32>} : memref<50x4x128xi32, #tpu.memory_space<vmem>>, vector<16xi32>,
      tpu.vector_store %arg6[%swap3A_458, %swap3A_459, %swap3A_460], %gather3A_456 {strides = array<i32>} : memref<50x4x128xi32, #tpu.memory_space<vmem>>, vector<16xi32>,
      %add3A_462 = arith.constant 368 : i32
      %add3A_463 = vector.broadcast %add3A_462 : i32 to vector<16xi32>
      %add3A_464 = arith.addi %iota3A, %add3A_463 : vector<16xi32>
      %gather3A_465 = tpu.vector_load_idx %arg5[%add3A_464, %broadcast_in_dim3A] : memref<512x50xi32, #tpu.memory_space<vmem>>[vector<16xi32>, vector<16xi32>], vector<16xi32>,
      %swap3A_466 = arith.constant 2 : i32
      %swap3A_467 = arith.index_cast %add3A_256 : i32 to index
      %swap3A_468 = arith.index_cast %swap3A_466 : i32 to index
      %swap3A_469 = arith.constant 112 : index
      %swap3A_470 = tpu.vector_load %arg6[%swap3A_467, %swap3A_468, %swap3A_469] {strides = array<i32>} : memref<50x4x128xi32, #tpu.memory_space<vmem>>, vector<16xi32>,
      tpu.vector_store %arg6[%swap3A_467, %swap3A_468, %swap3A_469], %gather3A_465 {strides = array<i32>} : memref<50x4x128xi32, #tpu.memory_space<vmem>>, vector<16xi32>,
      %add3A_471 = arith.constant 384 : i32
      %add3A_472 = vector.broadcast %add3A_471 : i32 to vector<16xi32>
      %add3A_473 = arith.addi %iota3A, %add3A_472 : vector<16xi32>
      %gather3A_474 = tpu.vector_load_idx %arg5[%add3A_473, %broadcast_in_dim3A] : memref<512x50xi32, #tpu.memory_space<vmem>>[vector<16xi32>, vector<16xi32>], vector<16xi32>,
      %swap3A_475 = arith.constant 3 : i32
      %swap3A_476 = arith.index_cast %add3A_256 : i32 to index
      %swap3A_477 = arith.index_cast %swap3A_475 : i32 to index
      %swap3A_478 = arith.constant 0 : index
      %swap3A_479 = tpu.vector_load %arg6[%swap3A_476, %swap3A_477, %swap3A_478] {strides = array<i32>} : memref<50x4x128xi32, #tpu.memory_space<vmem>>, vector<16xi32>,
      tpu.vector_store %arg6[%swap3A_476, %swap3A_477, %swap3A_478], %gather3A_474 {strides = array<i32>} : memref<50x4x128xi32, #tpu.memory_space<vmem>>, vector<16xi32>,
      %add3A_480 = arith.constant 400 : i32
      %add3A_481 = vector.broadcast %add3A_480 : i32 to vector<16xi32>
      %add3A_482 = arith.addi %iota3A, %add3A_481 : vector<16xi32>
      %gather3A_483 = tpu.vector_load_idx %arg5[%add3A_482, %broadcast_in_dim3A] : memref<512x50xi32, #tpu.memory_space<vmem>>[vector<16xi32>, vector<16xi32>], vector<16xi32>,
      %swap3A_484 = arith.constant 3 : i32
      %swap3A_485 = arith.index_cast %add3A_256 : i32 to index
      %swap3A_486 = arith.index_cast %swap3A_484 : i32 to index
      %swap3A_487 = arith.constant 16 : index
      %swap3A_488 = tpu.vector_load %arg6[%swap3A_485, %swap3A_486, %swap3A_487] {strides = array<i32>} : memref<50x4x128xi32, #tpu.memory_space<vmem>>, vector<16xi32>,
      tpu.vector_store %arg6[%swap3A_485, %swap3A_486, %swap3A_487], %gather3A_483 {strides = array<i32>} : memref<50x4x128xi32, #tpu.memory_space<vmem>>, vector<16xi32>,
      %add3A_489 = arith.constant 416 : i32
      %add3A_490 = vector.broadcast %add3A_489 : i32 to vector<16xi32>
      %add3A_491 = arith.addi %iota3A, %add3A_490 : vector<16xi32>
      %gather3A_492 = tpu.vector_load_idx %arg5[%add3A_491, %broadcast_in_dim3A] : memref<512x50xi32, #tpu.memory_space<vmem>>[vector<16xi32>, vector<16xi32>], vector<16xi32>,
      %swap3A_493 = arith.constant 3 : i32
      %swap3A_494 = arith.index_cast %add3A_256 : i32 to index
      %swap3A_495 = arith.index_cast %swap3A_493 : i32 to index
      %swap3A_496 = arith.constant 32 : index
      %swap3A_497 = tpu.vector_load %arg6[%swap3A_494, %swap3A_495, %swap3A_496] {strides = array<i32>} : memref<50x4x128xi32, #tpu.memory_space<vmem>>, vector<16xi32>,
      tpu.vector_store %arg6[%swap3A_494, %swap3A_495, %swap3A_496], %gather3A_492 {strides = array<i32>} : memref<50x4x128xi32, #tpu.memory_space<vmem>>, vector<16xi32>,
      %add3A_498 = arith.constant 432 : i32
      %add3A_499 = vector.broadcast %add3A_498 : i32 to vector<16xi32>
      %add3A_500 = arith.addi %iota3A, %add3A_499 : vector<16xi32>
      %gather3A_501 = tpu.vector_load_idx %arg5[%add3A_500, %broadcast_in_dim3A] : memref<512x50xi32, #tpu.memory_space<vmem>>[vector<16xi32>, vector<16xi32>], vector<16xi32>,
      %swap3A_502 = arith.constant 3 : i32
      %swap3A_503 = arith.index_cast %add3A_256 : i32 to index
      %swap3A_504 = arith.index_cast %swap3A_502 : i32 to index
      %swap3A_505 = arith.constant 48 : index
      %swap3A_506 = tpu.vector_load %arg6[%swap3A_503, %swap3A_504, %swap3A_505] {strides = array<i32>} : memref<50x4x128xi32, #tpu.memory_space<vmem>>, vector<16xi32>,
      tpu.vector_store %arg6[%swap3A_503, %swap3A_504, %swap3A_505], %gather3A_501 {strides = array<i32>} : memref<50x4x128xi32, #tpu.memory_space<vmem>>, vector<16xi32>,
      %add3A_507 = arith.constant 448 : i32
      %add3A_508 = vector.broadcast %add3A_507 : i32 to vector<16xi32>
      %add3A_509 = arith.addi %iota3A, %add3A_508 : vector<16xi32>
      %gather3A_510 = tpu.vector_load_idx %arg5[%add3A_509, %broadcast_in_dim3A] : memref<512x50xi32, #tpu.memory_space<vmem>>[vector<16xi32>, vector<16xi32>], vector<16xi32>,
      %swap3A_511 = arith.constant 3 : i32
      %swap3A_512 = arith.index_cast %add3A_256 : i32 to index
      %swap3A_513 = arith.index_cast %swap3A_511 : i32 to index
      %swap3A_514 = arith.constant 64 : index
      %swap3A_515 = tpu.vector_load %arg6[%swap3A_512, %swap3A_513, %swap3A_514] {strides = array<i32>} : memref<50x4x128xi32, #tpu.memory_space<vmem>>, vector<16xi32>,
      tpu.vector_store %arg6[%swap3A_512, %swap3A_513, %swap3A_514], %gather3A_510 {strides = array<i32>} : memref<50x4x128xi32, #tpu.memory_space<vmem>>, vector<16xi32>,
      %add3A_516 = arith.constant 464 : i32
      %add3A_517 = vector.broadcast %add3A_516 : i32 to vector<16xi32>
      %add3A_518 = arith.addi %iota3A, %add3A_517 : vector<16xi32>
      %gather3A_519 = tpu.vector_load_idx %arg5[%add3A_518, %broadcast_in_dim3A] : memref<512x50xi32, #tpu.memory_space<vmem>>[vector<16xi32>, vector<16xi32>], vector<16xi32>,
      %swap3A_520 = arith.constant 3 : i32
      %swap3A_521 = arith.index_cast %add3A_256 : i32 to index
      %swap3A_522 = arith.index_cast %swap3A_520 : i32 to index
      %swap3A_523 = arith.constant 80 : index
      %swap3A_524 = tpu.vector_load %arg6[%swap3A_521, %swap3A_522, %swap3A_523] {strides = array<i32>} : memref<50x4x128xi32, #tpu.memory_space<vmem>>, vector<16xi32>,
      tpu.vector_store %arg6[%swap3A_521, %swap3A_522, %swap3A_523], %gather3A_519 {strides = array<i32>} : memref<50x4x128xi32, #tpu.memory_space<vmem>>, vector<16xi32>,
      %add3A_525 = arith.constant 480 : i32
      %add3A_526 = vector.broadcast %add3A_525 : i32 to vector<16xi32>
      %add3A_527 = arith.addi %iota3A, %add3A_526 : vector<16xi32>
      %gather3A_528 = tpu.vector_load_idx %arg5[%add3A_527, %broadcast_in_dim3A] : memref<512x50xi32, #tpu.memory_space<vmem>>[vector<16xi32>, vector<16xi32>], vector<16xi32>,
      %swap3A_529 = arith.constant 3 : i32
      %swap3A_530 = arith.index_cast %add3A_256 : i32 to index
      %swap3A_531 = arith.index_cast %swap3A_529 : i32 to index
      %swap3A_532 = arith.constant 96 : index
      %swap3A_533 = tpu.vector_load %arg6[%swap3A_530, %swap3A_531, %swap3A_532] {strides = array<i32>} : memref<50x4x128xi32, #tpu.memory_space<vmem>>, vector<16xi32>,
      tpu.vector_store %arg6[%swap3A_530, %swap3A_531, %swap3A_532], %gather3A_528 {strides = array<i32>} : memref<50x4x128xi32, #tpu.memory_space<vmem>>, vector<16xi32>,
      %add3A_534 = arith.constant 496 : i32
      %add3A_535 = vector.broadcast %add3A_534 : i32 to vector<16xi32>
      %add3A_536 = arith.addi %iota3A, %add3A_535 : vector<16xi32>
      %gather3A_537 = tpu.vector_load_idx %arg5[%add3A_536, %broadcast_in_dim3A] : memref<512x50xi32, #tpu.memory_space<vmem>>[vector<16xi32>, vector<16xi32>], vector<16xi32>,
      %swap3A_538 = arith.constant 3 : i32
      %swap3A_539 = arith.index_cast %add3A_256 : i32 to index
      %swap3A_540 = arith.index_cast %swap3A_538 : i32 to index
      %swap3A_541 = arith.constant 112 : index
      %swap3A_542 = tpu.vector_load %arg6[%swap3A_539, %swap3A_540, %swap3A_541] {strides = array<i32>} : memref<50x4x128xi32, #tpu.memory_space<vmem>>, vector<16xi32>,
      tpu.vector_store %arg6[%swap3A_539, %swap3A_540, %swap3A_541], %gather3A_537 {strides = array<i32>} : memref<50x4x128xi32, #tpu.memory_space<vmem>>, vector<16xi32>,
    }
    %scan3A_12 = arith.constant 50 : i32
    %dma_start3A = arith.constant 0 : i32
    %dma_start3A_13 = arith.constant 0 : i32
    %dma_start3A_14 = arith.constant 0 : i32
    %dma_start3A_15 = arith.constant 0 : i32
    %dma_start3A_16 = arith.constant 0 : i32
    %dma_start3A_17 = tpu.memref_slice %arg7[%dma_start3A_14, %dma_start3A_15, %dma_start3A_16] : memref<4x128x32xf32, #tpu.memory_space<vmem>> -> memref<1x128x32xf32, #tpu.memory_space<vmem>>
    %dma_start3A_18 = tpu.memref_squeeze %dma_start3A_17 : memref<1x128x32xf32, #tpu.memory_space<vmem>> -> memref<128x32xf32, #tpu.memory_space<vmem>>
    %dma_start3A_19 = arith.constant 0 : i32
    %dma_start3A_20 = tpu.memref_slice %arg6[%dma_start3A, %dma_start3A_13, %dma_start3A_19] : memref<50x4x128xi32, #tpu.memory_space<vmem>> -> memref<1x1x128xi32, #tpu.memory_space<vmem>>
    %dma_start3A_21 = tpu.memref_squeeze %dma_start3A_20 : memref<1x1x128xi32, #tpu.memory_space<vmem>> -> memref<128xi32, #tpu.memory_space<vmem>>
    %dma_start3A_22 = arith.constant 0 : i32
    %dma_start3A_23 = arith.constant 0 : i32
    %dma_start3A_24 = tpu.memref_slice %arg3[%dma_start3A_22, %dma_start3A_23] : memref<1000000x32xf32, #tpu.memory_space<hbm>> -> memref<1000000x32xf32, #tpu.memory_space<hbm>>
    tpu.enqueue_indirect_dma source(%dma_start3A_24 : memref<1000000x32xf32, #tpu.memory_space<hbm>>) target(%dma_start3A_18 : memref<128x32xf32, #tpu.memory_space<vmem>>) offsets(%dma_start3A_21 : memref<128xi32, #tpu.memory_space<vmem>>) semaphore(%arg9 : memref<!tpu.dma_semaphore, #tpu.memory_space<semaphore_mem>>)
    %dma_start3A_25 = arith.constant 0 : i32
    %dma_start3A_26 = arith.constant 1 : i32
    %dma_start3A_27 = arith.constant 1 : i32
    %dma_start3A_28 = arith.constant 0 : i32
    %dma_start3A_29 = arith.constant 0 : i32
    %dma_start3A_30 = tpu.memref_slice %arg7[%dma_start3A_27, %dma_start3A_28, %dma_start3A_29] : memref<4x128x32xf32, #tpu.memory_space<vmem>> -> memref<1x128x32xf32, #tpu.memory_space<vmem>>
    %dma_start3A_31 = tpu.memref_squeeze %dma_start3A_30 : memref<1x128x32xf32, #tpu.memory_space<vmem>> -> memref<128x32xf32, #tpu.memory_space<vmem>>
    %dma_start3A_32 = arith.constant 0 : i32
    %dma_start3A_33 = tpu.memref_slice %arg6[%dma_start3A_25, %dma_start3A_26, %dma_start3A_32] : memref<50x4x128xi32, #tpu.memory_space<vmem>> -> memref<1x1x128xi32, #tpu.memory_space<vmem>>
    %dma_start3A_34 = tpu.memref_squeeze %dma_start3A_33 : memref<1x1x128xi32, #tpu.memory_space<vmem>> -> memref<128xi32, #tpu.memory_space<vmem>>
    %dma_start3A_35 = arith.constant 0 : i32
    %dma_start3A_36 = arith.constant 0 : i32
    %dma_start3A_37 = tpu.memref_slice %arg3[%dma_start3A_35, %dma_start3A_36] : memref<1000000x32xf32, #tpu.memory_space<hbm>> -> memref<1000000x32xf32, #tpu.memory_space<hbm>>
    tpu.enqueue_indirect_dma source(%dma_start3A_37 : memref<1000000x32xf32, #tpu.memory_space<hbm>>) target(%dma_start3A_31 : memref<128x32xf32, #tpu.memory_space<vmem>>) offsets(%dma_start3A_34 : memref<128xi32, #tpu.memory_space<vmem>>) semaphore(%arg9 : memref<!tpu.dma_semaphore, #tpu.memory_space<semaphore_mem>>)
    %dma_start3A_38 = arith.constant 0 : i32
    %dma_start3A_39 = arith.constant 2 : i32
    %dma_start3A_40 = arith.constant 2 : i32
    %dma_start3A_41 = arith.constant 0 : i32
    %dma_start3A_42 = arith.constant 0 : i32
    %dma_start3A_43 = tpu.memref_slice %arg7[%dma_start3A_40, %dma_start3A_41, %dma_start3A_42] : memref<4x128x32xf32, #tpu.memory_space<vmem>> -> memref<1x128x32xf32, #tpu.memory_space<vmem>>
    %dma_start3A_44 = tpu.memref_squeeze %dma_start3A_43 : memref<1x128x32xf32, #tpu.memory_space<vmem>> -> memref<128x32xf32, #tpu.memory_space<vmem>>
    %dma_start3A_45 = arith.constant 0 : i32
    %dma_start3A_46 = tpu.memref_slice %arg6[%dma_start3A_38, %dma_start3A_39, %dma_start3A_45] : memref<50x4x128xi32, #tpu.memory_space<vmem>> -> memref<1x1x128xi32, #tpu.memory_space<vmem>>
    %dma_start3A_47 = tpu.memref_squeeze %dma_start3A_46 : memref<1x1x128xi32, #tpu.memory_space<vmem>> -> memref<128xi32, #tpu.memory_space<vmem>>
    %dma_start3A_48 = arith.constant 0 : i32
    %dma_start3A_49 = arith.constant 0 : i32
    %dma_start3A_50 = tpu.memref_slice %arg3[%dma_start3A_48, %dma_start3A_49] : memref<1000000x32xf32, #tpu.memory_space<hbm>> -> memref<1000000x32xf32, #tpu.memory_space<hbm>>
    tpu.enqueue_indirect_dma source(%dma_start3A_50 : memref<1000000x32xf32, #tpu.memory_space<hbm>>) target(%dma_start3A_44 : memref<128x32xf32, #tpu.memory_space<vmem>>) offsets(%dma_start3A_47 : memref<128xi32, #tpu.memory_space<vmem>>) semaphore(%arg9 : memref<!tpu.dma_semaphore, #tpu.memory_space<semaphore_mem>>)
    %dma_start3A_51 = arith.constant 0 : i32
    %dma_start3A_52 = arith.constant 3 : i32
    %dma_start3A_53 = arith.constant 3 : i32
    %dma_start3A_54 = arith.constant 0 : i32
    %dma_start3A_55 = arith.constant 0 : i32
    %dma_start3A_56 = tpu.memref_slice %arg7[%dma_start3A_53, %dma_start3A_54, %dma_start3A_55] : memref<4x128x32xf32, #tpu.memory_space<vmem>> -> memref<1x128x32xf32, #tpu.memory_space<vmem>>
    %dma_start3A_57 = tpu.memref_squeeze %dma_start3A_56 : memref<1x128x32xf32, #tpu.memory_space<vmem>> -> memref<128x32xf32, #tpu.memory_space<vmem>>
    %dma_start3A_58 = arith.constant 0 : i32
    %dma_start3A_59 = tpu.memref_slice %arg6[%dma_start3A_51, %dma_start3A_52, %dma_start3A_58] : memref<50x4x128xi32, #tpu.memory_space<vmem>> -> memref<1x1x128xi32, #tpu.memory_space<vmem>>
    %dma_start3A_60 = tpu.memref_squeeze %dma_start3A_59 : memref<1x1x128xi32, #tpu.memory_space<vmem>> -> memref<128xi32, #tpu.memory_space<vmem>>
    %dma_start3A_61 = arith.constant 0 : i32
    %dma_start3A_62 = arith.constant 0 : i32
    %dma_start3A_63 = tpu.memref_slice %arg3[%dma_start3A_61, %dma_start3A_62] : memref<1000000x32xf32, #tpu.memory_space<hbm>> -> memref<1000000x32xf32, #tpu.memory_space<hbm>>
    tpu.enqueue_indirect_dma source(%dma_start3A_63 : memref<1000000x32xf32, #tpu.memory_space<hbm>>) target(%dma_start3A_57 : memref<128x32xf32, #tpu.memory_space<vmem>>) offsets(%dma_start3A_60 : memref<128xi32, #tpu.memory_space<vmem>>) semaphore(%arg9 : memref<!tpu.dma_semaphore, #tpu.memory_space<semaphore_mem>>)
    %scan3A_64 = arith.constant 0 : i32
    %scan3A_65 = arith.constant 50 : i32
    %scan3A_66 = arith.addi %scan3A_64, %scan3A_65 : i32
    %scan3A_67 = arith.constant 1 : i32
    scf.for %scan3A_252 = %scan3A_64 to %scan3A_66 step %scan3A_67  : i32 {
      %mul3A_253 = arith.constant 1 : i32
      %mul3A_254 = arith.muli %scan3A_252, %mul3A_253 : i32
      %add3A_255 = arith.constant 0 : i32
      %add3A_256 = arith.addi %add3A_255, %mul3A_254 : i32
      %dma_wait3A_257 = arith.constant 0 : i32
      %dma_wait3A_258 = arith.constant 0 : i32
      %dma_wait3A_259 = arith.constant 0 : i32
      %dma_wait3A_260 = tpu.memref_slice %arg7[%dma_wait3A_257, %dma_wait3A_258, %dma_wait3A_259] : memref<4x128x32xf32, #tpu.memory_space<vmem>> -> memref<1x128x32xf32, #tpu.memory_space<vmem>>
      %dma_wait3A_261 = tpu.memref_squeeze %dma_wait3A_260 : memref<1x128x32xf32, #tpu.memory_space<vmem>> -> memref<128x32xf32, #tpu.memory_space<vmem>>
      %dma_wait3A_262 = arith.constant 0 : i32
      %dma_wait3A_263 = arith.constant 0 : i32
      %dma_wait3A_264 = tpu.memref_slice %arg3[%dma_wait3A_262, %dma_wait3A_263] : memref<1000000x32xf32, #tpu.memory_space<hbm>> -> memref<128x32xf32, #tpu.memory_space<hbm>>
      %dma_wait3A_265 = arith.constant 0 : i32
      %dma_wait3A_266 = arith.constant 0 : i32
      %dma_wait3A_267 = tpu.memref_slice %arg7[%dma_wait3A_257, %dma_wait3A_265, %dma_wait3A_266] : memref<4x128x32xf32, #tpu.memory_space<vmem>> -> memref<1x128x32xf32, #tpu.memory_space<vmem>>
      %dma_wait3A_268 = tpu.memref_squeeze %dma_wait3A_267 : memref<1x128x32xf32, #tpu.memory_space<vmem>> -> memref<128x32xf32, #tpu.memory_space<vmem>>
      %dma_wait3A_269 = arith.constant 0 : i32
      %dma_wait3A_270 = arith.constant 0 : i32
      %dma_wait3A_271 = tpu.memref_slice %arg3[%dma_wait3A_269, %dma_wait3A_270] : memref<1000000x32xf32, #tpu.memory_space<hbm>> -> memref<128x32xf32, #tpu.memory_space<hbm>>
      tpu.wait_dma2 semaphore(%arg9 : memref<!tpu.dma_semaphore, #tpu.memory_space<semaphore_mem>>) src(%dma_wait3A_271 : memref<128x32xf32, #tpu.memory_space<hbm>>) dst(%dma_wait3A_268 : memref<128x32xf32, #tpu.memory_space<vmem>>)
      %gt3A = arith.constant 0 : i32
      %gt3A_272 = arith.cmpi sgt, %add3A_256, %gt3A : i32
      %convert_element_type3A = arith.extui %gt3A_272 : i1 to i32
      %cond3A = arith.constant 0 : i32
      %cond3A_273 = arith.cmpi ne, %convert_element_type3A, %cond3A : i32
      scf.if %cond3A_273 {
        %sub3A = arith.constant 1 : i32
        %sub3A_891 = arith.subi %add3A_256, %sub3A : i32
        %mul3A_892 = arith.constant 4 : i32
        %mul3A_893 = arith.muli %add3A, %mul3A_892 : i32
        %add3A_894 = arith.constant 2 : i32
        %add3A_895 = arith.addi %mul3A_893, %add3A_894 : i32
        %dma_wait3A_896 = arith.constant 0 : i32
        %dma_wait3A_897 = arith.constant 0 : i32
        %dma_wait3A_898 = arith.constant 0 : i32
        %dma_wait3A_899 = arith.constant 0 : i32
        %dma_wait3A_900 = tpu.memref_slice %arg8[%dma_wait3A_896, %dma_wait3A_898, %dma_wait3A_899] : memref<2x32x129xf32, #tpu.memory_space<vmem>> -> memref<1x8x128xf32, #tpu.memory_space<vmem>>
        %dma_wait3A_901 = tpu.memref_squeeze %dma_wait3A_900 : memref<1x8x128xf32, #tpu.memory_space<vmem>> -> memref<8x128xf32, #tpu.memory_space<vmem>>
        %dma_wait3A_902 = arith.constant 0 : i32
        %dma_wait3A_903 = arith.constant 0 : i32
        %dma_wait3A_904 = tpu.memref_slice %arg4[%sub3A_891, %dma_wait3A_897, %add3A_895, %dma_wait3A_902, %dma_wait3A_903] : memref<50x4x128x8x128xf32, #tpu.memory_space<hbm>> -> memref<1x1x1x8x128xf32, #tpu.memory_space<hbm>>
        %dma_wait3A_905 = tpu.memref_squeeze %dma_wait3A_904 : memref<1x1x1x8x128xf32, #tpu.memory_space<hbm>> -> memref<8x128xf32, #tpu.memory_space<hbm>>
        %dma_wait3A_906 = arith.constant 0 : i32
        %dma_wait3A_907 = arith.constant 0 : i32
        %dma_wait3A_908 = tpu.memref_slice %arg4[%sub3A_891, %dma_wait3A_897, %add3A_895, %dma_wait3A_906, %dma_wait3A_907] : memref<50x4x128x8x128xf32, #tpu.memory_space<hbm>> -> memref<1x1x1x8x128xf32, #tpu.memory_space<hbm>>
        %dma_wait3A_909 = tpu.memref_squeeze %dma_wait3A_908 : memref<1x1x1x8x128xf32, #tpu.memory_space<hbm>> -> memref<8x128xf32, #tpu.memory_space<hbm>>
        %dma_wait3A_910 = arith.constant 0 : i32
        %dma_wait3A_911 = arith.constant 0 : i32
        %dma_wait3A_912 = tpu.memref_slice %arg8[%dma_wait3A_896, %dma_wait3A_910, %dma_wait3A_911] : memref<2x32x129xf32, #tpu.memory_space<vmem>> -> memref<1x8x128xf32, #tpu.memory_space<vmem>>
        %dma_wait3A_913 = tpu.memref_squeeze %dma_wait3A_912 : memref<1x8x128xf32, #tpu.memory_space<vmem>> -> memref<8x128xf32, #tpu.memory_space<vmem>>
        tpu.wait_dma2 semaphore(%arg10 : memref<!tpu.dma_semaphore, #tpu.memory_space<semaphore_mem>>) src(%dma_wait3A_913 : memref<8x128xf32, #tpu.memory_space<vmem>>) dst(%dma_wait3A_909 : memref<8x128xf32, #tpu.memory_space<hbm>>)
        %sub3A_914 = arith.constant 1 : i32
        %sub3A_915 = arith.subi %add3A_256, %sub3A_914 : i32
        %mul3A_916 = arith.constant 4 : i32
        %mul3A_917 = arith.muli %add3A, %mul3A_916 : i32
        %add3A_918 = arith.constant 2 : i32
        %add3A_919 = arith.addi %mul3A_917, %add3A_918 : i32
        %dma_wait3A_920 = arith.constant 0 : i32
        %dma_wait3A_921 = arith.constant 1 : i32
        %dma_wait3A_922 = arith.constant 8 : i32
        %dma_wait3A_923 = arith.constant 0 : i32
        %dma_wait3A_924 = tpu.memref_slice %arg8[%dma_wait3A_920, %dma_wait3A_922, %dma_wait3A_923] : memref<2x32x129xf32, #tpu.memory_space<vmem>> -> memref<1x8x128xf32, #tpu.memory_space<vmem>>
        %dma_wait3A_925 = tpu.memref_squeeze %dma_wait3A_924 : memref<1x8x128xf32, #tpu.memory_space<vmem>> -> memref<8x128xf32, #tpu.memory_space<vmem>>
        %dma_wait3A_926 = arith.constant 0 : i32
        %dma_wait3A_927 = arith.constant 0 : i32
        %dma_wait3A_928 = tpu.memref_slice %arg4[%sub3A_915, %dma_wait3A_921, %add3A_919, %dma_wait3A_926, %dma_wait3A_927] : memref<50x4x128x8x128xf32, #tpu.memory_space<hbm>> -> memref<1x1x1x8x128xf32, #tpu.memory_space<hbm>>
        %dma_wait3A_929 = tpu.memref_squeeze %dma_wait3A_928 : memref<1x1x1x8x128xf32, #tpu.memory_space<hbm>> -> memref<8x128xf32, #tpu.memory_space<hbm>>
        %dma_wait3A_930 = arith.constant 0 : i32
        %dma_wait3A_931 = arith.constant 0 : i32
        %dma_wait3A_932 = tpu.memref_slice %arg4[%sub3A_915, %dma_wait3A_921, %add3A_919, %dma_wait3A_930, %dma_wait3A_931] : memref<50x4x128x8x128xf32, #tpu.memory_space<hbm>> -> memref<1x1x1x8x128xf32, #tpu.memory_space<hbm>>
        %dma_wait3A_933 = tpu.memref_squeeze %dma_wait3A_932 : memref<1x1x1x8x128xf32, #tpu.memory_space<hbm>> -> memref<8x128xf32, #tpu.memory_space<hbm>>
        %dma_wait3A_934 = arith.constant 8 : i32
        %dma_wait3A_935 = arith.constant 0 : i32
        %dma_wait3A_936 = tpu.memref_slice %arg8[%dma_wait3A_920, %dma_wait3A_934, %dma_wait3A_935] : memref<2x32x129xf32, #tpu.memory_space<vmem>> -> memref<1x8x128xf32, #tpu.memory_space<vmem>>
        %dma_wait3A_937 = tpu.memref_squeeze %dma_wait3A_936 : memref<1x8x128xf32, #tpu.memory_space<vmem>> -> memref<8x128xf32, #tpu.memory_space<vmem>>
        tpu.wait_dma2 semaphore(%arg10 : memref<!tpu.dma_semaphore, #tpu.memory_space<semaphore_mem>>) src(%dma_wait3A_937 : memref<8x128xf32, #tpu.memory_space<vmem>>) dst(%dma_wait3A_933 : memref<8x128xf32, #tpu.memory_space<hbm>>)
        %sub3A_938 = arith.constant 1 : i32
        %sub3A_939 = arith.subi %add3A_256, %sub3A_938 : i32
        %mul3A_940 = arith.constant 4 : i32
        %mul3A_941 = arith.muli %add3A, %mul3A_940 : i32
        %add3A_942 = arith.constant 2 : i32
        %add3A_943 = arith.addi %mul3A_941, %add3A_942 : i32
        %dma_wait3A_944 = arith.constant 0 : i32
        %dma_wait3A_945 = arith.constant 2 : i32
        %dma_wait3A_946 = arith.constant 16 : i32
        %dma_wait3A_947 = arith.constant 0 : i32
        %dma_wait3A_948 = tpu.memref_slice %arg8[%dma_wait3A_944, %dma_wait3A_946, %dma_wait3A_947] : memref<2x32x129xf32, #tpu.memory_space<vmem>> -> memref<1x8x128xf32, #tpu.memory_space<vmem>>
        %dma_wait3A_949 = tpu.memref_squeeze %dma_wait3A_948 : memref<1x8x128xf32, #tpu.memory_space<vmem>> -> memref<8x128xf32, #tpu.memory_space<vmem>>
        %dma_wait3A_950 = arith.constant 0 : i32
        %dma_wait3A_951 = arith.constant 0 : i32
        %dma_wait3A_952 = tpu.memref_slice %arg4[%sub3A_939, %dma_wait3A_945, %add3A_943, %dma_wait3A_950, %dma_wait3A_951] : memref<50x4x128x8x128xf32, #tpu.memory_space<hbm>> -> memref<1x1x1x8x128xf32, #tpu.memory_space<hbm>>
        %dma_wait3A_953 = tpu.memref_squeeze %dma_wait3A_952 : memref<1x1x1x8x128xf32, #tpu.memory_space<hbm>> -> memref<8x128xf32, #tpu.memory_space<hbm>>
        %dma_wait3A_954 = arith.constant 0 : i32
        %dma_wait3A_955 = arith.constant 0 : i32
        %dma_wait3A_956 = tpu.memref_slice %arg4[%sub3A_939, %dma_wait3A_945, %add3A_943, %dma_wait3A_954, %dma_wait3A_955] : memref<50x4x128x8x128xf32, #tpu.memory_space<hbm>> -> memref<1x1x1x8x128xf32, #tpu.memory_space<hbm>>
        %dma_wait3A_957 = tpu.memref_squeeze %dma_wait3A_956 : memref<1x1x1x8x128xf32, #tpu.memory_space<hbm>> -> memref<8x128xf32, #tpu.memory_space<hbm>>
        %dma_wait3A_958 = arith.constant 16 : i32
        %dma_wait3A_959 = arith.constant 0 : i32
        %dma_wait3A_960 = tpu.memref_slice %arg8[%dma_wait3A_944, %dma_wait3A_958, %dma_wait3A_959] : memref<2x32x129xf32, #tpu.memory_space<vmem>> -> memref<1x8x128xf32, #tpu.memory_space<vmem>>
        %dma_wait3A_961 = tpu.memref_squeeze %dma_wait3A_960 : memref<1x8x128xf32, #tpu.memory_space<vmem>> -> memref<8x128xf32, #tpu.memory_space<vmem>>
        tpu.wait_dma2 semaphore(%arg10 : memref<!tpu.dma_semaphore, #tpu.memory_space<semaphore_mem>>) src(%dma_wait3A_961 : memref<8x128xf32, #tpu.memory_space<vmem>>) dst(%dma_wait3A_957 : memref<8x128xf32, #tpu.memory_space<hbm>>)
        %sub3A_962 = arith.constant 1 : i32
        %sub3A_963 = arith.subi %add3A_256, %sub3A_962 : i32
        %mul3A_964 = arith.constant 4 : i32
        %mul3A_965 = arith.muli %add3A, %mul3A_964 : i32
        %add3A_966 = arith.constant 2 : i32
        %add3A_967 = arith.addi %mul3A_965, %add3A_966 : i32
        %dma_wait3A_968 = arith.constant 0 : i32
        %dma_wait3A_969 = arith.constant 3 : i32
        %dma_wait3A_970 = arith.constant 24 : i32
        %dma_wait3A_971 = arith.constant 0 : i32
        %dma_wait3A_972 = tpu.memref_slice %arg8[%dma_wait3A_968, %dma_wait3A_970, %dma_wait3A_971] : memref<2x32x129xf32, #tpu.memory_space<vmem>> -> memref<1x8x128xf32, #tpu.memory_space<vmem>>
        %dma_wait3A_973 = tpu.memref_squeeze %dma_wait3A_972 : memref<1x8x128xf32, #tpu.memory_space<vmem>> -> memref<8x128xf32, #tpu.memory_space<vmem>>
        %dma_wait3A_974 = arith.constant 0 : i32
        %dma_wait3A_975 = arith.constant 0 : i32
        %dma_wait3A_976 = tpu.memref_slice %arg4[%sub3A_963, %dma_wait3A_969, %add3A_967, %dma_wait3A_974, %dma_wait3A_975] : memref<50x4x128x8x128xf32, #tpu.memory_space<hbm>> -> memref<1x1x1x8x128xf32, #tpu.memory_space<hbm>>
        %dma_wait3A_977 = tpu.memref_squeeze %dma_wait3A_976 : memref<1x1x1x8x128xf32, #tpu.memory_space<hbm>> -> memref<8x128xf32, #tpu.memory_space<hbm>>
        %dma_wait3A_978 = arith.constant 0 : i32
        %dma_wait3A_979 = arith.constant 0 : i32
        %dma_wait3A_980 = tpu.memref_slice %arg4[%sub3A_963, %dma_wait3A_969, %add3A_967, %dma_wait3A_978, %dma_wait3A_979] : memref<50x4x128x8x128xf32, #tpu.memory_space<hbm>> -> memref<1x1x1x8x128xf32, #tpu.memory_space<hbm>>
        %dma_wait3A_981 = tpu.memref_squeeze %dma_wait3A_980 : memref<1x1x1x8x128xf32, #tpu.memory_space<hbm>> -> memref<8x128xf32, #tpu.memory_space<hbm>>
        %dma_wait3A_982 = arith.constant 24 : i32
        %dma_wait3A_983 = arith.constant 0 : i32
        %dma_wait3A_984 = tpu.memref_slice %arg8[%dma_wait3A_968, %dma_wait3A_982, %dma_wait3A_983] : memref<2x32x129xf32, #tpu.memory_space<vmem>> -> memref<1x8x128xf32, #tpu.memory_space<vmem>>
        %dma_wait3A_985 = tpu.memref_squeeze %dma_wait3A_984 : memref<1x8x128xf32, #tpu.memory_space<vmem>> -> memref<8x128xf32, #tpu.memory_space<vmem>>
        tpu.wait_dma2 semaphore(%arg10 : memref<!tpu.dma_semaphore, #tpu.memory_space<semaphore_mem>>) src(%dma_wait3A_985 : memref<8x128xf32, #tpu.memory_space<vmem>>) dst(%dma_wait3A_981 : memref<8x128xf32, #tpu.memory_space<hbm>>)
      } else {
      }
      %scan3A_274 = arith.constant 0 : i32
      %scan3A_275 = arith.constant 128 : i32
      %scan3A_276 = arith.addi %scan3A_274, %scan3A_275 : i32
      %scan3A_277 = arith.constant 8 : i32
      scf.for %scan3A_891 = %scan3A_274 to %scan3A_276 step %scan3A_277  : i32 {
        %mul3A_892 = arith.constant 1 : i32
        %mul3A_893 = arith.muli %scan3A_891, %mul3A_892 : i32
        %add3A_894 = arith.constant 0 : i32
        %add3A_895 = arith.addi %add3A_894, %mul3A_893 : i32
        %broadcast_in_dim3A = vector.broadcast %add3A_895 : i32 to vector<16xi32>
        %get3A = arith.constant 0 : i32
        %get3A_896 = arith.index_cast %get3A : i32 to index
        %get3A_897 = arith.index_cast %add3A_895 : i32 to index
        %get3A_898 = arith.constant 0 : index
        %get3A_899 = tpu.vector_load %arg7[%get3A_896, %get3A_897, %get3A_898] {strides = array<i32>} : memref<4x128x32xf32, #tpu.memory_space<vmem>>, vector<16xf32>,
        %scatter3A = arith.constant 0 : i32
        %scatter3A_900 = arith.constant 0 : i32
        %scatter3A_901 = arith.constant 0 : i32
        %scatter3A_902 = tpu.memref_slice %arg8[%scatter3A, %scatter3A_900, %scatter3A_901] : memref<2x32x129xf32, #tpu.memory_space<vmem>> -> memref<1x32x129xf32, #tpu.memory_space<vmem>>
        %scatter3A_903 = tpu.memref_squeeze %scatter3A_902 : memref<1x32x129xf32, #tpu.memory_space<vmem>> -> memref<32x129xf32, #tpu.memory_space<vmem>>
        tpu.vector_store_idx %scatter3A_903[%add3A_5, %broadcast_in_dim3A], %get3A_899 : memref<32x129xf32, #tpu.memory_space<vmem>>[vector<16xi32>, vector<16xi32>], vector<16xf32>,
        %get3A_904 = arith.constant 0 : i32
        %get3A_905 = arith.index_cast %get3A_904 : i32 to index
        %get3A_906 = arith.index_cast %add3A_895 : i32 to index
        %get3A_907 = arith.constant 16 : index
        %get3A_908 = tpu.vector_load %arg7[%get3A_905, %get3A_906, %get3A_907] {strides = array<i32>} : memref<4x128x32xf32, #tpu.memory_space<vmem>>, vector<16xf32>,
        %scatter3A_909 = arith.constant 0 : i32
        %scatter3A_910 = arith.constant 0 : i32
        %scatter3A_911 = arith.constant 0 : i32
        %scatter3A_912 = tpu.memref_slice %arg8[%scatter3A_909, %scatter3A_910, %scatter3A_911] : memref<2x32x129xf32, #tpu.memory_space<vmem>> -> memref<1x32x129xf32, #tpu.memory_space<vmem>>
        %scatter3A_913 = tpu.memref_squeeze %scatter3A_912 : memref<1x32x129xf32, #tpu.memory_space<vmem>> -> memref<32x129xf32, #tpu.memory_space<vmem>>
        tpu.vector_store_idx %scatter3A_913[%add3A_8, %broadcast_in_dim3A], %get3A_908 : memref<32x129xf32, #tpu.memory_space<vmem>>[vector<16xi32>, vector<16xi32>], vector<16xf32>,
        %scan3A_914 = arith.constant 1 : i32
        %scan3A_915 = arith.addi %scan3A_891, %scan3A_914 : i32
        %mul3A_916 = arith.constant 1 : i32
        %mul3A_917 = arith.muli %scan3A_915, %mul3A_916 : i32
        %add3A_918 = arith.constant 0 : i32
        %add3A_919 = arith.addi %add3A_918, %mul3A_917 : i32
        %broadcast_in_dim3A_920 = vector.broadcast %add3A_919 : i32 to vector<16xi32>
        %get3A_921 = arith.constant 0 : i32
        %get3A_922 = arith.index_cast %get3A_921 : i32 to index
        %get3A_923 = arith.index_cast %add3A_919 : i32 to index
        %get3A_924 = arith.constant 0 : index
        %get3A_925 = tpu.vector_load %arg7[%get3A_922, %get3A_923, %get3A_924] {strides = array<i32>} : memref<4x128x32xf32, #tpu.memory_space<vmem>>, vector<16xf32>,
        %scatter3A_926 = arith.constant 0 : i32
        %scatter3A_927 = arith.constant 0 : i32
        %scatter3A_928 = arith.constant 0 : i32
        %scatter3A_929 = tpu.memref_slice %arg8[%scatter3A_926, %scatter3A_927, %scatter3A_928] : memref<2x32x129xf32, #tpu.memory_space<vmem>> -> memref<1x32x129xf32, #tpu.memory_space<vmem>>
        %scatter3A_930 = tpu.memref_squeeze %scatter3A_929 : memref<1x32x129xf32, #tpu.memory_space<vmem>> -> memref<32x129xf32, #tpu.memory_space<vmem>>
        tpu.vector_store_idx %scatter3A_930[%add3A_5, %broadcast_in_dim3A_920], %get3A_925 : memref<32x129xf32, #tpu.memory_space<vmem>>[vector<16xi32>, vector<16xi32>], vector<16xf32>,
        %get3A_931 = arith.constant 0 : i32
        %get3A_932 = arith.index_cast %get3A_931 : i32 to index
        %get3A_933 = arith.index_cast %add3A_919 : i32 to index
        %get3A_934 = arith.constant 16 : index
        %get3A_935 = tpu.vector_load %arg7[%get3A_932, %get3A_933, %get3A_934] {strides = array<i32>} : memref<4x128x32xf32, #tpu.memory_space<vmem>>, vector<16xf32>,
        %scatter3A_936 = arith.constant 0 : i32
        %scatter3A_937 = arith.constant 0 : i32
        %scatter3A_938 = arith.constant 0 : i32
        %scatter3A_939 = tpu.memref_slice %arg8[%scatter3A_936, %scatter3A_937, %scatter3A_938] : memref<2x32x129xf32, #tpu.memory_space<vmem>> -> memref<1x32x129xf32, #tpu.memory_space<vmem>>
        %scatter3A_940 = tpu.memref_squeeze %scatter3A_939 : memref<1x32x129xf32, #tpu.memory_space<vmem>> -> memref<32x129xf32, #tpu.memory_space<vmem>>
        tpu.vector_store_idx %scatter3A_940[%add3A_8, %broadcast_in_dim3A_920], %get3A_935 : memref<32x129xf32, #tpu.memory_space<vmem>>[vector<16xi32>, vector<16xi32>], vector<16xf32>,
        %scan3A_941 = arith.constant 2 : i32
        %scan3A_942 = arith.addi %scan3A_891, %scan3A_941 : i32
        %mul3A_943 = arith.constant 1 : i32
        %mul3A_944 = arith.muli %scan3A_942, %mul3A_943 : i32
        %add3A_945 = arith.constant 0 : i32
        %add3A_946 = arith.addi %add3A_945, %mul3A_944 : i32
        %broadcast_in_dim3A_947 = vector.broadcast %add3A_946 : i32 to vector<16xi32>
        %get3A_948 = arith.constant 0 : i32
        %get3A_949 = arith.index_cast %get3A_948 : i32 to index
        %get3A_950 = arith.index_cast %add3A_946 : i32 to index
        %get3A_951 = arith.constant 0 : index
        %get3A_952 = tpu.vector_load %arg7[%get3A_949, %get3A_950, %get3A_951] {strides = array<i32>} : memref<4x128x32xf32, #tpu.memory_space<vmem>>, vector<16xf32>,
        %scatter3A_953 = arith.constant 0 : i32
        %scatter3A_954 = arith.constant 0 : i32
        %scatter3A_955 = arith.constant 0 : i32
        %scatter3A_956 = tpu.memref_slice %arg8[%scatter3A_953, %scatter3A_954, %scatter3A_955] : memref<2x32x129xf32, #tpu.memory_space<vmem>> -> memref<1x32x129xf32, #tpu.memory_space<vmem>>
        %scatter3A_957 = tpu.memref_squeeze %scatter3A_956 : memref<1x32x129xf32, #tpu.memory_space<vmem>> -> memref<32x129xf32, #tpu.memory_space<vmem>>
        tpu.vector_store_idx %scatter3A_957[%add3A_5, %broadcast_in_dim3A_947], %get3A_952 : memref<32x129xf32, #tpu.memory_space<vmem>>[vector<16xi32>, vector<16xi32>], vector<16xf32>,
        %get3A_958 = arith.constant 0 : i32
        %get3A_959 = arith.index_cast %get3A_958 : i32 to index
        %get3A_960 = arith.index_cast %add3A_946 : i32 to index
        %get3A_961 = arith.constant 16 : index
        %get3A_962 = tpu.vector_load %arg7[%get3A_959, %get3A_960, %get3A_961] {strides = array<i32>} : memref<4x128x32xf32, #tpu.memory_space<vmem>>, vector<16xf32>,
        %scatter3A_963 = arith.constant 0 : i32
        %scatter3A_964 = arith.constant 0 : i32
        %scatter3A_965 = arith.constant 0 : i32
        %scatter3A_966 = tpu.memref_slice %arg8[%scatter3A_963, %scatter3A_964, %scatter3A_965] : memref<2x32x129xf32, #tpu.memory_space<vmem>> -> memref<1x32x129xf32, #tpu.memory_space<vmem>>
        %scatter3A_967 = tpu.memref_squeeze %scatter3A_966 : memref<1x32x129xf32, #tpu.memory_space<vmem>> -> memref<32x129xf32, #tpu.memory_space<vmem>>
        tpu.vector_store_idx %scatter3A_967[%add3A_8, %broadcast_in_dim3A_947], %get3A_962 : memref<32x129xf32, #tpu.memory_space<vmem>>[vector<16xi32>, vector<16xi32>], vector<16xf32>,
        %scan3A_968 = arith.constant 3 : i32
        %scan3A_969 = arith.addi %scan3A_891, %scan3A_968 : i32
        %mul3A_970 = arith.constant 1 : i32
        %mul3A_971 = arith.muli %scan3A_969, %mul3A_970 : i32
        %add3A_972 = arith.constant 0 : i32
        %add3A_973 = arith.addi %add3A_972, %mul3A_971 : i32
        %broadcast_in_dim3A_974 = vector.broadcast %add3A_973 : i32 to vector<16xi32>
        %get3A_975 = arith.constant 0 : i32
        %get3A_976 = arith.index_cast %get3A_975 : i32 to index
        %get3A_977 = arith.index_cast %add3A_973 : i32 to index
        %get3A_978 = arith.constant 0 : index
        %get3A_979 = tpu.vector_load %arg7[%get3A_976, %get3A_977, %get3A_978] {strides = array<i32>} : memref<4x128x32xf32, #tpu.memory_space<vmem>>, vector<16xf32>,
        %scatter3A_980 = arith.constant 0 : i32
        %scatter3A_981 = arith.constant 0 : i32
        %scatter3A_982 = arith.constant 0 : i32
        %scatter3A_983 = tpu.memref_slice %arg8[%scatter3A_980, %scatter3A_981, %scatter3A_982] : memref<2x32x129xf32, #tpu.memory_space<vmem>> -> memref<1x32x129xf32, #tpu.memory_space<vmem>>
        %scatter3A_984 = tpu.memref_squeeze %scatter3A_983 : memref<1x32x129xf32, #tpu.memory_space<vmem>> -> memref<32x129xf32, #tpu.memory_space<vmem>>
        tpu.vector_store_idx %scatter3A_984[%add3A_5, %broadcast_in_dim3A_974], %get3A_979 : memref<32x129xf32, #tpu.memory_space<vmem>>[vector<16xi32>, vector<16xi32>], vector<16xf32>,
        %get3A_985 = arith.constant 0 : i32
        %get3A_986 = arith.index_cast %get3A_985 : i32 to index
        %get3A_987 = arith.index_cast %add3A_973 : i32 to index
        %get3A_988 = arith.constant 16 : index
        %get3A_989 = tpu.vector_load %arg7[%get3A_986, %get3A_987, %get3A_988] {strides = array<i32>} : memref<4x128x32xf32, #tpu.memory_space<vmem>>, vector<16xf32>,
        %scatter3A_990 = arith.constant 0 : i32
        %scatter3A_991 = arith.constant 0 : i32
        %scatter3A_992 = arith.constant 0 : i32
        %scatter3A_993 = tpu.memref_slice %arg8[%scatter3A_990, %scatter3A_991, %scatter3A_992] : memref<2x32x129xf32, #tpu.memory_space<vmem>> -> memref<1x32x129xf32, #tpu.memory_space<vmem>>
        %scatter3A_994 = tpu.memref_squeeze %scatter3A_993 : memref<1x32x129xf32, #tpu.memory_space<vmem>> -> memref<32x129xf32, #tpu.memory_space<vmem>>
        tpu.vector_store_idx %scatter3A_994[%add3A_8, %broadcast_in_dim3A_974], %get3A_989 : memref<32x129xf32, #tpu.memory_space<vmem>>[vector<16xi32>, vector<16xi32>], vector<16xf32>,
        %scan3A_995 = arith.constant 4 : i32
        %scan3A_996 = arith.addi %scan3A_891, %scan3A_995 : i32
        %mul3A_997 = arith.constant 1 : i32
        %mul3A_998 = arith.muli %scan3A_996, %mul3A_997 : i32
        %add3A_999 = arith.constant 0 : i32
        %add3A_1000 = arith.addi %add3A_999, %mul3A_998 : i32
        %broadcast_in_dim3A_1001 = vector.broadcast %add3A_1000 : i32 to vector<16xi32>
        %get3A_1002 = arith.constant 0 : i32
        %get3A_1003 = arith.index_cast %get3A_1002 : i32 to index
        %get3A_1004 = arith.index_cast %add3A_1000 : i32 to index
        %get3A_1005 = arith.constant 0 : index
        %get3A_1006 = tpu.vector_load %arg7[%get3A_1003, %get3A_1004, %get3A_1005] {strides = array<i32>} : memref<4x128x32xf32, #tpu.memory_space<vmem>>, vector<16xf32>,
        %scatter3A_1007 = arith.constant 0 : i32
        %scatter3A_1008 = arith.constant 0 : i32
        %scatter3A_1009 = arith.constant 0 : i32
        %scatter3A_1010 = tpu.memref_slice %arg8[%scatter3A_1007, %scatter3A_1008, %scatter3A_1009] : memref<2x32x129xf32, #tpu.memory_space<vmem>> -> memref<1x32x129xf32, #tpu.memory_space<vmem>>
        %scatter3A_1011 = tpu.memref_squeeze %scatter3A_1010 : memref<1x32x129xf32, #tpu.memory_space<vmem>> -> memref<32x129xf32, #tpu.memory_space<vmem>>
        tpu.vector_store_idx %scatter3A_1011[%add3A_5, %broadcast_in_dim3A_1001], %get3A_1006 : memref<32x129xf32, #tpu.memory_space<vmem>>[vector<16xi32>, vector<16xi32>], vector<16xf32>,
        %get3A_1012 = arith.constant 0 : i32
        %get3A_1013 = arith.index_cast %get3A_1012 : i32 to index
        %get3A_1014 = arith.index_cast %add3A_1000 : i32 to index
        %get3A_1015 = arith.constant 16 : index
        %get3A_1016 = tpu.vector_load %arg7[%get3A_1013, %get3A_1014, %get3A_1015] {strides = array<i32>} : memref<4x128x32xf32, #tpu.memory_space<vmem>>, vector<16xf32>,
        %scatter3A_1017 = arith.constant 0 : i32
        %scatter3A_1018 = arith.constant 0 : i32
        %scatter3A_1019 = arith.constant 0 : i32
        %scatter3A_1020 = tpu.memref_slice %arg8[%scatter3A_1017, %scatter3A_1018, %scatter3A_1019] : memref<2x32x129xf32, #tpu.memory_space<vmem>> -> memref<1x32x129xf32, #tpu.memory_space<vmem>>
        %scatter3A_1021 = tpu.memref_squeeze %scatter3A_1020 : memref<1x32x129xf32, #tpu.memory_space<vmem>> -> memref<32x129xf32, #tpu.memory_space<vmem>>
        tpu.vector_store_idx %scatter3A_1021[%add3A_8, %broadcast_in_dim3A_1001], %get3A_1016 : memref<32x129xf32, #tpu.memory_space<vmem>>[vector<16xi32>, vector<16xi32>], vector<16xf32>,
        %scan3A_1022 = arith.constant 5 : i32
        %scan3A_1023 = arith.addi %scan3A_891, %scan3A_1022 : i32
        %mul3A_1024 = arith.constant 1 : i32
        %mul3A_1025 = arith.muli %scan3A_1023, %mul3A_1024 : i32
        %add3A_1026 = arith.constant 0 : i32
        %add3A_1027 = arith.addi %add3A_1026, %mul3A_1025 : i32
        %broadcast_in_dim3A_1028 = vector.broadcast %add3A_1027 : i32 to vector<16xi32>
        %get3A_1029 = arith.constant 0 : i32
        %get3A_1030 = arith.index_cast %get3A_1029 : i32 to index
        %get3A_1031 = arith.index_cast %add3A_1027 : i32 to index
        %get3A_1032 = arith.constant 0 : index
        %get3A_1033 = tpu.vector_load %arg7[%get3A_1030, %get3A_1031, %get3A_1032] {strides = array<i32>} : memref<4x128x32xf32, #tpu.memory_space<vmem>>, vector<16xf32>,
        %scatter3A_1034 = arith.constant 0 : i32
        %scatter3A_1035 = arith.constant 0 : i32
        %scatter3A_1036 = arith.constant 0 : i32
        %scatter3A_1037 = tpu.memref_slice %arg8[%scatter3A_1034, %scatter3A_1035, %scatter3A_1036] : memref<2x32x129xf32, #tpu.memory_space<vmem>> -> memref<1x32x129xf32, #tpu.memory_space<vmem>>
        %scatter3A_1038 = tpu.memref_squeeze %scatter3A_1037 : memref<1x32x129xf32, #tpu.memory_space<vmem>> -> memref<32x129xf32, #tpu.memory_space<vmem>>
        tpu.vector_store_idx %scatter3A_1038[%add3A_5, %broadcast_in_dim3A_1028], %get3A_1033 : memref<32x129xf32, #tpu.memory_space<vmem>>[vector<16xi32>, vector<16xi32>], vector<16xf32>,
        %get3A_1039 = arith.constant 0 : i32
        %get3A_1040 = arith.index_cast %get3A_1039 : i32 to index
        %get3A_1041 = arith.index_cast %add3A_1027 : i32 to index
        %get3A_1042 = arith.constant 16 : index
        %get3A_1043 = tpu.vector_load %arg7[%get3A_1040, %get3A_1041, %get3A_1042] {strides = array<i32>} : memref<4x128x32xf32, #tpu.memory_space<vmem>>, vector<16xf32>,
        %scatter3A_1044 = arith.constant 0 : i32
        %scatter3A_1045 = arith.constant 0 : i32
        %scatter3A_1046 = arith.constant 0 : i32
        %scatter3A_1047 = tpu.memref_slice %arg8[%scatter3A_1044, %scatter3A_1045, %scatter3A_1046] : memref<2x32x129xf32, #tpu.memory_space<vmem>> -> memref<1x32x129xf32, #tpu.memory_space<vmem>>
        %scatter3A_1048 = tpu.memref_squeeze %scatter3A_1047 : memref<1x32x129xf32, #tpu.memory_space<vmem>> -> memref<32x129xf32, #tpu.memory_space<vmem>>
        tpu.vector_store_idx %scatter3A_1048[%add3A_8, %broadcast_in_dim3A_1028], %get3A_1043 : memref<32x129xf32, #tpu.memory_space<vmem>>[vector<16xi32>, vector<16xi32>], vector<16xf32>,
        %scan3A_1049 = arith.constant 6 : i32
        %scan3A_1050 = arith.addi %scan3A_891, %scan3A_1049 : i32
        %mul3A_1051 = arith.constant 1 : i32
        %mul3A_1052 = arith.muli %scan3A_1050, %mul3A_1051 : i32
        %add3A_1053 = arith.constant 0 : i32
        %add3A_1054 = arith.addi %add3A_1053, %mul3A_1052 : i32
        %broadcast_in_dim3A_1055 = vector.broadcast %add3A_1054 : i32 to vector<16xi32>
        %get3A_1056 = arith.constant 0 : i32
        %get3A_1057 = arith.index_cast %get3A_1056 : i32 to index
        %get3A_1058 = arith.index_cast %add3A_1054 : i32 to index
        %get3A_1059 = arith.constant 0 : index
        %get3A_1060 = tpu.vector_load %arg7[%get3A_1057, %get3A_1058, %get3A_1059] {strides = array<i32>} : memref<4x128x32xf32, #tpu.memory_space<vmem>>, vector<16xf32>,
        %scatter3A_1061 = arith.constant 0 : i32
        %scatter3A_1062 = arith.constant 0 : i32
        %scatter3A_1063 = arith.constant 0 : i32
        %scatter3A_1064 = tpu.memref_slice %arg8[%scatter3A_1061, %scatter3A_1062, %scatter3A_1063] : memref<2x32x129xf32, #tpu.memory_space<vmem>> -> memref<1x32x129xf32, #tpu.memory_space<vmem>>
        %scatter3A_1065 = tpu.memref_squeeze %scatter3A_1064 : memref<1x32x129xf32, #tpu.memory_space<vmem>> -> memref<32x129xf32, #tpu.memory_space<vmem>>
        tpu.vector_store_idx %scatter3A_1065[%add3A_5, %broadcast_in_dim3A_1055], %get3A_1060 : memref<32x129xf32, #tpu.memory_space<vmem>>[vector<16xi32>, vector<16xi32>], vector<16xf32>,
        %get3A_1066 = arith.constant 0 : i32
        %get3A_1067 = arith.index_cast %get3A_1066 : i32 to index
        %get3A_1068 = arith.index_cast %add3A_1054 : i32 to index
        %get3A_1069 = arith.constant 16 : index
        %get3A_1070 = tpu.vector_load %arg7[%get3A_1067, %get3A_1068, %get3A_1069] {strides = array<i32>} : memref<4x128x32xf32, #tpu.memory_space<vmem>>, vector<16xf32>,
        %scatter3A_1071 = arith.constant 0 : i32
        %scatter3A_1072 = arith.constant 0 : i32
        %scatter3A_1073 = arith.constant 0 : i32
        %scatter3A_1074 = tpu.memref_slice %arg8[%scatter3A_1071, %scatter3A_1072, %scatter3A_1073] : memref<2x32x129xf32, #tpu.memory_space<vmem>> -> memref<1x32x129xf32, #tpu.memory_space<vmem>>
        %scatter3A_1075 = tpu.memref_squeeze %scatter3A_1074 : memref<1x32x129xf32, #tpu.memory_space<vmem>> -> memref<32x129xf32, #tpu.memory_space<vmem>>
        tpu.vector_store_idx %scatter3A_1075[%add3A_8, %broadcast_in_dim3A_1055], %get3A_1070 : memref<32x129xf32, #tpu.memory_space<vmem>>[vector<16xi32>, vector<16xi32>], vector<16xf32>,
        %scan3A_1076 = arith.constant 7 : i32
        %scan3A_1077 = arith.addi %scan3A_891, %scan3A_1076 : i32
        %mul3A_1078 = arith.constant 1 : i32
        %mul3A_1079 = arith.muli %scan3A_1077, %mul3A_1078 : i32
        %add3A_1080 = arith.constant 0 : i32
        %add3A_1081 = arith.addi %add3A_1080, %mul3A_1079 : i32
        %broadcast_in_dim3A_1082 = vector.broadcast %add3A_1081 : i32 to vector<16xi32>
        %get3A_1083 = arith.constant 0 : i32
        %get3A_1084 = arith.index_cast %get3A_1083 : i32 to index
        %get3A_1085 = arith.index_cast %add3A_1081 : i32 to index
        %get3A_1086 = arith.constant 0 : index
        %get3A_1087 = tpu.vector_load %arg7[%get3A_1084, %get3A_1085, %get3A_1086] {strides = array<i32>} : memref<4x128x32xf32, #tpu.memory_space<vmem>>, vector<16xf32>,
        %scatter3A_1088 = arith.constant 0 : i32
        %scatter3A_1089 = arith.constant 0 : i32
        %scatter3A_1090 = arith.constant 0 : i32
        %scatter3A_1091 = tpu.memref_slice %arg8[%scatter3A_1088, %scatter3A_1089, %scatter3A_1090] : memref<2x32x129xf32, #tpu.memory_space<vmem>> -> memref<1x32x129xf32, #tpu.memory_space<vmem>>
        %scatter3A_1092 = tpu.memref_squeeze %scatter3A_1091 : memref<1x32x129xf32, #tpu.memory_space<vmem>> -> memref<32x129xf32, #tpu.memory_space<vmem>>
        tpu.vector_store_idx %scatter3A_1092[%add3A_5, %broadcast_in_dim3A_1082], %get3A_1087 : memref<32x129xf32, #tpu.memory_space<vmem>>[vector<16xi32>, vector<16xi32>], vector<16xf32>,
        %get3A_1093 = arith.constant 0 : i32
        %get3A_1094 = arith.index_cast %get3A_1093 : i32 to index
        %get3A_1095 = arith.index_cast %add3A_1081 : i32 to index
        %get3A_1096 = arith.constant 16 : index
        %get3A_1097 = tpu.vector_load %arg7[%get3A_1094, %get3A_1095, %get3A_1096] {strides = array<i32>} : memref<4x128x32xf32, #tpu.memory_space<vmem>>, vector<16xf32>,
        %scatter3A_1098 = arith.constant 0 : i32
        %scatter3A_1099 = arith.constant 0 : i32
        %scatter3A_1100 = arith.constant 0 : i32
        %scatter3A_1101 = tpu.memref_slice %arg8[%scatter3A_1098, %scatter3A_1099, %scatter3A_1100] : memref<2x32x129xf32, #tpu.memory_space<vmem>> -> memref<1x32x129xf32, #tpu.memory_space<vmem>>
        %scatter3A_1102 = tpu.memref_squeeze %scatter3A_1101 : memref<1x32x129xf32, #tpu.memory_space<vmem>> -> memref<32x129xf32, #tpu.memory_space<vmem>>
        tpu.vector_store_idx %scatter3A_1102[%add3A_8, %broadcast_in_dim3A_1082], %get3A_1097 : memref<32x129xf32, #tpu.memory_space<vmem>>[vector<16xi32>, vector<16xi32>], vector<16xf32>,
      }
      %scan3A_278 = arith.constant 128 : i32
      %mul3A_279 = arith.constant 4 : i32
      %mul3A_280 = arith.muli %add3A, %mul3A_279 : i32
      %add3A_281 = arith.constant 0 : i32
      %add3A_282 = arith.addi %mul3A_280, %add3A_281 : i32
      %dma_start3A_283 = arith.constant 0 : i32
      %dma_start3A_284 = arith.constant 0 : i32
      %dma_start3A_285 = arith.constant 0 : i32
      %dma_start3A_286 = arith.constant 0 : i32
      %dma_start3A_287 = tpu.memref_slice %arg8[%dma_start3A_283, %dma_start3A_285, %dma_start3A_286] : memref<2x32x129xf32, #tpu.memory_space<vmem>> -> memref<1x8x128xf32, #tpu.memory_space<vmem>>
      %dma_start3A_288 = tpu.memref_squeeze %dma_start3A_287 : memref<1x8x128xf32, #tpu.memory_space<vmem>> -> memref<8x128xf32, #tpu.memory_space<vmem>>
      %dma_start3A_289 = arith.constant 0 : i32
      %dma_start3A_290 = arith.constant 0 : i32
      %dma_start3A_291 = tpu.memref_slice %arg4[%add3A_256, %dma_start3A_284, %add3A_282, %dma_start3A_289, %dma_start3A_290] : memref<50x4x128x8x128xf32, #tpu.memory_space<hbm>> -> memref<1x1x1x8x128xf32, #tpu.memory_space<hbm>>
      %dma_start3A_292 = tpu.memref_squeeze %dma_start3A_291 : memref<1x1x1x8x128xf32, #tpu.memory_space<hbm>> -> memref<8x128xf32, #tpu.memory_space<hbm>>
      %dma_start3A_293 = arith.constant 0 : i32
      %dma_start3A_294 = arith.constant 0 : i32
      %dma_start3A_295 = tpu.memref_slice %arg4[%add3A_256, %dma_start3A_284, %add3A_282, %dma_start3A_293, %dma_start3A_294] : memref<50x4x128x8x128xf32, #tpu.memory_space<hbm>> -> memref<1x1x1x8x128xf32, #tpu.memory_space<hbm>>
      %dma_start3A_296 = tpu.memref_squeeze %dma_start3A_295 : memref<1x1x1x8x128xf32, #tpu.memory_space<hbm>> -> memref<8x128xf32, #tpu.memory_space<hbm>>
      %dma_start3A_297 = arith.constant 0 : i32
      %dma_start3A_298 = arith.constant 0 : i32
      %dma_start3A_299 = tpu.memref_slice %arg8[%dma_start3A_283, %dma_start3A_297, %dma_start3A_298] : memref<2x32x129xf32, #tpu.memory_space<vmem>> -> memref<1x8x128xf32, #tpu.memory_space<vmem>>
      %dma_start3A_300 = tpu.memref_squeeze %dma_start3A_299 : memref<1x8x128xf32, #tpu.memory_space<vmem>> -> memref<8x128xf32, #tpu.memory_space<vmem>>
      tpu.enqueue_dma source(%dma_start3A_300 : memref<8x128xf32, #tpu.memory_space<vmem>>) target(%dma_start3A_296 : memref<8x128xf32, #tpu.memory_space<hbm>>) target_semaphore(%arg10 : memref<!tpu.dma_semaphore, #tpu.memory_space<semaphore_mem>>)
      %mul3A_301 = arith.constant 4 : i32
      %mul3A_302 = arith.muli %add3A, %mul3A_301 : i32
      %add3A_303 = arith.constant 0 : i32
      %add3A_304 = arith.addi %mul3A_302, %add3A_303 : i32
      %dma_start3A_305 = arith.constant 0 : i32
      %dma_start3A_306 = arith.constant 1 : i32
      %dma_start3A_307 = arith.constant 8 : i32
      %dma_start3A_308 = arith.constant 0 : i32
      %dma_start3A_309 = tpu.memref_slice %arg8[%dma_start3A_305, %dma_start3A_307, %dma_start3A_308] : memref<2x32x129xf32, #tpu.memory_space<vmem>> -> memref<1x8x128xf32, #tpu.memory_space<vmem>>
      %dma_start3A_310 = tpu.memref_squeeze %dma_start3A_309 : memref<1x8x128xf32, #tpu.memory_space<vmem>> -> memref<8x128xf32, #tpu.memory_space<vmem>>
      %dma_start3A_311 = arith.constant 0 : i32
      %dma_start3A_312 = arith.constant 0 : i32
      %dma_start3A_313 = tpu.memref_slice %arg4[%add3A_256, %dma_start3A_306, %add3A_304, %dma_start3A_311, %dma_start3A_312] : memref<50x4x128x8x128xf32, #tpu.memory_space<hbm>> -> memref<1x1x1x8x128xf32, #tpu.memory_space<hbm>>
      %dma_start3A_314 = tpu.memref_squeeze %dma_start3A_313 : memref<1x1x1x8x128xf32, #tpu.memory_space<hbm>> -> memref<8x128xf32, #tpu.memory_space<hbm>>
      %dma_start3A_315 = arith.constant 0 : i32
      %dma_start3A_316 = arith.constant 0 : i32
      %dma_start3A_317 = tpu.memref_slice %arg4[%add3A_256, %dma_start3A_306, %add3A_304, %dma_start3A_315, %dma_start3A_316] : memref<50x4x128x8x128xf32, #tpu.memory_space<hbm>> -> memref<1x1x1x8x128xf32, #tpu.memory_space<hbm>>
      %dma_start3A_318 = tpu.memref_squeeze %dma_start3A_317 : memref<1x1x1x8x128xf32, #tpu.memory_space<hbm>> -> memref<8x128xf32, #tpu.memory_space<hbm>>
      %dma_start3A_319 = arith.constant 8 : i32
      %dma_start3A_320 = arith.constant 0 : i32
      %dma_start3A_321 = tpu.memref_slice %arg8[%dma_start3A_305, %dma_start3A_319, %dma_start3A_320] : memref<2x32x129xf32, #tpu.memory_space<vmem>> -> memref<1x8x128xf32, #tpu.memory_space<vmem>>
      %dma_start3A_322 = tpu.memref_squeeze %dma_start3A_321 : memref<1x8x128xf32, #tpu.memory_space<vmem>> -> memref<8x128xf32, #tpu.memory_space<vmem>>
      tpu.enqueue_dma source(%dma_start3A_322 : memref<8x128xf32, #tpu.memory_space<vmem>>) target(%dma_start3A_318 : memref<8x128xf32, #tpu.memory_space<hbm>>) target_semaphore(%arg10 : memref<!tpu.dma_semaphore, #tpu.memory_space<semaphore_mem>>)
      %mul3A_323 = arith.constant 4 : i32
      %mul3A_324 = arith.muli %add3A, %mul3A_323 : i32
      %add3A_325 = arith.constant 0 : i32
      %add3A_326 = arith.addi %mul3A_324, %add3A_325 : i32
      %dma_start3A_327 = arith.constant 0 : i32
      %dma_start3A_328 = arith.constant 2 : i32
      %dma_start3A_329 = arith.constant 16 : i32
      %dma_start3A_330 = arith.constant 0 : i32
      %dma_start3A_331 = tpu.memref_slice %arg8[%dma_start3A_327, %dma_start3A_329, %dma_start3A_330] : memref<2x32x129xf32, #tpu.memory_space<vmem>> -> memref<1x8x128xf32, #tpu.memory_space<vmem>>
      %dma_start3A_332 = tpu.memref_squeeze %dma_start3A_331 : memref<1x8x128xf32, #tpu.memory_space<vmem>> -> memref<8x128xf32, #tpu.memory_space<vmem>>
      %dma_start3A_333 = arith.constant 0 : i32
      %dma_start3A_334 = arith.constant 0 : i32
      %dma_start3A_335 = tpu.memref_slice %arg4[%add3A_256, %dma_start3A_328, %add3A_326, %dma_start3A_333, %dma_start3A_334] : memref<50x4x128x8x128xf32, #tpu.memory_space<hbm>> -> memref<1x1x1x8x128xf32, #tpu.memory_space<hbm>>
      %dma_start3A_336 = tpu.memref_squeeze %dma_start3A_335 : memref<1x1x1x8x128xf32, #tpu.memory_space<hbm>> -> memref<8x128xf32, #tpu.memory_space<hbm>>
      %dma_start3A_337 = arith.constant 0 : i32
      %dma_start3A_338 = arith.constant 0 : i32
      %dma_start3A_339 = tpu.memref_slice %arg4[%add3A_256, %dma_start3A_328, %add3A_326, %dma_start3A_337, %dma_start3A_338] : memref<50x4x128x8x128xf32, #tpu.memory_space<hbm>> -> memref<1x1x1x8x128xf32, #tpu.memory_space<hbm>>
      %dma_start3A_340 = tpu.memref_squeeze %dma_start3A_339 : memref<1x1x1x8x128xf32, #tpu.memory_space<hbm>> -> memref<8x128xf32, #tpu.memory_space<hbm>>
      %dma_start3A_341 = arith.constant 16 : i32
      %dma_start3A_342 = arith.constant 0 : i32
      %dma_start3A_343 = tpu.memref_slice %arg8[%dma_start3A_327, %dma_start3A_341, %dma_start3A_342] : memref<2x32x129xf32, #tpu.memory_space<vmem>> -> memref<1x8x128xf32, #tpu.memory_space<vmem>>
      %dma_start3A_344 = tpu.memref_squeeze %dma_start3A_343 : memref<1x8x128xf32, #tpu.memory_space<vmem>> -> memref<8x128xf32, #tpu.memory_space<vmem>>
      tpu.enqueue_dma source(%dma_start3A_344 : memref<8x128xf32, #tpu.memory_space<vmem>>) target(%dma_start3A_340 : memref<8x128xf32, #tpu.memory_space<hbm>>) target_semaphore(%arg10 : memref<!tpu.dma_semaphore, #tpu.memory_space<semaphore_mem>>)
      %mul3A_345 = arith.constant 4 : i32
      %mul3A_346 = arith.muli %add3A, %mul3A_345 : i32
      %add3A_347 = arith.constant 0 : i32
      %add3A_348 = arith.addi %mul3A_346, %add3A_347 : i32
      %dma_start3A_349 = arith.constant 0 : i32
      %dma_start3A_350 = arith.constant 3 : i32
      %dma_start3A_351 = arith.constant 24 : i32
      %dma_start3A_352 = arith.constant 0 : i32
      %dma_start3A_353 = tpu.memref_slice %arg8[%dma_start3A_349, %dma_start3A_351, %dma_start3A_352] : memref<2x32x129xf32, #tpu.memory_space<vmem>> -> memref<1x8x128xf32, #tpu.memory_space<vmem>>
      %dma_start3A_354 = tpu.memref_squeeze %dma_start3A_353 : memref<1x8x128xf32, #tpu.memory_space<vmem>> -> memref<8x128xf32, #tpu.memory_space<vmem>>
      %dma_start3A_355 = arith.constant 0 : i32
      %dma_start3A_356 = arith.constant 0 : i32
      %dma_start3A_357 = tpu.memref_slice %arg4[%add3A_256, %dma_start3A_350, %add3A_348, %dma_start3A_355, %dma_start3A_356] : memref<50x4x128x8x128xf32, #tpu.memory_space<hbm>> -> memref<1x1x1x8x128xf32, #tpu.memory_space<hbm>>
      %dma_start3A_358 = tpu.memref_squeeze %dma_start3A_357 : memref<1x1x1x8x128xf32, #tpu.memory_space<hbm>> -> memref<8x128xf32, #tpu.memory_space<hbm>>
      %dma_start3A_359 = arith.constant 0 : i32
      %dma_start3A_360 = arith.constant 0 : i32
      %dma_start3A_361 = tpu.memref_slice %arg4[%add3A_256, %dma_start3A_350, %add3A_348, %dma_start3A_359, %dma_start3A_360] : memref<50x4x128x8x128xf32, #tpu.memory_space<hbm>> -> memref<1x1x1x8x128xf32, #tpu.memory_space<hbm>>
      %dma_start3A_362 = tpu.memref_squeeze %dma_start3A_361 : memref<1x1x1x8x128xf32, #tpu.memory_space<hbm>> -> memref<8x128xf32, #tpu.memory_space<hbm>>
      %dma_start3A_363 = arith.constant 24 : i32
      %dma_start3A_364 = arith.constant 0 : i32
      %dma_start3A_365 = tpu.memref_slice %arg8[%dma_start3A_349, %dma_start3A_363, %dma_start3A_364] : memref<2x32x129xf32, #tpu.memory_space<vmem>> -> memref<1x8x128xf32, #tpu.memory_space<vmem>>
      %dma_start3A_366 = tpu.memref_squeeze %dma_start3A_365 : memref<1x8x128xf32, #tpu.memory_space<vmem>> -> memref<8x128xf32, #tpu.memory_space<vmem>>
      tpu.enqueue_dma source(%dma_start3A_366 : memref<8x128xf32, #tpu.memory_space<vmem>>) target(%dma_start3A_362 : memref<8x128xf32, #tpu.memory_space<hbm>>) target_semaphore(%arg10 : memref<!tpu.dma_semaphore, #tpu.memory_space<semaphore_mem>>)
      %lt3A = arith.constant 49 : i32
      %lt3A_367 = arith.cmpi slt, %add3A_256, %lt3A : i32
      %convert_element_type3A_368 = arith.extui %lt3A_367 : i1 to i32
      %cond3A_369 = arith.constant 0 : i32
      %cond3A_370 = arith.cmpi ne, %convert_element_type3A_368, %cond3A_369 : i32
      scf.if %cond3A_370 {
        %add3A_891 = arith.constant 1 : i32
        %add3A_892 = arith.addi %add3A_256, %add3A_891 : i32
        %dma_start3A_893 = arith.constant 0 : i32
        %dma_start3A_894 = arith.constant 0 : i32
        %dma_start3A_895 = arith.constant 0 : i32
        %dma_start3A_896 = arith.constant 0 : i32
        %dma_start3A_897 = tpu.memref_slice %arg7[%dma_start3A_894, %dma_start3A_895, %dma_start3A_896] : memref<4x128x32xf32, #tpu.memory_space<vmem>> -> memref<1x128x32xf32, #tpu.memory_space<vmem>>
        %dma_start3A_898 = tpu.memref_squeeze %dma_start3A_897 : memref<1x128x32xf32, #tpu.memory_space<vmem>> -> memref<128x32xf32, #tpu.memory_space<vmem>>
        %dma_start3A_899 = arith.constant 0 : i32
        %dma_start3A_900 = tpu.memref_slice %arg6[%add3A_892, %dma_start3A_893, %dma_start3A_899] : memref<50x4x128xi32, #tpu.memory_space<vmem>> -> memref<1x1x128xi32, #tpu.memory_space<vmem>>
        %dma_start3A_901 = tpu.memref_squeeze %dma_start3A_900 : memref<1x1x128xi32, #tpu.memory_space<vmem>> -> memref<128xi32, #tpu.memory_space<vmem>>
        %dma_start3A_902 = arith.constant 0 : i32
        %dma_start3A_903 = arith.constant 0 : i32
        %dma_start3A_904 = tpu.memref_slice %arg3[%dma_start3A_902, %dma_start3A_903] : memref<1000000x32xf32, #tpu.memory_space<hbm>> -> memref<1000000x32xf32, #tpu.memory_space<hbm>>
        tpu.enqueue_indirect_dma source(%dma_start3A_904 : memref<1000000x32xf32, #tpu.memory_space<hbm>>) target(%dma_start3A_898 : memref<128x32xf32, #tpu.memory_space<vmem>>) offsets(%dma_start3A_901 : memref<128xi32, #tpu.memory_space<vmem>>) semaphore(%arg9 : memref<!tpu.dma_semaphore, #tpu.memory_space<semaphore_mem>>)
      } else {
      }
      %dma_wait3A_371 = arith.constant 1 : i32
      %dma_wait3A_372 = arith.constant 0 : i32
      %dma_wait3A_373 = arith.constant 0 : i32
      %dma_wait3A_374 = tpu.memref_slice %arg7[%dma_wait3A_371, %dma_wait3A_372, %dma_wait3A_373] : memref<4x128x32xf32, #tpu.memory_space<vmem>> -> memref<1x128x32xf32, #tpu.memory_space<vmem>>
      %dma_wait3A_375 = tpu.memref_squeeze %dma_wait3A_374 : memref<1x128x32xf32, #tpu.memory_space<vmem>> -> memref<128x32xf32, #tpu.memory_space<vmem>>
      %dma_wait3A_376 = arith.constant 0 : i32
      %dma_wait3A_377 = arith.constant 0 : i32
      %dma_wait3A_378 = tpu.memref_slice %arg3[%dma_wait3A_376, %dma_wait3A_377] : memref<1000000x32xf32, #tpu.memory_space<hbm>> -> memref<128x32xf32, #tpu.memory_space<hbm>>
      %dma_wait3A_379 = arith.constant 0 : i32
      %dma_wait3A_380 = arith.constant 0 : i32
      %dma_wait3A_381 = tpu.memref_slice %arg7[%dma_wait3A_371, %dma_wait3A_379, %dma_wait3A_380] : memref<4x128x32xf32, #tpu.memory_space<vmem>> -> memref<1x128x32xf32, #tpu.memory_space<vmem>>
      %dma_wait3A_382 = tpu.memref_squeeze %dma_wait3A_381 : memref<1x128x32xf32, #tpu.memory_space<vmem>> -> memref<128x32xf32, #tpu.memory_space<vmem>>
      %dma_wait3A_383 = arith.constant 0 : i32
      %dma_wait3A_384 = arith.constant 0 : i32
      %dma_wait3A_385 = tpu.memref_slice %arg3[%dma_wait3A_383, %dma_wait3A_384] : memref<1000000x32xf32, #tpu.memory_space<hbm>> -> memref<128x32xf32, #tpu.memory_space<hbm>>
      tpu.wait_dma2 semaphore(%arg9 : memref<!tpu.dma_semaphore, #tpu.memory_space<semaphore_mem>>) src(%dma_wait3A_385 : memref<128x32xf32, #tpu.memory_space<hbm>>) dst(%dma_wait3A_382 : memref<128x32xf32, #tpu.memory_space<vmem>>)
      %gt3A_386 = arith.constant 0 : i32
      %gt3A_387 = arith.cmpi sgt, %add3A_256, %gt3A_386 : i32
      %convert_element_type3A_388 = arith.extui %gt3A_387 : i1 to i32
      %cond3A_389 = arith.constant 0 : i32
      %cond3A_390 = arith.cmpi ne, %convert_element_type3A_388, %cond3A_389 : i32
      scf.if %cond3A_390 {
        %sub3A = arith.constant 1 : i32
        %sub3A_891 = arith.subi %add3A_256, %sub3A : i32
        %mul3A_892 = arith.constant 4 : i32
        %mul3A_893 = arith.muli %add3A, %mul3A_892 : i32
        %add3A_894 = arith.constant 3 : i32
        %add3A_895 = arith.addi %mul3A_893, %add3A_894 : i32
        %dma_wait3A_896 = arith.constant 1 : i32
        %dma_wait3A_897 = arith.constant 0 : i32
        %dma_wait3A_898 = arith.constant 0 : i32
        %dma_wait3A_899 = arith.constant 0 : i32
        %dma_wait3A_900 = tpu.memref_slice %arg8[%dma_wait3A_896, %dma_wait3A_898, %dma_wait3A_899] : memref<2x32x129xf32, #tpu.memory_space<vmem>> -> memref<1x8x128xf32, #tpu.memory_space<vmem>>
        %dma_wait3A_901 = tpu.memref_squeeze %dma_wait3A_900 : memref<1x8x128xf32, #tpu.memory_space<vmem>> -> memref<8x128xf32, #tpu.memory_space<vmem>>
        %dma_wait3A_902 = arith.constant 0 : i32
        %dma_wait3A_903 = arith.constant 0 : i32
        %dma_wait3A_904 = tpu.memref_slice %arg4[%sub3A_891, %dma_wait3A_897, %add3A_895, %dma_wait3A_902, %dma_wait3A_903] : memref<50x4x128x8x128xf32, #tpu.memory_space<hbm>> -> memref<1x1x1x8x128xf32, #tpu.memory_space<hbm>>
        %dma_wait3A_905 = tpu.memref_squeeze %dma_wait3A_904 : memref<1x1x1x8x128xf32, #tpu.memory_space<hbm>> -> memref<8x128xf32, #tpu.memory_space<hbm>>
        %dma_wait3A_906 = arith.constant 0 : i32
        %dma_wait3A_907 = arith.constant 0 : i32
        %dma_wait3A_908 = tpu.memref_slice %arg4[%sub3A_891, %dma_wait3A_897, %add3A_895, %dma_wait3A_906, %dma_wait3A_907] : memref<50x4x128x8x128xf32, #tpu.memory_space<hbm>> -> memref<1x1x1x8x128xf32, #tpu.memory_space<hbm>>
        %dma_wait3A_909 = tpu.memref_squeeze %dma_wait3A_908 : memref<1x1x1x8x128xf32, #tpu.memory_space<hbm>> -> memref<8x128xf32, #tpu.memory_space<hbm>>
        %dma_wait3A_910 = arith.constant 0 : i32
        %dma_wait3A_911 = arith.constant 0 : i32
        %dma_wait3A_912 = tpu.memref_slice %arg8[%dma_wait3A_896, %dma_wait3A_910, %dma_wait3A_911] : memref<2x32x129xf32, #tpu.memory_space<vmem>> -> memref<1x8x128xf32, #tpu.memory_space<vmem>>
        %dma_wait3A_913 = tpu.memref_squeeze %dma_wait3A_912 : memref<1x8x128xf32, #tpu.memory_space<vmem>> -> memref<8x128xf32, #tpu.memory_space<vmem>>
        tpu.wait_dma2 semaphore(%arg10 : memref<!tpu.dma_semaphore, #tpu.memory_space<semaphore_mem>>) src(%dma_wait3A_913 : memref<8x128xf32, #tpu.memory_space<vmem>>) dst(%dma_wait3A_909 : memref<8x128xf32, #tpu.memory_space<hbm>>)
        %sub3A_914 = arith.constant 1 : i32
        %sub3A_915 = arith.subi %add3A_256, %sub3A_914 : i32
        %mul3A_916 = arith.constant 4 : i32
        %mul3A_917 = arith.muli %add3A, %mul3A_916 : i32
        %add3A_918 = arith.constant 3 : i32
        %add3A_919 = arith.addi %mul3A_917, %add3A_918 : i32
        %dma_wait3A_920 = arith.constant 1 : i32
        %dma_wait3A_921 = arith.constant 1 : i32
        %dma_wait3A_922 = arith.constant 8 : i32
        %dma_wait3A_923 = arith.constant 0 : i32
        %dma_wait3A_924 = tpu.memref_slice %arg8[%dma_wait3A_920, %dma_wait3A_922, %dma_wait3A_923] : memref<2x32x129xf32, #tpu.memory_space<vmem>> -> memref<1x8x128xf32, #tpu.memory_space<vmem>>
        %dma_wait3A_925 = tpu.memref_squeeze %dma_wait3A_924 : memref<1x8x128xf32, #tpu.memory_space<vmem>> -> memref<8x128xf32, #tpu.memory_space<vmem>>
        %dma_wait3A_926 = arith.constant 0 : i32
        %dma_wait3A_927 = arith.constant 0 : i32
        %dma_wait3A_928 = tpu.memref_slice %arg4[%sub3A_915, %dma_wait3A_921, %add3A_919, %dma_wait3A_926, %dma_wait3A_927] : memref<50x4x128x8x128xf32, #tpu.memory_space<hbm>> -> memref<1x1x1x8x128xf32, #tpu.memory_space<hbm>>
        %dma_wait3A_929 = tpu.memref_squeeze %dma_wait3A_928 : memref<1x1x1x8x128xf32, #tpu.memory_space<hbm>> -> memref<8x128xf32, #tpu.memory_space<hbm>>
        %dma_wait3A_930 = arith.constant 0 : i32
        %dma_wait3A_931 = arith.constant 0 : i32
        %dma_wait3A_932 = tpu.memref_slice %arg4[%sub3A_915, %dma_wait3A_921, %add3A_919, %dma_wait3A_930, %dma_wait3A_931] : memref<50x4x128x8x128xf32, #tpu.memory_space<hbm>> -> memref<1x1x1x8x128xf32, #tpu.memory_space<hbm>>
        %dma_wait3A_933 = tpu.memref_squeeze %dma_wait3A_932 : memref<1x1x1x8x128xf32, #tpu.memory_space<hbm>> -> memref<8x128xf32, #tpu.memory_space<hbm>>
        %dma_wait3A_934 = arith.constant 8 : i32
        %dma_wait3A_935 = arith.constant 0 : i32
        %dma_wait3A_936 = tpu.memref_slice %arg8[%dma_wait3A_920, %dma_wait3A_934, %dma_wait3A_935] : memref<2x32x129xf32, #tpu.memory_space<vmem>> -> memref<1x8x128xf32, #tpu.memory_space<vmem>>
        %dma_wait3A_937 = tpu.memref_squeeze %dma_wait3A_936 : memref<1x8x128xf32, #tpu.memory_space<vmem>> -> memref<8x128xf32, #tpu.memory_space<vmem>>
        tpu.wait_dma2 semaphore(%arg10 : memref<!tpu.dma_semaphore, #tpu.memory_space<semaphore_mem>>) src(%dma_wait3A_937 : memref<8x128xf32, #tpu.memory_space<vmem>>) dst(%dma_wait3A_933 : memref<8x128xf32, #tpu.memory_space<hbm>>)
        %sub3A_938 = arith.constant 1 : i32
        %sub3A_939 = arith.subi %add3A_256, %sub3A_938 : i32
        %mul3A_940 = arith.constant 4 : i32
        %mul3A_941 = arith.muli %add3A, %mul3A_940 : i32
        %add3A_942 = arith.constant 3 : i32
        %add3A_943 = arith.addi %mul3A_941, %add3A_942 : i32
        %dma_wait3A_944 = arith.constant 1 : i32
        %dma_wait3A_945 = arith.constant 2 : i32
        %dma_wait3A_946 = arith.constant 16 : i32
        %dma_wait3A_947 = arith.constant 0 : i32
        %dma_wait3A_948 = tpu.memref_slice %arg8[%dma_wait3A_944, %dma_wait3A_946, %dma_wait3A_947] : memref<2x32x129xf32, #tpu.memory_space<vmem>> -> memref<1x8x128xf32, #tpu.memory_space<vmem>>
        %dma_wait3A_949 = tpu.memref_squeeze %dma_wait3A_948 : memref<1x8x128xf32, #tpu.memory_space<vmem>> -> memref<8x128xf32, #tpu.memory_space<vmem>>
        %dma_wait3A_950 = arith.constant 0 : i32
        %dma_wait3A_951 = arith.constant 0 : i32
        %dma_wait3A_952 = tpu.memref_slice %arg4[%sub3A_939, %dma_wait3A_945, %add3A_943, %dma_wait3A_950, %dma_wait3A_951] : memref<50x4x128x8x128xf32, #tpu.memory_space<hbm>> -> memref<1x1x1x8x128xf32, #tpu.memory_space<hbm>>
        %dma_wait3A_953 = tpu.memref_squeeze %dma_wait3A_952 : memref<1x1x1x8x128xf32, #tpu.memory_space<hbm>> -> memref<8x128xf32, #tpu.memory_space<hbm>>
        %dma_wait3A_954 = arith.constant 0 : i32
        %dma_wait3A_955 = arith.constant 0 : i32
        %dma_wait3A_956 = tpu.memref_slice %arg4[%sub3A_939, %dma_wait3A_945, %add3A_943, %dma_wait3A_954, %dma_wait3A_955] : memref<50x4x128x8x128xf32, #tpu.memory_space<hbm>> -> memref<1x1x1x8x128xf32, #tpu.memory_space<hbm>>
        %dma_wait3A_957 = tpu.memref_squeeze %dma_wait3A_956 : memref<1x1x1x8x128xf32, #tpu.memory_space<hbm>> -> memref<8x128xf32, #tpu.memory_space<hbm>>
        %dma_wait3A_958 = arith.constant 16 : i32
        %dma_wait3A_959 = arith.constant 0 : i32
        %dma_wait3A_960 = tpu.memref_slice %arg8[%dma_wait3A_944, %dma_wait3A_958, %dma_wait3A_959] : memref<2x32x129xf32, #tpu.memory_space<vmem>> -> memref<1x8x128xf32, #tpu.memory_space<vmem>>
        %dma_wait3A_961 = tpu.memref_squeeze %dma_wait3A_960 : memref<1x8x128xf32, #tpu.memory_space<vmem>> -> memref<8x128xf32, #tpu.memory_space<vmem>>
        tpu.wait_dma2 semaphore(%arg10 : memref<!tpu.dma_semaphore, #tpu.memory_space<semaphore_mem>>) src(%dma_wait3A_961 : memref<8x128xf32, #tpu.memory_space<vmem>>) dst(%dma_wait3A_957 : memref<8x128xf32, #tpu.memory_space<hbm>>)
        %sub3A_962 = arith.constant 1 : i32
        %sub3A_963 = arith.subi %add3A_256, %sub3A_962 : i32
        %mul3A_964 = arith.constant 4 : i32
        %mul3A_965 = arith.muli %add3A, %mul3A_964 : i32
        %add3A_966 = arith.constant 3 : i32
        %add3A_967 = arith.addi %mul3A_965, %add3A_966 : i32
        %dma_wait3A_968 = arith.constant 1 : i32
        %dma_wait3A_969 = arith.constant 3 : i32
        %dma_wait3A_970 = arith.constant 24 : i32
        %dma_wait3A_971 = arith.constant 0 : i32
        %dma_wait3A_972 = tpu.memref_slice %arg8[%dma_wait3A_968, %dma_wait3A_970, %dma_wait3A_971] : memref<2x32x129xf32, #tpu.memory_space<vmem>> -> memref<1x8x128xf32, #tpu.memory_space<vmem>>
        %dma_wait3A_973 = tpu.memref_squeeze %dma_wait3A_972 : memref<1x8x128xf32, #tpu.memory_space<vmem>> -> memref<8x128xf32, #tpu.memory_space<vmem>>
        %dma_wait3A_974 = arith.constant 0 : i32
        %dma_wait3A_975 = arith.constant 0 : i32
        %dma_wait3A_976 = tpu.memref_slice %arg4[%sub3A_963, %dma_wait3A_969, %add3A_967, %dma_wait3A_974, %dma_wait3A_975] : memref<50x4x128x8x128xf32, #tpu.memory_space<hbm>> -> memref<1x1x1x8x128xf32, #tpu.memory_space<hbm>>
        %dma_wait3A_977 = tpu.memref_squeeze %dma_wait3A_976 : memref<1x1x1x8x128xf32, #tpu.memory_space<hbm>> -> memref<8x128xf32, #tpu.memory_space<hbm>>
        %dma_wait3A_978 = arith.constant 0 : i32
        %dma_wait3A_979 = arith.constant 0 : i32
        %dma_wait3A_980 = tpu.memref_slice %arg4[%sub3A_963, %dma_wait3A_969, %add3A_967, %dma_wait3A_978, %dma_wait3A_979] : memref<50x4x128x8x128xf32, #tpu.memory_space<hbm>> -> memref<1x1x1x8x128xf32, #tpu.memory_space<hbm>>
        %dma_wait3A_981 = tpu.memref_squeeze %dma_wait3A_980 : memref<1x1x1x8x128xf32, #tpu.memory_space<hbm>> -> memref<8x128xf32, #tpu.memory_space<hbm>>
        %dma_wait3A_982 = arith.constant 24 : i32
        %dma_wait3A_983 = arith.constant 0 : i32
        %dma_wait3A_984 = tpu.memref_slice %arg8[%dma_wait3A_968, %dma_wait3A_982, %dma_wait3A_983] : memref<2x32x129xf32, #tpu.memory_space<vmem>> -> memref<1x8x128xf32, #tpu.memory_space<vmem>>
        %dma_wait3A_985 = tpu.memref_squeeze %dma_wait3A_984 : memref<1x8x128xf32, #tpu.memory_space<vmem>> -> memref<8x128xf32, #tpu.memory_space<vmem>>
        tpu.wait_dma2 semaphore(%arg10 : memref<!tpu.dma_semaphore, #tpu.memory_space<semaphore_mem>>) src(%dma_wait3A_985 : memref<8x128xf32, #tpu.memory_space<vmem>>) dst(%dma_wait3A_981 : memref<8x128xf32, #tpu.memory_space<hbm>>)
      } else {
      }
      %scan3A_391 = arith.constant 0 : i32
      %scan3A_392 = arith.constant 128 : i32
      %scan3A_393 = arith.addi %scan3A_391, %scan3A_392 : i32
      %scan3A_394 = arith.constant 8 : i32
      scf.for %scan3A_891 = %scan3A_391 to %scan3A_393 step %scan3A_394  : i32 {
        %mul3A_892 = arith.constant 1 : i32
        %mul3A_893 = arith.muli %scan3A_891, %mul3A_892 : i32
        %add3A_894 = arith.constant 0 : i32
        %add3A_895 = arith.addi %add3A_894, %mul3A_893 : i32
        %broadcast_in_dim3A = vector.broadcast %add3A_895 : i32 to vector<16xi32>
        %get3A = arith.constant 1 : i32
        %get3A_896 = arith.index_cast %get3A : i32 to index
        %get3A_897 = arith.index_cast %add3A_895 : i32 to index
        %get3A_898 = arith.constant 0 : index
        %get3A_899 = tpu.vector_load %arg7[%get3A_896, %get3A_897, %get3A_898] {strides = array<i32>} : memref<4x128x32xf32, #tpu.memory_space<vmem>>, vector<16xf32>,
        %scatter3A = arith.constant 1 : i32
        %scatter3A_900 = arith.constant 0 : i32
        %scatter3A_901 = arith.constant 0 : i32
        %scatter3A_902 = tpu.memref_slice %arg8[%scatter3A, %scatter3A_900, %scatter3A_901] : memref<2x32x129xf32, #tpu.memory_space<vmem>> -> memref<1x32x129xf32, #tpu.memory_space<vmem>>
        %scatter3A_903 = tpu.memref_squeeze %scatter3A_902 : memref<1x32x129xf32, #tpu.memory_space<vmem>> -> memref<32x129xf32, #tpu.memory_space<vmem>>
        tpu.vector_store_idx %scatter3A_903[%add3A_5, %broadcast_in_dim3A], %get3A_899 : memref<32x129xf32, #tpu.memory_space<vmem>>[vector<16xi32>, vector<16xi32>], vector<16xf32>,
        %get3A_904 = arith.constant 1 : i32
        %get3A_905 = arith.index_cast %get3A_904 : i32 to index
        %get3A_906 = arith.index_cast %add3A_895 : i32 to index
        %get3A_907 = arith.constant 16 : index
        %get3A_908 = tpu.vector_load %arg7[%get3A_905, %get3A_906, %get3A_907] {strides = array<i32>} : memref<4x128x32xf32, #tpu.memory_space<vmem>>, vector<16xf32>,
        %scatter3A_909 = arith.constant 1 : i32
        %scatter3A_910 = arith.constant 0 : i32
        %scatter3A_911 = arith.constant 0 : i32
        %scatter3A_912 = tpu.memref_slice %arg8[%scatter3A_909, %scatter3A_910, %scatter3A_911] : memref<2x32x129xf32, #tpu.memory_space<vmem>> -> memref<1x32x129xf32, #tpu.memory_space<vmem>>
        %scatter3A_913 = tpu.memref_squeeze %scatter3A_912 : memref<1x32x129xf32, #tpu.memory_space<vmem>> -> memref<32x129xf32, #tpu.memory_space<vmem>>
        tpu.vector_store_idx %scatter3A_913[%add3A_8, %broadcast_in_dim3A], %get3A_908 : memref<32x129xf32, #tpu.memory_space<vmem>>[vector<16xi32>, vector<16xi32>], vector<16xf32>,
        %scan3A_914 = arith.constant 1 : i32
        %scan3A_915 = arith.addi %scan3A_891, %scan3A_914 : i32
        %mul3A_916 = arith.constant 1 : i32
        %mul3A_917 = arith.muli %scan3A_915, %mul3A_916 : i32
        %add3A_918 = arith.constant 0 : i32
        %add3A_919 = arith.addi %add3A_918, %mul3A_917 : i32
        %broadcast_in_dim3A_920 = vector.broadcast %add3A_919 : i32 to vector<16xi32>
        %get3A_921 = arith.constant 1 : i32
        %get3A_922 = arith.index_cast %get3A_921 : i32 to index
        %get3A_923 = arith.index_cast %add3A_919 : i32 to index
        %get3A_924 = arith.constant 0 : index
        %get3A_925 = tpu.vector_load %arg7[%get3A_922, %get3A_923, %get3A_924] {strides = array<i32>} : memref<4x128x32xf32, #tpu.memory_space<vmem>>, vector<16xf32>,
        %scatter3A_926 = arith.constant 1 : i32
        %scatter3A_927 = arith.constant 0 : i32
        %scatter3A_928 = arith.constant 0 : i32
        %scatter3A_929 = tpu.memref_slice %arg8[%scatter3A_926, %scatter3A_927, %scatter3A_928] : memref<2x32x129xf32, #tpu.memory_space<vmem>> -> memref<1x32x129xf32, #tpu.memory_space<vmem>>
        %scatter3A_930 = tpu.memref_squeeze %scatter3A_929 : memref<1x32x129xf32, #tpu.memory_space<vmem>> -> memref<32x129xf32, #tpu.memory_space<vmem>>
        tpu.vector_store_idx %scatter3A_930[%add3A_5, %broadcast_in_dim3A_920], %get3A_925 : memref<32x129xf32, #tpu.memory_space<vmem>>[vector<16xi32>, vector<16xi32>], vector<16xf32>,
        %get3A_931 = arith.constant 1 : i32
        %get3A_932 = arith.index_cast %get3A_931 : i32 to index
        %get3A_933 = arith.index_cast %add3A_919 : i32 to index
        %get3A_934 = arith.constant 16 : index
        %get3A_935 = tpu.vector_load %arg7[%get3A_932, %get3A_933, %get3A_934] {strides = array<i32>} : memref<4x128x32xf32, #tpu.memory_space<vmem>>, vector<16xf32>,
        %scatter3A_936 = arith.constant 1 : i32
        %scatter3A_937 = arith.constant 0 : i32
        %scatter3A_938 = arith.constant 0 : i32
        %scatter3A_939 = tpu.memref_slice %arg8[%scatter3A_936, %scatter3A_937, %scatter3A_938] : memref<2x32x129xf32, #tpu.memory_space<vmem>> -> memref<1x32x129xf32, #tpu.memory_space<vmem>>
        %scatter3A_940 = tpu.memref_squeeze %scatter3A_939 : memref<1x32x129xf32, #tpu.memory_space<vmem>> -> memref<32x129xf32, #tpu.memory_space<vmem>>
        tpu.vector_store_idx %scatter3A_940[%add3A_8, %broadcast_in_dim3A_920], %get3A_935 : memref<32x129xf32, #tpu.memory_space<vmem>>[vector<16xi32>, vector<16xi32>], vector<16xf32>,
        %scan3A_941 = arith.constant 2 : i32
        %scan3A_942 = arith.addi %scan3A_891, %scan3A_941 : i32
        %mul3A_943 = arith.constant 1 : i32
        %mul3A_944 = arith.muli %scan3A_942, %mul3A_943 : i32
        %add3A_945 = arith.constant 0 : i32
        %add3A_946 = arith.addi %add3A_945, %mul3A_944 : i32
        %broadcast_in_dim3A_947 = vector.broadcast %add3A_946 : i32 to vector<16xi32>
        %get3A_948 = arith.constant 1 : i32
        %get3A_949 = arith.index_cast %get3A_948 : i32 to index
        %get3A_950 = arith.index_cast %add3A_946 : i32 to index
        %get3A_951 = arith.constant 0 : index
        %get3A_952 = tpu.vector_load %arg7[%get3A_949, %get3A_950, %get3A_951] {strides = array<i32>} : memref<4x128x32xf32, #tpu.memory_space<vmem>>, vector<16xf32>,
        %scatter3A_953 = arith.constant 1 : i32
        %scatter3A_954 = arith.constant 0 : i32
        %scatter3A_955 = arith.constant 0 : i32
        %scatter3A_956 = tpu.memref_slice %arg8[%scatter3A_953, %scatter3A_954, %scatter3A_955] : memref<2x32x129xf32, #tpu.memory_space<vmem>> -> memref<1x32x129xf32, #tpu.memory_space<vmem>>
        %scatter3A_957 = tpu.memref_squeeze %scatter3A_956 : memref<1x32x129xf32, #tpu.memory_space<vmem>> -> memref<32x129xf32, #tpu.memory_space<vmem>>
        tpu.vector_store_idx %scatter3A_957[%add3A_5, %broadcast_in_dim3A_947], %get3A_952 : memref<32x129xf32, #tpu.memory_space<vmem>>[vector<16xi32>, vector<16xi32>], vector<16xf32>,
        %get3A_958 = arith.constant 1 : i32
        %get3A_959 = arith.index_cast %get3A_958 : i32 to index
        %get3A_960 = arith.index_cast %add3A_946 : i32 to index
        %get3A_961 = arith.constant 16 : index
        %get3A_962 = tpu.vector_load %arg7[%get3A_959, %get3A_960, %get3A_961] {strides = array<i32>} : memref<4x128x32xf32, #tpu.memory_space<vmem>>, vector<16xf32>,
        %scatter3A_963 = arith.constant 1 : i32
        %scatter3A_964 = arith.constant 0 : i32
        %scatter3A_965 = arith.constant 0 : i32
        %scatter3A_966 = tpu.memref_slice %arg8[%scatter3A_963, %scatter3A_964, %scatter3A_965] : memref<2x32x129xf32, #tpu.memory_space<vmem>> -> memref<1x32x129xf32, #tpu.memory_space<vmem>>
        %scatter3A_967 = tpu.memref_squeeze %scatter3A_966 : memref<1x32x129xf32, #tpu.memory_space<vmem>> -> memref<32x129xf32, #tpu.memory_space<vmem>>
        tpu.vector_store_idx %scatter3A_967[%add3A_8, %broadcast_in_dim3A_947], %get3A_962 : memref<32x129xf32, #tpu.memory_space<vmem>>[vector<16xi32>, vector<16xi32>], vector<16xf32>,
        %scan3A_968 = arith.constant 3 : i32
        %scan3A_969 = arith.addi %scan3A_891, %scan3A_968 : i32
        %mul3A_970 = arith.constant 1 : i32
        %mul3A_971 = arith.muli %scan3A_969, %mul3A_970 : i32
        %add3A_972 = arith.constant 0 : i32
        %add3A_973 = arith.addi %add3A_972, %mul3A_971 : i32
        %broadcast_in_dim3A_974 = vector.broadcast %add3A_973 : i32 to vector<16xi32>
        %get3A_975 = arith.constant 1 : i32
        %get3A_976 = arith.index_cast %get3A_975 : i32 to index
        %get3A_977 = arith.index_cast %add3A_973 : i32 to index
        %get3A_978 = arith.constant 0 : index
        %get3A_979 = tpu.vector_load %arg7[%get3A_976, %get3A_977, %get3A_978] {strides = array<i32>} : memref<4x128x32xf32, #tpu.memory_space<vmem>>, vector<16xf32>,
        %scatter3A_980 = arith.constant 1 : i32
        %scatter3A_981 = arith.constant 0 : i32
        %scatter3A_982 = arith.constant 0 : i32
        %scatter3A_983 = tpu.memref_slice %arg8[%scatter3A_980, %scatter3A_981, %scatter3A_982] : memref<2x32x129xf32, #tpu.memory_space<vmem>> -> memref<1x32x129xf32, #tpu.memory_space<vmem>>
        %scatter3A_984 = tpu.memref_squeeze %scatter3A_983 : memref<1x32x129xf32, #tpu.memory_space<vmem>> -> memref<32x129xf32, #tpu.memory_space<vmem>>
        tpu.vector_store_idx %scatter3A_984[%add3A_5, %broadcast_in_dim3A_974], %get3A_979 : memref<32x129xf32, #tpu.memory_space<vmem>>[vector<16xi32>, vector<16xi32>], vector<16xf32>,
        %get3A_985 = arith.constant 1 : i32
        %get3A_986 = arith.index_cast %get3A_985 : i32 to index
        %get3A_987 = arith.index_cast %add3A_973 : i32 to index
        %get3A_988 = arith.constant 16 : index
        %get3A_989 = tpu.vector_load %arg7[%get3A_986, %get3A_987, %get3A_988] {strides = array<i32>} : memref<4x128x32xf32, #tpu.memory_space<vmem>>, vector<16xf32>,
        %scatter3A_990 = arith.constant 1 : i32
        %scatter3A_991 = arith.constant 0 : i32
        %scatter3A_992 = arith.constant 0 : i32
        %scatter3A_993 = tpu.memref_slice %arg8[%scatter3A_990, %scatter3A_991, %scatter3A_992] : memref<2x32x129xf32, #tpu.memory_space<vmem>> -> memref<1x32x129xf32, #tpu.memory_space<vmem>>
        %scatter3A_994 = tpu.memref_squeeze %scatter3A_993 : memref<1x32x129xf32, #tpu.memory_space<vmem>> -> memref<32x129xf32, #tpu.memory_space<vmem>>
        tpu.vector_store_idx %scatter3A_994[%add3A_8, %broadcast_in_dim3A_974], %get3A_989 : memref<32x129xf32, #tpu.memory_space<vmem>>[vector<16xi32>, vector<16xi32>], vector<16xf32>,
        %scan3A_995 = arith.constant 4 : i32
        %scan3A_996 = arith.addi %scan3A_891, %scan3A_995 : i32
        %mul3A_997 = arith.constant 1 : i32
        %mul3A_998 = arith.muli %scan3A_996, %mul3A_997 : i32
        %add3A_999 = arith.constant 0 : i32
        %add3A_1000 = arith.addi %add3A_999, %mul3A_998 : i32
        %broadcast_in_dim3A_1001 = vector.broadcast %add3A_1000 : i32 to vector<16xi32>
        %get3A_1002 = arith.constant 1 : i32
        %get3A_1003 = arith.index_cast %get3A_1002 : i32 to index
        %get3A_1004 = arith.index_cast %add3A_1000 : i32 to index
        %get3A_1005 = arith.constant 0 : index
        %get3A_1006 = tpu.vector_load %arg7[%get3A_1003, %get3A_1004, %get3A_1005] {strides = array<i32>} : memref<4x128x32xf32, #tpu.memory_space<vmem>>, vector<16xf32>,
        %scatter3A_1007 = arith.constant 1 : i32
        %scatter3A_1008 = arith.constant 0 : i32
        %scatter3A_1009 = arith.constant 0 : i32
        %scatter3A_1010 = tpu.memref_slice %arg8[%scatter3A_1007, %scatter3A_1008, %scatter3A_1009] : memref<2x32x129xf32, #tpu.memory_space<vmem>> -> memref<1x32x129xf32, #tpu.memory_space<vmem>>
        %scatter3A_1011 = tpu.memref_squeeze %scatter3A_1010 : memref<1x32x129xf32, #tpu.memory_space<vmem>> -> memref<32x129xf32, #tpu.memory_space<vmem>>
        tpu.vector_store_idx %scatter3A_1011[%add3A_5, %broadcast_in_dim3A_1001], %get3A_1006 : memref<32x129xf32, #tpu.memory_space<vmem>>[vector<16xi32>, vector<16xi32>], vector<16xf32>,
        %get3A_1012 = arith.constant 1 : i32
        %get3A_1013 = arith.index_cast %get3A_1012 : i32 to index
        %get3A_1014 = arith.index_cast %add3A_1000 : i32 to index
        %get3A_1015 = arith.constant 16 : index
        %get3A_1016 = tpu.vector_load %arg7[%get3A_1013, %get3A_1014, %get3A_1015] {strides = array<i32>} : memref<4x128x32xf32, #tpu.memory_space<vmem>>, vector<16xf32>,
        %scatter3A_1017 = arith.constant 1 : i32
        %scatter3A_1018 = arith.constant 0 : i32
        %scatter3A_1019 = arith.constant 0 : i32
        %scatter3A_1020 = tpu.memref_slice %arg8[%scatter3A_1017, %scatter3A_1018, %scatter3A_1019] : memref<2x32x129xf32, #tpu.memory_space<vmem>> -> memref<1x32x129xf32, #tpu.memory_space<vmem>>
        %scatter3A_1021 = tpu.memref_squeeze %scatter3A_1020 : memref<1x32x129xf32, #tpu.memory_space<vmem>> -> memref<32x129xf32, #tpu.memory_space<vmem>>
        tpu.vector_store_idx %scatter3A_1021[%add3A_8, %broadcast_in_dim3A_1001], %get3A_1016 : memref<32x129xf32, #tpu.memory_space<vmem>>[vector<16xi32>, vector<16xi32>], vector<16xf32>,
        %scan3A_1022 = arith.constant 5 : i32
        %scan3A_1023 = arith.addi %scan3A_891, %scan3A_1022 : i32
        %mul3A_1024 = arith.constant 1 : i32
        %mul3A_1025 = arith.muli %scan3A_1023, %mul3A_1024 : i32
        %add3A_1026 = arith.constant 0 : i32
        %add3A_1027 = arith.addi %add3A_1026, %mul3A_1025 : i32
        %broadcast_in_dim3A_1028 = vector.broadcast %add3A_1027 : i32 to vector<16xi32>
        %get3A_1029 = arith.constant 1 : i32
        %get3A_1030 = arith.index_cast %get3A_1029 : i32 to index
        %get3A_1031 = arith.index_cast %add3A_1027 : i32 to index
        %get3A_1032 = arith.constant 0 : index
        %get3A_1033 = tpu.vector_load %arg7[%get3A_1030, %get3A_1031, %get3A_1032] {strides = array<i32>} : memref<4x128x32xf32, #tpu.memory_space<vmem>>, vector<16xf32>,
        %scatter3A_1034 = arith.constant 1 : i32
        %scatter3A_1035 = arith.constant 0 : i32
        %scatter3A_1036 = arith.constant 0 : i32
        %scatter3A_1037 = tpu.memref_slice %arg8[%scatter3A_1034, %scatter3A_1035, %scatter3A_1036] : memref<2x32x129xf32, #tpu.memory_space<vmem>> -> memref<1x32x129xf32, #tpu.memory_space<vmem>>
        %scatter3A_1038 = tpu.memref_squeeze %scatter3A_1037 : memref<1x32x129xf32, #tpu.memory_space<vmem>> -> memref<32x129xf32, #tpu.memory_space<vmem>>
        tpu.vector_store_idx %scatter3A_1038[%add3A_5, %broadcast_in_dim3A_1028], %get3A_1033 : memref<32x129xf32, #tpu.memory_space<vmem>>[vector<16xi32>, vector<16xi32>], vector<16xf32>,
        %get3A_1039 = arith.constant 1 : i32
        %get3A_1040 = arith.index_cast %get3A_1039 : i32 to index
        %get3A_1041 = arith.index_cast %add3A_1027 : i32 to index
        %get3A_1042 = arith.constant 16 : index
        %get3A_1043 = tpu.vector_load %arg7[%get3A_1040, %get3A_1041, %get3A_1042] {strides = array<i32>} : memref<4x128x32xf32, #tpu.memory_space<vmem>>, vector<16xf32>,
        %scatter3A_1044 = arith.constant 1 : i32
        %scatter3A_1045 = arith.constant 0 : i32
        %scatter3A_1046 = arith.constant 0 : i32
        %scatter3A_1047 = tpu.memref_slice %arg8[%scatter3A_1044, %scatter3A_1045, %scatter3A_1046] : memref<2x32x129xf32, #tpu.memory_space<vmem>> -> memref<1x32x129xf32, #tpu.memory_space<vmem>>
        %scatter3A_1048 = tpu.memref_squeeze %scatter3A_1047 : memref<1x32x129xf32, #tpu.memory_space<vmem>> -> memref<32x129xf32, #tpu.memory_space<vmem>>
        tpu.vector_store_idx %scatter3A_1048[%add3A_8, %broadcast_in_dim3A_1028], %get3A_1043 : memref<32x129xf32, #tpu.memory_space<vmem>>[vector<16xi32>, vector<16xi32>], vector<16xf32>,
        %scan3A_1049 = arith.constant 6 : i32
        %scan3A_1050 = arith.addi %scan3A_891, %scan3A_1049 : i32
        %mul3A_1051 = arith.constant 1 : i32
        %mul3A_1052 = arith.muli %scan3A_1050, %mul3A_1051 : i32
        %add3A_1053 = arith.constant 0 : i32
        %add3A_1054 = arith.addi %add3A_1053, %mul3A_1052 : i32
        %broadcast_in_dim3A_1055 = vector.broadcast %add3A_1054 : i32 to vector<16xi32>
        %get3A_1056 = arith.constant 1 : i32
        %get3A_1057 = arith.index_cast %get3A_1056 : i32 to index
        %get3A_1058 = arith.index_cast %add3A_1054 : i32 to index
        %get3A_1059 = arith.constant 0 : index
        %get3A_1060 = tpu.vector_load %arg7[%get3A_1057, %get3A_1058, %get3A_1059] {strides = array<i32>} : memref<4x128x32xf32, #tpu.memory_space<vmem>>, vector<16xf32>,
        %scatter3A_1061 = arith.constant 1 : i32
        %scatter3A_1062 = arith.constant 0 : i32
        %scatter3A_1063 = arith.constant 0 : i32
        %scatter3A_1064 = tpu.memref_slice %arg8[%scatter3A_1061, %scatter3A_1062, %scatter3A_1063] : memref<2x32x129xf32, #tpu.memory_space<vmem>> -> memref<1x32x129xf32, #tpu.memory_space<vmem>>
        %scatter3A_1065 = tpu.memref_squeeze %scatter3A_1064 : memref<1x32x129xf32, #tpu.memory_space<vmem>> -> memref<32x129xf32, #tpu.memory_space<vmem>>
        tpu.vector_store_idx %scatter3A_1065[%add3A_5, %broadcast_in_dim3A_1055], %get3A_1060 : memref<32x129xf32, #tpu.memory_space<vmem>>[vector<16xi32>, vector<16xi32>], vector<16xf32>,
        %get3A_1066 = arith.constant 1 : i32
        %get3A_1067 = arith.index_cast %get3A_1066 : i32 to index
        %get3A_1068 = arith.index_cast %add3A_1054 : i32 to index
        %get3A_1069 = arith.constant 16 : index
        %get3A_1070 = tpu.vector_load %arg7[%get3A_1067, %get3A_1068, %get3A_1069] {strides = array<i32>} : memref<4x128x32xf32, #tpu.memory_space<vmem>>, vector<16xf32>,
        %scatter3A_1071 = arith.constant 1 : i32
        %scatter3A_1072 = arith.constant 0 : i32
        %scatter3A_1073 = arith.constant 0 : i32
        %scatter3A_1074 = tpu.memref_slice %arg8[%scatter3A_1071, %scatter3A_1072, %scatter3A_1073] : memref<2x32x129xf32, #tpu.memory_space<vmem>> -> memref<1x32x129xf32, #tpu.memory_space<vmem>>
        %scatter3A_1075 = tpu.memref_squeeze %scatter3A_1074 : memref<1x32x129xf32, #tpu.memory_space<vmem>> -> memref<32x129xf32, #tpu.memory_space<vmem>>
        tpu.vector_store_idx %scatter3A_1075[%add3A_8, %broadcast_in_dim3A_1055], %get3A_1070 : memref<32x129xf32, #tpu.memory_space<vmem>>[vector<16xi32>, vector<16xi32>], vector<16xf32>,
        %scan3A_1076 = arith.constant 7 : i32
        %scan3A_1077 = arith.addi %scan3A_891, %scan3A_1076 : i32
        %mul3A_1078 = arith.constant 1 : i32
        %mul3A_1079 = arith.muli %scan3A_1077, %mul3A_1078 : i32
        %add3A_1080 = arith.constant 0 : i32
        %add3A_1081 = arith.addi %add3A_1080, %mul3A_1079 : i32
        %broadcast_in_dim3A_1082 = vector.broadcast %add3A_1081 : i32 to vector<16xi32>
        %get3A_1083 = arith.constant 1 : i32
        %get3A_1084 = arith.index_cast %get3A_1083 : i32 to index
        %get3A_1085 = arith.index_cast %add3A_1081 : i32 to index
        %get3A_1086 = arith.constant 0 : index
        %get3A_1087 = tpu.vector_load %arg7[%get3A_1084, %get3A_1085, %get3A_1086] {strides = array<i32>} : memref<4x128x32xf32, #tpu.memory_space<vmem>>, vector<16xf32>,
        %scatter3A_1088 = arith.constant 1 : i32
        %scatter3A_1089 = arith.constant 0 : i32
        %scatter3A_1090 = arith.constant 0 : i32
        %scatter3A_1091 = tpu.memref_slice %arg8[%scatter3A_1088, %scatter3A_1089, %scatter3A_1090] : memref<2x32x129xf32, #tpu.memory_space<vmem>> -> memref<1x32x129xf32, #tpu.memory_space<vmem>>
        %scatter3A_1092 = tpu.memref_squeeze %scatter3A_1091 : memref<1x32x129xf32, #tpu.memory_space<vmem>> -> memref<32x129xf32, #tpu.memory_space<vmem>>
        tpu.vector_store_idx %scatter3A_1092[%add3A_5, %broadcast_in_dim3A_1082], %get3A_1087 : memref<32x129xf32, #tpu.memory_space<vmem>>[vector<16xi32>, vector<16xi32>], vector<16xf32>,
        %get3A_1093 = arith.constant 1 : i32
        %get3A_1094 = arith.index_cast %get3A_1093 : i32 to index
        %get3A_1095 = arith.index_cast %add3A_1081 : i32 to index
        %get3A_1096 = arith.constant 16 : index
        %get3A_1097 = tpu.vector_load %arg7[%get3A_1094, %get3A_1095, %get3A_1096] {strides = array<i32>} : memref<4x128x32xf32, #tpu.memory_space<vmem>>, vector<16xf32>,
        %scatter3A_1098 = arith.constant 1 : i32
        %scatter3A_1099 = arith.constant 0 : i32
        %scatter3A_1100 = arith.constant 0 : i32
        %scatter3A_1101 = tpu.memref_slice %arg8[%scatter3A_1098, %scatter3A_1099, %scatter3A_1100] : memref<2x32x129xf32, #tpu.memory_space<vmem>> -> memref<1x32x129xf32, #tpu.memory_space<vmem>>
        %scatter3A_1102 = tpu.memref_squeeze %scatter3A_1101 : memref<1x32x129xf32, #tpu.memory_space<vmem>> -> memref<32x129xf32, #tpu.memory_space<vmem>>
        tpu.vector_store_idx %scatter3A_1102[%add3A_8, %broadcast_in_dim3A_1082], %get3A_1097 : memref<32x129xf32, #tpu.memory_space<vmem>>[vector<16xi32>, vector<16xi32>], vector<16xf32>,
      }
      %scan3A_395 = arith.constant 128 : i32
      %mul3A_396 = arith.constant 4 : i32
      %mul3A_397 = arith.muli %add3A, %mul3A_396 : i32
      %add3A_398 = arith.constant 1 : i32
      %add3A_399 = arith.addi %mul3A_397, %add3A_398 : i32
      %dma_start3A_400 = arith.constant 1 : i32
      %dma_start3A_401 = arith.constant 0 : i32
      %dma_start3A_402 = arith.constant 0 : i32
      %dma_start3A_403 = arith.constant 0 : i32
      %dma_start3A_404 = tpu.memref_slice %arg8[%dma_start3A_400, %dma_start3A_402, %dma_start3A_403] : memref<2x32x129xf32, #tpu.memory_space<vmem>> -> memref<1x8x128xf32, #tpu.memory_space<vmem>>
      %dma_start3A_405 = tpu.memref_squeeze %dma_start3A_404 : memref<1x8x128xf32, #tpu.memory_space<vmem>> -> memref<8x128xf32, #tpu.memory_space<vmem>>
      %dma_start3A_406 = arith.constant 0 : i32
      %dma_start3A_407 = arith.constant 0 : i32
      %dma_start3A_408 = tpu.memref_slice %arg4[%add3A_256, %dma_start3A_401, %add3A_399, %dma_start3A_406, %dma_start3A_407] : memref<50x4x128x8x128xf32, #tpu.memory_space<hbm>> -> memref<1x1x1x8x128xf32, #tpu.memory_space<hbm>>
      %dma_start3A_409 = tpu.memref_squeeze %dma_start3A_408 : memref<1x1x1x8x128xf32, #tpu.memory_space<hbm>> -> memref<8x128xf32, #tpu.memory_space<hbm>>
      %dma_start3A_410 = arith.constant 0 : i32
      %dma_start3A_411 = arith.constant 0 : i32
      %dma_start3A_412 = tpu.memref_slice %arg4[%add3A_256, %dma_start3A_401, %add3A_399, %dma_start3A_410, %dma_start3A_411] : memref<50x4x128x8x128xf32, #tpu.memory_space<hbm>> -> memref<1x1x1x8x128xf32, #tpu.memory_space<hbm>>
      %dma_start3A_413 = tpu.memref_squeeze %dma_start3A_412 : memref<1x1x1x8x128xf32, #tpu.memory_space<hbm>> -> memref<8x128xf32, #tpu.memory_space<hbm>>
      %dma_start3A_414 = arith.constant 0 : i32
      %dma_start3A_415 = arith.constant 0 : i32
      %dma_start3A_416 = tpu.memref_slice %arg8[%dma_start3A_400, %dma_start3A_414, %dma_start3A_415] : memref<2x32x129xf32, #tpu.memory_space<vmem>> -> memref<1x8x128xf32, #tpu.memory_space<vmem>>
      %dma_start3A_417 = tpu.memref_squeeze %dma_start3A_416 : memref<1x8x128xf32, #tpu.memory_space<vmem>> -> memref<8x128xf32, #tpu.memory_space<vmem>>
      tpu.enqueue_dma source(%dma_start3A_417 : memref<8x128xf32, #tpu.memory_space<vmem>>) target(%dma_start3A_413 : memref<8x128xf32, #tpu.memory_space<hbm>>) target_semaphore(%arg10 : memref<!tpu.dma_semaphore, #tpu.memory_space<semaphore_mem>>)
      %mul3A_418 = arith.constant 4 : i32
      %mul3A_419 = arith.muli %add3A, %mul3A_418 : i32
      %add3A_420 = arith.constant 1 : i32
      %add3A_421 = arith.addi %mul3A_419, %add3A_420 : i32
      %dma_start3A_422 = arith.constant 1 : i32
      %dma_start3A_423 = arith.constant 1 : i32
      %dma_start3A_424 = arith.constant 8 : i32
      %dma_start3A_425 = arith.constant 0 : i32
      %dma_start3A_426 = tpu.memref_slice %arg8[%dma_start3A_422, %dma_start3A_424, %dma_start3A_425] : memref<2x32x129xf32, #tpu.memory_space<vmem>> -> memref<1x8x128xf32, #tpu.memory_space<vmem>>
      %dma_start3A_427 = tpu.memref_squeeze %dma_start3A_426 : memref<1x8x128xf32, #tpu.memory_space<vmem>> -> memref<8x128xf32, #tpu.memory_space<vmem>>
      %dma_start3A_428 = arith.constant 0 : i32
      %dma_start3A_429 = arith.constant 0 : i32
      %dma_start3A_430 = tpu.memref_slice %arg4[%add3A_256, %dma_start3A_423, %add3A_421, %dma_start3A_428, %dma_start3A_429] : memref<50x4x128x8x128xf32, #tpu.memory_space<hbm>> -> memref<1x1x1x8x128xf32, #tpu.memory_space<hbm>>
      %dma_start3A_431 = tpu.memref_squeeze %dma_start3A_430 : memref<1x1x1x8x128xf32, #tpu.memory_space<hbm>> -> memref<8x128xf32, #tpu.memory_space<hbm>>
      %dma_start3A_432 = arith.constant 0 : i32
      %dma_start3A_433 = arith.constant 0 : i32
      %dma_start3A_434 = tpu.memref_slice %arg4[%add3A_256, %dma_start3A_423, %add3A_421, %dma_start3A_432, %dma_start3A_433] : memref<50x4x128x8x128xf32, #tpu.memory_space<hbm>> -> memref<1x1x1x8x128xf32, #tpu.memory_space<hbm>>
      %dma_start3A_435 = tpu.memref_squeeze %dma_start3A_434 : memref<1x1x1x8x128xf32, #tpu.memory_space<hbm>> -> memref<8x128xf32, #tpu.memory_space<hbm>>
      %dma_start3A_436 = arith.constant 8 : i32
      %dma_start3A_437 = arith.constant 0 : i32
      %dma_start3A_438 = tpu.memref_slice %arg8[%dma_start3A_422, %dma_start3A_436, %dma_start3A_437] : memref<2x32x129xf32, #tpu.memory_space<vmem>> -> memref<1x8x128xf32, #tpu.memory_space<vmem>>
      %dma_start3A_439 = tpu.memref_squeeze %dma_start3A_438 : memref<1x8x128xf32, #tpu.memory_space<vmem>> -> memref<8x128xf32, #tpu.memory_space<vmem>>
      tpu.enqueue_dma source(%dma_start3A_439 : memref<8x128xf32, #tpu.memory_space<vmem>>) target(%dma_start3A_435 : memref<8x128xf32, #tpu.memory_space<hbm>>) target_semaphore(%arg10 : memref<!tpu.dma_semaphore, #tpu.memory_space<semaphore_mem>>)
      %mul3A_440 = arith.constant 4 : i32
      %mul3A_441 = arith.muli %add3A, %mul3A_440 : i32
      %add3A_442 = arith.constant 1 : i32
      %add3A_443 = arith.addi %mul3A_441, %add3A_442 : i32
      %dma_start3A_444 = arith.constant 1 : i32
      %dma_start3A_445 = arith.constant 2 : i32
      %dma_start3A_446 = arith.constant 16 : i32
      %dma_start3A_447 = arith.constant 0 : i32
      %dma_start3A_448 = tpu.memref_slice %arg8[%dma_start3A_444, %dma_start3A_446, %dma_start3A_447] : memref<2x32x129xf32, #tpu.memory_space<vmem>> -> memref<1x8x128xf32, #tpu.memory_space<vmem>>
      %dma_start3A_449 = tpu.memref_squeeze %dma_start3A_448 : memref<1x8x128xf32, #tpu.memory_space<vmem>> -> memref<8x128xf32, #tpu.memory_space<vmem>>
      %dma_start3A_450 = arith.constant 0 : i32
      %dma_start3A_451 = arith.constant 0 : i32
      %dma_start3A_452 = tpu.memref_slice %arg4[%add3A_256, %dma_start3A_445, %add3A_443, %dma_start3A_450, %dma_start3A_451] : memref<50x4x128x8x128xf32, #tpu.memory_space<hbm>> -> memref<1x1x1x8x128xf32, #tpu.memory_space<hbm>>
      %dma_start3A_453 = tpu.memref_squeeze %dma_start3A_452 : memref<1x1x1x8x128xf32, #tpu.memory_space<hbm>> -> memref<8x128xf32, #tpu.memory_space<hbm>>
      %dma_start3A_454 = arith.constant 0 : i32
      %dma_start3A_455 = arith.constant 0 : i32
      %dma_start3A_456 = tpu.memref_slice %arg4[%add3A_256, %dma_start3A_445, %add3A_443, %dma_start3A_454, %dma_start3A_455] : memref<50x4x128x8x128xf32, #tpu.memory_space<hbm>> -> memref<1x1x1x8x128xf32, #tpu.memory_space<hbm>>
      %dma_start3A_457 = tpu.memref_squeeze %dma_start3A_456 : memref<1x1x1x8x128xf32, #tpu.memory_space<hbm>> -> memref<8x128xf32, #tpu.memory_space<hbm>>
      %dma_start3A_458 = arith.constant 16 : i32
      %dma_start3A_459 = arith.constant 0 : i32
      %dma_start3A_460 = tpu.memref_slice %arg8[%dma_start3A_444, %dma_start3A_458, %dma_start3A_459] : memref<2x32x129xf32, #tpu.memory_space<vmem>> -> memref<1x8x128xf32, #tpu.memory_space<vmem>>
      %dma_start3A_461 = tpu.memref_squeeze %dma_start3A_460 : memref<1x8x128xf32, #tpu.memory_space<vmem>> -> memref<8x128xf32, #tpu.memory_space<vmem>>
      tpu.enqueue_dma source(%dma_start3A_461 : memref<8x128xf32, #tpu.memory_space<vmem>>) target(%dma_start3A_457 : memref<8x128xf32, #tpu.memory_space<hbm>>) target_semaphore(%arg10 : memref<!tpu.dma_semaphore, #tpu.memory_space<semaphore_mem>>)
      %mul3A_462 = arith.constant 4 : i32
      %mul3A_463 = arith.muli %add3A, %mul3A_462 : i32
      %add3A_464 = arith.constant 1 : i32
      %add3A_465 = arith.addi %mul3A_463, %add3A_464 : i32
      %dma_start3A_466 = arith.constant 1 : i32
      %dma_start3A_467 = arith.constant 3 : i32
      %dma_start3A_468 = arith.constant 24 : i32
      %dma_start3A_469 = arith.constant 0 : i32
      %dma_start3A_470 = tpu.memref_slice %arg8[%dma_start3A_466, %dma_start3A_468, %dma_start3A_469] : memref<2x32x129xf32, #tpu.memory_space<vmem>> -> memref<1x8x128xf32, #tpu.memory_space<vmem>>
      %dma_start3A_471 = tpu.memref_squeeze %dma_start3A_470 : memref<1x8x128xf32, #tpu.memory_space<vmem>> -> memref<8x128xf32, #tpu.memory_space<vmem>>
      %dma_start3A_472 = arith.constant 0 : i32
      %dma_start3A_473 = arith.constant 0 : i32
      %dma_start3A_474 = tpu.memref_slice %arg4[%add3A_256, %dma_start3A_467, %add3A_465, %dma_start3A_472, %dma_start3A_473] : memref<50x4x128x8x128xf32, #tpu.memory_space<hbm>> -> memref<1x1x1x8x128xf32, #tpu.memory_space<hbm>>
      %dma_start3A_475 = tpu.memref_squeeze %dma_start3A_474 : memref<1x1x1x8x128xf32, #tpu.memory_space<hbm>> -> memref<8x128xf32, #tpu.memory_space<hbm>>
      %dma_start3A_476 = arith.constant 0 : i32
      %dma_start3A_477 = arith.constant 0 : i32
      %dma_start3A_478 = tpu.memref_slice %arg4[%add3A_256, %dma_start3A_467, %add3A_465, %dma_start3A_476, %dma_start3A_477] : memref<50x4x128x8x128xf32, #tpu.memory_space<hbm>> -> memref<1x1x1x8x128xf32, #tpu.memory_space<hbm>>
      %dma_start3A_479 = tpu.memref_squeeze %dma_start3A_478 : memref<1x1x1x8x128xf32, #tpu.memory_space<hbm>> -> memref<8x128xf32, #tpu.memory_space<hbm>>
      %dma_start3A_480 = arith.constant 24 : i32
      %dma_start3A_481 = arith.constant 0 : i32
      %dma_start3A_482 = tpu.memref_slice %arg8[%dma_start3A_466, %dma_start3A_480, %dma_start3A_481] : memref<2x32x129xf32, #tpu.memory_space<vmem>> -> memref<1x8x128xf32, #tpu.memory_space<vmem>>
      %dma_start3A_483 = tpu.memref_squeeze %dma_start3A_482 : memref<1x8x128xf32, #tpu.memory_space<vmem>> -> memref<8x128xf32, #tpu.memory_space<vmem>>
      tpu.enqueue_dma source(%dma_start3A_483 : memref<8x128xf32, #tpu.memory_space<vmem>>) target(%dma_start3A_479 : memref<8x128xf32, #tpu.memory_space<hbm>>) target_semaphore(%arg10 : memref<!tpu.dma_semaphore, #tpu.memory_space<semaphore_mem>>)
      %lt3A_484 = arith.constant 49 : i32
      %lt3A_485 = arith.cmpi slt, %add3A_256, %lt3A_484 : i32
      %convert_element_type3A_486 = arith.extui %lt3A_485 : i1 to i32
      %cond3A_487 = arith.constant 0 : i32
      %cond3A_488 = arith.cmpi ne, %convert_element_type3A_486, %cond3A_487 : i32
      scf.if %cond3A_488 {
        %add3A_891 = arith.constant 1 : i32
        %add3A_892 = arith.addi %add3A_256, %add3A_891 : i32
        %dma_start3A_893 = arith.constant 1 : i32
        %dma_start3A_894 = arith.constant 1 : i32
        %dma_start3A_895 = arith.constant 0 : i32
        %dma_start3A_896 = arith.constant 0 : i32
        %dma_start3A_897 = tpu.memref_slice %arg7[%dma_start3A_894, %dma_start3A_895, %dma_start3A_896] : memref<4x128x32xf32, #tpu.memory_space<vmem>> -> memref<1x128x32xf32, #tpu.memory_space<vmem>>
        %dma_start3A_898 = tpu.memref_squeeze %dma_start3A_897 : memref<1x128x32xf32, #tpu.memory_space<vmem>> -> memref<128x32xf32, #tpu.memory_space<vmem>>
        %dma_start3A_899 = arith.constant 0 : i32
        %dma_start3A_900 = tpu.memref_slice %arg6[%add3A_892, %dma_start3A_893, %dma_start3A_899] : memref<50x4x128xi32, #tpu.memory_space<vmem>> -> memref<1x1x128xi32, #tpu.memory_space<vmem>>
        %dma_start3A_901 = tpu.memref_squeeze %dma_start3A_900 : memref<1x1x128xi32, #tpu.memory_space<vmem>> -> memref<128xi32, #tpu.memory_space<vmem>>
        %dma_start3A_902 = arith.constant 0 : i32
        %dma_start3A_903 = arith.constant 0 : i32
        %dma_start3A_904 = tpu.memref_slice %arg3[%dma_start3A_902, %dma_start3A_903] : memref<1000000x32xf32, #tpu.memory_space<hbm>> -> memref<1000000x32xf32, #tpu.memory_space<hbm>>
        tpu.enqueue_indirect_dma source(%dma_start3A_904 : memref<1000000x32xf32, #tpu.memory_space<hbm>>) target(%dma_start3A_898 : memref<128x32xf32, #tpu.memory_space<vmem>>) offsets(%dma_start3A_901 : memref<128xi32, #tpu.memory_space<vmem>>) semaphore(%arg9 : memref<!tpu.dma_semaphore, #tpu.memory_space<semaphore_mem>>)
      } else {
      }
      %dma_wait3A_489 = arith.constant 2 : i32
      %dma_wait3A_490 = arith.constant 0 : i32
      %dma_wait3A_491 = arith.constant 0 : i32
      %dma_wait3A_492 = tpu.memref_slice %arg7[%dma_wait3A_489, %dma_wait3A_490, %dma_wait3A_491] : memref<4x128x32xf32, #tpu.memory_space<vmem>> -> memref<1x128x32xf32, #tpu.memory_space<vmem>>
      %dma_wait3A_493 = tpu.memref_squeeze %dma_wait3A_492 : memref<1x128x32xf32, #tpu.memory_space<vmem>> -> memref<128x32xf32, #tpu.memory_space<vmem>>
      %dma_wait3A_494 = arith.constant 0 : i32
      %dma_wait3A_495 = arith.constant 0 : i32
      %dma_wait3A_496 = tpu.memref_slice %arg3[%dma_wait3A_494, %dma_wait3A_495] : memref<1000000x32xf32, #tpu.memory_space<hbm>> -> memref<128x32xf32, #tpu.memory_space<hbm>>
      %dma_wait3A_497 = arith.constant 0 : i32
      %dma_wait3A_498 = arith.constant 0 : i32
      %dma_wait3A_499 = tpu.memref_slice %arg7[%dma_wait3A_489, %dma_wait3A_497, %dma_wait3A_498] : memref<4x128x32xf32, #tpu.memory_space<vmem>> -> memref<1x128x32xf32, #tpu.memory_space<vmem>>
      %dma_wait3A_500 = tpu.memref_squeeze %dma_wait3A_499 : memref<1x128x32xf32, #tpu.memory_space<vmem>> -> memref<128x32xf32, #tpu.memory_space<vmem>>
      %dma_wait3A_501 = arith.constant 0 : i32
      %dma_wait3A_502 = arith.constant 0 : i32
      %dma_wait3A_503 = tpu.memref_slice %arg3[%dma_wait3A_501, %dma_wait3A_502] : memref<1000000x32xf32, #tpu.memory_space<hbm>> -> memref<128x32xf32, #tpu.memory_space<hbm>>
      tpu.wait_dma2 semaphore(%arg9 : memref<!tpu.dma_semaphore, #tpu.memory_space<semaphore_mem>>) src(%dma_wait3A_503 : memref<128x32xf32, #tpu.memory_space<hbm>>) dst(%dma_wait3A_500 : memref<128x32xf32, #tpu.memory_space<vmem>>)
      %mul3A_504 = arith.constant 4 : i32
      %mul3A_505 = arith.muli %add3A, %mul3A_504 : i32
      %add3A_506 = arith.constant 0 : i32
      %add3A_507 = arith.addi %mul3A_505, %add3A_506 : i32
      %dma_wait3A_508 = arith.constant 0 : i32
      %dma_wait3A_509 = arith.constant 0 : i32
      %dma_wait3A_510 = arith.constant 0 : i32
      %dma_wait3A_511 = arith.constant 0 : i32
      %dma_wait3A_512 = tpu.memref_slice %arg8[%dma_wait3A_508, %dma_wait3A_510, %dma_wait3A_511] : memref<2x32x129xf32, #tpu.memory_space<vmem>> -> memref<1x8x128xf32, #tpu.memory_space<vmem>>
      %dma_wait3A_513 = tpu.memref_squeeze %dma_wait3A_512 : memref<1x8x128xf32, #tpu.memory_space<vmem>> -> memref<8x128xf32, #tpu.memory_space<vmem>>
      %dma_wait3A_514 = arith.constant 0 : i32
      %dma_wait3A_515 = arith.constant 0 : i32
      %dma_wait3A_516 = tpu.memref_slice %arg4[%add3A_256, %dma_wait3A_509, %add3A_507, %dma_wait3A_514, %dma_wait3A_515] : memref<50x4x128x8x128xf32, #tpu.memory_space<hbm>> -> memref<1x1x1x8x128xf32, #tpu.memory_space<hbm>>
      %dma_wait3A_517 = tpu.memref_squeeze %dma_wait3A_516 : memref<1x1x1x8x128xf32, #tpu.memory_space<hbm>> -> memref<8x128xf32, #tpu.memory_space<hbm>>
      %dma_wait3A_518 = arith.constant 0 : i32
      %dma_wait3A_519 = arith.constant 0 : i32
      %dma_wait3A_520 = tpu.memref_slice %arg4[%add3A_256, %dma_wait3A_509, %add3A_507, %dma_wait3A_518, %dma_wait3A_519] : memref<50x4x128x8x128xf32, #tpu.memory_space<hbm>> -> memref<1x1x1x8x128xf32, #tpu.memory_space<hbm>>
      %dma_wait3A_521 = tpu.memref_squeeze %dma_wait3A_520 : memref<1x1x1x8x128xf32, #tpu.memory_space<hbm>> -> memref<8x128xf32, #tpu.memory_space<hbm>>
      %dma_wait3A_522 = arith.constant 0 : i32
      %dma_wait3A_523 = arith.constant 0 : i32
      %dma_wait3A_524 = tpu.memref_slice %arg8[%dma_wait3A_508, %dma_wait3A_522, %dma_wait3A_523] : memref<2x32x129xf32, #tpu.memory_space<vmem>> -> memref<1x8x128xf32, #tpu.memory_space<vmem>>
      %dma_wait3A_525 = tpu.memref_squeeze %dma_wait3A_524 : memref<1x8x128xf32, #tpu.memory_space<vmem>> -> memref<8x128xf32, #tpu.memory_space<vmem>>
      tpu.wait_dma2 semaphore(%arg10 : memref<!tpu.dma_semaphore, #tpu.memory_space<semaphore_mem>>) src(%dma_wait3A_525 : memref<8x128xf32, #tpu.memory_space<vmem>>) dst(%dma_wait3A_521 : memref<8x128xf32, #tpu.memory_space<hbm>>)
      %mul3A_526 = arith.constant 4 : i32
      %mul3A_527 = arith.muli %add3A, %mul3A_526 : i32
      %add3A_528 = arith.constant 0 : i32
      %add3A_529 = arith.addi %mul3A_527, %add3A_528 : i32
      %dma_wait3A_530 = arith.constant 0 : i32
      %dma_wait3A_531 = arith.constant 1 : i32
      %dma_wait3A_532 = arith.constant 8 : i32
      %dma_wait3A_533 = arith.constant 0 : i32
      %dma_wait3A_534 = tpu.memref_slice %arg8[%dma_wait3A_530, %dma_wait3A_532, %dma_wait3A_533] : memref<2x32x129xf32, #tpu.memory_space<vmem>> -> memref<1x8x128xf32, #tpu.memory_space<vmem>>
      %dma_wait3A_535 = tpu.memref_squeeze %dma_wait3A_534 : memref<1x8x128xf32, #tpu.memory_space<vmem>> -> memref<8x128xf32, #tpu.memory_space<vmem>>
      %dma_wait3A_536 = arith.constant 0 : i32
      %dma_wait3A_537 = arith.constant 0 : i32
      %dma_wait3A_538 = tpu.memref_slice %arg4[%add3A_256, %dma_wait3A_531, %add3A_529, %dma_wait3A_536, %dma_wait3A_537] : memref<50x4x128x8x128xf32, #tpu.memory_space<hbm>> -> memref<1x1x1x8x128xf32, #tpu.memory_space<hbm>>
      %dma_wait3A_539 = tpu.memref_squeeze %dma_wait3A_538 : memref<1x1x1x8x128xf32, #tpu.memory_space<hbm>> -> memref<8x128xf32, #tpu.memory_space<hbm>>
      %dma_wait3A_540 = arith.constant 0 : i32
      %dma_wait3A_541 = arith.constant 0 : i32
      %dma_wait3A_542 = tpu.memref_slice %arg4[%add3A_256, %dma_wait3A_531, %add3A_529, %dma_wait3A_540, %dma_wait3A_541] : memref<50x4x128x8x128xf32, #tpu.memory_space<hbm>> -> memref<1x1x1x8x128xf32, #tpu.memory_space<hbm>>
      %dma_wait3A_543 = tpu.memref_squeeze %dma_wait3A_542 : memref<1x1x1x8x128xf32, #tpu.memory_space<hbm>> -> memref<8x128xf32, #tpu.memory_space<hbm>>
      %dma_wait3A_544 = arith.constant 8 : i32
      %dma_wait3A_545 = arith.constant 0 : i32
      %dma_wait3A_546 = tpu.memref_slice %arg8[%dma_wait3A_530, %dma_wait3A_544, %dma_wait3A_545] : memref<2x32x129xf32, #tpu.memory_space<vmem>> -> memref<1x8x128xf32, #tpu.memory_space<vmem>>
      %dma_wait3A_547 = tpu.memref_squeeze %dma_wait3A_546 : memref<1x8x128xf32, #tpu.memory_space<vmem>> -> memref<8x128xf32, #tpu.memory_space<vmem>>
      tpu.wait_dma2 semaphore(%arg10 : memref<!tpu.dma_semaphore, #tpu.memory_space<semaphore_mem>>) src(%dma_wait3A_547 : memref<8x128xf32, #tpu.memory_space<vmem>>) dst(%dma_wait3A_543 : memref<8x128xf32, #tpu.memory_space<hbm>>)
      %mul3A_548 = arith.constant 4 : i32
      %mul3A_549 = arith.muli %add3A, %mul3A_548 : i32
      %add3A_550 = arith.constant 0 : i32
      %add3A_551 = arith.addi %mul3A_549, %add3A_550 : i32
      %dma_wait3A_552 = arith.constant 0 : i32
      %dma_wait3A_553 = arith.constant 2 : i32
      %dma_wait3A_554 = arith.constant 16 : i32
      %dma_wait3A_555 = arith.constant 0 : i32
      %dma_wait3A_556 = tpu.memref_slice %arg8[%dma_wait3A_552, %dma_wait3A_554, %dma_wait3A_555] : memref<2x32x129xf32, #tpu.memory_space<vmem>> -> memref<1x8x128xf32, #tpu.memory_space<vmem>>
      %dma_wait3A_557 = tpu.memref_squeeze %dma_wait3A_556 : memref<1x8x128xf32, #tpu.memory_space<vmem>> -> memref<8x128xf32, #tpu.memory_space<vmem>>
      %dma_wait3A_558 = arith.constant 0 : i32
      %dma_wait3A_559 = arith.constant 0 : i32
      %dma_wait3A_560 = tpu.memref_slice %arg4[%add3A_256, %dma_wait3A_553, %add3A_551, %dma_wait3A_558, %dma_wait3A_559] : memref<50x4x128x8x128xf32, #tpu.memory_space<hbm>> -> memref<1x1x1x8x128xf32, #tpu.memory_space<hbm>>
      %dma_wait3A_561 = tpu.memref_squeeze %dma_wait3A_560 : memref<1x1x1x8x128xf32, #tpu.memory_space<hbm>> -> memref<8x128xf32, #tpu.memory_space<hbm>>
      %dma_wait3A_562 = arith.constant 0 : i32
      %dma_wait3A_563 = arith.constant 0 : i32
      %dma_wait3A_564 = tpu.memref_slice %arg4[%add3A_256, %dma_wait3A_553, %add3A_551, %dma_wait3A_562, %dma_wait3A_563] : memref<50x4x128x8x128xf32, #tpu.memory_space<hbm>> -> memref<1x1x1x8x128xf32, #tpu.memory_space<hbm>>
      %dma_wait3A_565 = tpu.memref_squeeze %dma_wait3A_564 : memref<1x1x1x8x128xf32, #tpu.memory_space<hbm>> -> memref<8x128xf32, #tpu.memory_space<hbm>>
      %dma_wait3A_566 = arith.constant 16 : i32
      %dma_wait3A_567 = arith.constant 0 : i32
      %dma_wait3A_568 = tpu.memref_slice %arg8[%dma_wait3A_552, %dma_wait3A_566, %dma_wait3A_567] : memref<2x32x129xf32, #tpu.memory_space<vmem>> -> memref<1x8x128xf32, #tpu.memory_space<vmem>>
      %dma_wait3A_569 = tpu.memref_squeeze %dma_wait3A_568 : memref<1x8x128xf32, #tpu.memory_space<vmem>> -> memref<8x128xf32, #tpu.memory_space<vmem>>
      tpu.wait_dma2 semaphore(%arg10 : memref<!tpu.dma_semaphore, #tpu.memory_space<semaphore_mem>>) src(%dma_wait3A_569 : memref<8x128xf32, #tpu.memory_space<vmem>>) dst(%dma_wait3A_565 : memref<8x128xf32, #tpu.memory_space<hbm>>)
      %mul3A_570 = arith.constant 4 : i32
      %mul3A_571 = arith.muli %add3A, %mul3A_570 : i32
      %add3A_572 = arith.constant 0 : i32
      %add3A_573 = arith.addi %mul3A_571, %add3A_572 : i32
      %dma_wait3A_574 = arith.constant 0 : i32
      %dma_wait3A_575 = arith.constant 3 : i32
      %dma_wait3A_576 = arith.constant 24 : i32
      %dma_wait3A_577 = arith.constant 0 : i32
      %dma_wait3A_578 = tpu.memref_slice %arg8[%dma_wait3A_574, %dma_wait3A_576, %dma_wait3A_577] : memref<2x32x129xf32, #tpu.memory_space<vmem>> -> memref<1x8x128xf32, #tpu.memory_space<vmem>>
      %dma_wait3A_579 = tpu.memref_squeeze %dma_wait3A_578 : memref<1x8x128xf32, #tpu.memory_space<vmem>> -> memref<8x128xf32, #tpu.memory_space<vmem>>
      %dma_wait3A_580 = arith.constant 0 : i32
      %dma_wait3A_581 = arith.constant 0 : i32
      %dma_wait3A_582 = tpu.memref_slice %arg4[%add3A_256, %dma_wait3A_575, %add3A_573, %dma_wait3A_580, %dma_wait3A_581] : memref<50x4x128x8x128xf32, #tpu.memory_space<hbm>> -> memref<1x1x1x8x128xf32, #tpu.memory_space<hbm>>
      %dma_wait3A_583 = tpu.memref_squeeze %dma_wait3A_582 : memref<1x1x1x8x128xf32, #tpu.memory_space<hbm>> -> memref<8x128xf32, #tpu.memory_space<hbm>>
      %dma_wait3A_584 = arith.constant 0 : i32
      %dma_wait3A_585 = arith.constant 0 : i32
      %dma_wait3A_586 = tpu.memref_slice %arg4[%add3A_256, %dma_wait3A_575, %add3A_573, %dma_wait3A_584, %dma_wait3A_585] : memref<50x4x128x8x128xf32, #tpu.memory_space<hbm>> -> memref<1x1x1x8x128xf32, #tpu.memory_space<hbm>>
      %dma_wait3A_587 = tpu.memref_squeeze %dma_wait3A_586 : memref<1x1x1x8x128xf32, #tpu.memory_space<hbm>> -> memref<8x128xf32, #tpu.memory_space<hbm>>
      %dma_wait3A_588 = arith.constant 24 : i32
      %dma_wait3A_589 = arith.constant 0 : i32
      %dma_wait3A_590 = tpu.memref_slice %arg8[%dma_wait3A_574, %dma_wait3A_588, %dma_wait3A_589] : memref<2x32x129xf32, #tpu.memory_space<vmem>> -> memref<1x8x128xf32, #tpu.memory_space<vmem>>
      %dma_wait3A_591 = tpu.memref_squeeze %dma_wait3A_590 : memref<1x8x128xf32, #tpu.memory_space<vmem>> -> memref<8x128xf32, #tpu.memory_space<vmem>>
      tpu.wait_dma2 semaphore(%arg10 : memref<!tpu.dma_semaphore, #tpu.memory_space<semaphore_mem>>) src(%dma_wait3A_591 : memref<8x128xf32, #tpu.memory_space<vmem>>) dst(%dma_wait3A_587 : memref<8x128xf32, #tpu.memory_space<hbm>>)
      %scan3A_592 = arith.constant 0 : i32
      %scan3A_593 = arith.constant 128 : i32
      %scan3A_594 = arith.addi %scan3A_592, %scan3A_593 : i32
      %scan3A_595 = arith.constant 8 : i32
      scf.for %scan3A_891 = %scan3A_592 to %scan3A_594 step %scan3A_595  : i32 {
        %mul3A_892 = arith.constant 1 : i32
        %mul3A_893 = arith.muli %scan3A_891, %mul3A_892 : i32
        %add3A_894 = arith.constant 0 : i32
        %add3A_895 = arith.addi %add3A_894, %mul3A_893 : i32
        %broadcast_in_dim3A = vector.broadcast %add3A_895 : i32 to vector<16xi32>
        %get3A = arith.constant 2 : i32
        %get3A_896 = arith.index_cast %get3A : i32 to index
        %get3A_897 = arith.index_cast %add3A_895 : i32 to index
        %get3A_898 = arith.constant 0 : index
        %get3A_899 = tpu.vector_load %arg7[%get3A_896, %get3A_897, %get3A_898] {strides = array<i32>} : memref<4x128x32xf32, #tpu.memory_space<vmem>>, vector<16xf32>,
        %scatter3A = arith.constant 0 : i32
        %scatter3A_900 = arith.constant 0 : i32
        %scatter3A_901 = arith.constant 0 : i32
        %scatter3A_902 = tpu.memref_slice %arg8[%scatter3A, %scatter3A_900, %scatter3A_901] : memref<2x32x129xf32, #tpu.memory_space<vmem>> -> memref<1x32x129xf32, #tpu.memory_space<vmem>>
        %scatter3A_903 = tpu.memref_squeeze %scatter3A_902 : memref<1x32x129xf32, #tpu.memory_space<vmem>> -> memref<32x129xf32, #tpu.memory_space<vmem>>
        tpu.vector_store_idx %scatter3A_903[%add3A_5, %broadcast_in_dim3A], %get3A_899 : memref<32x129xf32, #tpu.memory_space<vmem>>[vector<16xi32>, vector<16xi32>], vector<16xf32>,
        %get3A_904 = arith.constant 2 : i32
        %get3A_905 = arith.index_cast %get3A_904 : i32 to index
        %get3A_906 = arith.index_cast %add3A_895 : i32 to index
        %get3A_907 = arith.constant 16 : index
        %get3A_908 = tpu.vector_load %arg7[%get3A_905, %get3A_906, %get3A_907] {strides = array<i32>} : memref<4x128x32xf32, #tpu.memory_space<vmem>>, vector<16xf32>,
        %scatter3A_909 = arith.constant 0 : i32
        %scatter3A_910 = arith.constant 0 : i32
        %scatter3A_911 = arith.constant 0 : i32
        %scatter3A_912 = tpu.memref_slice %arg8[%scatter3A_909, %scatter3A_910, %scatter3A_911] : memref<2x32x129xf32, #tpu.memory_space<vmem>> -> memref<1x32x129xf32, #tpu.memory_space<vmem>>
        %scatter3A_913 = tpu.memref_squeeze %scatter3A_912 : memref<1x32x129xf32, #tpu.memory_space<vmem>> -> memref<32x129xf32, #tpu.memory_space<vmem>>
        tpu.vector_store_idx %scatter3A_913[%add3A_8, %broadcast_in_dim3A], %get3A_908 : memref<32x129xf32, #tpu.memory_space<vmem>>[vector<16xi32>, vector<16xi32>], vector<16xf32>,
        %scan3A_914 = arith.constant 1 : i32
        %scan3A_915 = arith.addi %scan3A_891, %scan3A_914 : i32
        %mul3A_916 = arith.constant 1 : i32
        %mul3A_917 = arith.muli %scan3A_915, %mul3A_916 : i32
        %add3A_918 = arith.constant 0 : i32
        %add3A_919 = arith.addi %add3A_918, %mul3A_917 : i32
        %broadcast_in_dim3A_920 = vector.broadcast %add3A_919 : i32 to vector<16xi32>
        %get3A_921 = arith.constant 2 : i32
        %get3A_922 = arith.index_cast %get3A_921 : i32 to index
        %get3A_923 = arith.index_cast %add3A_919 : i32 to index
        %get3A_924 = arith.constant 0 : index
        %get3A_925 = tpu.vector_load %arg7[%get3A_922, %get3A_923, %get3A_924] {strides = array<i32>} : memref<4x128x32xf32, #tpu.memory_space<vmem>>, vector<16xf32>,
        %scatter3A_926 = arith.constant 0 : i32
        %scatter3A_927 = arith.constant 0 : i32
        %scatter3A_928 = arith.constant 0 : i32
        %scatter3A_929 = tpu.memref_slice %arg8[%scatter3A_926, %scatter3A_927, %scatter3A_928] : memref<2x32x129xf32, #tpu.memory_space<vmem>> -> memref<1x32x129xf32, #tpu.memory_space<vmem>>
        %scatter3A_930 = tpu.memref_squeeze %scatter3A_929 : memref<1x32x129xf32, #tpu.memory_space<vmem>> -> memref<32x129xf32, #tpu.memory_space<vmem>>
        tpu.vector_store_idx %scatter3A_930[%add3A_5, %broadcast_in_dim3A_920], %get3A_925 : memref<32x129xf32, #tpu.memory_space<vmem>>[vector<16xi32>, vector<16xi32>], vector<16xf32>,
        %get3A_931 = arith.constant 2 : i32
        %get3A_932 = arith.index_cast %get3A_931 : i32 to index
        %get3A_933 = arith.index_cast %add3A_919 : i32 to index
        %get3A_934 = arith.constant 16 : index
        %get3A_935 = tpu.vector_load %arg7[%get3A_932, %get3A_933, %get3A_934] {strides = array<i32>} : memref<4x128x32xf32, #tpu.memory_space<vmem>>, vector<16xf32>,
        %scatter3A_936 = arith.constant 0 : i32
        %scatter3A_937 = arith.constant 0 : i32
        %scatter3A_938 = arith.constant 0 : i32
        %scatter3A_939 = tpu.memref_slice %arg8[%scatter3A_936, %scatter3A_937, %scatter3A_938] : memref<2x32x129xf32, #tpu.memory_space<vmem>> -> memref<1x32x129xf32, #tpu.memory_space<vmem>>
        %scatter3A_940 = tpu.memref_squeeze %scatter3A_939 : memref<1x32x129xf32, #tpu.memory_space<vmem>> -> memref<32x129xf32, #tpu.memory_space<vmem>>
        tpu.vector_store_idx %scatter3A_940[%add3A_8, %broadcast_in_dim3A_920], %get3A_935 : memref<32x129xf32, #tpu.memory_space<vmem>>[vector<16xi32>, vector<16xi32>], vector<16xf32>,
        %scan3A_941 = arith.constant 2 : i32
        %scan3A_942 = arith.addi %scan3A_891, %scan3A_941 : i32
        %mul3A_943 = arith.constant 1 : i32
        %mul3A_944 = arith.muli %scan3A_942, %mul3A_943 : i32
        %add3A_945 = arith.constant 0 : i32
        %add3A_946 = arith.addi %add3A_945, %mul3A_944 : i32
        %broadcast_in_dim3A_947 = vector.broadcast %add3A_946 : i32 to vector<16xi32>
        %get3A_948 = arith.constant 2 : i32
        %get3A_949 = arith.index_cast %get3A_948 : i32 to index
        %get3A_950 = arith.index_cast %add3A_946 : i32 to index
        %get3A_951 = arith.constant 0 : index
        %get3A_952 = tpu.vector_load %arg7[%get3A_949, %get3A_950, %get3A_951] {strides = array<i32>} : memref<4x128x32xf32, #tpu.memory_space<vmem>>, vector<16xf32>,
        %scatter3A_953 = arith.constant 0 : i32
        %scatter3A_954 = arith.constant 0 : i32
        %scatter3A_955 = arith.constant 0 : i32
        %scatter3A_956 = tpu.memref_slice %arg8[%scatter3A_953, %scatter3A_954, %scatter3A_955] : memref<2x32x129xf32, #tpu.memory_space<vmem>> -> memref<1x32x129xf32, #tpu.memory_space<vmem>>
        %scatter3A_957 = tpu.memref_squeeze %scatter3A_956 : memref<1x32x129xf32, #tpu.memory_space<vmem>> -> memref<32x129xf32, #tpu.memory_space<vmem>>
        tpu.vector_store_idx %scatter3A_957[%add3A_5, %broadcast_in_dim3A_947], %get3A_952 : memref<32x129xf32, #tpu.memory_space<vmem>>[vector<16xi32>, vector<16xi32>], vector<16xf32>,
        %get3A_958 = arith.constant 2 : i32
        %get3A_959 = arith.index_cast %get3A_958 : i32 to index
        %get3A_960 = arith.index_cast %add3A_946 : i32 to index
        %get3A_961 = arith.constant 16 : index
        %get3A_962 = tpu.vector_load %arg7[%get3A_959, %get3A_960, %get3A_961] {strides = array<i32>} : memref<4x128x32xf32, #tpu.memory_space<vmem>>, vector<16xf32>,
        %scatter3A_963 = arith.constant 0 : i32
        %scatter3A_964 = arith.constant 0 : i32
        %scatter3A_965 = arith.constant 0 : i32
        %scatter3A_966 = tpu.memref_slice %arg8[%scatter3A_963, %scatter3A_964, %scatter3A_965] : memref<2x32x129xf32, #tpu.memory_space<vmem>> -> memref<1x32x129xf32, #tpu.memory_space<vmem>>
        %scatter3A_967 = tpu.memref_squeeze %scatter3A_966 : memref<1x32x129xf32, #tpu.memory_space<vmem>> -> memref<32x129xf32, #tpu.memory_space<vmem>>
        tpu.vector_store_idx %scatter3A_967[%add3A_8, %broadcast_in_dim3A_947], %get3A_962 : memref<32x129xf32, #tpu.memory_space<vmem>>[vector<16xi32>, vector<16xi32>], vector<16xf32>,
        %scan3A_968 = arith.constant 3 : i32
        %scan3A_969 = arith.addi %scan3A_891, %scan3A_968 : i32
        %mul3A_970 = arith.constant 1 : i32
        %mul3A_971 = arith.muli %scan3A_969, %mul3A_970 : i32
        %add3A_972 = arith.constant 0 : i32
        %add3A_973 = arith.addi %add3A_972, %mul3A_971 : i32
        %broadcast_in_dim3A_974 = vector.broadcast %add3A_973 : i32 to vector<16xi32>
        %get3A_975 = arith.constant 2 : i32
        %get3A_976 = arith.index_cast %get3A_975 : i32 to index
        %get3A_977 = arith.index_cast %add3A_973 : i32 to index
        %get3A_978 = arith.constant 0 : index
        %get3A_979 = tpu.vector_load %arg7[%get3A_976, %get3A_977, %get3A_978] {strides = array<i32>} : memref<4x128x32xf32, #tpu.memory_space<vmem>>, vector<16xf32>,
        %scatter3A_980 = arith.constant 0 : i32
        %scatter3A_981 = arith.constant 0 : i32
        %scatter3A_982 = arith.constant 0 : i32
        %scatter3A_983 = tpu.memref_slice %arg8[%scatter3A_980, %scatter3A_981, %scatter3A_982] : memref<2x32x129xf32, #tpu.memory_space<vmem>> -> memref<1x32x129xf32, #tpu.memory_space<vmem>>
        %scatter3A_984 = tpu.memref_squeeze %scatter3A_983 : memref<1x32x129xf32, #tpu.memory_space<vmem>> -> memref<32x129xf32, #tpu.memory_space<vmem>>
        tpu.vector_store_idx %scatter3A_984[%add3A_5, %broadcast_in_dim3A_974], %get3A_979 : memref<32x129xf32, #tpu.memory_space<vmem>>[vector<16xi32>, vector<16xi32>], vector<16xf32>,
        %get3A_985 = arith.constant 2 : i32
        %get3A_986 = arith.index_cast %get3A_985 : i32 to index
        %get3A_987 = arith.index_cast %add3A_973 : i32 to index
        %get3A_988 = arith.constant 16 : index
        %get3A_989 = tpu.vector_load %arg7[%get3A_986, %get3A_987, %get3A_988] {strides = array<i32>} : memref<4x128x32xf32, #tpu.memory_space<vmem>>, vector<16xf32>,
        %scatter3A_990 = arith.constant 0 : i32
        %scatter3A_991 = arith.constant 0 : i32
        %scatter3A_992 = arith.constant 0 : i32
        %scatter3A_993 = tpu.memref_slice %arg8[%scatter3A_990, %scatter3A_991, %scatter3A_992] : memref<2x32x129xf32, #tpu.memory_space<vmem>> -> memref<1x32x129xf32, #tpu.memory_space<vmem>>
        %scatter3A_994 = tpu.memref_squeeze %scatter3A_993 : memref<1x32x129xf32, #tpu.memory_space<vmem>> -> memref<32x129xf32, #tpu.memory_space<vmem>>
        tpu.vector_store_idx %scatter3A_994[%add3A_8, %broadcast_in_dim3A_974], %get3A_989 : memref<32x129xf32, #tpu.memory_space<vmem>>[vector<16xi32>, vector<16xi32>], vector<16xf32>,
        %scan3A_995 = arith.constant 4 : i32
        %scan3A_996 = arith.addi %scan3A_891, %scan3A_995 : i32
        %mul3A_997 = arith.constant 1 : i32
        %mul3A_998 = arith.muli %scan3A_996, %mul3A_997 : i32
        %add3A_999 = arith.constant 0 : i32
        %add3A_1000 = arith.addi %add3A_999, %mul3A_998 : i32
        %broadcast_in_dim3A_1001 = vector.broadcast %add3A_1000 : i32 to vector<16xi32>
        %get3A_1002 = arith.constant 2 : i32
        %get3A_1003 = arith.index_cast %get3A_1002 : i32 to index
        %get3A_1004 = arith.index_cast %add3A_1000 : i32 to index
        %get3A_1005 = arith.constant 0 : index
        %get3A_1006 = tpu.vector_load %arg7[%get3A_1003, %get3A_1004, %get3A_1005] {strides = array<i32>} : memref<4x128x32xf32, #tpu.memory_space<vmem>>, vector<16xf32>,
        %scatter3A_1007 = arith.constant 0 : i32
        %scatter3A_1008 = arith.constant 0 : i32
        %scatter3A_1009 = arith.constant 0 : i32
        %scatter3A_1010 = tpu.memref_slice %arg8[%scatter3A_1007, %scatter3A_1008, %scatter3A_1009] : memref<2x32x129xf32, #tpu.memory_space<vmem>> -> memref<1x32x129xf32, #tpu.memory_space<vmem>>
        %scatter3A_1011 = tpu.memref_squeeze %scatter3A_1010 : memref<1x32x129xf32, #tpu.memory_space<vmem>> -> memref<32x129xf32, #tpu.memory_space<vmem>>
        tpu.vector_store_idx %scatter3A_1011[%add3A_5, %broadcast_in_dim3A_1001], %get3A_1006 : memref<32x129xf32, #tpu.memory_space<vmem>>[vector<16xi32>, vector<16xi32>], vector<16xf32>,
        %get3A_1012 = arith.constant 2 : i32
        %get3A_1013 = arith.index_cast %get3A_1012 : i32 to index
        %get3A_1014 = arith.index_cast %add3A_1000 : i32 to index
        %get3A_1015 = arith.constant 16 : index
        %get3A_1016 = tpu.vector_load %arg7[%get3A_1013, %get3A_1014, %get3A_1015] {strides = array<i32>} : memref<4x128x32xf32, #tpu.memory_space<vmem>>, vector<16xf32>,
        %scatter3A_1017 = arith.constant 0 : i32
        %scatter3A_1018 = arith.constant 0 : i32
        %scatter3A_1019 = arith.constant 0 : i32
        %scatter3A_1020 = tpu.memref_slice %arg8[%scatter3A_1017, %scatter3A_1018, %scatter3A_1019] : memref<2x32x129xf32, #tpu.memory_space<vmem>> -> memref<1x32x129xf32, #tpu.memory_space<vmem>>
        %scatter3A_1021 = tpu.memref_squeeze %scatter3A_1020 : memref<1x32x129xf32, #tpu.memory_space<vmem>> -> memref<32x129xf32, #tpu.memory_space<vmem>>
        tpu.vector_store_idx %scatter3A_1021[%add3A_8, %broadcast_in_dim3A_1001], %get3A_1016 : memref<32x129xf32, #tpu.memory_space<vmem>>[vector<16xi32>, vector<16xi32>], vector<16xf32>,
        %scan3A_1022 = arith.constant 5 : i32
        %scan3A_1023 = arith.addi %scan3A_891, %scan3A_1022 : i32
        %mul3A_1024 = arith.constant 1 : i32
        %mul3A_1025 = arith.muli %scan3A_1023, %mul3A_1024 : i32
        %add3A_1026 = arith.constant 0 : i32
        %add3A_1027 = arith.addi %add3A_1026, %mul3A_1025 : i32
        %broadcast_in_dim3A_1028 = vector.broadcast %add3A_1027 : i32 to vector<16xi32>
        %get3A_1029 = arith.constant 2 : i32
        %get3A_1030 = arith.index_cast %get3A_1029 : i32 to index
        %get3A_1031 = arith.index_cast %add3A_1027 : i32 to index
        %get3A_1032 = arith.constant 0 : index
        %get3A_1033 = tpu.vector_load %arg7[%get3A_1030, %get3A_1031, %get3A_1032] {strides = array<i32>} : memref<4x128x32xf32, #tpu.memory_space<vmem>>, vector<16xf32>,
        %scatter3A_1034 = arith.constant 0 : i32
        %scatter3A_1035 = arith.constant 0 : i32
        %scatter3A_1036 = arith.constant 0 : i32
        %scatter3A_1037 = tpu.memref_slice %arg8[%scatter3A_1034, %scatter3A_1035, %scatter3A_1036] : memref<2x32x129xf32, #tpu.memory_space<vmem>> -> memref<1x32x129xf32, #tpu.memory_space<vmem>>
        %scatter3A_1038 = tpu.memref_squeeze %scatter3A_1037 : memref<1x32x129xf32, #tpu.memory_space<vmem>> -> memref<32x129xf32, #tpu.memory_space<vmem>>
        tpu.vector_store_idx %scatter3A_1038[%add3A_5, %broadcast_in_dim3A_1028], %get3A_1033 : memref<32x129xf32, #tpu.memory_space<vmem>>[vector<16xi32>, vector<16xi32>], vector<16xf32>,
        %get3A_1039 = arith.constant 2 : i32
        %get3A_1040 = arith.index_cast %get3A_1039 : i32 to index
        %get3A_1041 = arith.index_cast %add3A_1027 : i32 to index
        %get3A_1042 = arith.constant 16 : index
        %get3A_1043 = tpu.vector_load %arg7[%get3A_1040, %get3A_1041, %get3A_1042] {strides = array<i32>} : memref<4x128x32xf32, #tpu.memory_space<vmem>>, vector<16xf32>,
        %scatter3A_1044 = arith.constant 0 : i32
        %scatter3A_1045 = arith.constant 0 : i32
        %scatter3A_1046 = arith.constant 0 : i32
        %scatter3A_1047 = tpu.memref_slice %arg8[%scatter3A_1044, %scatter3A_1045, %scatter3A_1046] : memref<2x32x129xf32, #tpu.memory_space<vmem>> -> memref<1x32x129xf32, #tpu.memory_space<vmem>>
        %scatter3A_1048 = tpu.memref_squeeze %scatter3A_1047 : memref<1x32x129xf32, #tpu.memory_space<vmem>> -> memref<32x129xf32, #tpu.memory_space<vmem>>
        tpu.vector_store_idx %scatter3A_1048[%add3A_8, %broadcast_in_dim3A_1028], %get3A_1043 : memref<32x129xf32, #tpu.memory_space<vmem>>[vector<16xi32>, vector<16xi32>], vector<16xf32>,
        %scan3A_1049 = arith.constant 6 : i32
        %scan3A_1050 = arith.addi %scan3A_891, %scan3A_1049 : i32
        %mul3A_1051 = arith.constant 1 : i32
        %mul3A_1052 = arith.muli %scan3A_1050, %mul3A_1051 : i32
        %add3A_1053 = arith.constant 0 : i32
        %add3A_1054 = arith.addi %add3A_1053, %mul3A_1052 : i32
        %broadcast_in_dim3A_1055 = vector.broadcast %add3A_1054 : i32 to vector<16xi32>
        %get3A_1056 = arith.constant 2 : i32
        %get3A_1057 = arith.index_cast %get3A_1056 : i32 to index
        %get3A_1058 = arith.index_cast %add3A_1054 : i32 to index
        %get3A_1059 = arith.constant 0 : index
        %get3A_1060 = tpu.vector_load %arg7[%get3A_1057, %get3A_1058, %get3A_1059] {strides = array<i32>} : memref<4x128x32xf32, #tpu.memory_space<vmem>>, vector<16xf32>,
        %scatter3A_1061 = arith.constant 0 : i32
        %scatter3A_1062 = arith.constant 0 : i32
        %scatter3A_1063 = arith.constant 0 : i32
        %scatter3A_1064 = tpu.memref_slice %arg8[%scatter3A_1061, %scatter3A_1062, %scatter3A_1063] : memref<2x32x129xf32, #tpu.memory_space<vmem>> -> memref<1x32x129xf32, #tpu.memory_space<vmem>>
        %scatter3A_1065 = tpu.memref_squeeze %scatter3A_1064 : memref<1x32x129xf32, #tpu.memory_space<vmem>> -> memref<32x129xf32, #tpu.memory_space<vmem>>
        tpu.vector_store_idx %scatter3A_1065[%add3A_5, %broadcast_in_dim3A_1055], %get3A_1060 : memref<32x129xf32, #tpu.memory_space<vmem>>[vector<16xi32>, vector<16xi32>], vector<16xf32>,
        %get3A_1066 = arith.constant 2 : i32
        %get3A_1067 = arith.index_cast %get3A_1066 : i32 to index
        %get3A_1068 = arith.index_cast %add3A_1054 : i32 to index
        %get3A_1069 = arith.constant 16 : index
        %get3A_1070 = tpu.vector_load %arg7[%get3A_1067, %get3A_1068, %get3A_1069] {strides = array<i32>} : memref<4x128x32xf32, #tpu.memory_space<vmem>>, vector<16xf32>,
        %scatter3A_1071 = arith.constant 0 : i32
        %scatter3A_1072 = arith.constant 0 : i32
        %scatter3A_1073 = arith.constant 0 : i32
        %scatter3A_1074 = tpu.memref_slice %arg8[%scatter3A_1071, %scatter3A_1072, %scatter3A_1073] : memref<2x32x129xf32, #tpu.memory_space<vmem>> -> memref<1x32x129xf32, #tpu.memory_space<vmem>>
        %scatter3A_1075 = tpu.memref_squeeze %scatter3A_1074 : memref<1x32x129xf32, #tpu.memory_space<vmem>> -> memref<32x129xf32, #tpu.memory_space<vmem>>
        tpu.vector_store_idx %scatter3A_1075[%add3A_8, %broadcast_in_dim3A_1055], %get3A_1070 : memref<32x129xf32, #tpu.memory_space<vmem>>[vector<16xi32>, vector<16xi32>], vector<16xf32>,
        %scan3A_1076 = arith.constant 7 : i32
        %scan3A_1077 = arith.addi %scan3A_891, %scan3A_1076 : i32
        %mul3A_1078 = arith.constant 1 : i32
        %mul3A_1079 = arith.muli %scan3A_1077, %mul3A_1078 : i32
        %add3A_1080 = arith.constant 0 : i32
        %add3A_1081 = arith.addi %add3A_1080, %mul3A_1079 : i32
        %broadcast_in_dim3A_1082 = vector.broadcast %add3A_1081 : i32 to vector<16xi32>
        %get3A_1083 = arith.constant 2 : i32
        %get3A_1084 = arith.index_cast %get3A_1083 : i32 to index
        %get3A_1085 = arith.index_cast %add3A_1081 : i32 to index
        %get3A_1086 = arith.constant 0 : index
        %get3A_1087 = tpu.vector_load %arg7[%get3A_1084, %get3A_1085, %get3A_1086] {strides = array<i32>} : memref<4x128x32xf32, #tpu.memory_space<vmem>>, vector<16xf32>,
        %scatter3A_1088 = arith.constant 0 : i32
        %scatter3A_1089 = arith.constant 0 : i32
        %scatter3A_1090 = arith.constant 0 : i32
        %scatter3A_1091 = tpu.memref_slice %arg8[%scatter3A_1088, %scatter3A_1089, %scatter3A_1090] : memref<2x32x129xf32, #tpu.memory_space<vmem>> -> memref<1x32x129xf32, #tpu.memory_space<vmem>>
        %scatter3A_1092 = tpu.memref_squeeze %scatter3A_1091 : memref<1x32x129xf32, #tpu.memory_space<vmem>> -> memref<32x129xf32, #tpu.memory_space<vmem>>
        tpu.vector_store_idx %scatter3A_1092[%add3A_5, %broadcast_in_dim3A_1082], %get3A_1087 : memref<32x129xf32, #tpu.memory_space<vmem>>[vector<16xi32>, vector<16xi32>], vector<16xf32>,
        %get3A_1093 = arith.constant 2 : i32
        %get3A_1094 = arith.index_cast %get3A_1093 : i32 to index
        %get3A_1095 = arith.index_cast %add3A_1081 : i32 to index
        %get3A_1096 = arith.constant 16 : index
        %get3A_1097 = tpu.vector_load %arg7[%get3A_1094, %get3A_1095, %get3A_1096] {strides = array<i32>} : memref<4x128x32xf32, #tpu.memory_space<vmem>>, vector<16xf32>,
        %scatter3A_1098 = arith.constant 0 : i32
        %scatter3A_1099 = arith.constant 0 : i32
        %scatter3A_1100 = arith.constant 0 : i32
        %scatter3A_1101 = tpu.memref_slice %arg8[%scatter3A_1098, %scatter3A_1099, %scatter3A_1100] : memref<2x32x129xf32, #tpu.memory_space<vmem>> -> memref<1x32x129xf32, #tpu.memory_space<vmem>>
        %scatter3A_1102 = tpu.memref_squeeze %scatter3A_1101 : memref<1x32x129xf32, #tpu.memory_space<vmem>> -> memref<32x129xf32, #tpu.memory_space<vmem>>
        tpu.vector_store_idx %scatter3A_1102[%add3A_8, %broadcast_in_dim3A_1082], %get3A_1097 : memref<32x129xf32, #tpu.memory_space<vmem>>[vector<16xi32>, vector<16xi32>], vector<16xf32>,
      }
      %scan3A_596 = arith.constant 128 : i32
      %mul3A_597 = arith.constant 4 : i32
      %mul3A_598 = arith.muli %add3A, %mul3A_597 : i32
      %add3A_599 = arith.constant 2 : i32
      %add3A_600 = arith.addi %mul3A_598, %add3A_599 : i32
      %dma_start3A_601 = arith.constant 0 : i32
      %dma_start3A_602 = arith.constant 0 : i32
      %dma_start3A_603 = arith.constant 0 : i32
      %dma_start3A_604 = arith.constant 0 : i32
      %dma_start3A_605 = tpu.memref_slice %arg8[%dma_start3A_601, %dma_start3A_603, %dma_start3A_604] : memref<2x32x129xf32, #tpu.memory_space<vmem>> -> memref<1x8x128xf32, #tpu.memory_space<vmem>>
      %dma_start3A_606 = tpu.memref_squeeze %dma_start3A_605 : memref<1x8x128xf32, #tpu.memory_space<vmem>> -> memref<8x128xf32, #tpu.memory_space<vmem>>
      %dma_start3A_607 = arith.constant 0 : i32
      %dma_start3A_608 = arith.constant 0 : i32
      %dma_start3A_609 = tpu.memref_slice %arg4[%add3A_256, %dma_start3A_602, %add3A_600, %dma_start3A_607, %dma_start3A_608] : memref<50x4x128x8x128xf32, #tpu.memory_space<hbm>> -> memref<1x1x1x8x128xf32, #tpu.memory_space<hbm>>
      %dma_start3A_610 = tpu.memref_squeeze %dma_start3A_609 : memref<1x1x1x8x128xf32, #tpu.memory_space<hbm>> -> memref<8x128xf32, #tpu.memory_space<hbm>>
      %dma_start3A_611 = arith.constant 0 : i32
      %dma_start3A_612 = arith.constant 0 : i32
      %dma_start3A_613 = tpu.memref_slice %arg4[%add3A_256, %dma_start3A_602, %add3A_600, %dma_start3A_611, %dma_start3A_612] : memref<50x4x128x8x128xf32, #tpu.memory_space<hbm>> -> memref<1x1x1x8x128xf32, #tpu.memory_space<hbm>>
      %dma_start3A_614 = tpu.memref_squeeze %dma_start3A_613 : memref<1x1x1x8x128xf32, #tpu.memory_space<hbm>> -> memref<8x128xf32, #tpu.memory_space<hbm>>
      %dma_start3A_615 = arith.constant 0 : i32
      %dma_start3A_616 = arith.constant 0 : i32
      %dma_start3A_617 = tpu.memref_slice %arg8[%dma_start3A_601, %dma_start3A_615, %dma_start3A_616] : memref<2x32x129xf32, #tpu.memory_space<vmem>> -> memref<1x8x128xf32, #tpu.memory_space<vmem>>
      %dma_start3A_618 = tpu.memref_squeeze %dma_start3A_617 : memref<1x8x128xf32, #tpu.memory_space<vmem>> -> memref<8x128xf32, #tpu.memory_space<vmem>>
      tpu.enqueue_dma source(%dma_start3A_618 : memref<8x128xf32, #tpu.memory_space<vmem>>) target(%dma_start3A_614 : memref<8x128xf32, #tpu.memory_space<hbm>>) target_semaphore(%arg10 : memref<!tpu.dma_semaphore, #tpu.memory_space<semaphore_mem>>)
      %mul3A_619 = arith.constant 4 : i32
      %mul3A_620 = arith.muli %add3A, %mul3A_619 : i32
      %add3A_621 = arith.constant 2 : i32
      %add3A_622 = arith.addi %mul3A_620, %add3A_621 : i32
      %dma_start3A_623 = arith.constant 0 : i32
      %dma_start3A_624 = arith.constant 1 : i32
      %dma_start3A_625 = arith.constant 8 : i32
      %dma_start3A_626 = arith.constant 0 : i32
      %dma_start3A_627 = tpu.memref_slice %arg8[%dma_start3A_623, %dma_start3A_625, %dma_start3A_626] : memref<2x32x129xf32, #tpu.memory_space<vmem>> -> memref<1x8x128xf32, #tpu.memory_space<vmem>>
      %dma_start3A_628 = tpu.memref_squeeze %dma_start3A_627 : memref<1x8x128xf32, #tpu.memory_space<vmem>> -> memref<8x128xf32, #tpu.memory_space<vmem>>
      %dma_start3A_629 = arith.constant 0 : i32
      %dma_start3A_630 = arith.constant 0 : i32
      %dma_start3A_631 = tpu.memref_slice %arg4[%add3A_256, %dma_start3A_624, %add3A_622, %dma_start3A_629, %dma_start3A_630] : memref<50x4x128x8x128xf32, #tpu.memory_space<hbm>> -> memref<1x1x1x8x128xf32, #tpu.memory_space<hbm>>
      %dma_start3A_632 = tpu.memref_squeeze %dma_start3A_631 : memref<1x1x1x8x128xf32, #tpu.memory_space<hbm>> -> memref<8x128xf32, #tpu.memory_space<hbm>>
      %dma_start3A_633 = arith.constant 0 : i32
      %dma_start3A_634 = arith.constant 0 : i32
      %dma_start3A_635 = tpu.memref_slice %arg4[%add3A_256, %dma_start3A_624, %add3A_622, %dma_start3A_633, %dma_start3A_634] : memref<50x4x128x8x128xf32, #tpu.memory_space<hbm>> -> memref<1x1x1x8x128xf32, #tpu.memory_space<hbm>>
      %dma_start3A_636 = tpu.memref_squeeze %dma_start3A_635 : memref<1x1x1x8x128xf32, #tpu.memory_space<hbm>> -> memref<8x128xf32, #tpu.memory_space<hbm>>
      %dma_start3A_637 = arith.constant 8 : i32
      %dma_start3A_638 = arith.constant 0 : i32
      %dma_start3A_639 = tpu.memref_slice %arg8[%dma_start3A_623, %dma_start3A_637, %dma_start3A_638] : memref<2x32x129xf32, #tpu.memory_space<vmem>> -> memref<1x8x128xf32, #tpu.memory_space<vmem>>
      %dma_start3A_640 = tpu.memref_squeeze %dma_start3A_639 : memref<1x8x128xf32, #tpu.memory_space<vmem>> -> memref<8x128xf32, #tpu.memory_space<vmem>>
      tpu.enqueue_dma source(%dma_start3A_640 : memref<8x128xf32, #tpu.memory_space<vmem>>) target(%dma_start3A_636 : memref<8x128xf32, #tpu.memory_space<hbm>>) target_semaphore(%arg10 : memref<!tpu.dma_semaphore, #tpu.memory_space<semaphore_mem>>)
      %mul3A_641 = arith.constant 4 : i32
      %mul3A_642 = arith.muli %add3A, %mul3A_641 : i32
      %add3A_643 = arith.constant 2 : i32
      %add3A_644 = arith.addi %mul3A_642, %add3A_643 : i32
      %dma_start3A_645 = arith.constant 0 : i32
      %dma_start3A_646 = arith.constant 2 : i32
      %dma_start3A_647 = arith.constant 16 : i32
      %dma_start3A_648 = arith.constant 0 : i32
      %dma_start3A_649 = tpu.memref_slice %arg8[%dma_start3A_645, %dma_start3A_647, %dma_start3A_648] : memref<2x32x129xf32, #tpu.memory_space<vmem>> -> memref<1x8x128xf32, #tpu.memory_space<vmem>>
      %dma_start3A_650 = tpu.memref_squeeze %dma_start3A_649 : memref<1x8x128xf32, #tpu.memory_space<vmem>> -> memref<8x128xf32, #tpu.memory_space<vmem>>
      %dma_start3A_651 = arith.constant 0 : i32
      %dma_start3A_652 = arith.constant 0 : i32
      %dma_start3A_653 = tpu.memref_slice %arg4[%add3A_256, %dma_start3A_646, %add3A_644, %dma_start3A_651, %dma_start3A_652] : memref<50x4x128x8x128xf32, #tpu.memory_space<hbm>> -> memref<1x1x1x8x128xf32, #tpu.memory_space<hbm>>
      %dma_start3A_654 = tpu.memref_squeeze %dma_start3A_653 : memref<1x1x1x8x128xf32, #tpu.memory_space<hbm>> -> memref<8x128xf32, #tpu.memory_space<hbm>>
      %dma_start3A_655 = arith.constant 0 : i32
      %dma_start3A_656 = arith.constant 0 : i32
      %dma_start3A_657 = tpu.memref_slice %arg4[%add3A_256, %dma_start3A_646, %add3A_644, %dma_start3A_655, %dma_start3A_656] : memref<50x4x128x8x128xf32, #tpu.memory_space<hbm>> -> memref<1x1x1x8x128xf32, #tpu.memory_space<hbm>>
      %dma_start3A_658 = tpu.memref_squeeze %dma_start3A_657 : memref<1x1x1x8x128xf32, #tpu.memory_space<hbm>> -> memref<8x128xf32, #tpu.memory_space<hbm>>
      %dma_start3A_659 = arith.constant 16 : i32
      %dma_start3A_660 = arith.constant 0 : i32
      %dma_start3A_661 = tpu.memref_slice %arg8[%dma_start3A_645, %dma_start3A_659, %dma_start3A_660] : memref<2x32x129xf32, #tpu.memory_space<vmem>> -> memref<1x8x128xf32, #tpu.memory_space<vmem>>
      %dma_start3A_662 = tpu.memref_squeeze %dma_start3A_661 : memref<1x8x128xf32, #tpu.memory_space<vmem>> -> memref<8x128xf32, #tpu.memory_space<vmem>>
      tpu.enqueue_dma source(%dma_start3A_662 : memref<8x128xf32, #tpu.memory_space<vmem>>) target(%dma_start3A_658 : memref<8x128xf32, #tpu.memory_space<hbm>>) target_semaphore(%arg10 : memref<!tpu.dma_semaphore, #tpu.memory_space<semaphore_mem>>)
      %mul3A_663 = arith.constant 4 : i32
      %mul3A_664 = arith.muli %add3A, %mul3A_663 : i32
      %add3A_665 = arith.constant 2 : i32
      %add3A_666 = arith.addi %mul3A_664, %add3A_665 : i32
      %dma_start3A_667 = arith.constant 0 : i32
      %dma_start3A_668 = arith.constant 3 : i32
      %dma_start3A_669 = arith.constant 24 : i32
      %dma_start3A_670 = arith.constant 0 : i32
      %dma_start3A_671 = tpu.memref_slice %arg8[%dma_start3A_667, %dma_start3A_669, %dma_start3A_670] : memref<2x32x129xf32, #tpu.memory_space<vmem>> -> memref<1x8x128xf32, #tpu.memory_space<vmem>>
      %dma_start3A_672 = tpu.memref_squeeze %dma_start3A_671 : memref<1x8x128xf32, #tpu.memory_space<vmem>> -> memref<8x128xf32, #tpu.memory_space<vmem>>
      %dma_start3A_673 = arith.constant 0 : i32
      %dma_start3A_674 = arith.constant 0 : i32
      %dma_start3A_675 = tpu.memref_slice %arg4[%add3A_256, %dma_start3A_668, %add3A_666, %dma_start3A_673, %dma_start3A_674] : memref<50x4x128x8x128xf32, #tpu.memory_space<hbm>> -> memref<1x1x1x8x128xf32, #tpu.memory_space<hbm>>
      %dma_start3A_676 = tpu.memref_squeeze %dma_start3A_675 : memref<1x1x1x8x128xf32, #tpu.memory_space<hbm>> -> memref<8x128xf32, #tpu.memory_space<hbm>>
      %dma_start3A_677 = arith.constant 0 : i32
      %dma_start3A_678 = arith.constant 0 : i32
      %dma_start3A_679 = tpu.memref_slice %arg4[%add3A_256, %dma_start3A_668, %add3A_666, %dma_start3A_677, %dma_start3A_678] : memref<50x4x128x8x128xf32, #tpu.memory_space<hbm>> -> memref<1x1x1x8x128xf32, #tpu.memory_space<hbm>>
      %dma_start3A_680 = tpu.memref_squeeze %dma_start3A_679 : memref<1x1x1x8x128xf32, #tpu.memory_space<hbm>> -> memref<8x128xf32, #tpu.memory_space<hbm>>
      %dma_start3A_681 = arith.constant 24 : i32
      %dma_start3A_682 = arith.constant 0 : i32
      %dma_start3A_683 = tpu.memref_slice %arg8[%dma_start3A_667, %dma_start3A_681, %dma_start3A_682] : memref<2x32x129xf32, #tpu.memory_space<vmem>> -> memref<1x8x128xf32, #tpu.memory_space<vmem>>
      %dma_start3A_684 = tpu.memref_squeeze %dma_start3A_683 : memref<1x8x128xf32, #tpu.memory_space<vmem>> -> memref<8x128xf32, #tpu.memory_space<vmem>>
      tpu.enqueue_dma source(%dma_start3A_684 : memref<8x128xf32, #tpu.memory_space<vmem>>) target(%dma_start3A_680 : memref<8x128xf32, #tpu.memory_space<hbm>>) target_semaphore(%arg10 : memref<!tpu.dma_semaphore, #tpu.memory_space<semaphore_mem>>)
      %lt3A_685 = arith.constant 49 : i32
      %lt3A_686 = arith.cmpi slt, %add3A_256, %lt3A_685 : i32
      %convert_element_type3A_687 = arith.extui %lt3A_686 : i1 to i32
      %cond3A_688 = arith.constant 0 : i32
      %cond3A_689 = arith.cmpi ne, %convert_element_type3A_687, %cond3A_688 : i32
      scf.if %cond3A_689 {
        %add3A_891 = arith.constant 1 : i32
        %add3A_892 = arith.addi %add3A_256, %add3A_891 : i32
        %dma_start3A_893 = arith.constant 2 : i32
        %dma_start3A_894 = arith.constant 2 : i32
        %dma_start3A_895 = arith.constant 0 : i32
        %dma_start3A_896 = arith.constant 0 : i32
        %dma_start3A_897 = tpu.memref_slice %arg7[%dma_start3A_894, %dma_start3A_895, %dma_start3A_896] : memref<4x128x32xf32, #tpu.memory_space<vmem>> -> memref<1x128x32xf32, #tpu.memory_space<vmem>>
        %dma_start3A_898 = tpu.memref_squeeze %dma_start3A_897 : memref<1x128x32xf32, #tpu.memory_space<vmem>> -> memref<128x32xf32, #tpu.memory_space<vmem>>
        %dma_start3A_899 = arith.constant 0 : i32
        %dma_start3A_900 = tpu.memref_slice %arg6[%add3A_892, %dma_start3A_893, %dma_start3A_899] : memref<50x4x128xi32, #tpu.memory_space<vmem>> -> memref<1x1x128xi32, #tpu.memory_space<vmem>>
        %dma_start3A_901 = tpu.memref_squeeze %dma_start3A_900 : memref<1x1x128xi32, #tpu.memory_space<vmem>> -> memref<128xi32, #tpu.memory_space<vmem>>
        %dma_start3A_902 = arith.constant 0 : i32
        %dma_start3A_903 = arith.constant 0 : i32
        %dma_start3A_904 = tpu.memref_slice %arg3[%dma_start3A_902, %dma_start3A_903] : memref<1000000x32xf32, #tpu.memory_space<hbm>> -> memref<1000000x32xf32, #tpu.memory_space<hbm>>
        tpu.enqueue_indirect_dma source(%dma_start3A_904 : memref<1000000x32xf32, #tpu.memory_space<hbm>>) target(%dma_start3A_898 : memref<128x32xf32, #tpu.memory_space<vmem>>) offsets(%dma_start3A_901 : memref<128xi32, #tpu.memory_space<vmem>>) semaphore(%arg9 : memref<!tpu.dma_semaphore, #tpu.memory_space<semaphore_mem>>)
      } else {
      }
      %dma_wait3A_690 = arith.constant 3 : i32
      %dma_wait3A_691 = arith.constant 0 : i32
      %dma_wait3A_692 = arith.constant 0 : i32
      %dma_wait3A_693 = tpu.memref_slice %arg7[%dma_wait3A_690, %dma_wait3A_691, %dma_wait3A_692] : memref<4x128x32xf32, #tpu.memory_space<vmem>> -> memref<1x128x32xf32, #tpu.memory_space<vmem>>
      %dma_wait3A_694 = tpu.memref_squeeze %dma_wait3A_693 : memref<1x128x32xf32, #tpu.memory_space<vmem>> -> memref<128x32xf32, #tpu.memory_space<vmem>>
      %dma_wait3A_695 = arith.constant 0 : i32
      %dma_wait3A_696 = arith.constant 0 : i32
      %dma_wait3A_697 = tpu.memref_slice %arg3[%dma_wait3A_695, %dma_wait3A_696] : memref<1000000x32xf32, #tpu.memory_space<hbm>> -> memref<128x32xf32, #tpu.memory_space<hbm>>
      %dma_wait3A_698 = arith.constant 0 : i32
      %dma_wait3A_699 = arith.constant 0 : i32
      %dma_wait3A_700 = tpu.memref_slice %arg7[%dma_wait3A_690, %dma_wait3A_698, %dma_wait3A_699] : memref<4x128x32xf32, #tpu.memory_space<vmem>> -> memref<1x128x32xf32, #tpu.memory_space<vmem>>
      %dma_wait3A_701 = tpu.memref_squeeze %dma_wait3A_700 : memref<1x128x32xf32, #tpu.memory_space<vmem>> -> memref<128x32xf32, #tpu.memory_space<vmem>>
      %dma_wait3A_702 = arith.constant 0 : i32
      %dma_wait3A_703 = arith.constant 0 : i32
      %dma_wait3A_704 = tpu.memref_slice %arg3[%dma_wait3A_702, %dma_wait3A_703] : memref<1000000x32xf32, #tpu.memory_space<hbm>> -> memref<128x32xf32, #tpu.memory_space<hbm>>
      tpu.wait_dma2 semaphore(%arg9 : memref<!tpu.dma_semaphore, #tpu.memory_space<semaphore_mem>>) src(%dma_wait3A_704 : memref<128x32xf32, #tpu.memory_space<hbm>>) dst(%dma_wait3A_701 : memref<128x32xf32, #tpu.memory_space<vmem>>)
      %mul3A_705 = arith.constant 4 : i32
      %mul3A_706 = arith.muli %add3A, %mul3A_705 : i32
      %add3A_707 = arith.constant 1 : i32
      %add3A_708 = arith.addi %mul3A_706, %add3A_707 : i32
      %dma_wait3A_709 = arith.constant 1 : i32
      %dma_wait3A_710 = arith.constant 0 : i32
      %dma_wait3A_711 = arith.constant 0 : i32
      %dma_wait3A_712 = arith.constant 0 : i32
      %dma_wait3A_713 = tpu.memref_slice %arg8[%dma_wait3A_709, %dma_wait3A_711, %dma_wait3A_712] : memref<2x32x129xf32, #tpu.memory_space<vmem>> -> memref<1x8x128xf32, #tpu.memory_space<vmem>>
      %dma_wait3A_714 = tpu.memref_squeeze %dma_wait3A_713 : memref<1x8x128xf32, #tpu.memory_space<vmem>> -> memref<8x128xf32, #tpu.memory_space<vmem>>
      %dma_wait3A_715 = arith.constant 0 : i32
      %dma_wait3A_716 = arith.constant 0 : i32
      %dma_wait3A_717 = tpu.memref_slice %arg4[%add3A_256, %dma_wait3A_710, %add3A_708, %dma_wait3A_715, %dma_wait3A_716] : memref<50x4x128x8x128xf32, #tpu.memory_space<hbm>> -> memref<1x1x1x8x128xf32, #tpu.memory_space<hbm>>
      %dma_wait3A_718 = tpu.memref_squeeze %dma_wait3A_717 : memref<1x1x1x8x128xf32, #tpu.memory_space<hbm>> -> memref<8x128xf32, #tpu.memory_space<hbm>>
      %dma_wait3A_719 = arith.constant 0 : i32
      %dma_wait3A_720 = arith.constant 0 : i32
      %dma_wait3A_721 = tpu.memref_slice %arg4[%add3A_256, %dma_wait3A_710, %add3A_708, %dma_wait3A_719, %dma_wait3A_720] : memref<50x4x128x8x128xf32, #tpu.memory_space<hbm>> -> memref<1x1x1x8x128xf32, #tpu.memory_space<hbm>>
      %dma_wait3A_722 = tpu.memref_squeeze %dma_wait3A_721 : memref<1x1x1x8x128xf32, #tpu.memory_space<hbm>> -> memref<8x128xf32, #tpu.memory_space<hbm>>
      %dma_wait3A_723 = arith.constant 0 : i32
      %dma_wait3A_724 = arith.constant 0 : i32
      %dma_wait3A_725 = tpu.memref_slice %arg8[%dma_wait3A_709, %dma_wait3A_723, %dma_wait3A_724] : memref<2x32x129xf32, #tpu.memory_space<vmem>> -> memref<1x8x128xf32, #tpu.memory_space<vmem>>
      %dma_wait3A_726 = tpu.memref_squeeze %dma_wait3A_725 : memref<1x8x128xf32, #tpu.memory_space<vmem>> -> memref<8x128xf32, #tpu.memory_space<vmem>>
      tpu.wait_dma2 semaphore(%arg10 : memref<!tpu.dma_semaphore, #tpu.memory_space<semaphore_mem>>) src(%dma_wait3A_726 : memref<8x128xf32, #tpu.memory_space<vmem>>) dst(%dma_wait3A_722 : memref<8x128xf32, #tpu.memory_space<hbm>>)
      %mul3A_727 = arith.constant 4 : i32
      %mul3A_728 = arith.muli %add3A, %mul3A_727 : i32
      %add3A_729 = arith.constant 1 : i32
      %add3A_730 = arith.addi %mul3A_728, %add3A_729 : i32
      %dma_wait3A_731 = arith.constant 1 : i32
      %dma_wait3A_732 = arith.constant 1 : i32
      %dma_wait3A_733 = arith.constant 8 : i32
      %dma_wait3A_734 = arith.constant 0 : i32
      %dma_wait3A_735 = tpu.memref_slice %arg8[%dma_wait3A_731, %dma_wait3A_733, %dma_wait3A_734] : memref<2x32x129xf32, #tpu.memory_space<vmem>> -> memref<1x8x128xf32, #tpu.memory_space<vmem>>
      %dma_wait3A_736 = tpu.memref_squeeze %dma_wait3A_735 : memref<1x8x128xf32, #tpu.memory_space<vmem>> -> memref<8x128xf32, #tpu.memory_space<vmem>>
      %dma_wait3A_737 = arith.constant 0 : i32
      %dma_wait3A_738 = arith.constant 0 : i32
      %dma_wait3A_739 = tpu.memref_slice %arg4[%add3A_256, %dma_wait3A_732, %add3A_730, %dma_wait3A_737, %dma_wait3A_738] : memref<50x4x128x8x128xf32, #tpu.memory_space<hbm>> -> memref<1x1x1x8x128xf32, #tpu.memory_space<hbm>>
      %dma_wait3A_740 = tpu.memref_squeeze %dma_wait3A_739 : memref<1x1x1x8x128xf32, #tpu.memory_space<hbm>> -> memref<8x128xf32, #tpu.memory_space<hbm>>
      %dma_wait3A_741 = arith.constant 0 : i32
      %dma_wait3A_742 = arith.constant 0 : i32
      %dma_wait3A_743 = tpu.memref_slice %arg4[%add3A_256, %dma_wait3A_732, %add3A_730, %dma_wait3A_741, %dma_wait3A_742] : memref<50x4x128x8x128xf32, #tpu.memory_space<hbm>> -> memref<1x1x1x8x128xf32, #tpu.memory_space<hbm>>
      %dma_wait3A_744 = tpu.memref_squeeze %dma_wait3A_743 : memref<1x1x1x8x128xf32, #tpu.memory_space<hbm>> -> memref<8x128xf32, #tpu.memory_space<hbm>>
      %dma_wait3A_745 = arith.constant 8 : i32
      %dma_wait3A_746 = arith.constant 0 : i32
      %dma_wait3A_747 = tpu.memref_slice %arg8[%dma_wait3A_731, %dma_wait3A_745, %dma_wait3A_746] : memref<2x32x129xf32, #tpu.memory_space<vmem>> -> memref<1x8x128xf32, #tpu.memory_space<vmem>>
      %dma_wait3A_748 = tpu.memref_squeeze %dma_wait3A_747 : memref<1x8x128xf32, #tpu.memory_space<vmem>> -> memref<8x128xf32, #tpu.memory_space<vmem>>
      tpu.wait_dma2 semaphore(%arg10 : memref<!tpu.dma_semaphore, #tpu.memory_space<semaphore_mem>>) src(%dma_wait3A_748 : memref<8x128xf32, #tpu.memory_space<vmem>>) dst(%dma_wait3A_744 : memref<8x128xf32, #tpu.memory_space<hbm>>)
      %mul3A_749 = arith.constant 4 : i32
      %mul3A_750 = arith.muli %add3A, %mul3A_749 : i32
      %add3A_751 = arith.constant 1 : i32
      %add3A_752 = arith.addi %mul3A_750, %add3A_751 : i32
      %dma_wait3A_753 = arith.constant 1 : i32
      %dma_wait3A_754 = arith.constant 2 : i32
      %dma_wait3A_755 = arith.constant 16 : i32
      %dma_wait3A_756 = arith.constant 0 : i32
      %dma_wait3A_757 = tpu.memref_slice %arg8[%dma_wait3A_753, %dma_wait3A_755, %dma_wait3A_756] : memref<2x32x129xf32, #tpu.memory_space<vmem>> -> memref<1x8x128xf32, #tpu.memory_space<vmem>>
      %dma_wait3A_758 = tpu.memref_squeeze %dma_wait3A_757 : memref<1x8x128xf32, #tpu.memory_space<vmem>> -> memref<8x128xf32, #tpu.memory_space<vmem>>
      %dma_wait3A_759 = arith.constant 0 : i32
      %dma_wait3A_760 = arith.constant 0 : i32
      %dma_wait3A_761 = tpu.memref_slice %arg4[%add3A_256, %dma_wait3A_754, %add3A_752, %dma_wait3A_759, %dma_wait3A_760] : memref<50x4x128x8x128xf32, #tpu.memory_space<hbm>> -> memref<1x1x1x8x128xf32, #tpu.memory_space<hbm>>
      %dma_wait3A_762 = tpu.memref_squeeze %dma_wait3A_761 : memref<1x1x1x8x128xf32, #tpu.memory_space<hbm>> -> memref<8x128xf32, #tpu.memory_space<hbm>>
      %dma_wait3A_763 = arith.constant 0 : i32
      %dma_wait3A_764 = arith.constant 0 : i32
      %dma_wait3A_765 = tpu.memref_slice %arg4[%add3A_256, %dma_wait3A_754, %add3A_752, %dma_wait3A_763, %dma_wait3A_764] : memref<50x4x128x8x128xf32, #tpu.memory_space<hbm>> -> memref<1x1x1x8x128xf32, #tpu.memory_space<hbm>>
      %dma_wait3A_766 = tpu.memref_squeeze %dma_wait3A_765 : memref<1x1x1x8x128xf32, #tpu.memory_space<hbm>> -> memref<8x128xf32, #tpu.memory_space<hbm>>
      %dma_wait3A_767 = arith.constant 16 : i32
      %dma_wait3A_768 = arith.constant 0 : i32
      %dma_wait3A_769 = tpu.memref_slice %arg8[%dma_wait3A_753, %dma_wait3A_767, %dma_wait3A_768] : memref<2x32x129xf32, #tpu.memory_space<vmem>> -> memref<1x8x128xf32, #tpu.memory_space<vmem>>
      %dma_wait3A_770 = tpu.memref_squeeze %dma_wait3A_769 : memref<1x8x128xf32, #tpu.memory_space<vmem>> -> memref<8x128xf32, #tpu.memory_space<vmem>>
      tpu.wait_dma2 semaphore(%arg10 : memref<!tpu.dma_semaphore, #tpu.memory_space<semaphore_mem>>) src(%dma_wait3A_770 : memref<8x128xf32, #tpu.memory_space<vmem>>) dst(%dma_wait3A_766 : memref<8x128xf32, #tpu.memory_space<hbm>>)
      %mul3A_771 = arith.constant 4 : i32
      %mul3A_772 = arith.muli %add3A, %mul3A_771 : i32
      %add3A_773 = arith.constant 1 : i32
      %add3A_774 = arith.addi %mul3A_772, %add3A_773 : i32
      %dma_wait3A_775 = arith.constant 1 : i32
      %dma_wait3A_776 = arith.constant 3 : i32
      %dma_wait3A_777 = arith.constant 24 : i32
      %dma_wait3A_778 = arith.constant 0 : i32
      %dma_wait3A_779 = tpu.memref_slice %arg8[%dma_wait3A_775, %dma_wait3A_777, %dma_wait3A_778] : memref<2x32x129xf32, #tpu.memory_space<vmem>> -> memref<1x8x128xf32, #tpu.memory_space<vmem>>
      %dma_wait3A_780 = tpu.memref_squeeze %dma_wait3A_779 : memref<1x8x128xf32, #tpu.memory_space<vmem>> -> memref<8x128xf32, #tpu.memory_space<vmem>>
      %dma_wait3A_781 = arith.constant 0 : i32
      %dma_wait3A_782 = arith.constant 0 : i32
      %dma_wait3A_783 = tpu.memref_slice %arg4[%add3A_256, %dma_wait3A_776, %add3A_774, %dma_wait3A_781, %dma_wait3A_782] : memref<50x4x128x8x128xf32, #tpu.memory_space<hbm>> -> memref<1x1x1x8x128xf32, #tpu.memory_space<hbm>>
      %dma_wait3A_784 = tpu.memref_squeeze %dma_wait3A_783 : memref<1x1x1x8x128xf32, #tpu.memory_space<hbm>> -> memref<8x128xf32, #tpu.memory_space<hbm>>
      %dma_wait3A_785 = arith.constant 0 : i32
      %dma_wait3A_786 = arith.constant 0 : i32
      %dma_wait3A_787 = tpu.memref_slice %arg4[%add3A_256, %dma_wait3A_776, %add3A_774, %dma_wait3A_785, %dma_wait3A_786] : memref<50x4x128x8x128xf32, #tpu.memory_space<hbm>> -> memref<1x1x1x8x128xf32, #tpu.memory_space<hbm>>
      %dma_wait3A_788 = tpu.memref_squeeze %dma_wait3A_787 : memref<1x1x1x8x128xf32, #tpu.memory_space<hbm>> -> memref<8x128xf32, #tpu.memory_space<hbm>>
      %dma_wait3A_789 = arith.constant 24 : i32
      %dma_wait3A_790 = arith.constant 0 : i32
      %dma_wait3A_791 = tpu.memref_slice %arg8[%dma_wait3A_775, %dma_wait3A_789, %dma_wait3A_790] : memref<2x32x129xf32, #tpu.memory_space<vmem>> -> memref<1x8x128xf32, #tpu.memory_space<vmem>>
      %dma_wait3A_792 = tpu.memref_squeeze %dma_wait3A_791 : memref<1x8x128xf32, #tpu.memory_space<vmem>> -> memref<8x128xf32, #tpu.memory_space<vmem>>
      tpu.wait_dma2 semaphore(%arg10 : memref<!tpu.dma_semaphore, #tpu.memory_space<semaphore_mem>>) src(%dma_wait3A_792 : memref<8x128xf32, #tpu.memory_space<vmem>>) dst(%dma_wait3A_788 : memref<8x128xf32, #tpu.memory_space<hbm>>)
      %scan3A_793 = arith.constant 0 : i32
      %scan3A_794 = arith.constant 128 : i32
      %scan3A_795 = arith.addi %scan3A_793, %scan3A_794 : i32
      %scan3A_796 = arith.constant 8 : i32
      scf.for %scan3A_891 = %scan3A_793 to %scan3A_795 step %scan3A_796  : i32 {
        %mul3A_892 = arith.constant 1 : i32
        %mul3A_893 = arith.muli %scan3A_891, %mul3A_892 : i32
        %add3A_894 = arith.constant 0 : i32
        %add3A_895 = arith.addi %add3A_894, %mul3A_893 : i32
        %broadcast_in_dim3A = vector.broadcast %add3A_895 : i32 to vector<16xi32>
        %get3A = arith.constant 3 : i32
        %get3A_896 = arith.index_cast %get3A : i32 to index
        %get3A_897 = arith.index_cast %add3A_895 : i32 to index
        %get3A_898 = arith.constant 0 : index
        %get3A_899 = tpu.vector_load %arg7[%get3A_896, %get3A_897, %get3A_898] {strides = array<i32>} : memref<4x128x32xf32, #tpu.memory_space<vmem>>, vector<16xf32>,
        %scatter3A = arith.constant 1 : i32
        %scatter3A_900 = arith.constant 0 : i32
        %scatter3A_901 = arith.constant 0 : i32
        %scatter3A_902 = tpu.memref_slice %arg8[%scatter3A, %scatter3A_900, %scatter3A_901] : memref<2x32x129xf32, #tpu.memory_space<vmem>> -> memref<1x32x129xf32, #tpu.memory_space<vmem>>
        %scatter3A_903 = tpu.memref_squeeze %scatter3A_902 : memref<1x32x129xf32, #tpu.memory_space<vmem>> -> memref<32x129xf32, #tpu.memory_space<vmem>>
        tpu.vector_store_idx %scatter3A_903[%add3A_5, %broadcast_in_dim3A], %get3A_899 : memref<32x129xf32, #tpu.memory_space<vmem>>[vector<16xi32>, vector<16xi32>], vector<16xf32>,
        %get3A_904 = arith.constant 3 : i32
        %get3A_905 = arith.index_cast %get3A_904 : i32 to index
        %get3A_906 = arith.index_cast %add3A_895 : i32 to index
        %get3A_907 = arith.constant 16 : index
        %get3A_908 = tpu.vector_load %arg7[%get3A_905, %get3A_906, %get3A_907] {strides = array<i32>} : memref<4x128x32xf32, #tpu.memory_space<vmem>>, vector<16xf32>,
        %scatter3A_909 = arith.constant 1 : i32
        %scatter3A_910 = arith.constant 0 : i32
        %scatter3A_911 = arith.constant 0 : i32
        %scatter3A_912 = tpu.memref_slice %arg8[%scatter3A_909, %scatter3A_910, %scatter3A_911] : memref<2x32x129xf32, #tpu.memory_space<vmem>> -> memref<1x32x129xf32, #tpu.memory_space<vmem>>
        %scatter3A_913 = tpu.memref_squeeze %scatter3A_912 : memref<1x32x129xf32, #tpu.memory_space<vmem>> -> memref<32x129xf32, #tpu.memory_space<vmem>>
        tpu.vector_store_idx %scatter3A_913[%add3A_8, %broadcast_in_dim3A], %get3A_908 : memref<32x129xf32, #tpu.memory_space<vmem>>[vector<16xi32>, vector<16xi32>], vector<16xf32>,
        %scan3A_914 = arith.constant 1 : i32
        %scan3A_915 = arith.addi %scan3A_891, %scan3A_914 : i32
        %mul3A_916 = arith.constant 1 : i32
        %mul3A_917 = arith.muli %scan3A_915, %mul3A_916 : i32
        %add3A_918 = arith.constant 0 : i32
        %add3A_919 = arith.addi %add3A_918, %mul3A_917 : i32
        %broadcast_in_dim3A_920 = vector.broadcast %add3A_919 : i32 to vector<16xi32>
        %get3A_921 = arith.constant 3 : i32
        %get3A_922 = arith.index_cast %get3A_921 : i32 to index
        %get3A_923 = arith.index_cast %add3A_919 : i32 to index
        %get3A_924 = arith.constant 0 : index
        %get3A_925 = tpu.vector_load %arg7[%get3A_922, %get3A_923, %get3A_924] {strides = array<i32>} : memref<4x128x32xf32, #tpu.memory_space<vmem>>, vector<16xf32>,
        %scatter3A_926 = arith.constant 1 : i32
        %scatter3A_927 = arith.constant 0 : i32
        %scatter3A_928 = arith.constant 0 : i32
        %scatter3A_929 = tpu.memref_slice %arg8[%scatter3A_926, %scatter3A_927, %scatter3A_928] : memref<2x32x129xf32, #tpu.memory_space<vmem>> -> memref<1x32x129xf32, #tpu.memory_space<vmem>>
        %scatter3A_930 = tpu.memref_squeeze %scatter3A_929 : memref<1x32x129xf32, #tpu.memory_space<vmem>> -> memref<32x129xf32, #tpu.memory_space<vmem>>
        tpu.vector_store_idx %scatter3A_930[%add3A_5, %broadcast_in_dim3A_920], %get3A_925 : memref<32x129xf32, #tpu.memory_space<vmem>>[vector<16xi32>, vector<16xi32>], vector<16xf32>,
        %get3A_931 = arith.constant 3 : i32
        %get3A_932 = arith.index_cast %get3A_931 : i32 to index
        %get3A_933 = arith.index_cast %add3A_919 : i32 to index
        %get3A_934 = arith.constant 16 : index
        %get3A_935 = tpu.vector_load %arg7[%get3A_932, %get3A_933, %get3A_934] {strides = array<i32>} : memref<4x128x32xf32, #tpu.memory_space<vmem>>, vector<16xf32>,
        %scatter3A_936 = arith.constant 1 : i32
        %scatter3A_937 = arith.constant 0 : i32
        %scatter3A_938 = arith.constant 0 : i32
        %scatter3A_939 = tpu.memref_slice %arg8[%scatter3A_936, %scatter3A_937, %scatter3A_938] : memref<2x32x129xf32, #tpu.memory_space<vmem>> -> memref<1x32x129xf32, #tpu.memory_space<vmem>>
        %scatter3A_940 = tpu.memref_squeeze %scatter3A_939 : memref<1x32x129xf32, #tpu.memory_space<vmem>> -> memref<32x129xf32, #tpu.memory_space<vmem>>
        tpu.vector_store_idx %scatter3A_940[%add3A_8, %broadcast_in_dim3A_920], %get3A_935 : memref<32x129xf32, #tpu.memory_space<vmem>>[vector<16xi32>, vector<16xi32>], vector<16xf32>,
        %scan3A_941 = arith.constant 2 : i32
        %scan3A_942 = arith.addi %scan3A_891, %scan3A_941 : i32
        %mul3A_943 = arith.constant 1 : i32
        %mul3A_944 = arith.muli %scan3A_942, %mul3A_943 : i32
        %add3A_945 = arith.constant 0 : i32
        %add3A_946 = arith.addi %add3A_945, %mul3A_944 : i32
        %broadcast_in_dim3A_947 = vector.broadcast %add3A_946 : i32 to vector<16xi32>
        %get3A_948 = arith.constant 3 : i32
        %get3A_949 = arith.index_cast %get3A_948 : i32 to index
        %get3A_950 = arith.index_cast %add3A_946 : i32 to index
        %get3A_951 = arith.constant 0 : index
        %get3A_952 = tpu.vector_load %arg7[%get3A_949, %get3A_950, %get3A_951] {strides = array<i32>} : memref<4x128x32xf32, #tpu.memory_space<vmem>>, vector<16xf32>,
        %scatter3A_953 = arith.constant 1 : i32
        %scatter3A_954 = arith.constant 0 : i32
        %scatter3A_955 = arith.constant 0 : i32
        %scatter3A_956 = tpu.memref_slice %arg8[%scatter3A_953, %scatter3A_954, %scatter3A_955] : memref<2x32x129xf32, #tpu.memory_space<vmem>> -> memref<1x32x129xf32, #tpu.memory_space<vmem>>
        %scatter3A_957 = tpu.memref_squeeze %scatter3A_956 : memref<1x32x129xf32, #tpu.memory_space<vmem>> -> memref<32x129xf32, #tpu.memory_space<vmem>>
        tpu.vector_store_idx %scatter3A_957[%add3A_5, %broadcast_in_dim3A_947], %get3A_952 : memref<32x129xf32, #tpu.memory_space<vmem>>[vector<16xi32>, vector<16xi32>], vector<16xf32>,
        %get3A_958 = arith.constant 3 : i32
        %get3A_959 = arith.index_cast %get3A_958 : i32 to index
        %get3A_960 = arith.index_cast %add3A_946 : i32 to index
        %get3A_961 = arith.constant 16 : index
        %get3A_962 = tpu.vector_load %arg7[%get3A_959, %get3A_960, %get3A_961] {strides = array<i32>} : memref<4x128x32xf32, #tpu.memory_space<vmem>>, vector<16xf32>,
        %scatter3A_963 = arith.constant 1 : i32
        %scatter3A_964 = arith.constant 0 : i32
        %scatter3A_965 = arith.constant 0 : i32
        %scatter3A_966 = tpu.memref_slice %arg8[%scatter3A_963, %scatter3A_964, %scatter3A_965] : memref<2x32x129xf32, #tpu.memory_space<vmem>> -> memref<1x32x129xf32, #tpu.memory_space<vmem>>
        %scatter3A_967 = tpu.memref_squeeze %scatter3A_966 : memref<1x32x129xf32, #tpu.memory_space<vmem>> -> memref<32x129xf32, #tpu.memory_space<vmem>>
        tpu.vector_store_idx %scatter3A_967[%add3A_8, %broadcast_in_dim3A_947], %get3A_962 : memref<32x129xf32, #tpu.memory_space<vmem>>[vector<16xi32>, vector<16xi32>], vector<16xf32>,
        %scan3A_968 = arith.constant 3 : i32
        %scan3A_969 = arith.addi %scan3A_891, %scan3A_968 : i32
        %mul3A_970 = arith.constant 1 : i32
        %mul3A_971 = arith.muli %scan3A_969, %mul3A_970 : i32
        %add3A_972 = arith.constant 0 : i32
        %add3A_973 = arith.addi %add3A_972, %mul3A_971 : i32
        %broadcast_in_dim3A_974 = vector.broadcast %add3A_973 : i32 to vector<16xi32>
        %get3A_975 = arith.constant 3 : i32
        %get3A_976 = arith.index_cast %get3A_975 : i32 to index
        %get3A_977 = arith.index_cast %add3A_973 : i32 to index
        %get3A_978 = arith.constant 0 : index
        %get3A_979 = tpu.vector_load %arg7[%get3A_976, %get3A_977, %get3A_978] {strides = array<i32>} : memref<4x128x32xf32, #tpu.memory_space<vmem>>, vector<16xf32>,
        %scatter3A_980 = arith.constant 1 : i32
        %scatter3A_981 = arith.constant 0 : i32
        %scatter3A_982 = arith.constant 0 : i32
        %scatter3A_983 = tpu.memref_slice %arg8[%scatter3A_980, %scatter3A_981, %scatter3A_982] : memref<2x32x129xf32, #tpu.memory_space<vmem>> -> memref<1x32x129xf32, #tpu.memory_space<vmem>>
        %scatter3A_984 = tpu.memref_squeeze %scatter3A_983 : memref<1x32x129xf32, #tpu.memory_space<vmem>> -> memref<32x129xf32, #tpu.memory_space<vmem>>
        tpu.vector_store_idx %scatter3A_984[%add3A_5, %broadcast_in_dim3A_974], %get3A_979 : memref<32x129xf32, #tpu.memory_space<vmem>>[vector<16xi32>, vector<16xi32>], vector<16xf32>,
        %get3A_985 = arith.constant 3 : i32
        %get3A_986 = arith.index_cast %get3A_985 : i32 to index
        %get3A_987 = arith.index_cast %add3A_973 : i32 to index
        %get3A_988 = arith.constant 16 : index
        %get3A_989 = tpu.vector_load %arg7[%get3A_986, %get3A_987, %get3A_988] {strides = array<i32>} : memref<4x128x32xf32, #tpu.memory_space<vmem>>, vector<16xf32>,
        %scatter3A_990 = arith.constant 1 : i32
        %scatter3A_991 = arith.constant 0 : i32
        %scatter3A_992 = arith.constant 0 : i32
        %scatter3A_993 = tpu.memref_slice %arg8[%scatter3A_990, %scatter3A_991, %scatter3A_992] : memref<2x32x129xf32, #tpu.memory_space<vmem>> -> memref<1x32x129xf32, #tpu.memory_space<vmem>>
        %scatter3A_994 = tpu.memref_squeeze %scatter3A_993 : memref<1x32x129xf32, #tpu.memory_space<vmem>> -> memref<32x129xf32, #tpu.memory_space<vmem>>
        tpu.vector_store_idx %scatter3A_994[%add3A_8, %broadcast_in_dim3A_974], %get3A_989 : memref<32x129xf32, #tpu.memory_space<vmem>>[vector<16xi32>, vector<16xi32>], vector<16xf32>,
        %scan3A_995 = arith.constant 4 : i32
        %scan3A_996 = arith.addi %scan3A_891, %scan3A_995 : i32
        %mul3A_997 = arith.constant 1 : i32
        %mul3A_998 = arith.muli %scan3A_996, %mul3A_997 : i32
        %add3A_999 = arith.constant 0 : i32
        %add3A_1000 = arith.addi %add3A_999, %mul3A_998 : i32
        %broadcast_in_dim3A_1001 = vector.broadcast %add3A_1000 : i32 to vector<16xi32>
        %get3A_1002 = arith.constant 3 : i32
        %get3A_1003 = arith.index_cast %get3A_1002 : i32 to index
        %get3A_1004 = arith.index_cast %add3A_1000 : i32 to index
        %get3A_1005 = arith.constant 0 : index
        %get3A_1006 = tpu.vector_load %arg7[%get3A_1003, %get3A_1004, %get3A_1005] {strides = array<i32>} : memref<4x128x32xf32, #tpu.memory_space<vmem>>, vector<16xf32>,
        %scatter3A_1007 = arith.constant 1 : i32
        %scatter3A_1008 = arith.constant 0 : i32
        %scatter3A_1009 = arith.constant 0 : i32
        %scatter3A_1010 = tpu.memref_slice %arg8[%scatter3A_1007, %scatter3A_1008, %scatter3A_1009] : memref<2x32x129xf32, #tpu.memory_space<vmem>> -> memref<1x32x129xf32, #tpu.memory_space<vmem>>
        %scatter3A_1011 = tpu.memref_squeeze %scatter3A_1010 : memref<1x32x129xf32, #tpu.memory_space<vmem>> -> memref<32x129xf32, #tpu.memory_space<vmem>>
        tpu.vector_store_idx %scatter3A_1011[%add3A_5, %broadcast_in_dim3A_1001], %get3A_1006 : memref<32x129xf32, #tpu.memory_space<vmem>>[vector<16xi32>, vector<16xi32>], vector<16xf32>,
        %get3A_1012 = arith.constant 3 : i32
        %get3A_1013 = arith.index_cast %get3A_1012 : i32 to index
        %get3A_1014 = arith.index_cast %add3A_1000 : i32 to index
        %get3A_1015 = arith.constant 16 : index
        %get3A_1016 = tpu.vector_load %arg7[%get3A_1013, %get3A_1014, %get3A_1015] {strides = array<i32>} : memref<4x128x32xf32, #tpu.memory_space<vmem>>, vector<16xf32>,
        %scatter3A_1017 = arith.constant 1 : i32
        %scatter3A_1018 = arith.constant 0 : i32
        %scatter3A_1019 = arith.constant 0 : i32
        %scatter3A_1020 = tpu.memref_slice %arg8[%scatter3A_1017, %scatter3A_1018, %scatter3A_1019] : memref<2x32x129xf32, #tpu.memory_space<vmem>> -> memref<1x32x129xf32, #tpu.memory_space<vmem>>
        %scatter3A_1021 = tpu.memref_squeeze %scatter3A_1020 : memref<1x32x129xf32, #tpu.memory_space<vmem>> -> memref<32x129xf32, #tpu.memory_space<vmem>>
        tpu.vector_store_idx %scatter3A_1021[%add3A_8, %broadcast_in_dim3A_1001], %get3A_1016 : memref<32x129xf32, #tpu.memory_space<vmem>>[vector<16xi32>, vector<16xi32>], vector<16xf32>,
        %scan3A_1022 = arith.constant 5 : i32
        %scan3A_1023 = arith.addi %scan3A_891, %scan3A_1022 : i32
        %mul3A_1024 = arith.constant 1 : i32
        %mul3A_1025 = arith.muli %scan3A_1023, %mul3A_1024 : i32
        %add3A_1026 = arith.constant 0 : i32
        %add3A_1027 = arith.addi %add3A_1026, %mul3A_1025 : i32
        %broadcast_in_dim3A_1028 = vector.broadcast %add3A_1027 : i32 to vector<16xi32>
        %get3A_1029 = arith.constant 3 : i32
        %get3A_1030 = arith.index_cast %get3A_1029 : i32 to index
        %get3A_1031 = arith.index_cast %add3A_1027 : i32 to index
        %get3A_1032 = arith.constant 0 : index
        %get3A_1033 = tpu.vector_load %arg7[%get3A_1030, %get3A_1031, %get3A_1032] {strides = array<i32>} : memref<4x128x32xf32, #tpu.memory_space<vmem>>, vector<16xf32>,
        %scatter3A_1034 = arith.constant 1 : i32
        %scatter3A_1035 = arith.constant 0 : i32
        %scatter3A_1036 = arith.constant 0 : i32
        %scatter3A_1037 = tpu.memref_slice %arg8[%scatter3A_1034, %scatter3A_1035, %scatter3A_1036] : memref<2x32x129xf32, #tpu.memory_space<vmem>> -> memref<1x32x129xf32, #tpu.memory_space<vmem>>
        %scatter3A_1038 = tpu.memref_squeeze %scatter3A_1037 : memref<1x32x129xf32, #tpu.memory_space<vmem>> -> memref<32x129xf32, #tpu.memory_space<vmem>>
        tpu.vector_store_idx %scatter3A_1038[%add3A_5, %broadcast_in_dim3A_1028], %get3A_1033 : memref<32x129xf32, #tpu.memory_space<vmem>>[vector<16xi32>, vector<16xi32>], vector<16xf32>,
        %get3A_1039 = arith.constant 3 : i32
        %get3A_1040 = arith.index_cast %get3A_1039 : i32 to index
        %get3A_1041 = arith.index_cast %add3A_1027 : i32 to index
        %get3A_1042 = arith.constant 16 : index
        %get3A_1043 = tpu.vector_load %arg7[%get3A_1040, %get3A_1041, %get3A_1042] {strides = array<i32>} : memref<4x128x32xf32, #tpu.memory_space<vmem>>, vector<16xf32>,
        %scatter3A_1044 = arith.constant 1 : i32
        %scatter3A_1045 = arith.constant 0 : i32
        %scatter3A_1046 = arith.constant 0 : i32
        %scatter3A_1047 = tpu.memref_slice %arg8[%scatter3A_1044, %scatter3A_1045, %scatter3A_1046] : memref<2x32x129xf32, #tpu.memory_space<vmem>> -> memref<1x32x129xf32, #tpu.memory_space<vmem>>
        %scatter3A_1048 = tpu.memref_squeeze %scatter3A_1047 : memref<1x32x129xf32, #tpu.memory_space<vmem>> -> memref<32x129xf32, #tpu.memory_space<vmem>>
        tpu.vector_store_idx %scatter3A_1048[%add3A_8, %broadcast_in_dim3A_1028], %get3A_1043 : memref<32x129xf32, #tpu.memory_space<vmem>>[vector<16xi32>, vector<16xi32>], vector<16xf32>,
        %scan3A_1049 = arith.constant 6 : i32
        %scan3A_1050 = arith.addi %scan3A_891, %scan3A_1049 : i32
        %mul3A_1051 = arith.constant 1 : i32
        %mul3A_1052 = arith.muli %scan3A_1050, %mul3A_1051 : i32
        %add3A_1053 = arith.constant 0 : i32
        %add3A_1054 = arith.addi %add3A_1053, %mul3A_1052 : i32
        %broadcast_in_dim3A_1055 = vector.broadcast %add3A_1054 : i32 to vector<16xi32>
        %get3A_1056 = arith.constant 3 : i32
        %get3A_1057 = arith.index_cast %get3A_1056 : i32 to index
        %get3A_1058 = arith.index_cast %add3A_1054 : i32 to index
        %get3A_1059 = arith.constant 0 : index
        %get3A_1060 = tpu.vector_load %arg7[%get3A_1057, %get3A_1058, %get3A_1059] {strides = array<i32>} : memref<4x128x32xf32, #tpu.memory_space<vmem>>, vector<16xf32>,
        %scatter3A_1061 = arith.constant 1 : i32
        %scatter3A_1062 = arith.constant 0 : i32
        %scatter3A_1063 = arith.constant 0 : i32
        %scatter3A_1064 = tpu.memref_slice %arg8[%scatter3A_1061, %scatter3A_1062, %scatter3A_1063] : memref<2x32x129xf32, #tpu.memory_space<vmem>> -> memref<1x32x129xf32, #tpu.memory_space<vmem>>
        %scatter3A_1065 = tpu.memref_squeeze %scatter3A_1064 : memref<1x32x129xf32, #tpu.memory_space<vmem>> -> memref<32x129xf32, #tpu.memory_space<vmem>>
        tpu.vector_store_idx %scatter3A_1065[%add3A_5, %broadcast_in_dim3A_1055], %get3A_1060 : memref<32x129xf32, #tpu.memory_space<vmem>>[vector<16xi32>, vector<16xi32>], vector<16xf32>,
        %get3A_1066 = arith.constant 3 : i32
        %get3A_1067 = arith.index_cast %get3A_1066 : i32 to index
        %get3A_1068 = arith.index_cast %add3A_1054 : i32 to index
        %get3A_1069 = arith.constant 16 : index
        %get3A_1070 = tpu.vector_load %arg7[%get3A_1067, %get3A_1068, %get3A_1069] {strides = array<i32>} : memref<4x128x32xf32, #tpu.memory_space<vmem>>, vector<16xf32>,
        %scatter3A_1071 = arith.constant 1 : i32
        %scatter3A_1072 = arith.constant 0 : i32
        %scatter3A_1073 = arith.constant 0 : i32
        %scatter3A_1074 = tpu.memref_slice %arg8[%scatter3A_1071, %scatter3A_1072, %scatter3A_1073] : memref<2x32x129xf32, #tpu.memory_space<vmem>> -> memref<1x32x129xf32, #tpu.memory_space<vmem>>
        %scatter3A_1075 = tpu.memref_squeeze %scatter3A_1074 : memref<1x32x129xf32, #tpu.memory_space<vmem>> -> memref<32x129xf32, #tpu.memory_space<vmem>>
        tpu.vector_store_idx %scatter3A_1075[%add3A_8, %broadcast_in_dim3A_1055], %get3A_1070 : memref<32x129xf32, #tpu.memory_space<vmem>>[vector<16xi32>, vector<16xi32>], vector<16xf32>,
        %scan3A_1076 = arith.constant 7 : i32
        %scan3A_1077 = arith.addi %scan3A_891, %scan3A_1076 : i32
        %mul3A_1078 = arith.constant 1 : i32
        %mul3A_1079 = arith.muli %scan3A_1077, %mul3A_1078 : i32
        %add3A_1080 = arith.constant 0 : i32
        %add3A_1081 = arith.addi %add3A_1080, %mul3A_1079 : i32
        %broadcast_in_dim3A_1082 = vector.broadcast %add3A_1081 : i32 to vector<16xi32>
        %get3A_1083 = arith.constant 3 : i32
        %get3A_1084 = arith.index_cast %get3A_1083 : i32 to index
        %get3A_1085 = arith.index_cast %add3A_1081 : i32 to index
        %get3A_1086 = arith.constant 0 : index
        %get3A_1087 = tpu.vector_load %arg7[%get3A_1084, %get3A_1085, %get3A_1086] {strides = array<i32>} : memref<4x128x32xf32, #tpu.memory_space<vmem>>, vector<16xf32>,
        %scatter3A_1088 = arith.constant 1 : i32
        %scatter3A_1089 = arith.constant 0 : i32
        %scatter3A_1090 = arith.constant 0 : i32
        %scatter3A_1091 = tpu.memref_slice %arg8[%scatter3A_1088, %scatter3A_1089, %scatter3A_1090] : memref<2x32x129xf32, #tpu.memory_space<vmem>> -> memref<1x32x129xf32, #tpu.memory_space<vmem>>
        %scatter3A_1092 = tpu.memref_squeeze %scatter3A_1091 : memref<1x32x129xf32, #tpu.memory_space<vmem>> -> memref<32x129xf32, #tpu.memory_space<vmem>>
        tpu.vector_store_idx %scatter3A_1092[%add3A_5, %broadcast_in_dim3A_1082], %get3A_1087 : memref<32x129xf32, #tpu.memory_space<vmem>>[vector<16xi32>, vector<16xi32>], vector<16xf32>,
        %get3A_1093 = arith.constant 3 : i32
        %get3A_1094 = arith.index_cast %get3A_1093 : i32 to index
        %get3A_1095 = arith.index_cast %add3A_1081 : i32 to index
        %get3A_1096 = arith.constant 16 : index
        %get3A_1097 = tpu.vector_load %arg7[%get3A_1094, %get3A_1095, %get3A_1096] {strides = array<i32>} : memref<4x128x32xf32, #tpu.memory_space<vmem>>, vector<16xf32>,
        %scatter3A_1098 = arith.constant 1 : i32
        %scatter3A_1099 = arith.constant 0 : i32
        %scatter3A_1100 = arith.constant 0 : i32
        %scatter3A_1101 = tpu.memref_slice %arg8[%scatter3A_1098, %scatter3A_1099, %scatter3A_1100] : memref<2x32x129xf32, #tpu.memory_space<vmem>> -> memref<1x32x129xf32, #tpu.memory_space<vmem>>
        %scatter3A_1102 = tpu.memref_squeeze %scatter3A_1101 : memref<1x32x129xf32, #tpu.memory_space<vmem>> -> memref<32x129xf32, #tpu.memory_space<vmem>>
        tpu.vector_store_idx %scatter3A_1102[%add3A_8, %broadcast_in_dim3A_1082], %get3A_1097 : memref<32x129xf32, #tpu.memory_space<vmem>>[vector<16xi32>, vector<16xi32>], vector<16xf32>,
      }
      %scan3A_797 = arith.constant 128 : i32
      %mul3A_798 = arith.constant 4 : i32
      %mul3A_799 = arith.muli %add3A, %mul3A_798 : i32
      %add3A_800 = arith.constant 3 : i32
      %add3A_801 = arith.addi %mul3A_799, %add3A_800 : i32
      %dma_start3A_802 = arith.constant 1 : i32
      %dma_start3A_803 = arith.constant 0 : i32
      %dma_start3A_804 = arith.constant 0 : i32
      %dma_start3A_805 = arith.constant 0 : i32
      %dma_start3A_806 = tpu.memref_slice %arg8[%dma_start3A_802, %dma_start3A_804, %dma_start3A_805] : memref<2x32x129xf32, #tpu.memory_space<vmem>> -> memref<1x8x128xf32, #tpu.memory_space<vmem>>
      %dma_start3A_807 = tpu.memref_squeeze %dma_start3A_806 : memref<1x8x128xf32, #tpu.memory_space<vmem>> -> memref<8x128xf32, #tpu.memory_space<vmem>>
      %dma_start3A_808 = arith.constant 0 : i32
      %dma_start3A_809 = arith.constant 0 : i32
      %dma_start3A_810 = tpu.memref_slice %arg4[%add3A_256, %dma_start3A_803, %add3A_801, %dma_start3A_808, %dma_start3A_809] : memref<50x4x128x8x128xf32, #tpu.memory_space<hbm>> -> memref<1x1x1x8x128xf32, #tpu.memory_space<hbm>>
      %dma_start3A_811 = tpu.memref_squeeze %dma_start3A_810 : memref<1x1x1x8x128xf32, #tpu.memory_space<hbm>> -> memref<8x128xf32, #tpu.memory_space<hbm>>
      %dma_start3A_812 = arith.constant 0 : i32
      %dma_start3A_813 = arith.constant 0 : i32
      %dma_start3A_814 = tpu.memref_slice %arg4[%add3A_256, %dma_start3A_803, %add3A_801, %dma_start3A_812, %dma_start3A_813] : memref<50x4x128x8x128xf32, #tpu.memory_space<hbm>> -> memref<1x1x1x8x128xf32, #tpu.memory_space<hbm>>
      %dma_start3A_815 = tpu.memref_squeeze %dma_start3A_814 : memref<1x1x1x8x128xf32, #tpu.memory_space<hbm>> -> memref<8x128xf32, #tpu.memory_space<hbm>>
      %dma_start3A_816 = arith.constant 0 : i32
      %dma_start3A_817 = arith.constant 0 : i32
      %dma_start3A_818 = tpu.memref_slice %arg8[%dma_start3A_802, %dma_start3A_816, %dma_start3A_817] : memref<2x32x129xf32, #tpu.memory_space<vmem>> -> memref<1x8x128xf32, #tpu.memory_space<vmem>>
      %dma_start3A_819 = tpu.memref_squeeze %dma_start3A_818 : memref<1x8x128xf32, #tpu.memory_space<vmem>> -> memref<8x128xf32, #tpu.memory_space<vmem>>
      tpu.enqueue_dma source(%dma_start3A_819 : memref<8x128xf32, #tpu.memory_space<vmem>>) target(%dma_start3A_815 : memref<8x128xf32, #tpu.memory_space<hbm>>) target_semaphore(%arg10 : memref<!tpu.dma_semaphore, #tpu.memory_space<semaphore_mem>>)
      %mul3A_820 = arith.constant 4 : i32
      %mul3A_821 = arith.muli %add3A, %mul3A_820 : i32
      %add3A_822 = arith.constant 3 : i32
      %add3A_823 = arith.addi %mul3A_821, %add3A_822 : i32
      %dma_start3A_824 = arith.constant 1 : i32
      %dma_start3A_825 = arith.constant 1 : i32
      %dma_start3A_826 = arith.constant 8 : i32
      %dma_start3A_827 = arith.constant 0 : i32
      %dma_start3A_828 = tpu.memref_slice %arg8[%dma_start3A_824, %dma_start3A_826, %dma_start3A_827] : memref<2x32x129xf32, #tpu.memory_space<vmem>> -> memref<1x8x128xf32, #tpu.memory_space<vmem>>
      %dma_start3A_829 = tpu.memref_squeeze %dma_start3A_828 : memref<1x8x128xf32, #tpu.memory_space<vmem>> -> memref<8x128xf32, #tpu.memory_space<vmem>>
      %dma_start3A_830 = arith.constant 0 : i32
      %dma_start3A_831 = arith.constant 0 : i32
      %dma_start3A_832 = tpu.memref_slice %arg4[%add3A_256, %dma_start3A_825, %add3A_823, %dma_start3A_830, %dma_start3A_831] : memref<50x4x128x8x128xf32, #tpu.memory_space<hbm>> -> memref<1x1x1x8x128xf32, #tpu.memory_space<hbm>>
      %dma_start3A_833 = tpu.memref_squeeze %dma_start3A_832 : memref<1x1x1x8x128xf32, #tpu.memory_space<hbm>> -> memref<8x128xf32, #tpu.memory_space<hbm>>
      %dma_start3A_834 = arith.constant 0 : i32
      %dma_start3A_835 = arith.constant 0 : i32
      %dma_start3A_836 = tpu.memref_slice %arg4[%add3A_256, %dma_start3A_825, %add3A_823, %dma_start3A_834, %dma_start3A_835] : memref<50x4x128x8x128xf32, #tpu.memory_space<hbm>> -> memref<1x1x1x8x128xf32, #tpu.memory_space<hbm>>
      %dma_start3A_837 = tpu.memref_squeeze %dma_start3A_836 : memref<1x1x1x8x128xf32, #tpu.memory_space<hbm>> -> memref<8x128xf32, #tpu.memory_space<hbm>>
      %dma_start3A_838 = arith.constant 8 : i32
      %dma_start3A_839 = arith.constant 0 : i32
      %dma_start3A_840 = tpu.memref_slice %arg8[%dma_start3A_824, %dma_start3A_838, %dma_start3A_839] : memref<2x32x129xf32, #tpu.memory_space<vmem>> -> memref<1x8x128xf32, #tpu.memory_space<vmem>>
      %dma_start3A_841 = tpu.memref_squeeze %dma_start3A_840 : memref<1x8x128xf32, #tpu.memory_space<vmem>> -> memref<8x128xf32, #tpu.memory_space<vmem>>
      tpu.enqueue_dma source(%dma_start3A_841 : memref<8x128xf32, #tpu.memory_space<vmem>>) target(%dma_start3A_837 : memref<8x128xf32, #tpu.memory_space<hbm>>) target_semaphore(%arg10 : memref<!tpu.dma_semaphore, #tpu.memory_space<semaphore_mem>>)
      %mul3A_842 = arith.constant 4 : i32
      %mul3A_843 = arith.muli %add3A, %mul3A_842 : i32
      %add3A_844 = arith.constant 3 : i32
      %add3A_845 = arith.addi %mul3A_843, %add3A_844 : i32
      %dma_start3A_846 = arith.constant 1 : i32
      %dma_start3A_847 = arith.constant 2 : i32
      %dma_start3A_848 = arith.constant 16 : i32
      %dma_start3A_849 = arith.constant 0 : i32
      %dma_start3A_850 = tpu.memref_slice %arg8[%dma_start3A_846, %dma_start3A_848, %dma_start3A_849] : memref<2x32x129xf32, #tpu.memory_space<vmem>> -> memref<1x8x128xf32, #tpu.memory_space<vmem>>
      %dma_start3A_851 = tpu.memref_squeeze %dma_start3A_850 : memref<1x8x128xf32, #tpu.memory_space<vmem>> -> memref<8x128xf32, #tpu.memory_space<vmem>>
      %dma_start3A_852 = arith.constant 0 : i32
      %dma_start3A_853 = arith.constant 0 : i32
      %dma_start3A_854 = tpu.memref_slice %arg4[%add3A_256, %dma_start3A_847, %add3A_845, %dma_start3A_852, %dma_start3A_853] : memref<50x4x128x8x128xf32, #tpu.memory_space<hbm>> -> memref<1x1x1x8x128xf32, #tpu.memory_space<hbm>>
      %dma_start3A_855 = tpu.memref_squeeze %dma_start3A_854 : memref<1x1x1x8x128xf32, #tpu.memory_space<hbm>> -> memref<8x128xf32, #tpu.memory_space<hbm>>
      %dma_start3A_856 = arith.constant 0 : i32
      %dma_start3A_857 = arith.constant 0 : i32
      %dma_start3A_858 = tpu.memref_slice %arg4[%add3A_256, %dma_start3A_847, %add3A_845, %dma_start3A_856, %dma_start3A_857] : memref<50x4x128x8x128xf32, #tpu.memory_space<hbm>> -> memref<1x1x1x8x128xf32, #tpu.memory_space<hbm>>
      %dma_start3A_859 = tpu.memref_squeeze %dma_start3A_858 : memref<1x1x1x8x128xf32, #tpu.memory_space<hbm>> -> memref<8x128xf32, #tpu.memory_space<hbm>>
      %dma_start3A_860 = arith.constant 16 : i32
      %dma_start3A_861 = arith.constant 0 : i32
      %dma_start3A_862 = tpu.memref_slice %arg8[%dma_start3A_846, %dma_start3A_860, %dma_start3A_861] : memref<2x32x129xf32, #tpu.memory_space<vmem>> -> memref<1x8x128xf32, #tpu.memory_space<vmem>>
      %dma_start3A_863 = tpu.memref_squeeze %dma_start3A_862 : memref<1x8x128xf32, #tpu.memory_space<vmem>> -> memref<8x128xf32, #tpu.memory_space<vmem>>
      tpu.enqueue_dma source(%dma_start3A_863 : memref<8x128xf32, #tpu.memory_space<vmem>>) target(%dma_start3A_859 : memref<8x128xf32, #tpu.memory_space<hbm>>) target_semaphore(%arg10 : memref<!tpu.dma_semaphore, #tpu.memory_space<semaphore_mem>>)
      %mul3A_864 = arith.constant 4 : i32
      %mul3A_865 = arith.muli %add3A, %mul3A_864 : i32
      %add3A_866 = arith.constant 3 : i32
      %add3A_867 = arith.addi %mul3A_865, %add3A_866 : i32
      %dma_start3A_868 = arith.constant 1 : i32
      %dma_start3A_869 = arith.constant 3 : i32
      %dma_start3A_870 = arith.constant 24 : i32
      %dma_start3A_871 = arith.constant 0 : i32
      %dma_start3A_872 = tpu.memref_slice %arg8[%dma_start3A_868, %dma_start3A_870, %dma_start3A_871] : memref<2x32x129xf32, #tpu.memory_space<vmem>> -> memref<1x8x128xf32, #tpu.memory_space<vmem>>
      %dma_start3A_873 = tpu.memref_squeeze %dma_start3A_872 : memref<1x8x128xf32, #tpu.memory_space<vmem>> -> memref<8x128xf32, #tpu.memory_space<vmem>>
      %dma_start3A_874 = arith.constant 0 : i32
      %dma_start3A_875 = arith.constant 0 : i32
      %dma_start3A_876 = tpu.memref_slice %arg4[%add3A_256, %dma_start3A_869, %add3A_867, %dma_start3A_874, %dma_start3A_875] : memref<50x4x128x8x128xf32, #tpu.memory_space<hbm>> -> memref<1x1x1x8x128xf32, #tpu.memory_space<hbm>>
      %dma_start3A_877 = tpu.memref_squeeze %dma_start3A_876 : memref<1x1x1x8x128xf32, #tpu.memory_space<hbm>> -> memref<8x128xf32, #tpu.memory_space<hbm>>
      %dma_start3A_878 = arith.constant 0 : i32
      %dma_start3A_879 = arith.constant 0 : i32
      %dma_start3A_880 = tpu.memref_slice %arg4[%add3A_256, %dma_start3A_869, %add3A_867, %dma_start3A_878, %dma_start3A_879] : memref<50x4x128x8x128xf32, #tpu.memory_space<hbm>> -> memref<1x1x1x8x128xf32, #tpu.memory_space<hbm>>
      %dma_start3A_881 = tpu.memref_squeeze %dma_start3A_880 : memref<1x1x1x8x128xf32, #tpu.memory_space<hbm>> -> memref<8x128xf32, #tpu.memory_space<hbm>>
      %dma_start3A_882 = arith.constant 24 : i32
      %dma_start3A_883 = arith.constant 0 : i32
      %dma_start3A_884 = tpu.memref_slice %arg8[%dma_start3A_868, %dma_start3A_882, %dma_start3A_883] : memref<2x32x129xf32, #tpu.memory_space<vmem>> -> memref<1x8x128xf32, #tpu.memory_space<vmem>>
      %dma_start3A_885 = tpu.memref_squeeze %dma_start3A_884 : memref<1x8x128xf32, #tpu.memory_space<vmem>> -> memref<8x128xf32, #tpu.memory_space<vmem>>
      tpu.enqueue_dma source(%dma_start3A_885 : memref<8x128xf32, #tpu.memory_space<vmem>>) target(%dma_start3A_881 : memref<8x128xf32, #tpu.memory_space<hbm>>) target_semaphore(%arg10 : memref<!tpu.dma_semaphore, #tpu.memory_space<semaphore_mem>>)
      %lt3A_886 = arith.constant 49 : i32
      %lt3A_887 = arith.cmpi slt, %add3A_256, %lt3A_886 : i32
      %convert_element_type3A_888 = arith.extui %lt3A_887 : i1 to i32
      %cond3A_889 = arith.constant 0 : i32
      %cond3A_890 = arith.cmpi ne, %convert_element_type3A_888, %cond3A_889 : i32
      scf.if %cond3A_890 {
        %add3A_891 = arith.constant 1 : i32
        %add3A_892 = arith.addi %add3A_256, %add3A_891 : i32
        %dma_start3A_893 = arith.constant 3 : i32
        %dma_start3A_894 = arith.constant 3 : i32
        %dma_start3A_895 = arith.constant 0 : i32
        %dma_start3A_896 = arith.constant 0 : i32
        %dma_start3A_897 = tpu.memref_slice %arg7[%dma_start3A_894, %dma_start3A_895, %dma_start3A_896] : memref<4x128x32xf32, #tpu.memory_space<vmem>> -> memref<1x128x32xf32, #tpu.memory_space<vmem>>
        %dma_start3A_898 = tpu.memref_squeeze %dma_start3A_897 : memref<1x128x32xf32, #tpu.memory_space<vmem>> -> memref<128x32xf32, #tpu.memory_space<vmem>>
        %dma_start3A_899 = arith.constant 0 : i32
        %dma_start3A_900 = tpu.memref_slice %arg6[%add3A_892, %dma_start3A_893, %dma_start3A_899] : memref<50x4x128xi32, #tpu.memory_space<vmem>> -> memref<1x1x128xi32, #tpu.memory_space<vmem>>
        %dma_start3A_901 = tpu.memref_squeeze %dma_start3A_900 : memref<1x1x128xi32, #tpu.memory_space<vmem>> -> memref<128xi32, #tpu.memory_space<vmem>>
        %dma_start3A_902 = arith.constant 0 : i32
        %dma_start3A_903 = arith.constant 0 : i32
        %dma_start3A_904 = tpu.memref_slice %arg3[%dma_start3A_902, %dma_start3A_903] : memref<1000000x32xf32, #tpu.memory_space<hbm>> -> memref<1000000x32xf32, #tpu.memory_space<hbm>>
        tpu.enqueue_indirect_dma source(%dma_start3A_904 : memref<1000000x32xf32, #tpu.memory_space<hbm>>) target(%dma_start3A_898 : memref<128x32xf32, #tpu.memory_space<vmem>>) offsets(%dma_start3A_901 : memref<128xi32, #tpu.memory_space<vmem>>) semaphore(%arg9 : memref<!tpu.dma_semaphore, #tpu.memory_space<semaphore_mem>>)
      } else {
      }
    }
    %scan3A_68 = arith.constant 50 : i32
    %mul3A_69 = arith.constant 4 : i32
    %mul3A_70 = arith.muli %add3A, %mul3A_69 : i32
    %add3A_71 = arith.constant 2 : i32
    %add3A_72 = arith.addi %mul3A_70, %add3A_71 : i32
    %dma_wait3A = arith.constant 0 : i32
    %dma_wait3A_73 = arith.constant 49 : i32
    %dma_wait3A_74 = arith.constant 0 : i32
    %dma_wait3A_75 = arith.constant 0 : i32
    %dma_wait3A_76 = arith.constant 0 : i32
    %dma_wait3A_77 = tpu.memref_slice %arg8[%dma_wait3A, %dma_wait3A_75, %dma_wait3A_76] : memref<2x32x129xf32, #tpu.memory_space<vmem>> -> memref<1x8x128xf32, #tpu.memory_space<vmem>>
    %dma_wait3A_78 = tpu.memref_squeeze %dma_wait3A_77 : memref<1x8x128xf32, #tpu.memory_space<vmem>> -> memref<8x128xf32, #tpu.memory_space<vmem>>
    %dma_wait3A_79 = arith.constant 0 : i32
    %dma_wait3A_80 = arith.constant 0 : i32
    %dma_wait3A_81 = tpu.memref_slice %arg4[%dma_wait3A_73, %dma_wait3A_74, %add3A_72, %dma_wait3A_79, %dma_wait3A_80] : memref<50x4x128x8x128xf32, #tpu.memory_space<hbm>> -> memref<1x1x1x8x128xf32, #tpu.memory_space<hbm>>
    %dma_wait3A_82 = tpu.memref_squeeze %dma_wait3A_81 : memref<1x1x1x8x128xf32, #tpu.memory_space<hbm>> -> memref<8x128xf32, #tpu.memory_space<hbm>>
    %dma_wait3A_83 = arith.constant 0 : i32
    %dma_wait3A_84 = arith.constant 0 : i32
    %dma_wait3A_85 = tpu.memref_slice %arg4[%dma_wait3A_73, %dma_wait3A_74, %add3A_72, %dma_wait3A_83, %dma_wait3A_84] : memref<50x4x128x8x128xf32, #tpu.memory_space<hbm>> -> memref<1x1x1x8x128xf32, #tpu.memory_space<hbm>>
    %dma_wait3A_86 = tpu.memref_squeeze %dma_wait3A_85 : memref<1x1x1x8x128xf32, #tpu.memory_space<hbm>> -> memref<8x128xf32, #tpu.memory_space<hbm>>
    %dma_wait3A_87 = arith.constant 0 : i32
    %dma_wait3A_88 = arith.constant 0 : i32
    %dma_wait3A_89 = tpu.memref_slice %arg8[%dma_wait3A, %dma_wait3A_87, %dma_wait3A_88] : memref<2x32x129xf32, #tpu.memory_space<vmem>> -> memref<1x8x128xf32, #tpu.memory_space<vmem>>
    %dma_wait3A_90 = tpu.memref_squeeze %dma_wait3A_89 : memref<1x8x128xf32, #tpu.memory_space<vmem>> -> memref<8x128xf32, #tpu.memory_space<vmem>>
    tpu.wait_dma2 semaphore(%arg10 : memref<!tpu.dma_semaphore, #tpu.memory_space<semaphore_mem>>) src(%dma_wait3A_90 : memref<8x128xf32, #tpu.memory_space<vmem>>) dst(%dma_wait3A_86 : memref<8x128xf32, #tpu.memory_space<hbm>>)
    %mul3A_91 = arith.constant 4 : i32
    %mul3A_92 = arith.muli %add3A, %mul3A_91 : i32
    %add3A_93 = arith.constant 2 : i32
    %add3A_94 = arith.addi %mul3A_92, %add3A_93 : i32
    %dma_wait3A_95 = arith.constant 0 : i32
    %dma_wait3A_96 = arith.constant 49 : i32
    %dma_wait3A_97 = arith.constant 1 : i32
    %dma_wait3A_98 = arith.constant 8 : i32
    %dma_wait3A_99 = arith.constant 0 : i32
    %dma_wait3A_100 = tpu.memref_slice %arg8[%dma_wait3A_95, %dma_wait3A_98, %dma_wait3A_99] : memref<2x32x129xf32, #tpu.memory_space<vmem>> -> memref<1x8x128xf32, #tpu.memory_space<vmem>>
    %dma_wait3A_101 = tpu.memref_squeeze %dma_wait3A_100 : memref<1x8x128xf32, #tpu.memory_space<vmem>> -> memref<8x128xf32, #tpu.memory_space<vmem>>
    %dma_wait3A_102 = arith.constant 0 : i32
    %dma_wait3A_103 = arith.constant 0 : i32
    %dma_wait3A_104 = tpu.memref_slice %arg4[%dma_wait3A_96, %dma_wait3A_97, %add3A_94, %dma_wait3A_102, %dma_wait3A_103] : memref<50x4x128x8x128xf32, #tpu.memory_space<hbm>> -> memref<1x1x1x8x128xf32, #tpu.memory_space<hbm>>
    %dma_wait3A_105 = tpu.memref_squeeze %dma_wait3A_104 : memref<1x1x1x8x128xf32, #tpu.memory_space<hbm>> -> memref<8x128xf32, #tpu.memory_space<hbm>>
    %dma_wait3A_106 = arith.constant 0 : i32
    %dma_wait3A_107 = arith.constant 0 : i32
    %dma_wait3A_108 = tpu.memref_slice %arg4[%dma_wait3A_96, %dma_wait3A_97, %add3A_94, %dma_wait3A_106, %dma_wait3A_107] : memref<50x4x128x8x128xf32, #tpu.memory_space<hbm>> -> memref<1x1x1x8x128xf32, #tpu.memory_space<hbm>>
    %dma_wait3A_109 = tpu.memref_squeeze %dma_wait3A_108 : memref<1x1x1x8x128xf32, #tpu.memory_space<hbm>> -> memref<8x128xf32, #tpu.memory_space<hbm>>
    %dma_wait3A_110 = arith.constant 8 : i32
    %dma_wait3A_111 = arith.constant 0 : i32
    %dma_wait3A_112 = tpu.memref_slice %arg8[%dma_wait3A_95, %dma_wait3A_110, %dma_wait3A_111] : memref<2x32x129xf32, #tpu.memory_space<vmem>> -> memref<1x8x128xf32, #tpu.memory_space<vmem>>
    %dma_wait3A_113 = tpu.memref_squeeze %dma_wait3A_112 : memref<1x8x128xf32, #tpu.memory_space<vmem>> -> memref<8x128xf32, #tpu.memory_space<vmem>>
    tpu.wait_dma2 semaphore(%arg10 : memref<!tpu.dma_semaphore, #tpu.memory_space<semaphore_mem>>) src(%dma_wait3A_113 : memref<8x128xf32, #tpu.memory_space<vmem>>) dst(%dma_wait3A_109 : memref<8x128xf32, #tpu.memory_space<hbm>>)
    %mul3A_114 = arith.constant 4 : i32
    %mul3A_115 = arith.muli %add3A, %mul3A_114 : i32
    %add3A_116 = arith.constant 2 : i32
    %add3A_117 = arith.addi %mul3A_115, %add3A_116 : i32
    %dma_wait3A_118 = arith.constant 0 : i32
    %dma_wait3A_119 = arith.constant 49 : i32
    %dma_wait3A_120 = arith.constant 2 : i32
    %dma_wait3A_121 = arith.constant 16 : i32
    %dma_wait3A_122 = arith.constant 0 : i32
    %dma_wait3A_123 = tpu.memref_slice %arg8[%dma_wait3A_118, %dma_wait3A_121, %dma_wait3A_122] : memref<2x32x129xf32, #tpu.memory_space<vmem>> -> memref<1x8x128xf32, #tpu.memory_space<vmem>>
    %dma_wait3A_124 = tpu.memref_squeeze %dma_wait3A_123 : memref<1x8x128xf32, #tpu.memory_space<vmem>> -> memref<8x128xf32, #tpu.memory_space<vmem>>
    %dma_wait3A_125 = arith.constant 0 : i32
    %dma_wait3A_126 = arith.constant 0 : i32
    %dma_wait3A_127 = tpu.memref_slice %arg4[%dma_wait3A_119, %dma_wait3A_120, %add3A_117, %dma_wait3A_125, %dma_wait3A_126] : memref<50x4x128x8x128xf32, #tpu.memory_space<hbm>> -> memref<1x1x1x8x128xf32, #tpu.memory_space<hbm>>
    %dma_wait3A_128 = tpu.memref_squeeze %dma_wait3A_127 : memref<1x1x1x8x128xf32, #tpu.memory_space<hbm>> -> memref<8x128xf32, #tpu.memory_space<hbm>>
    %dma_wait3A_129 = arith.constant 0 : i32
    %dma_wait3A_130 = arith.constant 0 : i32
    %dma_wait3A_131 = tpu.memref_slice %arg4[%dma_wait3A_119, %dma_wait3A_120, %add3A_117, %dma_wait3A_129, %dma_wait3A_130] : memref<50x4x128x8x128xf32, #tpu.memory_space<hbm>> -> memref<1x1x1x8x128xf32, #tpu.memory_space<hbm>>
    %dma_wait3A_132 = tpu.memref_squeeze %dma_wait3A_131 : memref<1x1x1x8x128xf32, #tpu.memory_space<hbm>> -> memref<8x128xf32, #tpu.memory_space<hbm>>
    %dma_wait3A_133 = arith.constant 16 : i32
    %dma_wait3A_134 = arith.constant 0 : i32
    %dma_wait3A_135 = tpu.memref_slice %arg8[%dma_wait3A_118, %dma_wait3A_133, %dma_wait3A_134] : memref<2x32x129xf32, #tpu.memory_space<vmem>> -> memref<1x8x128xf32, #tpu.memory_space<vmem>>
    %dma_wait3A_136 = tpu.memref_squeeze %dma_wait3A_135 : memref<1x8x128xf32, #tpu.memory_space<vmem>> -> memref<8x128xf32, #tpu.memory_space<vmem>>
    tpu.wait_dma2 semaphore(%arg10 : memref<!tpu.dma_semaphore, #tpu.memory_space<semaphore_mem>>) src(%dma_wait3A_136 : memref<8x128xf32, #tpu.memory_space<vmem>>) dst(%dma_wait3A_132 : memref<8x128xf32, #tpu.memory_space<hbm>>)
    %mul3A_137 = arith.constant 4 : i32
    %mul3A_138 = arith.muli %add3A, %mul3A_137 : i32
    %add3A_139 = arith.constant 2 : i32
    %add3A_140 = arith.addi %mul3A_138, %add3A_139 : i32
    %dma_wait3A_141 = arith.constant 0 : i32
    %dma_wait3A_142 = arith.constant 49 : i32
    %dma_wait3A_143 = arith.constant 3 : i32
    %dma_wait3A_144 = arith.constant 24 : i32
    %dma_wait3A_145 = arith.constant 0 : i32
    %dma_wait3A_146 = tpu.memref_slice %arg8[%dma_wait3A_141, %dma_wait3A_144, %dma_wait3A_145] : memref<2x32x129xf32, #tpu.memory_space<vmem>> -> memref<1x8x128xf32, #tpu.memory_space<vmem>>
    %dma_wait3A_147 = tpu.memref_squeeze %dma_wait3A_146 : memref<1x8x128xf32, #tpu.memory_space<vmem>> -> memref<8x128xf32, #tpu.memory_space<vmem>>
    %dma_wait3A_148 = arith.constant 0 : i32
    %dma_wait3A_149 = arith.constant 0 : i32
    %dma_wait3A_150 = tpu.memref_slice %arg4[%dma_wait3A_142, %dma_wait3A_143, %add3A_140, %dma_wait3A_148, %dma_wait3A_149] : memref<50x4x128x8x128xf32, #tpu.memory_space<hbm>> -> memref<1x1x1x8x128xf32, #tpu.memory_space<hbm>>
    %dma_wait3A_151 = tpu.memref_squeeze %dma_wait3A_150 : memref<1x1x1x8x128xf32, #tpu.memory_space<hbm>> -> memref<8x128xf32, #tpu.memory_space<hbm>>
    %dma_wait3A_152 = arith.constant 0 : i32
    %dma_wait3A_153 = arith.constant 0 : i32
    %dma_wait3A_154 = tpu.memref_slice %arg4[%dma_wait3A_142, %dma_wait3A_143, %add3A_140, %dma_wait3A_152, %dma_wait3A_153] : memref<50x4x128x8x128xf32, #tpu.memory_space<hbm>> -> memref<1x1x1x8x128xf32, #tpu.memory_space<hbm>>
    %dma_wait3A_155 = tpu.memref_squeeze %dma_wait3A_154 : memref<1x1x1x8x128xf32, #tpu.memory_space<hbm>> -> memref<8x128xf32, #tpu.memory_space<hbm>>
    %dma_wait3A_156 = arith.constant 24 : i32
    %dma_wait3A_157 = arith.constant 0 : i32
    %dma_wait3A_158 = tpu.memref_slice %arg8[%dma_wait3A_141, %dma_wait3A_156, %dma_wait3A_157] : memref<2x32x129xf32, #tpu.memory_space<vmem>> -> memref<1x8x128xf32, #tpu.memory_space<vmem>>
    %dma_wait3A_159 = tpu.memref_squeeze %dma_wait3A_158 : memref<1x8x128xf32, #tpu.memory_space<vmem>> -> memref<8x128xf32, #tpu.memory_space<vmem>>
    tpu.wait_dma2 semaphore(%arg10 : memref<!tpu.dma_semaphore, #tpu.memory_space<semaphore_mem>>) src(%dma_wait3A_159 : memref<8x128xf32, #tpu.memory_space<vmem>>) dst(%dma_wait3A_155 : memref<8x128xf32, #tpu.memory_space<hbm>>)
    %mul3A_160 = arith.constant 4 : i32
    %mul3A_161 = arith.muli %add3A, %mul3A_160 : i32
    %add3A_162 = arith.constant 3 : i32
    %add3A_163 = arith.addi %mul3A_161, %add3A_162 : i32
    %dma_wait3A_164 = arith.constant 1 : i32
    %dma_wait3A_165 = arith.constant 49 : i32
    %dma_wait3A_166 = arith.constant 0 : i32
    %dma_wait3A_167 = arith.constant 0 : i32
    %dma_wait3A_168 = arith.constant 0 : i32
    %dma_wait3A_169 = tpu.memref_slice %arg8[%dma_wait3A_164, %dma_wait3A_167, %dma_wait3A_168] : memref<2x32x129xf32, #tpu.memory_space<vmem>> -> memref<1x8x128xf32, #tpu.memory_space<vmem>>
    %dma_wait3A_170 = tpu.memref_squeeze %dma_wait3A_169 : memref<1x8x128xf32, #tpu.memory_space<vmem>> -> memref<8x128xf32, #tpu.memory_space<vmem>>
    %dma_wait3A_171 = arith.constant 0 : i32
    %dma_wait3A_172 = arith.constant 0 : i32
    %dma_wait3A_173 = tpu.memref_slice %arg4[%dma_wait3A_165, %dma_wait3A_166, %add3A_163, %dma_wait3A_171, %dma_wait3A_172] : memref<50x4x128x8x128xf32, #tpu.memory_space<hbm>> -> memref<1x1x1x8x128xf32, #tpu.memory_space<hbm>>
    %dma_wait3A_174 = tpu.memref_squeeze %dma_wait3A_173 : memref<1x1x1x8x128xf32, #tpu.memory_space<hbm>> -> memref<8x128xf32, #tpu.memory_space<hbm>>
    %dma_wait3A_175 = arith.constant 0 : i32
    %dma_wait3A_176 = arith.constant 0 : i32
    %dma_wait3A_177 = tpu.memref_slice %arg4[%dma_wait3A_165, %dma_wait3A_166, %add3A_163, %dma_wait3A_175, %dma_wait3A_176] : memref<50x4x128x8x128xf32, #tpu.memory_space<hbm>> -> memref<1x1x1x8x128xf32, #tpu.memory_space<hbm>>
    %dma_wait3A_178 = tpu.memref_squeeze %dma_wait3A_177 : memref<1x1x1x8x128xf32, #tpu.memory_space<hbm>> -> memref<8x128xf32, #tpu.memory_space<hbm>>
    %dma_wait3A_179 = arith.constant 0 : i32
    %dma_wait3A_180 = arith.constant 0 : i32
    %dma_wait3A_181 = tpu.memref_slice %arg8[%dma_wait3A_164, %dma_wait3A_179, %dma_wait3A_180] : memref<2x32x129xf32, #tpu.memory_space<vmem>> -> memref<1x8x128xf32, #tpu.memory_space<vmem>>
    %dma_wait3A_182 = tpu.memref_squeeze %dma_wait3A_181 : memref<1x8x128xf32, #tpu.memory_space<vmem>> -> memref<8x128xf32, #tpu.memory_space<vmem>>
    tpu.wait_dma2 semaphore(%arg10 : memref<!tpu.dma_semaphore, #tpu.memory_space<semaphore_mem>>) src(%dma_wait3A_182 : memref<8x128xf32, #tpu.memory_space<vmem>>) dst(%dma_wait3A_178 : memref<8x128xf32, #tpu.memory_space<hbm>>)
    %mul3A_183 = arith.constant 4 : i32
    %mul3A_184 = arith.muli %add3A, %mul3A_183 : i32
    %add3A_185 = arith.constant 3 : i32
    %add3A_186 = arith.addi %mul3A_184, %add3A_185 : i32
    %dma_wait3A_187 = arith.constant 1 : i32
    %dma_wait3A_188 = arith.constant 49 : i32
    %dma_wait3A_189 = arith.constant 1 : i32
    %dma_wait3A_190 = arith.constant 8 : i32
    %dma_wait3A_191 = arith.constant 0 : i32
    %dma_wait3A_192 = tpu.memref_slice %arg8[%dma_wait3A_187, %dma_wait3A_190, %dma_wait3A_191] : memref<2x32x129xf32, #tpu.memory_space<vmem>> -> memref<1x8x128xf32, #tpu.memory_space<vmem>>
    %dma_wait3A_193 = tpu.memref_squeeze %dma_wait3A_192 : memref<1x8x128xf32, #tpu.memory_space<vmem>> -> memref<8x128xf32, #tpu.memory_space<vmem>>
    %dma_wait3A_194 = arith.constant 0 : i32
    %dma_wait3A_195 = arith.constant 0 : i32
    %dma_wait3A_196 = tpu.memref_slice %arg4[%dma_wait3A_188, %dma_wait3A_189, %add3A_186, %dma_wait3A_194, %dma_wait3A_195] : memref<50x4x128x8x128xf32, #tpu.memory_space<hbm>> -> memref<1x1x1x8x128xf32, #tpu.memory_space<hbm>>
    %dma_wait3A_197 = tpu.memref_squeeze %dma_wait3A_196 : memref<1x1x1x8x128xf32, #tpu.memory_space<hbm>> -> memref<8x128xf32, #tpu.memory_space<hbm>>
    %dma_wait3A_198 = arith.constant 0 : i32
    %dma_wait3A_199 = arith.constant 0 : i32
    %dma_wait3A_200 = tpu.memref_slice %arg4[%dma_wait3A_188, %dma_wait3A_189, %add3A_186, %dma_wait3A_198, %dma_wait3A_199] : memref<50x4x128x8x128xf32, #tpu.memory_space<hbm>> -> memref<1x1x1x8x128xf32, #tpu.memory_space<hbm>>
    %dma_wait3A_201 = tpu.memref_squeeze %dma_wait3A_200 : memref<1x1x1x8x128xf32, #tpu.memory_space<hbm>> -> memref<8x128xf32, #tpu.memory_space<hbm>>
    %dma_wait3A_202 = arith.constant 8 : i32
    %dma_wait3A_203 = arith.constant 0 : i32
    %dma_wait3A_204 = tpu.memref_slice %arg8[%dma_wait3A_187, %dma_wait3A_202, %dma_wait3A_203] : memref<2x32x129xf32, #tpu.memory_space<vmem>> -> memref<1x8x128xf32, #tpu.memory_space<vmem>>
    %dma_wait3A_205 = tpu.memref_squeeze %dma_wait3A_204 : memref<1x8x128xf32, #tpu.memory_space<vmem>> -> memref<8x128xf32, #tpu.memory_space<vmem>>
    tpu.wait_dma2 semaphore(%arg10 : memref<!tpu.dma_semaphore, #tpu.memory_space<semaphore_mem>>) src(%dma_wait3A_205 : memref<8x128xf32, #tpu.memory_space<vmem>>) dst(%dma_wait3A_201 : memref<8x128xf32, #tpu.memory_space<hbm>>)
    %mul3A_206 = arith.constant 4 : i32
    %mul3A_207 = arith.muli %add3A, %mul3A_206 : i32
    %add3A_208 = arith.constant 3 : i32
    %add3A_209 = arith.addi %mul3A_207, %add3A_208 : i32
    %dma_wait3A_210 = arith.constant 1 : i32
    %dma_wait3A_211 = arith.constant 49 : i32
    %dma_wait3A_212 = arith.constant 2 : i32
    %dma_wait3A_213 = arith.constant 16 : i32
    %dma_wait3A_214 = arith.constant 0 : i32
    %dma_wait3A_215 = tpu.memref_slice %arg8[%dma_wait3A_210, %dma_wait3A_213, %dma_wait3A_214] : memref<2x32x129xf32, #tpu.memory_space<vmem>> -> memref<1x8x128xf32, #tpu.memory_space<vmem>>
    %dma_wait3A_216 = tpu.memref_squeeze %dma_wait3A_215 : memref<1x8x128xf32, #tpu.memory_space<vmem>> -> memref<8x128xf32, #tpu.memory_space<vmem>>
    %dma_wait3A_217 = arith.constant 0 : i32
    %dma_wait3A_218 = arith.constant 0 : i32
    %dma_wait3A_219 = tpu.memref_slice %arg4[%dma_wait3A_211, %dma_wait3A_212, %add3A_209, %dma_wait3A_217, %dma_wait3A_218] : memref<50x4x128x8x128xf32, #tpu.memory_space<hbm>> -> memref<1x1x1x8x128xf32, #tpu.memory_space<hbm>>
    %dma_wait3A_220 = tpu.memref_squeeze %dma_wait3A_219 : memref<1x1x1x8x128xf32, #tpu.memory_space<hbm>> -> memref<8x128xf32, #tpu.memory_space<hbm>>
    %dma_wait3A_221 = arith.constant 0 : i32
    %dma_wait3A_222 = arith.constant 0 : i32
    %dma_wait3A_223 = tpu.memref_slice %arg4[%dma_wait3A_211, %dma_wait3A_212, %add3A_209, %dma_wait3A_221, %dma_wait3A_222] : memref<50x4x128x8x128xf32, #tpu.memory_space<hbm>> -> memref<1x1x1x8x128xf32, #tpu.memory_space<hbm>>
    %dma_wait3A_224 = tpu.memref_squeeze %dma_wait3A_223 : memref<1x1x1x8x128xf32, #tpu.memory_space<hbm>> -> memref<8x128xf32, #tpu.memory_space<hbm>>
    %dma_wait3A_225 = arith.constant 16 : i32
    %dma_wait3A_226 = arith.constant 0 : i32
    %dma_wait3A_227 = tpu.memref_slice %arg8[%dma_wait3A_210, %dma_wait3A_225, %dma_wait3A_226] : memref<2x32x129xf32, #tpu.memory_space<vmem>> -> memref<1x8x128xf32, #tpu.memory_space<vmem>>
    %dma_wait3A_228 = tpu.memref_squeeze %dma_wait3A_227 : memref<1x8x128xf32, #tpu.memory_space<vmem>> -> memref<8x128xf32, #tpu.memory_space<vmem>>
    tpu.wait_dma2 semaphore(%arg10 : memref<!tpu.dma_semaphore, #tpu.memory_space<semaphore_mem>>) src(%dma_wait3A_228 : memref<8x128xf32, #tpu.memory_space<vmem>>) dst(%dma_wait3A_224 : memref<8x128xf32, #tpu.memory_space<hbm>>)
    %mul3A_229 = arith.constant 4 : i32
    %mul3A_230 = arith.muli %add3A, %mul3A_229 : i32
    %add3A_231 = arith.constant 3 : i32
    %add3A_232 = arith.addi %mul3A_230, %add3A_231 : i32
    %dma_wait3A_233 = arith.constant 1 : i32
    %dma_wait3A_234 = arith.constant 49 : i32
    %dma_wait3A_235 = arith.constant 3 : i32
    %dma_wait3A_236 = arith.constant 24 : i32
    %dma_wait3A_237 = arith.constant 0 : i32
    %dma_wait3A_238 = tpu.memref_slice %arg8[%dma_wait3A_233, %dma_wait3A_236, %dma_wait3A_237] : memref<2x32x129xf32, #tpu.memory_space<vmem>> -> memref<1x8x128xf32, #tpu.memory_space<vmem>>
    %dma_wait3A_239 = tpu.memref_squeeze %dma_wait3A_238 : memref<1x8x128xf32, #tpu.memory_space<vmem>> -> memref<8x128xf32, #tpu.memory_space<vmem>>
    %dma_wait3A_240 = arith.constant 0 : i32
    %dma_wait3A_241 = arith.constant 0 : i32
    %dma_wait3A_242 = tpu.memref_slice %arg4[%dma_wait3A_234, %dma_wait3A_235, %add3A_232, %dma_wait3A_240, %dma_wait3A_241] : memref<50x4x128x8x128xf32, #tpu.memory_space<hbm>> -> memref<1x1x1x8x128xf32, #tpu.memory_space<hbm>>
    %dma_wait3A_243 = tpu.memref_squeeze %dma_wait3A_242 : memref<1x1x1x8x128xf32, #tpu.memory_space<hbm>> -> memref<8x128xf32, #tpu.memory_space<hbm>>
    %dma_wait3A_244 = arith.constant 0 : i32
    %dma_wait3A_245 = arith.constant 0 : i32
    %dma_wait3A_246 = tpu.memref_slice %arg4[%dma_wait3A_234, %dma_wait3A_235, %add3A_232, %dma_wait3A_244, %dma_wait3A_245] : memref<50x4x128x8x128xf32, #tpu.memory_space<hbm>> -> memref<1x1x1x8x128xf32, #tpu.memory_space<hbm>>
    %dma_wait3A_247 = tpu.memref_squeeze %dma_wait3A_246 : memref<1x1x1x8x128xf32, #tpu.memory_space<hbm>> -> memref<8x128xf32, #tpu.memory_space<hbm>>
    %dma_wait3A_248 = arith.constant 24 : i32
    %dma_wait3A_249 = arith.constant 0 : i32
    %dma_wait3A_250 = tpu.memref_slice %arg8[%dma_wait3A_233, %dma_wait3A_248, %dma_wait3A_249] : memref<2x32x129xf32, #tpu.memory_space<vmem>> -> memref<1x8x128xf32, #tpu.memory_space<vmem>>
    %dma_wait3A_251 = tpu.memref_squeeze %dma_wait3A_250 : memref<1x8x128xf32, #tpu.memory_space<vmem>> -> memref<8x128xf32, #tpu.memory_space<vmem>>
    tpu.wait_dma2 semaphore(%arg10 : memref<!tpu.dma_semaphore, #tpu.memory_space<semaphore_mem>>) src(%dma_wait3A_251 : memref<8x128xf32, #tpu.memory_space<vmem>>) dst(%dma_wait3A_247 : memref<8x128xf32, #tpu.memory_space<hbm>>)
    return
  }
}

</mosaic_0001>

<sc_bundles>
// kernel: kernel.3.cloned.1.call-start
scs
__scs_entry_jumppad:
0x0: {  	(pc) =	sbr.rel $0x88, $3  }
0x1: {  	(tag) =	ssettag $0x0;
	lr =	simm.s32 $0x1  }
0x2: {  	[smem:$0x3F9F] =	sst lr;
	_ =	strace $0xD0000000  }
0x3: {  	_ = 	snop  }
0x4: {  	_ = 	snop  }
0x5: {  	_ = 	snop  }
0x6: {  	_ = 	snop  }
0x7: {  	_ = 	snop  }
__scs_overlays_trampoline_lowered:
0x8: {  	[smem:$0x3FAE] =	sst s0  }
0x9: {  	[smem:$0x3FAF] =	sst s1  }
0xa: {  	[smem:$0x3FB0] =	sst s2  }
0xb: {  	[smem:$0x3FB1] =	sst s3  }
0xc: {  	[smem:$0x3FB2] =	sst s4  }
0xd: {  	[smem:$0x3FB3] =	sst s5  }
0xe: {  	[smem:$0x3FB4] =	sst s6  }
0xf: {  	[smem:$0x3FB5] =	sst s7  }
0x10: {  	[smem:$0x3FB6] =	sst s8  }
0x11: {  	[smem:$0x3FB7] =	sst s9;
	s0 =	simm.s32 @!p0 $0x0  }
0x12: {  	s1 =	sld [smem:$0x3F9D];
	s0 =	simm.s32 @p0 $0x1  }
0x13: {  	[smem:$0x3FB8] =	sst s0;
	s0 =	simm.s32 @!p1 $0x0  }
0x14: {  	s2 =	sld [smem:$0x3F9C];
	s0 =	simm.s32 @p1 $0x1  }
0x15: {  	[smem:$0x3FB9] =	sst s0;
	s0 =	simm.s32 @!p2 $0x0  }
0x16: {  	s3 =	sld [smem:$0x3FDB];
	s0 =	simm.s32 @p2 $0x1  }
0x17: {  	s4 =	simm.s32 $0x1BF5;
	[smem:$0x3FBB] =	sst s0  }
0x18: {  	s0 =	sld [smem:$0x3F9E];
	_ =	swait.ge [sflag:s4], $0x0  }
0x19: {  	s7 =	sld [smem:$0x3F9F]  }
0x1a: {  	s8 =	sadd.s32 $0xFFFFE003, lr  }
0x1b: {  	s9 =	sadd.s32 $0xFFFFFEF7, lr;
	s5 =	simm.s32 $0xFFFFFFFF;
	p2 =	slt.u32 s8, $0xFFFFF086  }
0x1c: {  	p1 =	slt.u32 s9, $0xF7A;
	s5 =	simm.s32 @!p2 $0x0  }
0x1d: {  	s5 =	simm.s32 @p1 $0x1;
	p0 =	seq.s32 s7, s2  }
0x1e: {  	s7 =	smul.u32 @!p0 $0xF7A, s2;
	p2 =	seq.s32 @!p0 s5, $0x0  }
0x1f: {  	s9 =	smul.u32 $0xF7A, s1;
	s8 =	simm.s32 @!p0 $0x1BF5;
	p2 =	por !p2, p0  }
0x20: {  	[sflag:s8] =	ssyncset.s32 @!p0 $0xFFFFF086;
	s6 =	sadd.s32 @!p0 s3, s7;
	s7 =	simm.s32 @!p0 $0x108  }
0x21: {  	s3 =	sadd.s32 s3, s9;
	s6 =	sadd.s32 @!p0 $0x88, s6;
	s7 =	simm.s32 @p2 $0x1082  }
0x22: {  	[simem:s7], [sflag:s8] =	dma.local @!p0 [hbm:s6], $0xF7A  }
0x23: {  	s9 =	sor.u32 $0xD0000000, s2;
	s6 =	simm.s32 $0x108;
	_ =	swait.ge @!p0 [sflag:s8], $0x0  }
0x24: {  	s3 =	sadd.s32 $0x88, s3;
	s6 =	simm.s32 @!p1 $0x1082;
	[sflag:s4] =	ssyncset.s32 $0xFFFFF086  }
0x25: {  	[simem:s6], [sflag:s4] =	dma.local [hbm:s3], $0xF7A  }
0x26: {  	[smem:$0x3F9F] =	sst s1;
	(tag) =	ssettag s2;
	_ =	strace s9  }
0x27: {  	s1 =	sld [smem:$0x3FAF]  }
0x28: {  	s2 =	sld [smem:$0x3FB0]  }
0x29: {  	s4 =	sld [smem:$0x3FB2]  }
0x2a: {  	p0 =	seq.s32 s5, $0x0;
	s5 =	sld [smem:$0x3FB3]  }
0x2b: {  	s6 =	sld [smem:$0x3FB4]  }
0x2c: {  	s7 =	sld [smem:$0x3FB5]  }
0x2d: {  	s3 =	simm.s32 $0x108;
	s8 =	sld [smem:$0x3FB6]  }
0x2e: {  	s3 =	simm.s32 @!p0 $0x1082;
	s9 =	sld [smem:$0x3FB7]  }
0x2f: {  	lr =	sadd.s32 s0, s3;
	s0 =	sld [smem:$0x3FAE]  }
0x30: {  	s3 =	sld [smem:$0x3FB1]  }
0x31: {  	[smem:$0x3FBA] =	sst s10  }
0x32: {  	s10 =	sld [smem:$0x3FB8];
	_ =	sdelay $0x3  }
0x33: {  	p0 =	seq.s32 s10, $0x1;
	s10 =	sld [smem:$0x3FBA];
	_ =	sdelay $0x3  }
0x34: {  	[smem:$0x3FBA] =	sst s10  }
0x35: {  	s10 =	sld [smem:$0x3FB9];
	_ =	sdelay $0x3  }
0x36: {  	p1 =	seq.s32 s10, $0x1;
	s10 =	sld [smem:$0x3FBA];
	_ =	sdelay $0x3  }
0x37: {  	[smem:$0x3FBA] =	sst s10  }
0x38: {  	s10 =	sld [smem:$0x3FBB]  }
0x39: {  	_ = 	snop;
	(pc) =	sbr.ind lr, $3  }
0x3a: {  	_ = 	snop  }
0x3b: {  	_ = 	snop  }
0x3c: {  	p2 =	seq.s32 s10, $0x1;
	s10 =	sld [smem:$0x3FBA]  }
0x3d: {  	_ =	shalt  }
0x3e: {  	_ =	shalt  }
0x3f: {  	_ =	shalt  }
0x40: {  	_ =	shalt  }
0x41: {  	_ =	shalt  }
0x42: {  	_ =	shalt  }
0x43: {  	_ =	shalt  }
0x44: {  	_ =	shalt  }
0x45: {  	_ =	shalt  }
0x46: {  	_ =	shalt  }
0x47: {  	_ =	shalt  }
0x48: {  	_ =	shalt  }
0x49: {  	_ =	shalt  }
0x4a: {  	_ =	shalt  }
0x4b: {  	_ =	shalt  }
0x4c: {  	_ =	shalt  }
0x4d: {  	_ =	shalt  }
0x4e: {  	_ =	shalt  }
0x4f: {  	_ =	shalt  }
0x50: {  	_ =	shalt  }
0x51: {  	_ =	shalt  }
0x52: {  	_ =	shalt  }
0x53: {  	_ =	shalt  }
0x54: {  	_ =	shalt  }
0x55: {  	_ =	shalt  }
0x56: {  	_ =	shalt  }
0x57: {  	_ =	shalt  }
0x58: {  	_ =	shalt  }
0x59: {  	_ =	shalt  }
0x5a: {  	_ =	shalt  }
0x5b: {  	_ =	shalt  }
0x5c: {  	_ =	shalt  }
0x5d: {  	_ =	shalt  }
0x5e: {  	_ =	shalt  }
0x5f: {  	_ =	shalt  }
0x60: {  	_ =	shalt  }
0x61: {  	_ =	shalt  }
0x62: {  	_ =	shalt  }
0x63: {  	_ =	shalt  }
0x64: {  	_ =	shalt  }
0x65: {  	_ =	shalt  }
0x66: {  	_ =	shalt  }
0x67: {  	_ =	shalt  }
0x68: {  	_ =	shalt  }
0x69: {  	_ =	shalt  }
0x6a: {  	_ =	shalt  }
0x6b: {  	_ =	shalt  }
0x6c: {  	_ =	shalt  }
0x6d: {  	_ =	shalt  }
0x6e: {  	_ =	shalt  }
0x6f: {  	_ =	shalt  }
0x70: {  	_ =	shalt  }
0x71: {  	_ =	shalt  }
0x72: {  	_ =	shalt  }
0x73: {  	_ =	shalt  }
0x74: {  	_ =	shalt  }
0x75: {  	_ =	shalt  }
0x76: {  	_ =	shalt  }
0x77: {  	_ =	shalt  }
0x78: {  	_ =	shalt  }
0x79: {  	_ =	shalt  }
0x7a: {  	_ =	shalt  }
0x7b: {  	_ =	shalt  }
0x7c: {  	_ =	shalt  }
0x7d: {  	_ =	shalt  }
0x7e: {  	_ =	shalt  }
0x7f: {  	_ =	shalt  }
0x80: {  	_ =	shalt  }
0x81: {  	_ =	shalt  }
0x82: {  	_ =	shalt  }
0x83: {  	_ =	shalt  }
0x84: {  	_ =	shalt  }
0x85: {  	_ =	shalt  }
0x86: {  	_ =	shalt  }
0x87: {  	_ =	shalt  }
.Lfunc_end0:
.L_simem_size_0:
called_computation_lowered:
.L_overlay_start_0:
0x88: {  	s2 =	sld [smem:$0x3FD9]  }
0x89: {  	s3 =	sld [smem:$0x3FFE];
	_ =	sdelay $0x1  }
0x8a: {  	s1 =	srdreg.scid  }
0x8b: {  	s0 =	sand.u32 $0x1, s1  }
0x8c: {  	s17 =	sshll.u32 s0, $0xA;
	s2 =	sadd.s32 s3, s2  }
0x8d: {  	s2 =	sadd.s32 s2, s17  }
0x8e: {  	[smem:$0x3FC6] =	sst s2  }
0x8f: {  	_ = 	snop  }
0x90: {  	s2 =	sld [smem:$0x3FD0];
	(tm) =	ssettm $0x1  }
0x91: {  	s18 =	sld [smem:$0x3FFB];
	_ =	sdelay $0x3  }
0x92: {  	_ =	strace s18  }
0x93: {  	s3 =	sld [smem:$0x3FFC];
	_ =	sdelay $0x3  }
0x94: {  	_ =	strace s3  }
0x95: {  	s3 =	sld [smem:$0x3FFD];
	_ =	sdelay $0x3  }
0x96: {  	_ =	strace s3  }
0x97: {  	_ =	strace $0x8FFFFFFF  }
0x98: {  	s19 =	sld [smem:$0x3FDB];
	_ =	sdelay $0x1  }
0x99: {  	s4 =	simm.s32 $_scs_section_size  }
0x9a: {  	s5 =	simm.s32 $_size__tile_overlayer_lowered;
	s6 =	simm.s32 $_tile_overlayer_lowered  }
0x9b: {  	s22 =	simm.s32 $0x1BFF;
	s21 =	sshll.u32 s6, $0x1;
	s3 =	sadd.s32 s4, s19  }
0x9c: {  	s7 =	simm.s32 $0x0;
	s20 =	sshll.u32 s5, $0x1;
	s5 =	sadd.s32 s21, s3  }
0x9d: {  	[timem:s7], [sflag:s22] =	dma.local [hbm:s5], s20  }
0x9e: {  	_ =	swait.ge [sflag:s22], s20  }
0x9f: {  	s4 =	ssub.s32 $0x0, s20;
	[sflag:s22] =	ssyncset.done $0x0  }
0xa0: {  	[sflag:s22] =	ssyncadd.s32 s4;
	_ =	sdelay $0x1  }
0xa1: {  	s23 =	simm.s32 $0x1B8B  }
0xa2: {  	_ =	swait.ge [sflag:s23], $0x1  }
0xa3: {  	[sflag:s23] =	ssyncset.done $0x0  }
0xa4: {  	s25 =	simm.s32 $0x1B8E;
	s24 =	sld [smem:$0x3FFE];
	[sflag:s23] =	ssyncadd.s32 $0xFFFFFFFF  }
0xa5: {  	s26 =	simm.s32 $execute0_lowered;
	[smem:$0x3FD2] =	sst s25  }
0xa6: {  	s5 =	sshll.u32 s26, $0x1;
	_ =	strace $0x80000046;
	[dreg:$0x1] =	wrdreg $0xFFFFFFFF  }
0xa7: {  	s28 =	simm.s32 $_size_execute0_lowered;
	s3 =	sadd.s32 s3, s5;
	[dreg:$0x0] =	wrdreg $0x0  }
0xa8: {  	s5 =	sshll.u32 s28, $0x1;
	[dreg:$0x2] =	wrdreg s3  }
0xa9: {  	[dreg:$0x3] =	wrdreg s5  }
0xaa: {  	[dreg:$0x4] =	wrdreg $0xC0  }
0xab: {  	_ =	task [dreg:s7], $0x5FFFF  }
0xac: {  	[dreg:$0x1] =	wrdreg $0xFFFFFFFF  }
0xad: {  	[dreg:$0x0] =	wrdreg $0x60  }
0xae: {  	[dreg:$0x2] =	wrdreg s24  }
0xaf: {  	[dreg:$0x3] =	wrdreg s2  }
0xb0: {  	[dreg:$0x4] =	wrdreg $0x9  }
0xb1: {  	_ =	task.clear_ibuf [dreg:s7], $0x5FFFF;
	_ =	strace $0x90000046  }
0xb2: {  	s29 =	simm.s32 $0x9;
	_ =	strace $0x80000048  }
0xb3: {  	_ =	swait.ge [sflag:s29], $0x1  }
0xb4: {  	[sflag:s29] =	ssyncadd.s32 $0xFFFFFFFF  }
0xb5: {  	_ =	strace $0x90000048  }
0xb6: {  	_ =	sfence  }
0xb7: {  	s30 =	sld [smem:$0x0];
	_ =	sdelay $0x2  }
0xb8: {  	s31 =	sshll.u32 s1, $0xD;
	s1 =	sshrl.u32 s1, $0x2  }
0xb9: {  	s3 =	sand.u32 $0x4000, s31;
	s1 =	sadd.s32 s1, s30  }
0xba: {  	s0 =	sor.u32 s3, s0;
	s1 =	sshll.u32 s1, $0x11  }
0xbb: {  	s0 =	sor.u32 s1, s0  }
0xbc: {  	s0 =	sadd.s32 $0x8F2B, s0  }
0xbd: {  	[sflag:s0] =	ssyncadd.remote.s32 $0x1  }
0xbe: {  	_ =	sfence.sel $0xFFFF  }
0xbf: {  	[dreg:$0x0] =	wrdreg $0xFFFFFFFF;
	(pc) =	sbr.abs _section_cstart, $3  }
0xc0: {  	[dreg:$0x1] =	wrdreg $0xFFFFFFFF  }
0xc1: {  	_ =	task.clear_ibuf [dreg:s7], $0x2FFFF;
	_ =	strace $0x9FFFFFFF  }
0xc2: {  	(tm) =	ssettm $0x7FFFFFFF  }
0xc3: {  	_ =	shalt  }
tec
execute0_lowered:
.L_overlay_start_1:
0x0: {  	(tag) =	ssettag $0x1  }
0x1: {  	s0 =	rddreg [dreg:$0x0];
	s1 =	srdreg.scid  }
0x2: {  	s3 =	stileid.u32;
	s2 =	rddreg [dreg:$0x1];
	s15 =	simm.s32 $0x7100;
	v30 =	vlaneseq.u32  }
0x3: {  	s9 =	simm.s32 $0x11598;
	s10 =	simm.s32 $0x116A8;
	s11 =	simm.s32 $0x117B8;
	v0 =	vmul.u32 $0x38, v30  }
0x4: {  	s12 =	simm.s32 $0x11950;
	s28 =	simm.s32 $0x11D90;
	s29 =	simm.s32 $0x11EA0;
	v33 =	vimm.s32 $0x0;
	vm0 =	vcmask $0x300  }
0x5: {  	s30 =	simm.s32 $0x11FB0;
	s31 =	simm.s32 $0x131C0;
	s16 =	simm.s32 $0x13248;
	v30 =	vmul.u32 $0x88, v30;
	v33 =	vsel vm0, $0x3, v33;
	v1 =	vadd.s32 $0x380, v0  }
0x6: {  	s18 =	simm.s32 $0x132D0;
	s13 =	simm.s32 $0x13578;
	s8 =	simm.s32 $0x0;
	v2 =	vadd.s32 $0x700, v0;
	v3 =	vadd.s32 $0xA80, v0;
	v4 =	vadd.s32 $0xE00, v0  }
0x7: {  	s1 =	sand.u32 $0x1, s1;
	s4 =	sshll.u32 s3, $0x1;
	s3 =	simm.s32 $0x0;
	v5 =	vadd.s32 $0x1180, v0;
	v6 =	vadd.s32 $0x1500, v0;
	v7 =	vadd.s32 $0x1880, v0  }
0x8: {  	s22 =	sadd.s32 $0x4000, s2;
	s23 =	sadd.s32 $0x8000, s2;
	s24 =	sadd.s32 $0xC000, s2;
	v8 =	vor.u32 $0x1C00, v0;
	v9 =	vadd.s32 $0x1F80, v0;
	v10 =	vadd.s32 $0x2300, v0  }
0x9: {  	s5 =	sor.u32 s1, s4;
	[smem:$0x7FF] =	sst s3;
	s1 =	ssub.s32 $0x2, s1;
	v11 =	vadd.s32 $0x2680, v0;
	v12 =	vadd.s32 $0x2A00, v0;
	v13 =	vadd.s32 $0x2D80, v0  }
0xa: {  	s4 =	smul.u32 $0xE00, s5;
	_ =	strace $0x80000047;
	[dreg:$0x5] =	wrdreg s22;
	v14 =	vadd.s32 $0x3100, v0;
	v15 =	vadd.s32 $0x3480, v0;
	v16 =	vor.u32 $0x3800, v0  }
0xb: {  	s19 =	sshrl.u32 s1, $0x1;
	s21 =	sshll.u32 s5, $0xC;
	[dreg:$0x6] =	wrdreg s23;
	v17 =	vadd.s32 $0x3B80, v0;
	v18 =	vadd.s32 $0x3F00, v0;
	v19 =	vadd.s32 $0x4280, v0  }
0xc: {  	[dreg:$0x7] =	wrdreg s24;
	s24 =	simm.s32 $0x1;
	s23 =	simm.s32 $0x11488;
	v20 =	vadd.s32 $0x4600, v0;
	v21 =	vadd.s32 $0x4980, v0;
	v22 =	vadd.s32 $0x4D00, v0  }
0xd: {  	v23 =	vadd.s32 $0x5080, v0;
	v24 =	vor.u32 $0x5400, v0;
	v25 =	vadd.s32 $0x5780, v0;
	s22 =	simm.s32 $0x13468;
	s5 =	simm.s32 $0x134F0;
	s25 =	sor.u32 $0x400, s21  }
0xe: {  	v26 =	vadd.s32 $0x5B00, v0;
	v27 =	vadd.s32 $0x5E80, v0;
	v28 =	vadd.s32 $0x6200, v0;
	s26 =	sor.u32 $0x800, s21;
	[dreg:$0x4] =	wrdreg s21;
	s6 =	sadd.s32 s4, s0  }
0xf: {  	v29 =	vadd.s32 $0x6580, v0;
	v31 =	vadd.s32 $0x6900, v0;
	v32 =	vadd.s32 $0x6C80, v0;
	s4 =	sadd.s32 $0xF42A00, s0;
	s0 =	ssub.s32 s1, s19;
	[dreg:$0x8] =	wrdreg s25  }
.Ltmp0:
0x10: {  	v34 =	vadd.s32 $0x880, v30;
	v35 =	vor.u32 $0x1, v30;
	v36 =	vadd.s32 $0x881, v30;
	[dreg:$0x9] =	wrdreg s26;
	s1 =	sor.u32 $0xC00, s21;
	(pc) =	sbr.rel .LBB2_1-.Ltmp0, $4  }
0x11: {  	v37 =	vor.u32 $0x2, v30;
	v38 =	vadd.s32 $0x882, v30;
	v39 =	vor.u32 $0x3, v30;
	s25 =	simm.s32 $0x11400;
	s26 =	simm.s32 $0x11B70;
	s19 =	simm.s32 $0x13358  }
0x12: {  	v40 =	vadd.s32 $0x883, v30;
	v41 =	vor.u32 $0x4, v30;
	v42 =	vadd.s32 $0x884, v30;
	s21 =	simm.s32 $0x133E0;
	s20 =	sadd.s32 $0x600, s6;
	[dreg:$0xa] =	wrdreg s1  }
0x13: {  	v43 =	vor.u32 $0x5, v30;
	v44 =	vadd.s32 $0x885, v30;
	v45 =	vor.u32 $0x6, v30;
	s0 =	smax.u32 s0, $0x1;
	s6 =	simm.s32 $0x11A60;
	[dreg:$0x3] =	wrdreg s20  }
0x14: {  	v46 =	vadd.s32 $0x886, v30;
	v47 =	vor.u32 $0x7, v30;
	v48 =	vadd.s32 $0x887, v30;
	s1 =	simm.s32 $0x2;
	[dreg:$0xb] =	wrdreg s0;
	s0 =	simm.s32 $0x12500  }
.LBB2_18:
0x15: {  	_ =	swait.ge [sflag:s1], $0x400  }
0x16: {  	[sflag:s1] =	ssyncset.done $0x0  }
0x17: {  	[sflag:s1] =	ssyncadd.s32 $0xFFFFFC00  }
0x18: {  	_ =	swait.ge [sflag:s1], $0x400  }
0x19: {  	[sflag:s1] =	ssyncset.done $0x0  }
0x1a: {  	[sflag:s1] =	ssyncadd.s32 $0xFFFFFC00  }
0x1b: {  	_ =	swait.ge [sflag:s1], $0x400  }
0x1c: {  	[sflag:s1] =	ssyncset.done $0x0  }
0x1d: {  	[sflag:s1] =	ssyncadd.s32 $0xFFFFFC00  }
0x1e: {  	_ =	swait.ge [sflag:s1], $0x400  }
0x1f: {  	[sflag:s1] =	ssyncset.done $0x0  }
0x20: {  	[sflag:s1] =	ssyncadd.s32 $0xFFFFFC00  }
0x21: {  	_ =	swait.ge [sflag:s1], $0x400  }
0x22: {  	[sflag:s1] =	ssyncset.done $0x0  }
0x23: {  	[sflag:s1] =	ssyncadd.s32 $0xFFFFFC00  }
0x24: {  	_ =	swait.ge [sflag:s1], $0x400  }
0x25: {  	[sflag:s1] =	ssyncset.done $0x0  }
0x26: {  	[sflag:s1] =	ssyncadd.s32 $0xFFFFFC00  }
0x27: {  	_ =	swait.ge [sflag:s1], $0x400  }
0x28: {  	[sflag:s1] =	ssyncset.done $0x0  }
0x29: {  	[sflag:s1] =	ssyncadd.s32 $0xFFFFFC00  }
0x2a: {  	_ =	swait.ge [sflag:s1], $0x400  }
0x2b: {  	s8 =	rddreg [dreg:$0xc]  }
0x2c: {  	s7 =	rddreg [dreg:$0xb];
	s8 =	sadd.s32 $0x1, s8  }
0x2d: {  	p0 =	sne.s32 s8, s7  }
.Ltmp1:
0x2e: {  	_ = 	snop;
	(pc) =	sbr.rel @!p0 .LBB2_19-.Ltmp1, $3  }
0x2f: {  	_ =	sdelay $0x1  }
0x30: {  	[sflag:s1] =	ssyncset.done $0x0  }
0x31: {  	s15 =	simm.s32 $0x7100;
	[sflag:s1] =	ssyncadd.s32 $0xFFFFFC00  }
.LBB2_1:
0x32: {  	v49 =	vmov s3  }
0x33: {  	[dreg:$0xc] =	wrdreg s8;
	v49 =	vand.u32 $0x3F, v49  }
0x34: {  	s7 =	rddreg [dreg:$0x3];
	s17 =	simm.s32 $0x3;
	v50 =	vadd.s32 v0, v49  }
0x35: {  	[tilespmem:s3], [sflag:$0x3] =	stream.linear.gather [hbm4b:s7+s3], $0x7000, $0x38;
	[tilespmem:$0x13600] =	vst v63  }
0x36: {  	_ =	swait.ge [sflag:s17], $0x7000  }
0x37: {  	[sflag:s17] =	ssyncset.done $0x0  }
0x38: {  	[sflag:s17] =	ssyncadd.s32 $0xFFFF9000  }
0x39: {  	v50 =	vld.idx.msk [tilespmem:v50+s3+$0x0], $0xffff  }
0x3a: {  	v51 =	vadd.s32 v1, v49;
	_ =	sdelay $0x3  }
0x3b: {  	[tilespmem:s15+$0xFFFFFF00] =	vst v50  }
0x3c: {  	v50 =	vld.idx.msk [tilespmem:v51+s3+$0x0], $0xffff  }
0x3d: {  	v54 =	vadd.s32 v2, v49;
	_ =	sdelay $0x3  }
0x3e: {  	[tilespmem:s15+$0xFFFFFF10] =	vst v50  }
0x3f: {  	v50 =	vld.idx.msk [tilespmem:v54+s3+$0x0], $0xffff  }
0x40: {  	v55 =	vadd.s32 v3, v49;
	_ =	sdelay $0x3  }
0x41: {  	[tilespmem:s15+$0xFFFFFF20] =	vst v50  }
0x42: {  	v50 =	vld.idx.msk [tilespmem:v55+s3+$0x0], $0xffff  }
0x43: {  	v56 =	vadd.s32 v4, v49;
	_ =	sdelay $0x3  }
0x44: {  	[tilespmem:s15+$0xFFFFFF30] =	vst v50  }
0x45: {  	v50 =	vld.idx.msk [tilespmem:v56+s3+$0x0], $0xffff  }
0x46: {  	v57 =	vadd.s32 v5, v49;
	_ =	sdelay $0x3  }
0x47: {  	[tilespmem:s15+$0xFFFFFF40] =	vst v50  }
0x48: {  	v50 =	vld.idx.msk [tilespmem:v57+s3+$0x0], $0xffff  }
0x49: {  	v58 =	vadd.s32 v6, v49;
	_ =	sdelay $0x3  }
0x4a: {  	[tilespmem:s15+$0xFFFFFF50] =	vst v50  }
0x4b: {  	v50 =	vld.idx.msk [tilespmem:v58+s3+$0x0], $0xffff  }
0x4c: {  	v59 =	vadd.s32 v7, v49;
	_ =	sdelay $0x3  }
0x4d: {  	[tilespmem:s15+$0xFFFFFF60] =	vst v50  }
0x4e: {  	v50 =	vld.idx.msk [tilespmem:v59+s3+$0x0], $0xffff  }
0x4f: {  	v60 =	vadd.s32 v8, v49;
	_ =	sdelay $0x3  }
0x50: {  	[tilespmem:s15+$0xFFFFFF70] =	vst v50  }
0x51: {  	v50 =	vld.idx.msk [tilespmem:v60+s3+$0x0], $0xffff  }
0x52: {  	v61 =	vadd.s32 v9, v49;
	_ =	sdelay $0x3  }
0x53: {  	[tilespmem:s15+$0xFFFFFF80] =	vst v50  }
0x54: {  	v50 =	vld.idx.msk [tilespmem:v61+s3+$0x0], $0xffff  }
0x55: {  	v62 =	vadd.s32 v10, v49;
	_ =	sdelay $0x3  }
0x56: {  	[tilespmem:s15+$0xFFFFFF90] =	vst v50  }
0x57: {  	v50 =	vld.idx.msk [tilespmem:v62+s3+$0x0], $0xffff  }
0x58: {  	v63 =	vadd.s32 v11, v49;
	_ =	sdelay $0x3  }
0x59: {  	[tilespmem:s15+$0xFFFFFFA0] =	vst v50  }
0x5a: {  	v50 =	vld.idx.msk [tilespmem:v63+s3+$0x0], $0xffff  }
0x5b: {  	v54 =	vadd.s32 v12, v49;
	_ =	sdelay $0x3  }
0x5c: {  	[tilespmem:s15+$0xFFFFFFB0] =	vst v50  }
0x5d: {  	v50 =	vld.idx.msk [tilespmem:v54+s3+$0x0], $0xffff  }
0x5e: {  	v55 =	vadd.s32 v13, v49;
	_ =	sdelay $0x3  }
0x5f: {  	[tilespmem:s15+$0xFFFFFFC0] =	vst v50  }
0x60: {  	v50 =	vld.idx.msk [tilespmem:v55+s3+$0x0], $0xffff  }
0x61: {  	v56 =	vadd.s32 v14, v49;
	_ =	sdelay $0x3  }
0x62: {  	[tilespmem:s15+$0xFFFFFFD0] =	vst v50  }
0x63: {  	v50 =	vld.idx.msk [tilespmem:v56+s3+$0x0], $0xffff  }
0x64: {  	v57 =	vadd.s32 v15, v49;
	_ =	sdelay $0x3  }
0x65: {  	[tilespmem:s15+$0xFFFFFFE0] =	vst v50  }
0x66: {  	v50 =	vld.idx.msk [tilespmem:v57+s3+$0x0], $0xffff  }
0x67: {  	v58 =	vadd.s32 v16, v49;
	_ =	sdelay $0x3  }
0x68: {  	[tilespmem:s15+$0xFFFFFFF0] =	vst v50  }
0x69: {  	v50 =	vld.idx.msk [tilespmem:v58+s3+$0x0], $0xffff  }
0x6a: {  	v59 =	vadd.s32 v17, v49;
	_ =	sdelay $0x3  }
0x6b: {  	[tilespmem:s15+$0x0] =	vst v50  }
0x6c: {  	v50 =	vld.idx.msk [tilespmem:v59+s3+$0x0], $0xffff  }
0x6d: {  	v60 =	vadd.s32 v18, v49;
	_ =	sdelay $0x3  }
0x6e: {  	[tilespmem:s15+$0x10] =	vst v50  }
0x6f: {  	v50 =	vld.idx.msk [tilespmem:v60+s3+$0x0], $0xffff  }
0x70: {  	v61 =	vadd.s32 v19, v49;
	_ =	sdelay $0x3  }
0x71: {  	[tilespmem:s15+$0x20] =	vst v50  }
0x72: {  	v50 =	vld.idx.msk [tilespmem:v61+s3+$0x0], $0xffff  }
0x73: {  	v62 =	vadd.s32 v20, v49;
	_ =	sdelay $0x3  }
0x74: {  	[tilespmem:s15+$0x30] =	vst v50  }
0x75: {  	v50 =	vld.idx.msk [tilespmem:v62+s3+$0x0], $0xffff  }
0x76: {  	v63 =	vadd.s32 v21, v49;
	_ =	sdelay $0x3  }
0x77: {  	[tilespmem:s15+$0x40] =	vst v50  }
0x78: {  	v50 =	vld.idx.msk [tilespmem:v63+s3+$0x0], $0xffff  }
0x79: {  	v54 =	vadd.s32 v22, v49;
	_ =	sdelay $0x3  }
0x7a: {  	[tilespmem:s15+$0x50] =	vst v50  }
0x7b: {  	v50 =	vld.idx.msk [tilespmem:v54+s3+$0x0], $0xffff  }
0x7c: {  	v55 =	vadd.s32 v23, v49;
	_ =	sdelay $0x3  }
0x7d: {  	[tilespmem:s15+$0x60] =	vst v50  }
0x7e: {  	v50 =	vld.idx.msk [tilespmem:v55+s3+$0x0], $0xffff  }
0x7f: {  	v56 =	vadd.s32 v24, v49;
	_ =	sdelay $0x3  }
0x80: {  	[tilespmem:s15+$0x70] =	vst v50  }
0x81: {  	v50 =	vld.idx.msk [tilespmem:v56+s3+$0x0], $0xffff  }
0x82: {  	v57 =	vadd.s32 v25, v49;
	_ =	sdelay $0x3  }
0x83: {  	[tilespmem:s15+$0x80] =	vst v50  }
0x84: {  	v50 =	vld.idx.msk [tilespmem:v57+s3+$0x0], $0xffff  }
0x85: {  	v58 =	vadd.s32 v26, v49;
	_ =	sdelay $0x3  }
0x86: {  	[tilespmem:s15+$0x90] =	vst v50  }
0x87: {  	v50 =	vld.idx.msk [tilespmem:v58+s3+$0x0], $0xffff  }
0x88: {  	v59 =	vadd.s32 v27, v49;
	_ =	sdelay $0x3  }
0x89: {  	[tilespmem:s15+$0xA0] =	vst v50  }
0x8a: {  	v50 =	vld.idx.msk [tilespmem:v59+s3+$0x0], $0xffff  }
0x8b: {  	v60 =	vadd.s32 v28, v49;
	_ =	sdelay $0x3  }
0x8c: {  	[tilespmem:s15+$0xB0] =	vst v50  }
0x8d: {  	v50 =	vld.idx.msk [tilespmem:v60+s3+$0x0], $0xffff  }
0x8e: {  	v61 =	vadd.s32 v29, v49;
	_ =	sdelay $0x3  }
0x8f: {  	[tilespmem:s15+$0xC0] =	vst v50  }
0x90: {  	v50 =	vld.idx.msk [tilespmem:v61+s3+$0x0], $0xffff  }
0x91: {  	v62 =	vadd.s32 v31, v49;
	_ =	sdelay $0x3  }
0x92: {  	[tilespmem:s15+$0xD0] =	vst v50  }
0x93: {  	v50 =	vld.idx.msk [tilespmem:v62+s3+$0x0], $0xffff  }
0x94: {  	v63 =	vadd.s32 v32, v49;
	_ =	sdelay $0x3  }
0x95: {  	s20 =	simm.s32 $0x1;
	[tilespmem:s15+$0xE0] =	vst v50  }
0x96: {  	s14 =	simm.s32 $0x7100;
	s17 =	simm.s32 $0x2;
	v49 =	vmov s20;
	v50 =	vld.idx.msk [tilespmem:v63+s3+$0x0], $0xffff  }
.LBB2_2:
0x97: {  	p0 =	sne.s32 s17, $0x31;
	v49 =	vand.u32 $0x3F, v49  }
0x98: {  	v51 =	vadd.s32 v0, v49;
	_ =	sdelay $0x3  }
0x99: {  	[tilespmem:s14+$0xF0] =	vst v50  }
0x9a: {  	v50 =	vld.idx.msk [tilespmem:v51+s3+$0x0], $0xffff;
	_ =	sdelay $0x1  }
0x9b: {  	v51 =	vadd.s32 v1, v49;
	_ =	sdelay $0x2  }
0x9c: {  	s14 =	sadd.s32 $0x200, s14  }
0x9d: {  	[tilespmem:s14+$0xFFFFFF00] =	vst v50  }
0x9e: {  	v50 =	vld.idx.msk [tilespmem:v51+s3+$0x0], $0xffff;
	_ =	sdelay $0x1  }
0x9f: {  	v51 =	vadd.s32 v2, v49;
	_ =	sdelay $0x3  }
0xa0: {  	[tilespmem:s14+$0xFFFFFF10] =	vst v50  }
0xa1: {  	v50 =	vld.idx.msk [tilespmem:v51+s3+$0x0], $0xffff;
	_ =	sdelay $0x1  }
0xa2: {  	v51 =	vadd.s32 v3, v49;
	_ =	sdelay $0x3  }
0xa3: {  	[tilespmem:s14+$0xFFFFFF20] =	vst v50  }
0xa4: {  	v50 =	vld.idx.msk [tilespmem:v51+s3+$0x0], $0xffff;
	_ =	sdelay $0x1  }
0xa5: {  	v51 =	vadd.s32 v4, v49;
	_ =	sdelay $0x3  }
0xa6: {  	[tilespmem:s14+$0xFFFFFF30] =	vst v50  }
0xa7: {  	v50 =	vld.idx.msk [tilespmem:v51+s3+$0x0], $0xffff;
	_ =	sdelay $0x1  }
0xa8: {  	v51 =	vadd.s32 v5, v49;
	_ =	sdelay $0x3  }
0xa9: {  	[tilespmem:s14+$0xFFFFFF40] =	vst v50  }
0xaa: {  	v50 =	vld.idx.msk [tilespmem:v51+s3+$0x0], $0xffff;
	_ =	sdelay $0x1  }
0xab: {  	v51 =	vadd.s32 v6, v49;
	_ =	sdelay $0x3  }
0xac: {  	[tilespmem:s14+$0xFFFFFF50] =	vst v50  }
0xad: {  	v50 =	vld.idx.msk [tilespmem:v51+s3+$0x0], $0xffff;
	_ =	sdelay $0x1  }
0xae: {  	v51 =	vadd.s32 v7, v49;
	_ =	sdelay $0x3  }
0xaf: {  	[tilespmem:s14+$0xFFFFFF60] =	vst v50  }
0xb0: {  	v50 =	vld.idx.msk [tilespmem:v51+s3+$0x0], $0xffff;
	_ =	sdelay $0x1  }
0xb1: {  	v51 =	vadd.s32 v8, v49;
	_ =	sdelay $0x3  }
0xb2: {  	[tilespmem:s14+$0xFFFFFF70] =	vst v50  }
0xb3: {  	v50 =	vld.idx.msk [tilespmem:v51+s3+$0x0], $0xffff;
	_ =	sdelay $0x1  }
0xb4: {  	v51 =	vadd.s32 v9, v49;
	_ =	sdelay $0x3  }
0xb5: {  	[tilespmem:s14+$0xFFFFFF80] =	vst v50  }
0xb6: {  	v50 =	vld.idx.msk [tilespmem:v51+s3+$0x0], $0xffff;
	_ =	sdelay $0x1  }
0xb7: {  	v51 =	vadd.s32 v10, v49;
	_ =	sdelay $0x3  }
0xb8: {  	[tilespmem:s14+$0xFFFFFF90] =	vst v50  }
0xb9: {  	v50 =	vld.idx.msk [tilespmem:v51+s3+$0x0], $0xffff;
	_ =	sdelay $0x1  }
0xba: {  	v51 =	vadd.s32 v11, v49;
	_ =	sdelay $0x3  }
0xbb: {  	[tilespmem:s14+$0xFFFFFFA0] =	vst v50  }
0xbc: {  	v50 =	vld.idx.msk [tilespmem:v51+s3+$0x0], $0xffff;
	_ =	sdelay $0x1  }
0xbd: {  	v51 =	vadd.s32 v12, v49;
	_ =	sdelay $0x3  }
0xbe: {  	[tilespmem:s14+$0xFFFFFFB0] =	vst v50  }
0xbf: {  	v50 =	vld.idx.msk [tilespmem:v51+s3+$0x0], $0xffff;
	_ =	sdelay $0x1  }
0xc0: {  	v51 =	vadd.s32 v13, v49;
	_ =	sdelay $0x3  }
0xc1: {  	[tilespmem:s14+$0xFFFFFFC0] =	vst v50  }
0xc2: {  	v50 =	vld.idx.msk [tilespmem:v51+s3+$0x0], $0xffff;
	_ =	sdelay $0x1  }
0xc3: {  	v51 =	vadd.s32 v14, v49;
	_ =	sdelay $0x3  }
0xc4: {  	[tilespmem:s14+$0xFFFFFFD0] =	vst v50  }
0xc5: {  	v50 =	vld.idx.msk [tilespmem:v51+s3+$0x0], $0xffff;
	_ =	sdelay $0x1  }
0xc6: {  	v51 =	vadd.s32 v15, v49;
	_ =	sdelay $0x3  }
0xc7: {  	[tilespmem:s14+$0xFFFFFFE0] =	vst v50  }
0xc8: {  	v50 =	vld.idx.msk [tilespmem:v51+s3+$0x0], $0xffff;
	_ =	sdelay $0x1  }
0xc9: {  	v51 =	vadd.s32 v16, v49;
	_ =	sdelay $0x3  }
0xca: {  	[tilespmem:s14+$0xFFFFFFF0] =	vst v50  }
0xcb: {  	v50 =	vld.idx.msk [tilespmem:v51+s3+$0x0], $0xffff;
	_ =	sdelay $0x1  }
0xcc: {  	v51 =	vadd.s32 v17, v49;
	_ =	sdelay $0x3  }
0xcd: {  	[tilespmem:s14+$0x0] =	vst v50  }
0xce: {  	v50 =	vld.idx.msk [tilespmem:v51+s3+$0x0], $0xffff;
	_ =	sdelay $0x1  }
0xcf: {  	v51 =	vadd.s32 v18, v49;
	_ =	sdelay $0x3  }
0xd0: {  	[tilespmem:s14+$0x10] =	vst v50  }
0xd1: {  	v50 =	vld.idx.msk [tilespmem:v51+s3+$0x0], $0xffff;
	_ =	sdelay $0x1  }
0xd2: {  	v51 =	vadd.s32 v19, v49;
	_ =	sdelay $0x3  }
0xd3: {  	[tilespmem:s14+$0x20] =	vst v50  }
0xd4: {  	v50 =	vld.idx.msk [tilespmem:v51+s3+$0x0], $0xffff;
	_ =	sdelay $0x1  }
0xd5: {  	v51 =	vadd.s32 v20, v49;
	_ =	sdelay $0x3  }
0xd6: {  	[tilespmem:s14+$0x30] =	vst v50  }
0xd7: {  	v50 =	vld.idx.msk [tilespmem:v51+s3+$0x0], $0xffff;
	_ =	sdelay $0x1  }
0xd8: {  	v51 =	vadd.s32 v21, v49;
	_ =	sdelay $0x3  }
0xd9: {  	[tilespmem:s14+$0x40] =	vst v50  }
0xda: {  	v50 =	vld.idx.msk [tilespmem:v51+s3+$0x0], $0xffff;
	_ =	sdelay $0x1  }
0xdb: {  	v51 =	vadd.s32 v22, v49;
	_ =	sdelay $0x3  }
0xdc: {  	[tilespmem:s14+$0x50] =	vst v50  }
0xdd: {  	v50 =	vld.idx.msk [tilespmem:v51+s3+$0x0], $0xffff;
	_ =	sdelay $0x1  }
0xde: {  	v51 =	vadd.s32 v23, v49;
	_ =	sdelay $0x3  }
0xdf: {  	[tilespmem:s14+$0x60] =	vst v50  }
0xe0: {  	v50 =	vld.idx.msk [tilespmem:v51+s3+$0x0], $0xffff;
	_ =	sdelay $0x1  }
0xe1: {  	v51 =	vadd.s32 v24, v49;
	_ =	sdelay $0x3  }
0xe2: {  	[tilespmem:s14+$0x70] =	vst v50  }
0xe3: {  	v50 =	vld.idx.msk [tilespmem:v51+s3+$0x0], $0xffff;
	_ =	sdelay $0x1  }
0xe4: {  	v51 =	vadd.s32 v25, v49;
	_ =	sdelay $0x3  }
0xe5: {  	[tilespmem:s14+$0x80] =	vst v50  }
0xe6: {  	v50 =	vld.idx.msk [tilespmem:v51+s3+$0x0], $0xffff;
	_ =	sdelay $0x1  }
0xe7: {  	v51 =	vadd.s32 v26, v49;
	_ =	sdelay $0x3  }
0xe8: {  	[tilespmem:s14+$0x90] =	vst v50  }
0xe9: {  	v50 =	vld.idx.msk [tilespmem:v51+s3+$0x0], $0xffff;
	_ =	sdelay $0x1  }
0xea: {  	v51 =	vadd.s32 v27, v49;
	_ =	sdelay $0x3  }
0xeb: {  	[tilespmem:s14+$0xA0] =	vst v50  }
0xec: {  	v50 =	vld.idx.msk [tilespmem:v51+s3+$0x0], $0xffff;
	_ =	sdelay $0x1  }
0xed: {  	v51 =	vadd.s32 v28, v49;
	_ =	sdelay $0x3  }
0xee: {  	[tilespmem:s14+$0xB0] =	vst v50  }
0xef: {  	v50 =	vld.idx.msk [tilespmem:v51+s3+$0x0], $0xffff;
	_ =	sdelay $0x1  }
0xf0: {  	v51 =	vadd.s32 v29, v49;
	_ =	sdelay $0x3  }
0xf1: {  	[tilespmem:s14+$0xC0] =	vst v50  }
0xf2: {  	v50 =	vld.idx.msk [tilespmem:v51+s3+$0x0], $0xffff;
	_ =	sdelay $0x1  }
0xf3: {  	v51 =	vadd.s32 v31, v49;
	_ =	sdelay $0x3  }
0xf4: {  	[tilespmem:s14+$0xD0] =	vst v50  }
0xf5: {  	v50 =	vld.idx.msk [tilespmem:v51+s3+$0x0], $0xffff;
	_ =	sdelay $0x1  }
0xf6: {  	v51 =	vadd.s32 v32, v49  }
.Ltmp2:
0xf7: {  	(pc) =	sbr.rel @p0 .LBB2_2-.Ltmp2, $3  }
0xf8: {  	_ =	sdelay $0x1  }
0xf9: {  	[tilespmem:s14+$0xE0] =	vst v50  }
0xfa: {  	v49 =	vmov s17;
	s17 =	sadd.s32 $0x1, s17;
	v50 =	vld.idx.msk [tilespmem:v51+s3+$0x0], $0xffff  }
0xfb: {  	v49 =	vand.u32 $0x3F, v49  }
0xfc: {  	v51 =	vadd.s32 v0, v49;
	_ =	sdelay $0x3  }
0xfd: {  	[tilespmem:s14+$0xF0] =	vst v50  }
0xfe: {  	v50 =	vld.idx.msk [tilespmem:v51+s3+$0x0], $0xffff  }
0xff: {  	v54 =	vadd.s32 v1, v49;
	_ =	sdelay $0x2  }
0x100: {  	s7 =	sadd.s32 $0x200, s14  }
0x101: {  	[tilespmem:s7+$0xFFFFFF00] =	vst v50  }
0x102: {  	v50 =	vld.idx.msk [tilespmem:v54+s3+$0x0], $0xffff  }
0x103: {  	v55 =	vadd.s32 v2, v49;
	_ =	sdelay $0x3  }
0x104: {  	[tilespmem:s7+$0xFFFFFF10] =	vst v50  }
0x105: {  	v50 =	vld.idx.msk [tilespmem:v55+s3+$0x0], $0xffff  }
0x106: {  	v56 =	vadd.s32 v3, v49;
	_ =	sdelay $0x3  }
0x107: {  	[tilespmem:s7+$0xFFFFFF20] =	vst v50  }
0x108: {  	v50 =	vld.idx.msk [tilespmem:v56+s3+$0x0], $0xffff  }
0x109: {  	v57 =	vadd.s32 v4, v49;
	_ =	sdelay $0x3  }
0x10a: {  	[tilespmem:s7+$0xFFFFFF30] =	vst v50  }
0x10b: {  	v50 =	vld.idx.msk [tilespmem:v57+s3+$0x0], $0xffff  }
0x10c: {  	v58 =	vadd.s32 v5, v49;
	_ =	sdelay $0x3  }
0x10d: {  	[tilespmem:s7+$0xFFFFFF40] =	vst v50  }
0x10e: {  	v50 =	vld.idx.msk [tilespmem:v58+s3+$0x0], $0xffff  }
0x10f: {  	v59 =	vadd.s32 v6, v49;
	_ =	sdelay $0x3  }
0x110: {  	[tilespmem:s7+$0xFFFFFF50] =	vst v50  }
0x111: {  	v50 =	vld.idx.msk [tilespmem:v59+s3+$0x0], $0xffff  }
0x112: {  	v60 =	vadd.s32 v7, v49;
	_ =	sdelay $0x3  }
0x113: {  	[tilespmem:s7+$0xFFFFFF60] =	vst v50  }
0x114: {  	v50 =	vld.idx.msk [tilespmem:v60+s3+$0x0], $0xffff  }
0x115: {  	v61 =	vadd.s32 v8, v49;
	_ =	sdelay $0x3  }
0x116: {  	[tilespmem:s7+$0xFFFFFF70] =	vst v50  }
0x117: {  	v50 =	vld.idx.msk [tilespmem:v61+s3+$0x0], $0xffff  }
0x118: {  	v62 =	vadd.s32 v9, v49;
	_ =	sdelay $0x3  }
0x119: {  	[tilespmem:s7+$0xFFFFFF80] =	vst v50  }
0x11a: {  	v50 =	vld.idx.msk [tilespmem:v62+s3+$0x0], $0xffff  }
0x11b: {  	v63 =	vadd.s32 v10, v49;
	_ =	sdelay $0x3  }
0x11c: {  	[tilespmem:s7+$0xFFFFFF90] =	vst v50  }
0x11d: {  	v50 =	vld.idx.msk [tilespmem:v63+s3+$0x0], $0xffff  }
0x11e: {  	v54 =	vadd.s32 v11, v49;
	_ =	sdelay $0x3  }
0x11f: {  	[tilespmem:s7+$0xFFFFFFA0] =	vst v50  }
0x120: {  	v50 =	vld.idx.msk [tilespmem:v54+s3+$0x0], $0xffff  }
0x121: {  	v55 =	vadd.s32 v12, v49;
	_ =	sdelay $0x3  }
0x122: {  	[tilespmem:s7+$0xFFFFFFB0] =	vst v50  }
0x123: {  	v50 =	vld.idx.msk [tilespmem:v55+s3+$0x0], $0xffff  }
0x124: {  	v56 =	vadd.s32 v13, v49;
	_ =	sdelay $0x3  }
0x125: {  	[tilespmem:s7+$0xFFFFFFC0] =	vst v50  }
0x126: {  	v50 =	vld.idx.msk [tilespmem:v56+s3+$0x0], $0xffff  }
0x127: {  	v57 =	vadd.s32 v14, v49;
	_ =	sdelay $0x3  }
0x128: {  	[tilespmem:s7+$0xFFFFFFD0] =	vst v50  }
0x129: {  	v50 =	vld.idx.msk [tilespmem:v57+s3+$0x0], $0xffff  }
0x12a: {  	v58 =	vadd.s32 v15, v49;
	_ =	sdelay $0x3  }
0x12b: {  	[tilespmem:s7+$0xFFFFFFE0] =	vst v50  }
0x12c: {  	v50 =	vld.idx.msk [tilespmem:v58+s3+$0x0], $0xffff  }
0x12d: {  	v59 =	vadd.s32 v16, v49;
	_ =	sdelay $0x3  }
0x12e: {  	[tilespmem:s7+$0xFFFFFFF0] =	vst v50  }
0x12f: {  	v50 =	vld.idx.msk [tilespmem:v59+s3+$0x0], $0xffff  }
0x130: {  	v60 =	vadd.s32 v17, v49;
	_ =	sdelay $0x3  }
0x131: {  	[tilespmem:s7+$0x0] =	vst v50  }
0x132: {  	v50 =	vld.idx.msk [tilespmem:v60+s3+$0x0], $0xffff  }
0x133: {  	v61 =	vadd.s32 v18, v49;
	_ =	sdelay $0x3  }
0x134: {  	[tilespmem:s7+$0x10] =	vst v50  }
0x135: {  	v50 =	vld.idx.msk [tilespmem:v61+s3+$0x0], $0xffff  }
0x136: {  	v62 =	vadd.s32 v19, v49;
	_ =	sdelay $0x3  }
0x137: {  	[tilespmem:s7+$0x20] =	vst v50  }
0x138: {  	v50 =	vld.idx.msk [tilespmem:v62+s3+$0x0], $0xffff  }
0x139: {  	v63 =	vadd.s32 v20, v49;
	_ =	sdelay $0x3  }
0x13a: {  	[tilespmem:s7+$0x30] =	vst v50  }
0x13b: {  	v50 =	vld.idx.msk [tilespmem:v63+s3+$0x0], $0xffff  }
0x13c: {  	v54 =	vadd.s32 v21, v49;
	_ =	sdelay $0x3  }
0x13d: {  	[tilespmem:s7+$0x40] =	vst v50  }
0x13e: {  	v50 =	vld.idx.msk [tilespmem:v54+s3+$0x0], $0xffff  }
0x13f: {  	v55 =	vadd.s32 v22, v49;
	_ =	sdelay $0x3  }
0x140: {  	[tilespmem:s7+$0x50] =	vst v50  }
0x141: {  	v50 =	vld.idx.msk [tilespmem:v55+s3+$0x0], $0xffff  }
0x142: {  	v56 =	vadd.s32 v23, v49;
	_ =	sdelay $0x3  }
0x143: {  	[tilespmem:s7+$0x60] =	vst v50  }
0x144: {  	v50 =	vld.idx.msk [tilespmem:v56+s3+$0x0], $0xffff  }
0x145: {  	v57 =	vadd.s32 v24, v49;
	_ =	sdelay $0x3  }
0x146: {  	[tilespmem:s7+$0x70] =	vst v50  }
0x147: {  	v50 =	vld.idx.msk [tilespmem:v57+s3+$0x0], $0xffff  }
0x148: {  	v58 =	vadd.s32 v25, v49;
	_ =	sdelay $0x3  }
0x149: {  	[tilespmem:s7+$0x80] =	vst v50  }
0x14a: {  	v50 =	vld.idx.msk [tilespmem:v58+s3+$0x0], $0xffff  }
0x14b: {  	v59 =	vadd.s32 v26, v49;
	_ =	sdelay $0x3  }
0x14c: {  	[tilespmem:s7+$0x90] =	vst v50  }
0x14d: {  	v50 =	vld.idx.msk [tilespmem:v59+s3+$0x0], $0xffff  }
0x14e: {  	v60 =	vadd.s32 v27, v49;
	_ =	sdelay $0x3  }
0x14f: {  	[tilespmem:s7+$0xA0] =	vst v50  }
0x150: {  	v50 =	vld.idx.msk [tilespmem:v60+s3+$0x0], $0xffff  }
0x151: {  	v61 =	vadd.s32 v28, v49;
	_ =	sdelay $0x3  }
0x152: {  	[tilespmem:s7+$0xB0] =	vst v50  }
0x153: {  	v50 =	vld.idx.msk [tilespmem:v61+s3+$0x0], $0xffff  }
0x154: {  	v62 =	vadd.s32 v29, v49;
	_ =	sdelay $0x3  }
0x155: {  	[tilespmem:s7+$0xC0] =	vst v50  }
0x156: {  	v50 =	vld.idx.msk [tilespmem:v62+s3+$0x0], $0xffff  }
0x157: {  	v63 =	vadd.s32 v31, v49;
	_ =	sdelay $0x3  }
0x158: {  	[tilespmem:s7+$0xD0] =	vst v50  }
0x159: {  	v50 =	vld.idx.msk [tilespmem:v63+s3+$0x0], $0xffff  }
0x15a: {  	v49 =	vadd.s32 v32, v49;
	_ =	sdelay $0x3  }
0x15b: {  	[tilespmem:s7+$0xE0] =	vst v50  }
0x15c: {  	v49 =	vld.idx.msk [tilespmem:v49+s3+$0x0], $0xffff;
	_ =	sdelay $0x4  }
0x15d: {  	s8 =	simm.s32 $0x7000;
	s20 =	simm.s32 $0xD400;
	[tilespmem:s7+$0xF0] =	vst v49;
	s7 =	simm.s32 $0x80  }
0x15e: {  	[tilespmem:s20], [sflag:$0x1] =	stream.indirect.gather [hbm4b:s4+s7], $0x20, s8, s7, $0xb8;
	[tilespmem:$0x13600] =	vst v63  }
0x15f: {  	s17 =	simm.s32 $0x7080;
	s20 =	simm.s32 $0xE400  }
0x160: {  	[tilespmem:s20], [sflag:$0x1] =	stream.indirect.gather [hbm4b:s4+s7], $0x20, s17, s7, $0xb8;
	[tilespmem:$0x13600] =	vst v63  }
0x161: {  	s14 =	simm.s32 $0xF400  }
0x162: {  	[tilespmem:s14], [sflag:$0x1] =	stream.indirect.gather [hbm4b:s4+s7], $0x20, s15, s7, $0xb8;
	[tilespmem:$0x13600] =	vst v63  }
0x163: {  	s17 =	simm.s32 $0x7180;
	s20 =	simm.s32 $0x10400;
	s14 =	simm.s32 $0x0  }
0x164: {  	[tilespmem:s20], [sflag:$0x1] =	stream.indirect.gather [hbm4b:s4+s7], $0x20, s17, s7, $0xb8;
	[tilespmem:$0x13600] =	vst v63  }
.LBB2_4:
0x165: {  	_ =	swait.ge [sflag:s24], $0x1000  }
0x166: {  	p0 =	seq.s32 s14, $0x0;
	[sflag:s24] =	ssyncset.done $0x0  }
0x167: {  	s7 =	simm.s32 @!p0 $0x2;
	[sflag:s24] =	ssyncadd.s32 $0xFFFFF000  }
0x168: {  	_ =	swait.ge @!p0 [sflag:s7], $0x400  }
0x169: {  	[sflag:s7] =	ssyncset.done @!p0 $0x0  }
0x16a: {  	[sflag:s7] =	ssyncadd.s32 @!p0 $0xFFFFFC00  }
0x16b: {  	_ =	swait.ge @!p0 [sflag:s7], $0x400  }
0x16c: {  	[sflag:s7] =	ssyncset.done @!p0 $0x0  }
0x16d: {  	[sflag:s7] =	ssyncadd.s32 @!p0 $0xFFFFFC00  }
0x16e: {  	s8 =	simm.s32 $0x0;
	_ =	swait.ge @!p0 [sflag:s7], $0x400  }
0x16f: {  	v49 =	vmov s8;
	[sflag:s7] =	ssyncset.done @!p0 $0x0  }
0x170: {  	v49 =	vshrl.u32 v49, $0x3;
	[sflag:s7] =	ssyncadd.s32 @!p0 $0xFFFFFC00  }
0x171: {  	v49 =	vshll.u32 v49, v33;
	_ =	swait.ge @!p0 [sflag:s7], $0x400  }
0x172: {  	v49 =	vbroadcast v49, $0x0;
	[sflag:s7] =	ssyncset.done @!p0 $0x0  }
0x173: {  	s17 =	simm.s32 $0xD480;
	[sflag:s7] =	ssyncadd.s32 @!p0 $0xFFFFFC00  }
0x174: {  	v51 =	vadd.s32 v30, v49;
	v50 =	vld [tilespmem:s17+$0xFFFFFF80];
	_ =	sdelay $0x4  }
0x175: {  	[tilespmem:v51+s25+$0x0] =	vst.idx.msk $0xffff, v50  }
0x176: {  	s20 =	simm.s32 $0x1;
	v49 =	vadd.s32 v34, v49;
	v50 =	vld [tilespmem:s17+$0xFFFFFF90]  }
0x177: {  	v54 =	vmov s20  }
0x178: {  	v51 =	vshrl.u32 v54, $0x3  }
0x179: {  	v51 =	vshll.u32 v51, v33  }
0x17a: {  	v51 =	vbroadcast v51, $0x0  }
0x17b: {  	[tilespmem:v49+s25+$0x0] =	vst.idx.msk $0xffff, v50  }
0x17c: {  	v55 =	vadd.s32 v35, v51;
	v49 =	vld [tilespmem:s17+$0xFFFFFFA0];
	_ =	sdelay $0x4  }
0x17d: {  	[tilespmem:v55+s25+$0x0] =	vst.idx.msk $0xffff, v49  }
0x17e: {  	s8 =	simm.s32 $0x2;
	v56 =	vadd.s32 v36, v51;
	v49 =	vld [tilespmem:s17+$0xFFFFFFB0]  }
0x17f: {  	v57 =	vmov s8  }
0x180: {  	v51 =	vshrl.u32 v57, $0x3  }
0x181: {  	v51 =	vshll.u32 v51, v33  }
0x182: {  	v51 =	vbroadcast v51, $0x0  }
0x183: {  	[tilespmem:v56+s25+$0x0] =	vst.idx.msk $0xffff, v49  }
0x184: {  	v58 =	vadd.s32 v37, v51;
	v49 =	vld [tilespmem:s17+$0xFFFFFFC0];
	_ =	sdelay $0x4  }
0x185: {  	[tilespmem:v58+s25+$0x0] =	vst.idx.msk $0xffff, v49  }
0x186: {  	s15 =	simm.s32 $0x3;
	v59 =	vadd.s32 v38, v51;
	v49 =	vld [tilespmem:s17+$0xFFFFFFD0]  }
0x187: {  	v60 =	vmov s15  }
0x188: {  	v51 =	vshrl.u32 v60, $0x3  }
0x189: {  	v51 =	vshll.u32 v51, v33  }
0x18a: {  	v51 =	vbroadcast v51, $0x0  }
0x18b: {  	[tilespmem:v59+s25+$0x0] =	vst.idx.msk $0xffff, v49  }
0x18c: {  	v61 =	vadd.s32 v39, v51;
	v49 =	vld [tilespmem:s17+$0xFFFFFFE0];
	_ =	sdelay $0x4  }
0x18d: {  	[tilespmem:v61+s25+$0x0] =	vst.idx.msk $0xffff, v49  }
0x18e: {  	s20 =	simm.s32 $0x4;
	v62 =	vadd.s32 v40, v51;
	v49 =	vld [tilespmem:s17+$0xFFFFFFF0]  }
0x18f: {  	v63 =	vmov s20  }
0x190: {  	v51 =	vshrl.u32 v63, $0x3  }
0x191: {  	v51 =	vshll.u32 v51, v33  }
0x192: {  	v51 =	vbroadcast v51, $0x0  }
0x193: {  	[tilespmem:v62+s25+$0x0] =	vst.idx.msk $0xffff, v49  }
0x194: {  	v54 =	vadd.s32 v41, v51;
	v49 =	vld [tilespmem:s17+$0x0];
	_ =	sdelay $0x4  }
0x195: {  	[tilespmem:v54+s25+$0x0] =	vst.idx.msk $0xffff, v49  }
0x196: {  	s8 =	simm.s32 $0x5;
	v55 =	vadd.s32 v42, v51;
	v49 =	vld [tilespmem:s17+$0x10]  }
0x197: {  	v56 =	vmov s8  }
0x198: {  	v51 =	vshrl.u32 v56, $0x3  }
0x199: {  	v51 =	vshll.u32 v51, v33  }
0x19a: {  	v51 =	vbroadcast v51, $0x0  }
0x19b: {  	[tilespmem:v55+s25+$0x0] =	vst.idx.msk $0xffff, v49  }
0x19c: {  	v57 =	vadd.s32 v43, v51;
	v49 =	vld [tilespmem:s17+$0x20];
	_ =	sdelay $0x4  }
0x19d: {  	[tilespmem:v57+s25+$0x0] =	vst.idx.msk $0xffff, v49  }
0x19e: {  	s15 =	simm.s32 $0x6;
	v58 =	vadd.s32 v44, v51;
	v49 =	vld [tilespmem:s17+$0x30]  }
0x19f: {  	v59 =	vmov s15  }
0x1a0: {  	v51 =	vshrl.u32 v59, $0x3  }
0x1a1: {  	v51 =	vshll.u32 v51, v33  }
0x1a2: {  	v51 =	vbroadcast v51, $0x0  }
0x1a3: {  	[tilespmem:v58+s25+$0x0] =	vst.idx.msk $0xffff, v49  }
0x1a4: {  	v60 =	vadd.s32 v45, v51;
	v49 =	vld [tilespmem:s17+$0x40];
	_ =	sdelay $0x4  }
0x1a5: {  	[tilespmem:v60+s25+$0x0] =	vst.idx.msk $0xffff, v49  }
0x1a6: {  	s20 =	simm.s32 $0x7;
	v61 =	vadd.s32 v46, v51;
	v49 =	vld [tilespmem:s17+$0x50]  }
0x1a7: {  	v62 =	vmov s20  }
0x1a8: {  	v51 =	vshrl.u32 v62, $0x3  }
0x1a9: {  	v51 =	vshll.u32 v51, v33  }
0x1aa: {  	v51 =	vbroadcast v51, $0x0  }
0x1ab: {  	[tilespmem:v61+s25+$0x0] =	vst.idx.msk $0xffff, v49  }
0x1ac: {  	v63 =	vadd.s32 v47, v51;
	v49 =	vld [tilespmem:s17+$0x60];
	_ =	sdelay $0x4  }
0x1ad: {  	[tilespmem:v63+s25+$0x0] =	vst.idx.msk $0xffff, v49  }
0x1ae: {  	s20 =	simm.s32 $0x8;
	v50 =	vadd.s32 v48, v51;
	v49 =	vld [tilespmem:s17+$0x70]  }
0x1af: {  	s15 =	simm.s32 $0x10;
	v51 =	vmov s20  }
.LBB2_5:
0x1b0: {  	p1 =	slt.u32 s15, $0x78;
	v51 =	vshrl.u32 v51, $0x3  }
0x1b1: {  	v51 =	vshll.u32 v51, v33  }
0x1b2: {  	v51 =	vbroadcast v51, $0x0  }
0x1b3: {  	s17 =	sadd.s32 $0x100, s17;
	[tilespmem:v50+s25+$0x0] =	vst.idx.msk $0xffff, v49  }
0x1b4: {  	v49 =	vld [tilespmem:s17+$0xFFFFFF80];
	v50 =	vadd.s32 v30, v51;
	_ =	sdelay $0x4  }
0x1b5: {  	[tilespmem:v50+s25+$0x0] =	vst.idx.msk $0xffff, v49  }
0x1b6: {  	s7 =	sadd.s32 $0x1, s20;
	v50 =	vadd.s32 v34, v51;
	v49 =	vld [tilespmem:s17+$0xFFFFFF90]  }
0x1b7: {  	v51 =	vmov s7  }
0x1b8: {  	v51 =	vshrl.u32 v51, $0x3  }
0x1b9: {  	v51 =	vshll.u32 v51, v33  }
0x1ba: {  	v51 =	vbroadcast v51, $0x0  }
0x1bb: {  	[tilespmem:v50+s25+$0x0] =	vst.idx.msk $0xffff, v49  }
0x1bc: {  	v50 =	vadd.s32 v35, v51;
	v49 =	vld [tilespmem:s17+$0xFFFFFFA0];
	_ =	sdelay $0x4  }
0x1bd: {  	[tilespmem:v50+s25+$0x0] =	vst.idx.msk $0xffff, v49  }
0x1be: {  	s7 =	sadd.s32 $0x2, s20;
	v50 =	vadd.s32 v36, v51;
	v49 =	vld [tilespmem:s17+$0xFFFFFFB0]  }
0x1bf: {  	v51 =	vmov s7  }
0x1c0: {  	v51 =	vshrl.u32 v51, $0x3  }
0x1c1: {  	v51 =	vshll.u32 v51, v33  }
0x1c2: {  	v51 =	vbroadcast v51, $0x0  }
0x1c3: {  	[tilespmem:v50+s25+$0x0] =	vst.idx.msk $0xffff, v49  }
0x1c4: {  	v50 =	vadd.s32 v37, v51;
	v49 =	vld [tilespmem:s17+$0xFFFFFFC0];
	_ =	sdelay $0x4  }
0x1c5: {  	[tilespmem:v50+s25+$0x0] =	vst.idx.msk $0xffff, v49  }
0x1c6: {  	s7 =	sadd.s32 $0x3, s20;
	v50 =	vadd.s32 v38, v51;
	v49 =	vld [tilespmem:s17+$0xFFFFFFD0]  }
0x1c7: {  	v51 =	vmov s7  }
0x1c8: {  	v51 =	vshrl.u32 v51, $0x3  }
0x1c9: {  	v51 =	vshll.u32 v51, v33  }
0x1ca: {  	v51 =	vbroadcast v51, $0x0  }
0x1cb: {  	[tilespmem:v50+s25+$0x0] =	vst.idx.msk $0xffff, v49  }
0x1cc: {  	v50 =	vadd.s32 v39, v51;
	v49 =	vld [tilespmem:s17+$0xFFFFFFE0];
	_ =	sdelay $0x4  }
0x1cd: {  	[tilespmem:v50+s25+$0x0] =	vst.idx.msk $0xffff, v49  }
0x1ce: {  	s7 =	sadd.s32 $0x4, s20;
	v50 =	vadd.s32 v40, v51;
	v49 =	vld [tilespmem:s17+$0xFFFFFFF0]  }
0x1cf: {  	v51 =	vmov s7  }
0x1d0: {  	v51 =	vshrl.u32 v51, $0x3  }
0x1d1: {  	v51 =	vshll.u32 v51, v33  }
0x1d2: {  	v51 =	vbroadcast v51, $0x0  }
0x1d3: {  	[tilespmem:v50+s25+$0x0] =	vst.idx.msk $0xffff, v49  }
0x1d4: {  	v50 =	vadd.s32 v41, v51;
	v49 =	vld [tilespmem:s17+$0x0];
	_ =	sdelay $0x4  }
0x1d5: {  	[tilespmem:v50+s25+$0x0] =	vst.idx.msk $0xffff, v49  }
0x1d6: {  	s7 =	sadd.s32 $0x5, s20;
	v50 =	vadd.s32 v42, v51;
	v49 =	vld [tilespmem:s17+$0x10]  }
0x1d7: {  	v51 =	vmov s7  }
0x1d8: {  	v51 =	vshrl.u32 v51, $0x3  }
0x1d9: {  	v51 =	vshll.u32 v51, v33  }
0x1da: {  	v51 =	vbroadcast v51, $0x0  }
0x1db: {  	[tilespmem:v50+s25+$0x0] =	vst.idx.msk $0xffff, v49  }
0x1dc: {  	v50 =	vadd.s32 v43, v51;
	v49 =	vld [tilespmem:s17+$0x20];
	_ =	sdelay $0x4  }
0x1dd: {  	[tilespmem:v50+s25+$0x0] =	vst.idx.msk $0xffff, v49  }
0x1de: {  	s7 =	sadd.s32 $0x6, s20;
	v50 =	vadd.s32 v44, v51;
	v49 =	vld [tilespmem:s17+$0x30]  }
0x1df: {  	v51 =	vmov s7  }
0x1e0: {  	v51 =	vshrl.u32 v51, $0x3  }
0x1e1: {  	v51 =	vshll.u32 v51, v33  }
0x1e2: {  	v51 =	vbroadcast v51, $0x0  }
0x1e3: {  	[tilespmem:v50+s25+$0x0] =	vst.idx.msk $0xffff, v49  }
0x1e4: {  	v50 =	vadd.s32 v45, v51;
	v49 =	vld [tilespmem:s17+$0x40];
	_ =	sdelay $0x4  }
0x1e5: {  	[tilespmem:v50+s25+$0x0] =	vst.idx.msk $0xffff, v49  }
0x1e6: {  	s7 =	sadd.s32 $0x7, s20;
	s20 =	smov.u32 s15;
	v50 =	vadd.s32 v46, v51;
	v49 =	vld [tilespmem:s17+$0x50]  }
0x1e7: {  	v51 =	vmov s7  }
0x1e8: {  	v51 =	vshrl.u32 v51, $0x3  }
0x1e9: {  	v51 =	vshll.u32 v51, v33  }
0x1ea: {  	v51 =	vbroadcast v51, $0x0  }
0x1eb: {  	[tilespmem:v50+s25+$0x0] =	vst.idx.msk $0xffff, v49  }
0x1ec: {  	v50 =	vadd.s32 v47, v51;
	v49 =	vld [tilespmem:s17+$0x60];
	_ =	sdelay $0x2  }
.Ltmp3:
0x1ed: {  	(pc) =	sbr.rel @p1 .LBB2_5-.Ltmp3, $4  }
0x1ee: {  	_ = 	snop  }
0x1ef: {  	[tilespmem:v50+s25+$0x0] =	vst.idx.msk $0xffff, v49  }
0x1f0: {  	v50 =	vadd.s32 v48, v51;
	v49 =	vld [tilespmem:s17+$0x70]  }
0x1f1: {  	s15 =	sadd.s32 $0x8, s15;
	v51 =	vmov s20  }
0x1f2: {  	_ = 	snop  }
0x1f3: {  	v51 =	vshrl.u32 v51, $0x3  }
0x1f4: {  	v51 =	vshll.u32 v51, v33  }
0x1f5: {  	v51 =	vbroadcast v51, $0x0  }
0x1f6: {  	s7 =	sadd.s32 $0x100, s17;
	[tilespmem:v50+s25+$0x0] =	vst.idx.msk $0xffff, v49  }
0x1f7: {  	v49 =	vld [tilespmem:s7+$0xFFFFFF80];
	v62 =	vadd.s32 v30, v51;
	_ =	sdelay $0x4  }
0x1f8: {  	[tilespmem:v62+s25+$0x0] =	vst.idx.msk $0xffff, v49  }
0x1f9: {  	s15 =	sadd.s32 $0x1, s20;
	v63 =	vadd.s32 v34, v51;
	v49 =	vld [tilespmem:s7+$0xFFFFFF90]  }
0x1fa: {  	v54 =	vmov s15  }
0x1fb: {  	v51 =	vshrl.u32 v54, $0x3  }
0x1fc: {  	v51 =	vshll.u32 v51, v33  }
0x1fd: {  	v51 =	vbroadcast v51, $0x0  }
0x1fe: {  	[tilespmem:v63+s25+$0x0] =	vst.idx.msk $0xffff, v49  }
0x1ff: {  	v55 =	vadd.s32 v35, v51;
	v49 =	vld [tilespmem:s7+$0xFFFFFFA0];
	_ =	sdelay $0x4  }
0x200: {  	[tilespmem:v55+s25+$0x0] =	vst.idx.msk $0xffff, v49  }
0x201: {  	s8 =	sadd.s32 $0x2, s20;
	v56 =	vadd.s32 v36, v51;
	v49 =	vld [tilespmem:s7+$0xFFFFFFB0]  }
0x202: {  	v57 =	vmov s8  }
0x203: {  	v51 =	vshrl.u32 v57, $0x3  }
0x204: {  	v51 =	vshll.u32 v51, v33  }
0x205: {  	v51 =	vbroadcast v51, $0x0  }
0x206: {  	[tilespmem:v56+s25+$0x0] =	vst.idx.msk $0xffff, v49  }
0x207: {  	v58 =	vadd.s32 v37, v51;
	v49 =	vld [tilespmem:s7+$0xFFFFFFC0];
	_ =	sdelay $0x4  }
0x208: {  	[tilespmem:v58+s25+$0x0] =	vst.idx.msk $0xffff, v49  }
0x209: {  	s17 =	sadd.s32 $0x3, s20;
	v59 =	vadd.s32 v38, v51;
	v49 =	vld [tilespmem:s7+$0xFFFFFFD0]  }
0x20a: {  	v60 =	vmov s17  }
0x20b: {  	v51 =	vshrl.u32 v60, $0x3  }
0x20c: {  	v51 =	vshll.u32 v51, v33  }
0x20d: {  	v51 =	vbroadcast v51, $0x0  }
0x20e: {  	[tilespmem:v59+s25+$0x0] =	vst.idx.msk $0xffff, v49  }
0x20f: {  	v61 =	vadd.s32 v39, v51;
	v49 =	vld [tilespmem:s7+$0xFFFFFFE0];
	_ =	sdelay $0x4  }
0x210: {  	[tilespmem:v61+s25+$0x0] =	vst.idx.msk $0xffff, v49  }
0x211: {  	s8 =	sadd.s32 $0x4, s20;
	v62 =	vadd.s32 v40, v51;
	v49 =	vld [tilespmem:s7+$0xFFFFFFF0]  }
0x212: {  	v63 =	vmov s8  }
0x213: {  	v51 =	vshrl.u32 v63, $0x3  }
0x214: {  	v51 =	vshll.u32 v51, v33  }
0x215: {  	v51 =	vbroadcast v51, $0x0  }
0x216: {  	[tilespmem:v62+s25+$0x0] =	vst.idx.msk $0xffff, v49  }
0x217: {  	v53 =	vadd.s32 v41, v51;
	v49 =	vld [tilespmem:s7+$0x0];
	_ =	sdelay $0x4  }
0x218: {  	[tilespmem:v53+s25+$0x0] =	vst.idx.msk $0xffff, v49  }
0x219: {  	s17 =	sadd.s32 $0x5, s20;
	v54 =	vadd.s32 v42, v51;
	v49 =	vld [tilespmem:s7+$0x10]  }
0x21a: {  	v55 =	vmov s17  }
0x21b: {  	v51 =	vshrl.u32 v55, $0x3  }
0x21c: {  	v51 =	vshll.u32 v51, v33  }
0x21d: {  	v51 =	vbroadcast v51, $0x0  }
0x21e: {  	[tilespmem:v54+s25+$0x0] =	vst.idx.msk $0xffff, v49  }
0x21f: {  	v56 =	vadd.s32 v43, v51;
	v49 =	vld [tilespmem:s7+$0x20];
	_ =	sdelay $0x4  }
0x220: {  	[tilespmem:v56+s25+$0x0] =	vst.idx.msk $0xffff, v49  }
0x221: {  	s8 =	sadd.s32 $0x6, s20;
	v57 =	vadd.s32 v44, v51;
	v49 =	vld [tilespmem:s7+$0x30]  }
0x222: {  	v58 =	vmov s8  }
0x223: {  	v51 =	vshrl.u32 v58, $0x3  }
0x224: {  	v51 =	vshll.u32 v51, v33  }
0x225: {  	v51 =	vbroadcast v51, $0x0  }
0x226: {  	[tilespmem:v57+s25+$0x0] =	vst.idx.msk $0xffff, v49  }
0x227: {  	v59 =	vadd.s32 v45, v51;
	v49 =	vld [tilespmem:s7+$0x40];
	_ =	sdelay $0x4  }
0x228: {  	[tilespmem:v59+s25+$0x0] =	vst.idx.msk $0xffff, v49  }
0x229: {  	s17 =	sadd.s32 $0x7, s20;
	v60 =	vadd.s32 v46, v51;
	v49 =	vld [tilespmem:s7+$0x50]  }
0x22a: {  	v61 =	vmov s17  }
0x22b: {  	v51 =	vshrl.u32 v61, $0x3  }
0x22c: {  	v51 =	vshll.u32 v51, v33  }
0x22d: {  	v51 =	vbroadcast v51, $0x0  }
0x22e: {  	[tilespmem:v60+s25+$0x0] =	vst.idx.msk $0xffff, v49  }
0x22f: {  	v62 =	vadd.s32 v47, v51;
	v49 =	vld [tilespmem:s7+$0x60];
	_ =	sdelay $0x4  }
0x230: {  	[tilespmem:v62+s25+$0x0] =	vst.idx.msk $0xffff, v49  }
0x231: {  	v63 =	vadd.s32 v48, v51;
	v49 =	vld [tilespmem:s7+$0x70];
	_ =	sdelay $0x1  }
0x232: {  	s20 =	rddreg [dreg:$0x4];
	s17 =	sshll.u32 s14, $0x13  }
0x233: {  	s7 =	sor.u32 s20, s17  }
0x234: {  	s7 =	sshrl.u32 s7, $0x3  }
0x235: {  	s15 =	sadd.s32 s2, s7;
	[tilespmem:v63+s25+$0x0] =	vst.idx.msk $0xffff, v49  }
0x236: {  	[hbm4b:s15+s3] =	stream.linear.scatter [tilespmem:s25], [sflag:$0x2], $0x80, $0x38;
	[tilespmem:$0x13600] =	vst v63  }
0x237: {  	s8 =	sadd.s32 $0x10, s15  }
0x238: {  	[hbm4b:s8+s3] =	stream.linear.scatter [tilespmem:s23], [sflag:$0x2], $0x80, $0x38;
	[tilespmem:$0x13600] =	vst v63  }
0x239: {  	s23 =	sadd.s32 $0x20, s15;
	s8 =	simm.s32 $0x11510  }
0x23a: {  	[hbm4b:s23+s3] =	stream.linear.scatter [tilespmem:s8], [sflag:$0x2], $0x80, $0x38;
	[tilespmem:$0x13600] =	vst v63  }
0x23b: {  	s8 =	sadd.s32 $0x30, s15  }
0x23c: {  	[hbm4b:s8+s3] =	stream.linear.scatter [tilespmem:s9], [sflag:$0x2], $0x80, $0x38;
	[tilespmem:$0x13600] =	vst v63  }
0x23d: {  	s23 =	simm.s32 $0x11620;
	s9 =	sadd.s32 $0x40, s15  }
0x23e: {  	[hbm4b:s9+s3] =	stream.linear.scatter [tilespmem:s23], [sflag:$0x2], $0x80, $0x38;
	[tilespmem:$0x13600] =	vst v63  }
0x23f: {  	s9 =	sadd.s32 $0x50, s15  }
0x240: {  	[hbm4b:s9+s3] =	stream.linear.scatter [tilespmem:s10], [sflag:$0x2], $0x80, $0x38;
	[tilespmem:$0x13600] =	vst v63  }
0x241: {  	s23 =	simm.s32 $0x11730;
	s10 =	sadd.s32 $0x60, s15  }
0x242: {  	[hbm4b:s10+s3] =	stream.linear.scatter [tilespmem:s23], [sflag:$0x2], $0x80, $0x38;
	[tilespmem:$0x13600] =	vst v63  }
0x243: {  	s15 =	sadd.s32 $0x70, s15;
	s9 =	rddreg [dreg:$0x5]  }
0x244: {  	[hbm4b:s15+s3] =	stream.linear.scatter [tilespmem:s11], [sflag:$0x2], $0x80, $0x38;
	[tilespmem:$0x13600] =	vst v63  }
0x245: {  	s10 =	simm.s32 $0x11840;
	s15 =	sadd.s32 s7, s9  }
0x246: {  	[hbm4b:s15+s3] =	stream.linear.scatter [tilespmem:s10], [sflag:$0x2], $0x80, $0x38;
	[tilespmem:$0x13600] =	vst v63  }
0x247: {  	s23 =	simm.s32 $0x118C8;
	s11 =	sadd.s32 $0x10, s15  }
0x248: {  	[hbm4b:s11+s3] =	stream.linear.scatter [tilespmem:s23], [sflag:$0x2], $0x80, $0x38;
	[tilespmem:$0x13600] =	vst v63  }
0x249: {  	s8 =	sadd.s32 $0x20, s15  }
0x24a: {  	[hbm4b:s8+s3] =	stream.linear.scatter [tilespmem:s12], [sflag:$0x2], $0x80, $0x38;
	[tilespmem:$0x13600] =	vst v63  }
0x24b: {  	s9 =	sadd.s32 $0x30, s15;
	s10 =	simm.s32 $0x119D8  }
0x24c: {  	[hbm4b:s9+s3] =	stream.linear.scatter [tilespmem:s10], [sflag:$0x2], $0x80, $0x38;
	[tilespmem:$0x13600] =	vst v63  }
0x24d: {  	s11 =	sadd.s32 $0x40, s15  }
0x24e: {  	[hbm4b:s11+s3] =	stream.linear.scatter [tilespmem:s6], [sflag:$0x2], $0x80, $0x38;
	[tilespmem:$0x13600] =	vst v63  }
0x24f: {  	s23 =	simm.s32 $0x11AE8;
	s12 =	sadd.s32 $0x50, s15  }
0x250: {  	[hbm4b:s12+s3] =	stream.linear.scatter [tilespmem:s23], [sflag:$0x2], $0x80, $0x38;
	[tilespmem:$0x13600] =	vst v63  }
0x251: {  	s8 =	sadd.s32 $0x60, s15  }
0x252: {  	[hbm4b:s8+s3] =	stream.linear.scatter [tilespmem:s26], [sflag:$0x2], $0x80, $0x38;
	[tilespmem:$0x13600] =	vst v63  }
0x253: {  	s15 =	sadd.s32 $0x70, s15;
	s9 =	simm.s32 $0x11BF8;
	s10 =	rddreg [dreg:$0x6]  }
0x254: {  	[hbm4b:s15+s3] =	stream.linear.scatter [tilespmem:s9], [sflag:$0x2], $0x80, $0x38;
	[tilespmem:$0x13600] =	vst v63  }
0x255: {  	s11 =	simm.s32 $0x11C80;
	s15 =	sadd.s32 s7, s10  }
0x256: {  	[hbm4b:s15+s3] =	stream.linear.scatter [tilespmem:s11], [sflag:$0x2], $0x80, $0x38;
	[tilespmem:$0x13600] =	vst v63  }
0x257: {  	s23 =	simm.s32 $0x11D08;
	s12 =	sadd.s32 $0x10, s15  }
0x258: {  	[hbm4b:s12+s3] =	stream.linear.scatter [tilespmem:s23], [sflag:$0x2], $0x80, $0x38;
	[tilespmem:$0x13600] =	vst v63  }
0x259: {  	s26 =	sadd.s32 $0x20, s15  }
0x25a: {  	[hbm4b:s26+s3] =	stream.linear.scatter [tilespmem:s28], [sflag:$0x2], $0x80, $0x38;
	[tilespmem:$0x13600] =	vst v63  }
0x25b: {  	s8 =	simm.s32 $0x11E18;
	s6 =	sadd.s32 $0x30, s15  }
0x25c: {  	[hbm4b:s6+s3] =	stream.linear.scatter [tilespmem:s8], [sflag:$0x2], $0x80, $0x38;
	[tilespmem:$0x13600] =	vst v63  }
0x25d: {  	s9 =	sadd.s32 $0x40, s15  }
0x25e: {  	[hbm4b:s9+s3] =	stream.linear.scatter [tilespmem:s29], [sflag:$0x2], $0x80, $0x38;
	[tilespmem:$0x13600] =	vst v63  }
0x25f: {  	s10 =	sadd.s32 $0x50, s15;
	s11 =	simm.s32 $0x11F28  }
0x260: {  	[hbm4b:s10+s3] =	stream.linear.scatter [tilespmem:s11], [sflag:$0x2], $0x80, $0x38;
	[tilespmem:$0x13600] =	vst v63  }
0x261: {  	s12 =	sadd.s32 $0x60, s15  }
0x262: {  	[hbm4b:s12+s3] =	stream.linear.scatter [tilespmem:s30], [sflag:$0x2], $0x80, $0x38;
	[tilespmem:$0x13600] =	vst v63  }
0x263: {  	s15 =	sadd.s32 $0x70, s15;
	s23 =	simm.s32 $0x12038;
	s26 =	rddreg [dreg:$0x7]  }
0x264: {  	[hbm4b:s15+s3] =	stream.linear.scatter [tilespmem:s23], [sflag:$0x2], $0x80, $0x38;
	[tilespmem:$0x13600] =	vst v63  }
0x265: {  	s28 =	simm.s32 $0x120C0;
	s7 =	sadd.s32 s7, s26  }
0x266: {  	[hbm4b:s7+s3] =	stream.linear.scatter [tilespmem:s28], [sflag:$0x2], $0x80, $0x38;
	[tilespmem:$0x13600] =	vst v63  }
0x267: {  	s29 =	sadd.s32 $0x10, s7;
	s30 =	simm.s32 $0x12148  }
0x268: {  	[hbm4b:s29+s3] =	stream.linear.scatter [tilespmem:s30], [sflag:$0x2], $0x80, $0x38;
	[tilespmem:$0x13600] =	vst v63  }
0x269: {  	s8 =	sadd.s32 $0x20, s7;
	s9 =	simm.s32 $0x121D0  }
0x26a: {  	[hbm4b:s8+s3] =	stream.linear.scatter [tilespmem:s9], [sflag:$0x2], $0x80, $0x38;
	[tilespmem:$0x13600] =	vst v63  }
0x26b: {  	s10 =	sadd.s32 $0x30, s7;
	s11 =	simm.s32 $0x12258  }
0x26c: {  	[hbm4b:s10+s3] =	stream.linear.scatter [tilespmem:s11], [sflag:$0x2], $0x80, $0x38;
	[tilespmem:$0x13600] =	vst v63  }
0x26d: {  	s20 =	simm.s32 $0x122E0;
	s12 =	sadd.s32 $0x40, s7  }
0x26e: {  	[hbm4b:s12+s3] =	stream.linear.scatter [tilespmem:s20], [sflag:$0x2], $0x80, $0x38;
	[tilespmem:$0x13600] =	vst v63  }
0x26f: {  	p1 =	sne.s32 s14, $0x31;
	s26 =	simm.s32 $0x12368;
	s23 =	sadd.s32 $0x50, s7  }
0x270: {  	[hbm4b:s23+s3] =	stream.linear.scatter [tilespmem:s26], [sflag:$0x2], $0x80, $0x38;
	[tilespmem:$0x13600] =	vst v63  }
.Ltmp4:
0x271: {  	_ = 	snop;
	(pc) =	sbr.rel @p1 .LBB2_8-.Ltmp4, $4  }
0x272: {  	s28 =	sadd.s32 $0x60, s7;
	s29 =	simm.s32 $0x123F0  }
0x273: {  	[hbm4b:s28+s3] =	stream.linear.scatter [tilespmem:s29], [sflag:$0x2], $0x80, $0x38;
	[tilespmem:$0x13600] =	vst v63  }
0x274: {  	s7 =	sadd.s32 $0x70, s7;
	s30 =	simm.s32 $0x12478  }
0x275: {  	[hbm4b:s7+s3] =	stream.linear.scatter [tilespmem:s30], [sflag:$0x2], $0x80, $0x38;
	[tilespmem:$0x13600] =	vst v63  }
.Ltmp5:
0x276: {  	(pc) =	sbr.rel .LBB2_9-.Ltmp5, $4  }
0x277: {  	_ = 	snop  }
0x278: {  	_ =	swait.ge [sflag:s24], $0x1000  }
0x279: {  	[sflag:s24] =	ssyncset.done $0x0  }
0x27a: {  	[sflag:s24] =	ssyncadd.s32 $0xFFFFF000  }
.LBB2_8:
0x27b: {  	s7 =	sshll.u32 s14, $0x9  }
0x27c: {  	s8 =	simm.s32 $0x80;
	s7 =	sand.u32 $0x3FFFFE00, s7  }
.Ltmp6:
0x27d: {  	s15 =	simm.s32 $0xD400;
	s7 =	sadd.s32 $0x7200, s7;
	(pc) =	sbr.rel @p0 .LBB2_10-.Ltmp6, $4  }
0x27e: {  	[tilespmem:s15], [sflag:$0x1] =	stream.indirect.gather [hbm4b:s4+s8], $0x20, s7, s8, $0xb8;
	[tilespmem:$0x13600] =	vst v63  }
0x27f: {  	_ =	swait.ge [sflag:s24], $0x1000  }
0x280: {  	[sflag:s24] =	ssyncset.done $0x0  }
0x281: {  	[sflag:s24] =	ssyncadd.s32 $0xFFFFF000  }
.LBB2_9:
0x282: {  	_ =	swait.ge [sflag:s1], $0x400  }
0x283: {  	[sflag:s1] =	ssyncset.done $0x0  }
0x284: {  	[sflag:s1] =	ssyncadd.s32 $0xFFFFFC00  }
0x285: {  	_ =	swait.ge [sflag:s1], $0x400  }
0x286: {  	[sflag:s1] =	ssyncset.done $0x0  }
0x287: {  	[sflag:s1] =	ssyncadd.s32 $0xFFFFFC00  }
0x288: {  	_ =	swait.ge [sflag:s1], $0x400  }
0x289: {  	[sflag:s1] =	ssyncset.done $0x0  }
0x28a: {  	[sflag:s1] =	ssyncadd.s32 $0xFFFFFC00  }
0x28b: {  	_ =	swait.ge [sflag:s1], $0x400  }
0x28c: {  	[sflag:s1] =	ssyncset.done $0x0  }
0x28d: {  	[sflag:s1] =	ssyncadd.s32 $0xFFFFFC00  }
.LBB2_10:
0x28e: {  	s7 =	simm.s32 $0x0  }
0x28f: {  	v49 =	vmov s7  }
0x290: {  	v49 =	vshrl.u32 v49, $0x3  }
0x291: {  	v49 =	vshll.u32 v49, v33  }
0x292: {  	v49 =	vbroadcast v49, $0x0  }
0x293: {  	s20 =	simm.s32 $0xE4F0  }
0x294: {  	v50 =	vld [tilespmem:s20+$0xFFFFFF10];
	v51 =	vadd.s32 v30, v49;
	_ =	sdelay $0x4  }
0x295: {  	[tilespmem:v51+s0+$0x0] =	vst.idx.msk $0xffff, v50  }
0x296: {  	s12 =	simm.s32 $0x1;
	v49 =	vadd.s32 v34, v49;
	v50 =	vld [tilespmem:s20+$0xFFFFFF20]  }
0x297: {  	v54 =	vmov s12  }
0x298: {  	v51 =	vshrl.u32 v54, $0x3  }
0x299: {  	v51 =	vshll.u32 v51, v33  }
0x29a: {  	v51 =	vbroadcast v51, $0x0  }
0x29b: {  	[tilespmem:v49+s0+$0x0] =	vst.idx.msk $0xffff, v50  }
0x29c: {  	v55 =	vadd.s32 v35, v51;
	v49 =	vld [tilespmem:s20+$0xFFFFFF30];
	_ =	sdelay $0x4  }
0x29d: {  	[tilespmem:v55+s0+$0x0] =	vst.idx.msk $0xffff, v49  }
0x29e: {  	s15 =	simm.s32 $0x2;
	v56 =	vadd.s32 v36, v51;
	v49 =	vld [tilespmem:s20+$0xFFFFFF40]  }
0x29f: {  	v57 =	vmov s15  }
0x2a0: {  	v51 =	vshrl.u32 v57, $0x3  }
0x2a1: {  	v51 =	vshll.u32 v51, v33  }
0x2a2: {  	v51 =	vbroadcast v51, $0x0  }
0x2a3: {  	[tilespmem:v56+s0+$0x0] =	vst.idx.msk $0xffff, v49  }
0x2a4: {  	v58 =	vadd.s32 v37, v51;
	v49 =	vld [tilespmem:s20+$0xFFFFFF50];
	_ =	sdelay $0x4  }
0x2a5: {  	[tilespmem:v58+s0+$0x0] =	vst.idx.msk $0xffff, v49  }
0x2a6: {  	s23 =	simm.s32 $0x3;
	v59 =	vadd.s32 v38, v51;
	v49 =	vld [tilespmem:s20+$0xFFFFFF60]  }
0x2a7: {  	v60 =	vmov s23  }
0x2a8: {  	v51 =	vshrl.u32 v60, $0x3  }
0x2a9: {  	v51 =	vshll.u32 v51, v33  }
0x2aa: {  	v51 =	vbroadcast v51, $0x0  }
0x2ab: {  	[tilespmem:v59+s0+$0x0] =	vst.idx.msk $0xffff, v49  }
0x2ac: {  	v61 =	vadd.s32 v39, v51;
	v49 =	vld [tilespmem:s20+$0xFFFFFF70];
	_ =	sdelay $0x4  }
0x2ad: {  	[tilespmem:v61+s0+$0x0] =	vst.idx.msk $0xffff, v49  }
0x2ae: {  	s26 =	simm.s32 $0x4;
	v62 =	vadd.s32 v40, v51;
	v49 =	vld [tilespmem:s20+$0xFFFFFF80]  }
0x2af: {  	v63 =	vmov s26  }
0x2b0: {  	v51 =	vshrl.u32 v63, $0x3  }
0x2b1: {  	v51 =	vshll.u32 v51, v33  }
0x2b2: {  	v51 =	vbroadcast v51, $0x0  }
0x2b3: {  	[tilespmem:v62+s0+$0x0] =	vst.idx.msk $0xffff, v49  }
0x2b4: {  	v54 =	vadd.s32 v41, v51;
	v49 =	vld [tilespmem:s20+$0xFFFFFF90];
	_ =	sdelay $0x4  }
0x2b5: {  	[tilespmem:v54+s0+$0x0] =	vst.idx.msk $0xffff, v49  }
0x2b6: {  	s28 =	simm.s32 $0x5;
	v55 =	vadd.s32 v42, v51;
	v49 =	vld [tilespmem:s20+$0xFFFFFFA0]  }
0x2b7: {  	v56 =	vmov s28  }
0x2b8: {  	v51 =	vshrl.u32 v56, $0x3  }
0x2b9: {  	v51 =	vshll.u32 v51, v33  }
0x2ba: {  	v51 =	vbroadcast v51, $0x0  }
0x2bb: {  	[tilespmem:v55+s0+$0x0] =	vst.idx.msk $0xffff, v49  }
0x2bc: {  	v57 =	vadd.s32 v43, v51;
	v49 =	vld [tilespmem:s20+$0xFFFFFFB0];
	_ =	sdelay $0x4  }
0x2bd: {  	[tilespmem:v57+s0+$0x0] =	vst.idx.msk $0xffff, v49  }
0x2be: {  	s29 =	simm.s32 $0x6;
	v58 =	vadd.s32 v44, v51;
	v49 =	vld [tilespmem:s20+$0xFFFFFFC0]  }
0x2bf: {  	v59 =	vmov s29  }
0x2c0: {  	v51 =	vshrl.u32 v59, $0x3  }
0x2c1: {  	v51 =	vshll.u32 v51, v33  }
0x2c2: {  	v51 =	vbroadcast v51, $0x0  }
0x2c3: {  	[tilespmem:v58+s0+$0x0] =	vst.idx.msk $0xffff, v49  }
0x2c4: {  	v60 =	vadd.s32 v45, v51;
	v49 =	vld [tilespmem:s20+$0xFFFFFFD0];
	_ =	sdelay $0x4  }
0x2c5: {  	[tilespmem:v60+s0+$0x0] =	vst.idx.msk $0xffff, v49  }
0x2c6: {  	s30 =	simm.s32 $0x7;
	v61 =	vadd.s32 v46, v51;
	v49 =	vld [tilespmem:s20+$0xFFFFFFE0]  }
0x2c7: {  	v62 =	vmov s30  }
0x2c8: {  	v51 =	vshrl.u32 v62, $0x3  }
0x2c9: {  	v51 =	vshll.u32 v51, v33  }
0x2ca: {  	v51 =	vbroadcast v51, $0x0  }
0x2cb: {  	[tilespmem:v61+s0+$0x0] =	vst.idx.msk $0xffff, v49  }
0x2cc: {  	v63 =	vadd.s32 v47, v51;
	v49 =	vld [tilespmem:s20+$0xFFFFFFF0];
	_ =	sdelay $0x4  }
0x2cd: {  	[tilespmem:v63+s0+$0x0] =	vst.idx.msk $0xffff, v49  }
0x2ce: {  	s23 =	simm.s32 $0x8;
	v50 =	vadd.s32 v48, v51;
	v49 =	vld [tilespmem:s20+$0x0]  }
0x2cf: {  	s15 =	simm.s32 $0x10;
	v51 =	vmov s23  }
.LBB2_11:
0x2d0: {  	p0 =	slt.u32 s15, $0x78;
	v51 =	vshrl.u32 v51, $0x3  }
0x2d1: {  	v51 =	vshll.u32 v51, v33  }
0x2d2: {  	v51 =	vbroadcast v51, $0x0  }
0x2d3: {  	s20 =	sadd.s32 $0x100, s20;
	[tilespmem:v50+s0+$0x0] =	vst.idx.msk $0xffff, v49  }
0x2d4: {  	v49 =	vld [tilespmem:s20+$0xFFFFFF10];
	v50 =	vadd.s32 v30, v51;
	_ =	sdelay $0x4  }
0x2d5: {  	[tilespmem:v50+s0+$0x0] =	vst.idx.msk $0xffff, v49  }
0x2d6: {  	s7 =	sadd.s32 $0x1, s23;
	v50 =	vadd.s32 v34, v51;
	v49 =	vld [tilespmem:s20+$0xFFFFFF20]  }
0x2d7: {  	v51 =	vmov s7  }
0x2d8: {  	v51 =	vshrl.u32 v51, $0x3  }
0x2d9: {  	v51 =	vshll.u32 v51, v33  }
0x2da: {  	v51 =	vbroadcast v51, $0x0  }
0x2db: {  	[tilespmem:v50+s0+$0x0] =	vst.idx.msk $0xffff, v49  }
0x2dc: {  	v50 =	vadd.s32 v35, v51;
	v49 =	vld [tilespmem:s20+$0xFFFFFF30];
	_ =	sdelay $0x4  }
0x2dd: {  	[tilespmem:v50+s0+$0x0] =	vst.idx.msk $0xffff, v49  }
0x2de: {  	s7 =	sadd.s32 $0x2, s23;
	v50 =	vadd.s32 v36, v51;
	v49 =	vld [tilespmem:s20+$0xFFFFFF40]  }
0x2df: {  	v51 =	vmov s7  }
0x2e0: {  	v51 =	vshrl.u32 v51, $0x3  }
0x2e1: {  	v51 =	vshll.u32 v51, v33  }
0x2e2: {  	v51 =	vbroadcast v51, $0x0  }
0x2e3: {  	[tilespmem:v50+s0+$0x0] =	vst.idx.msk $0xffff, v49  }
0x2e4: {  	v50 =	vadd.s32 v37, v51;
	v49 =	vld [tilespmem:s20+$0xFFFFFF50];
	_ =	sdelay $0x4  }
0x2e5: {  	[tilespmem:v50+s0+$0x0] =	vst.idx.msk $0xffff, v49  }
0x2e6: {  	s7 =	sadd.s32 $0x3, s23;
	v50 =	vadd.s32 v38, v51;
	v49 =	vld [tilespmem:s20+$0xFFFFFF60]  }
0x2e7: {  	v51 =	vmov s7  }
0x2e8: {  	v51 =	vshrl.u32 v51, $0x3  }
0x2e9: {  	v51 =	vshll.u32 v51, v33  }
0x2ea: {  	v51 =	vbroadcast v51, $0x0  }
0x2eb: {  	[tilespmem:v50+s0+$0x0] =	vst.idx.msk $0xffff, v49  }
0x2ec: {  	v50 =	vadd.s32 v39, v51;
	v49 =	vld [tilespmem:s20+$0xFFFFFF70];
	_ =	sdelay $0x4  }
0x2ed: {  	[tilespmem:v50+s0+$0x0] =	vst.idx.msk $0xffff, v49  }
0x2ee: {  	s7 =	sadd.s32 $0x4, s23;
	v50 =	vadd.s32 v40, v51;
	v49 =	vld [tilespmem:s20+$0xFFFFFF80]  }
0x2ef: {  	v51 =	vmov s7  }
0x2f0: {  	v51 =	vshrl.u32 v51, $0x3  }
0x2f1: {  	v51 =	vshll.u32 v51, v33  }
0x2f2: {  	v51 =	vbroadcast v51, $0x0  }
0x2f3: {  	[tilespmem:v50+s0+$0x0] =	vst.idx.msk $0xffff, v49  }
0x2f4: {  	v50 =	vadd.s32 v41, v51;
	v49 =	vld [tilespmem:s20+$0xFFFFFF90];
	_ =	sdelay $0x4  }
0x2f5: {  	[tilespmem:v50+s0+$0x0] =	vst.idx.msk $0xffff, v49  }
0x2f6: {  	s7 =	sadd.s32 $0x5, s23;
	v50 =	vadd.s32 v42, v51;
	v49 =	vld [tilespmem:s20+$0xFFFFFFA0]  }
0x2f7: {  	v51 =	vmov s7  }
0x2f8: {  	v51 =	vshrl.u32 v51, $0x3  }
0x2f9: {  	v51 =	vshll.u32 v51, v33  }
0x2fa: {  	v51 =	vbroadcast v51, $0x0  }
0x2fb: {  	[tilespmem:v50+s0+$0x0] =	vst.idx.msk $0xffff, v49  }
0x2fc: {  	v50 =	vadd.s32 v43, v51;
	v49 =	vld [tilespmem:s20+$0xFFFFFFB0];
	_ =	sdelay $0x4  }
0x2fd: {  	[tilespmem:v50+s0+$0x0] =	vst.idx.msk $0xffff, v49  }
0x2fe: {  	s7 =	sadd.s32 $0x6, s23;
	v50 =	vadd.s32 v44, v51;
	v49 =	vld [tilespmem:s20+$0xFFFFFFC0]  }
0x2ff: {  	v51 =	vmov s7  }
0x300: {  	v51 =	vshrl.u32 v51, $0x3  }
0x301: {  	v51 =	vshll.u32 v51, v33  }
0x302: {  	v51 =	vbroadcast v51, $0x0  }
0x303: {  	[tilespmem:v50+s0+$0x0] =	vst.idx.msk $0xffff, v49  }
0x304: {  	v50 =	vadd.s32 v45, v51;
	v49 =	vld [tilespmem:s20+$0xFFFFFFD0];
	_ =	sdelay $0x4  }
0x305: {  	[tilespmem:v50+s0+$0x0] =	vst.idx.msk $0xffff, v49  }
0x306: {  	s7 =	sadd.s32 $0x7, s23;
	s23 =	smov.u32 s15;
	v50 =	vadd.s32 v46, v51;
	v49 =	vld [tilespmem:s20+$0xFFFFFFE0]  }
0x307: {  	v51 =	vmov s7  }
0x308: {  	v51 =	vshrl.u32 v51, $0x3  }
0x309: {  	v51 =	vshll.u32 v51, v33  }
0x30a: {  	v51 =	vbroadcast v51, $0x0  }
0x30b: {  	[tilespmem:v50+s0+$0x0] =	vst.idx.msk $0xffff, v49  }
0x30c: {  	v50 =	vadd.s32 v47, v51;
	v49 =	vld [tilespmem:s20+$0xFFFFFFF0];
	_ =	sdelay $0x2  }
.Ltmp7:
0x30d: {  	(pc) =	sbr.rel @p0 .LBB2_11-.Ltmp7, $4  }
0x30e: {  	_ = 	snop  }
0x30f: {  	[tilespmem:v50+s0+$0x0] =	vst.idx.msk $0xffff, v49  }
0x310: {  	v50 =	vadd.s32 v48, v51;
	v49 =	vld [tilespmem:s20+$0x0]  }
0x311: {  	s15 =	sadd.s32 $0x8, s15;
	v51 =	vmov s23  }
0x312: {  	_ = 	snop  }
0x313: {  	v51 =	vshrl.u32 v51, $0x3  }
0x314: {  	v51 =	vshll.u32 v51, v33  }
0x315: {  	v51 =	vbroadcast v51, $0x0  }
0x316: {  	s7 =	sadd.s32 $0x100, s20;
	[tilespmem:v50+s0+$0x0] =	vst.idx.msk $0xffff, v49  }
0x317: {  	v49 =	vld [tilespmem:s7+$0xFFFFFF10];
	v59 =	vadd.s32 v30, v51;
	_ =	sdelay $0x4  }
0x318: {  	[tilespmem:v59+s0+$0x0] =	vst.idx.msk $0xffff, v49  }
0x319: {  	s15 =	sadd.s32 $0x1, s23;
	v60 =	vadd.s32 v34, v51;
	v49 =	vld [tilespmem:s7+$0xFFFFFF20]  }
0x31a: {  	v61 =	vmov s15  }
0x31b: {  	v51 =	vshrl.u32 v61, $0x3  }
0x31c: {  	v51 =	vshll.u32 v51, v33  }
0x31d: {  	v51 =	vbroadcast v51, $0x0  }
0x31e: {  	[tilespmem:v60+s0+$0x0] =	vst.idx.msk $0xffff, v49  }
0x31f: {  	v62 =	vadd.s32 v35, v51;
	v49 =	vld [tilespmem:s7+$0xFFFFFF30];
	_ =	sdelay $0x4  }
0x320: {  	[tilespmem:v62+s0+$0x0] =	vst.idx.msk $0xffff, v49  }
0x321: {  	s9 =	sadd.s32 $0x2, s23;
	v63 =	vadd.s32 v36, v51;
	v49 =	vld [tilespmem:s7+$0xFFFFFF40]  }
0x322: {  	v54 =	vmov s9  }
0x323: {  	v51 =	vshrl.u32 v54, $0x3  }
0x324: {  	v51 =	vshll.u32 v51, v33  }
0x325: {  	v51 =	vbroadcast v51, $0x0  }
0x326: {  	[tilespmem:v63+s0+$0x0] =	vst.idx.msk $0xffff, v49  }
0x327: {  	v55 =	vadd.s32 v37, v51;
	v49 =	vld [tilespmem:s7+$0xFFFFFF50];
	_ =	sdelay $0x4  }
0x328: {  	[tilespmem:v55+s0+$0x0] =	vst.idx.msk $0xffff, v49  }
0x329: {  	s10 =	sadd.s32 $0x3, s23;
	v56 =	vadd.s32 v38, v51;
	v49 =	vld [tilespmem:s7+$0xFFFFFF60]  }
0x32a: {  	v57 =	vmov s10  }
0x32b: {  	v51 =	vshrl.u32 v57, $0x3  }
0x32c: {  	v51 =	vshll.u32 v51, v33  }
0x32d: {  	v51 =	vbroadcast v51, $0x0  }
0x32e: {  	[tilespmem:v56+s0+$0x0] =	vst.idx.msk $0xffff, v49  }
0x32f: {  	v58 =	vadd.s32 v39, v51;
	v49 =	vld [tilespmem:s7+$0xFFFFFF70];
	_ =	sdelay $0x4  }
0x330: {  	[tilespmem:v58+s0+$0x0] =	vst.idx.msk $0xffff, v49  }
0x331: {  	s11 =	sadd.s32 $0x4, s23;
	v59 =	vadd.s32 v40, v51;
	v49 =	vld [tilespmem:s7+$0xFFFFFF80]  }
0x332: {  	v60 =	vmov s11  }
0x333: {  	v51 =	vshrl.u32 v60, $0x3  }
0x334: {  	v51 =	vshll.u32 v51, v33  }
0x335: {  	v51 =	vbroadcast v51, $0x0  }
0x336: {  	[tilespmem:v59+s0+$0x0] =	vst.idx.msk $0xffff, v49  }
0x337: {  	v61 =	vadd.s32 v41, v51;
	v49 =	vld [tilespmem:s7+$0xFFFFFF90];
	_ =	sdelay $0x4  }
0x338: {  	[tilespmem:v61+s0+$0x0] =	vst.idx.msk $0xffff, v49  }
0x339: {  	s12 =	sadd.s32 $0x5, s23;
	v62 =	vadd.s32 v42, v51;
	v49 =	vld [tilespmem:s7+$0xFFFFFFA0]  }
0x33a: {  	v63 =	vmov s12  }
0x33b: {  	v51 =	vshrl.u32 v63, $0x3  }
0x33c: {  	v51 =	vshll.u32 v51, v33  }
0x33d: {  	v51 =	vbroadcast v51, $0x0  }
0x33e: {  	[tilespmem:v62+s0+$0x0] =	vst.idx.msk $0xffff, v49  }
0x33f: {  	v53 =	vadd.s32 v43, v51;
	v49 =	vld [tilespmem:s7+$0xFFFFFFB0];
	_ =	sdelay $0x4  }
0x340: {  	[tilespmem:v53+s0+$0x0] =	vst.idx.msk $0xffff, v49  }
0x341: {  	s20 =	sadd.s32 $0x6, s23;
	v54 =	vadd.s32 v44, v51;
	v49 =	vld [tilespmem:s7+$0xFFFFFFC0]  }
0x342: {  	v55 =	vmov s20  }
0x343: {  	v51 =	vshrl.u32 v55, $0x3  }
0x344: {  	v51 =	vshll.u32 v51, v33  }
0x345: {  	v51 =	vbroadcast v51, $0x0  }
0x346: {  	[tilespmem:v54+s0+$0x0] =	vst.idx.msk $0xffff, v49  }
0x347: {  	v56 =	vadd.s32 v45, v51;
	v49 =	vld [tilespmem:s7+$0xFFFFFFD0];
	_ =	sdelay $0x4  }
0x348: {  	[tilespmem:v56+s0+$0x0] =	vst.idx.msk $0xffff, v49  }
0x349: {  	s23 =	sadd.s32 $0x7, s23;
	v57 =	vadd.s32 v46, v51;
	v49 =	vld [tilespmem:s7+$0xFFFFFFE0]  }
0x34a: {  	v58 =	vmov s23  }
0x34b: {  	v51 =	vshrl.u32 v58, $0x3  }
0x34c: {  	v51 =	vshll.u32 v51, v33  }
0x34d: {  	v51 =	vbroadcast v51, $0x0  }
0x34e: {  	[tilespmem:v57+s0+$0x0] =	vst.idx.msk $0xffff, v49  }
0x34f: {  	v59 =	vadd.s32 v47, v51;
	v49 =	vld [tilespmem:s7+$0xFFFFFFF0];
	_ =	sdelay $0x4  }
0x350: {  	[tilespmem:v59+s0+$0x0] =	vst.idx.msk $0xffff, v49  }
0x351: {  	v60 =	vadd.s32 v48, v51;
	v49 =	vld [tilespmem:s7+$0x0];
	_ =	sdelay $0x1  }
0x352: {  	s26 =	rddreg [dreg:$0x8]  }
0x353: {  	s7 =	sor.u32 s26, s17  }
0x354: {  	s7 =	sshrl.u32 s7, $0x3  }
0x355: {  	s15 =	sadd.s32 s2, s7;
	[tilespmem:v60+s0+$0x0] =	vst.idx.msk $0xffff, v49  }
0x356: {  	[hbm4b:s15+s3] =	stream.linear.scatter [tilespmem:s0], [sflag:$0x2], $0x80, $0x38;
	[tilespmem:$0x13600] =	vst v63  }
0x357: {  	s6 =	simm.s32 $0x12588;
	s28 =	sadd.s32 $0x10, s15  }
0x358: {  	[hbm4b:s28+s3] =	stream.linear.scatter [tilespmem:s6], [sflag:$0x2], $0x80, $0x38;
	[tilespmem:$0x13600] =	vst v63  }
0x359: {  	s30 =	simm.s32 $0x12610;
	s29 =	sadd.s32 $0x20, s15  }
0x35a: {  	[hbm4b:s29+s3] =	stream.linear.scatter [tilespmem:s30], [sflag:$0x2], $0x80, $0x38;
	[tilespmem:$0x13600] =	vst v63  }
0x35b: {  	s8 =	simm.s32 $0x12698;
	s6 =	sadd.s32 $0x30, s15  }
0x35c: {  	[hbm4b:s6+s3] =	stream.linear.scatter [tilespmem:s8], [sflag:$0x2], $0x80, $0x38;
	[tilespmem:$0x13600] =	vst v63  }
0x35d: {  	s10 =	simm.s32 $0x12720;
	s9 =	sadd.s32 $0x40, s15  }
0x35e: {  	[hbm4b:s9+s3] =	stream.linear.scatter [tilespmem:s10], [sflag:$0x2], $0x80, $0x38;
	[tilespmem:$0x13600] =	vst v63  }
0x35f: {  	s12 =	simm.s32 $0x127A8;
	s11 =	sadd.s32 $0x50, s15  }
0x360: {  	[hbm4b:s11+s3] =	stream.linear.scatter [tilespmem:s12], [sflag:$0x2], $0x80, $0x38;
	[tilespmem:$0x13600] =	vst v63  }
0x361: {  	s26 =	simm.s32 $0x12830;
	s23 =	sadd.s32 $0x60, s15  }
0x362: {  	[hbm4b:s23+s3] =	stream.linear.scatter [tilespmem:s26], [sflag:$0x2], $0x80, $0x38;
	[tilespmem:$0x13600] =	vst v63  }
0x363: {  	s15 =	sadd.s32 $0x70, s15;
	s28 =	simm.s32 $0x128B8;
	s29 =	sor.u32 $0x4000, s7  }
0x364: {  	[hbm4b:s15+s3] =	stream.linear.scatter [tilespmem:s28], [sflag:$0x2], $0x80, $0x38;
	[tilespmem:$0x13600] =	vst v63  }
0x365: {  	s30 =	simm.s32 $0x12940;
	s15 =	sadd.s32 s2, s29  }
0x366: {  	[hbm4b:s15+s3] =	stream.linear.scatter [tilespmem:s30], [sflag:$0x2], $0x80, $0x38;
	[tilespmem:$0x13600] =	vst v63  }
0x367: {  	s9 =	simm.s32 $0x129C8;
	s8 =	sadd.s32 $0x10, s15  }
0x368: {  	[hbm4b:s8+s3] =	stream.linear.scatter [tilespmem:s9], [sflag:$0x2], $0x80, $0x38;
	[tilespmem:$0x13600] =	vst v63  }
0x369: {  	s11 =	simm.s32 $0x12A50;
	s10 =	sadd.s32 $0x20, s15  }
0x36a: {  	[hbm4b:s10+s3] =	stream.linear.scatter [tilespmem:s11], [sflag:$0x2], $0x80, $0x38;
	[tilespmem:$0x13600] =	vst v63  }
0x36b: {  	s23 =	simm.s32 $0x12AD8;
	s12 =	sadd.s32 $0x30, s15  }
0x36c: {  	[hbm4b:s12+s3] =	stream.linear.scatter [tilespmem:s23], [sflag:$0x2], $0x80, $0x38;
	[tilespmem:$0x13600] =	vst v63  }
0x36d: {  	s28 =	simm.s32 $0x12B60;
	s26 =	sadd.s32 $0x40, s15  }
0x36e: {  	[hbm4b:s26+s3] =	stream.linear.scatter [tilespmem:s28], [sflag:$0x2], $0x80, $0x38;
	[tilespmem:$0x13600] =	vst v63  }
0x36f: {  	s29 =	sadd.s32 $0x50, s15;
	s30 =	simm.s32 $0x12BE8  }
0x370: {  	[hbm4b:s29+s3] =	stream.linear.scatter [tilespmem:s30], [sflag:$0x2], $0x80, $0x38;
	[tilespmem:$0x13600] =	vst v63  }
0x371: {  	s6 =	sadd.s32 $0x60, s15;
	s8 =	simm.s32 $0x12C70  }
0x372: {  	[hbm4b:s6+s3] =	stream.linear.scatter [tilespmem:s8], [sflag:$0x2], $0x80, $0x38;
	[tilespmem:$0x13600] =	vst v63  }
0x373: {  	s15 =	sadd.s32 $0x70, s15;
	s9 =	simm.s32 $0x12CF8;
	s10 =	sor.u32 $0x8000, s7  }
0x374: {  	[hbm4b:s15+s3] =	stream.linear.scatter [tilespmem:s9], [sflag:$0x2], $0x80, $0x38;
	[tilespmem:$0x13600] =	vst v63  }
0x375: {  	s11 =	simm.s32 $0x12D80;
	s15 =	sadd.s32 s2, s10  }
0x376: {  	[hbm4b:s15+s3] =	stream.linear.scatter [tilespmem:s11], [sflag:$0x2], $0x80, $0x38;
	[tilespmem:$0x13600] =	vst v63  }
0x377: {  	s23 =	simm.s32 $0x12E08;
	s12 =	sadd.s32 $0x10, s15  }
0x378: {  	[hbm4b:s12+s3] =	stream.linear.scatter [tilespmem:s23], [sflag:$0x2], $0x80, $0x38;
	[tilespmem:$0x13600] =	vst v63  }
0x379: {  	s28 =	simm.s32 $0x12E90;
	s26 =	sadd.s32 $0x20, s15  }
0x37a: {  	[hbm4b:s26+s3] =	stream.linear.scatter [tilespmem:s28], [sflag:$0x2], $0x80, $0x38;
	[tilespmem:$0x13600] =	vst v63  }
0x37b: {  	s30 =	simm.s32 $0x12F18;
	s29 =	sadd.s32 $0x30, s15  }
0x37c: {  	[hbm4b:s29+s3] =	stream.linear.scatter [tilespmem:s30], [sflag:$0x2], $0x80, $0x38;
	[tilespmem:$0x13600] =	vst v63  }
0x37d: {  	s9 =	simm.s32 $0x12FA0;
	s8 =	sadd.s32 $0x40, s15  }
0x37e: {  	[hbm4b:s8+s3] =	stream.linear.scatter [tilespmem:s9], [sflag:$0x2], $0x80, $0x38;
	[tilespmem:$0x13600] =	vst v63  }
0x37f: {  	s10 =	sadd.s32 $0x50, s15;
	s11 =	simm.s32 $0x13028  }
0x380: {  	[hbm4b:s10+s3] =	stream.linear.scatter [tilespmem:s11], [sflag:$0x2], $0x80, $0x38;
	[tilespmem:$0x13600] =	vst v63  }
0x381: {  	s12 =	sadd.s32 $0x60, s15;
	s23 =	simm.s32 $0x130B0  }
0x382: {  	[hbm4b:s12+s3] =	stream.linear.scatter [tilespmem:s23], [sflag:$0x2], $0x80, $0x38;
	[tilespmem:$0x13600] =	vst v63  }
0x383: {  	s7 =	sor.u32 $0xC000, s7;
	s15 =	sadd.s32 $0x70, s15;
	s26 =	simm.s32 $0x13138  }
0x384: {  	[hbm4b:s15+s3] =	stream.linear.scatter [tilespmem:s26], [sflag:$0x2], $0x80, $0x38;
	[tilespmem:$0x13600] =	vst v63  }
0x385: {  	s7 =	sadd.s32 s2, s7  }
0x386: {  	[hbm4b:s7+s3] =	stream.linear.scatter [tilespmem:s31], [sflag:$0x2], $0x80, $0x38;
	[tilespmem:$0x13600] =	vst v63  }
0x387: {  	s28 =	sadd.s32 $0x10, s7  }
0x388: {  	[hbm4b:s28+s3] =	stream.linear.scatter [tilespmem:s16], [sflag:$0x2], $0x80, $0x38;
	[tilespmem:$0x13600] =	vst v63  }
0x389: {  	s29 =	sadd.s32 $0x20, s7  }
0x38a: {  	[hbm4b:s29+s3] =	stream.linear.scatter [tilespmem:s18], [sflag:$0x2], $0x80, $0x38;
	[tilespmem:$0x13600] =	vst v63  }
0x38b: {  	s30 =	sadd.s32 $0x30, s7  }
0x38c: {  	[hbm4b:s30+s3] =	stream.linear.scatter [tilespmem:s19], [sflag:$0x2], $0x80, $0x38;
	[tilespmem:$0x13600] =	vst v63  }
0x38d: {  	s6 =	sadd.s32 $0x40, s7  }
0x38e: {  	[hbm4b:s6+s3] =	stream.linear.scatter [tilespmem:s21], [sflag:$0x2], $0x80, $0x38;
	[tilespmem:$0x13600] =	vst v63  }
0x38f: {  	s8 =	sadd.s32 $0x50, s7  }
0x390: {  	[hbm4b:s8+s3] =	stream.linear.scatter [tilespmem:s22], [sflag:$0x2], $0x80, $0x38;
	[tilespmem:$0x13600] =	vst v63  }
0x391: {  	s9 =	sadd.s32 $0x60, s7  }
0x392: {  	[hbm4b:s9+s3] =	stream.linear.scatter [tilespmem:s5], [sflag:$0x2], $0x80, $0x38;
	[tilespmem:$0x13600] =	vst v63  }
0x393: {  	p0 =	seq.s32 s14, $0x31;
	s7 =	sadd.s32 $0x70, s7  }
0x394: {  	[hbm4b:s7+s3] =	stream.linear.scatter [tilespmem:s13], [sflag:$0x2], $0x80, $0x38;
	[tilespmem:$0x13600] =	vst v63  }
0x395: {  	s7 =	sshll.u32 @!p0 s14, $0x9  }
0x396: {  	s20 =	sand.u32 @!p0 $0x3FFFFE00, s7  }
0x397: {  	s23 =	simm.s32 @!p0 $0xE400;
	s15 =	simm.s32 @!p0 $0x80;
	s7 =	sadd.s32 @!p0 $0x7280, s20  }
0x398: {  	[tilespmem:s23], [sflag:$0x1] =	stream.indirect.gather @!p0 [hbm4b:s4+s15], $0x20, s7, s15, $0xb8;
	[tilespmem:$0x13600] =	vst v63  }
0x399: {  	_ =	swait.ge [sflag:s24], $0x1000  }
0x39a: {  	[sflag:s24] =	ssyncset.done $0x0  }
0x39b: {  	[sflag:s24] =	ssyncadd.s32 $0xFFFFF000  }
0x39c: {  	_ =	swait.ge [sflag:s1], $0x400  }
0x39d: {  	[sflag:s1] =	ssyncset.done $0x0  }
0x39e: {  	[sflag:s1] =	ssyncadd.s32 $0xFFFFFC00  }
0x39f: {  	_ =	swait.ge [sflag:s1], $0x400  }
0x3a0: {  	[sflag:s1] =	ssyncset.done $0x0  }
0x3a1: {  	[sflag:s1] =	ssyncadd.s32 $0xFFFFFC00  }
0x3a2: {  	s10 =	simm.s32 $0x0;
	_ =	swait.ge [sflag:s1], $0x400  }
0x3a3: {  	v61 =	vmov s10;
	[sflag:s1] =	ssyncset.done $0x0  }
0x3a4: {  	v49 =	vshrl.u32 v61, $0x3;
	[sflag:s1] =	ssyncadd.s32 $0xFFFFFC00  }
0x3a5: {  	v49 =	vshll.u32 v49, v33;
	_ =	swait.ge [sflag:s1], $0x400  }
0x3a6: {  	v49 =	vbroadcast v49, $0x0;
	[sflag:s1] =	ssyncset.done $0x0  }
0x3a7: {  	s23 =	simm.s32 $0xF4F0;
	[sflag:s1] =	ssyncadd.s32 $0xFFFFFC00  }
0x3a8: {  	v63 =	vadd.s32 v30, v49;
	v62 =	vld [tilespmem:s23+$0xFFFFFF10];
	_ =	sdelay $0x4  }
0x3a9: {  	[tilespmem:v63+s25+$0x0] =	vst.idx.msk $0xffff, v62  }
0x3aa: {  	s11 =	simm.s32 $0x1;
	v49 =	vadd.s32 v34, v49;
	v50 =	vld [tilespmem:s23+$0xFFFFFF20]  }
0x3ab: {  	v54 =	vmov s11  }
0x3ac: {  	v51 =	vshrl.u32 v54, $0x3  }
0x3ad: {  	v51 =	vshll.u32 v51, v33  }
0x3ae: {  	v51 =	vbroadcast v51, $0x0  }
0x3af: {  	[tilespmem:v49+s25+$0x0] =	vst.idx.msk $0xffff, v50  }
0x3b0: {  	v55 =	vadd.s32 v35, v51;
	v49 =	vld [tilespmem:s23+$0xFFFFFF30];
	_ =	sdelay $0x4  }
0x3b1: {  	[tilespmem:v55+s25+$0x0] =	vst.idx.msk $0xffff, v49  }
0x3b2: {  	s12 =	simm.s32 $0x2;
	v56 =	vadd.s32 v36, v51;
	v49 =	vld [tilespmem:s23+$0xFFFFFF40]  }
0x3b3: {  	v57 =	vmov s12  }
0x3b4: {  	v51 =	vshrl.u32 v57, $0x3  }
0x3b5: {  	v51 =	vshll.u32 v51, v33  }
0x3b6: {  	v51 =	vbroadcast v51, $0x0  }
0x3b7: {  	[tilespmem:v56+s25+$0x0] =	vst.idx.msk $0xffff, v49  }
0x3b8: {  	v58 =	vadd.s32 v37, v51;
	v49 =	vld [tilespmem:s23+$0xFFFFFF50];
	_ =	sdelay $0x4  }
0x3b9: {  	[tilespmem:v58+s25+$0x0] =	vst.idx.msk $0xffff, v49  }
0x3ba: {  	v59 =	vadd.s32 v38, v51;
	s15 =	simm.s32 $0x3;
	v49 =	vld [tilespmem:s23+$0xFFFFFF60]  }
0x3bb: {  	v60 =	vmov s15  }
0x3bc: {  	v51 =	vshrl.u32 v60, $0x3  }
0x3bd: {  	v51 =	vshll.u32 v51, v33  }
0x3be: {  	v51 =	vbroadcast v51, $0x0  }
0x3bf: {  	[tilespmem:v59+s25+$0x0] =	vst.idx.msk $0xffff, v49  }
0x3c0: {  	v61 =	vadd.s32 v39, v51;
	v49 =	vld [tilespmem:s23+$0xFFFFFF70];
	_ =	sdelay $0x4  }
0x3c1: {  	[tilespmem:v61+s25+$0x0] =	vst.idx.msk $0xffff, v49  }
0x3c2: {  	s26 =	simm.s32 $0x4;
	v62 =	vadd.s32 v40, v51;
	v49 =	vld [tilespmem:s23+$0xFFFFFF80]  }
0x3c3: {  	v63 =	vmov s26  }
0x3c4: {  	v51 =	vshrl.u32 v63, $0x3  }
0x3c5: {  	v51 =	vshll.u32 v51, v33  }
0x3c6: {  	v51 =	vbroadcast v51, $0x0  }
0x3c7: {  	[tilespmem:v62+s25+$0x0] =	vst.idx.msk $0xffff, v49  }
0x3c8: {  	v54 =	vadd.s32 v41, v51;
	v49 =	vld [tilespmem:s23+$0xFFFFFF90];
	_ =	sdelay $0x4  }
0x3c9: {  	[tilespmem:v54+s25+$0x0] =	vst.idx.msk $0xffff, v49  }
0x3ca: {  	s28 =	simm.s32 $0x5;
	v55 =	vadd.s32 v42, v51;
	v49 =	vld [tilespmem:s23+$0xFFFFFFA0]  }
0x3cb: {  	v56 =	vmov s28  }
0x3cc: {  	v51 =	vshrl.u32 v56, $0x3  }
0x3cd: {  	v51 =	vshll.u32 v51, v33  }
0x3ce: {  	v51 =	vbroadcast v51, $0x0  }
0x3cf: {  	[tilespmem:v55+s25+$0x0] =	vst.idx.msk $0xffff, v49  }
0x3d0: {  	v57 =	vadd.s32 v43, v51;
	v49 =	vld [tilespmem:s23+$0xFFFFFFB0];
	_ =	sdelay $0x4  }
0x3d1: {  	[tilespmem:v57+s25+$0x0] =	vst.idx.msk $0xffff, v49  }
0x3d2: {  	s29 =	simm.s32 $0x6;
	v58 =	vadd.s32 v44, v51;
	v49 =	vld [tilespmem:s23+$0xFFFFFFC0]  }
0x3d3: {  	v59 =	vmov s29  }
0x3d4: {  	v51 =	vshrl.u32 v59, $0x3  }
0x3d5: {  	v51 =	vshll.u32 v51, v33  }
0x3d6: {  	v51 =	vbroadcast v51, $0x0  }
0x3d7: {  	[tilespmem:v58+s25+$0x0] =	vst.idx.msk $0xffff, v49  }
0x3d8: {  	v60 =	vadd.s32 v45, v51;
	v49 =	vld [tilespmem:s23+$0xFFFFFFD0];
	_ =	sdelay $0x4  }
0x3d9: {  	[tilespmem:v60+s25+$0x0] =	vst.idx.msk $0xffff, v49  }
0x3da: {  	s30 =	simm.s32 $0x7;
	v61 =	vadd.s32 v46, v51;
	v49 =	vld [tilespmem:s23+$0xFFFFFFE0]  }
0x3db: {  	v62 =	vmov s30  }
0x3dc: {  	v51 =	vshrl.u32 v62, $0x3  }
0x3dd: {  	v51 =	vshll.u32 v51, v33  }
0x3de: {  	v51 =	vbroadcast v51, $0x0  }
0x3df: {  	[tilespmem:v61+s25+$0x0] =	vst.idx.msk $0xffff, v49  }
0x3e0: {  	v63 =	vadd.s32 v47, v51;
	v49 =	vld [tilespmem:s23+$0xFFFFFFF0];
	_ =	sdelay $0x4  }
0x3e1: {  	[tilespmem:v63+s25+$0x0] =	vst.idx.msk $0xffff, v49  }
0x3e2: {  	s15 =	simm.s32 $0x8;
	v50 =	vadd.s32 v48, v51;
	v49 =	vld [tilespmem:s23+$0x0]  }
0x3e3: {  	s7 =	simm.s32 $0x10;
	v51 =	vmov s15  }
.LBB2_13:
0x3e4: {  	p1 =	slt.u32 s7, $0x78;
	v51 =	vshrl.u32 v51, $0x3  }
0x3e5: {  	v51 =	vshll.u32 v51, v33  }
0x3e6: {  	v51 =	vbroadcast v51, $0x0  }
0x3e7: {  	s23 =	sadd.s32 $0x100, s23;
	[tilespmem:v50+s25+$0x0] =	vst.idx.msk $0xffff, v49  }
0x3e8: {  	v49 =	vld [tilespmem:s23+$0xFFFFFF10];
	v50 =	vadd.s32 v30, v51;
	_ =	sdelay $0x4  }
0x3e9: {  	[tilespmem:v50+s25+$0x0] =	vst.idx.msk $0xffff, v49  }
0x3ea: {  	s8 =	sadd.s32 $0x1, s15;
	v50 =	vadd.s32 v34, v51;
	v49 =	vld [tilespmem:s23+$0xFFFFFF20]  }
0x3eb: {  	v51 =	vmov s8  }
0x3ec: {  	v51 =	vshrl.u32 v51, $0x3  }
0x3ed: {  	v51 =	vshll.u32 v51, v33  }
0x3ee: {  	v51 =	vbroadcast v51, $0x0  }
0x3ef: {  	[tilespmem:v50+s25+$0x0] =	vst.idx.msk $0xffff, v49  }
0x3f0: {  	v50 =	vadd.s32 v35, v51;
	v49 =	vld [tilespmem:s23+$0xFFFFFF30];
	_ =	sdelay $0x4  }
0x3f1: {  	[tilespmem:v50+s25+$0x0] =	vst.idx.msk $0xffff, v49  }
0x3f2: {  	s8 =	sadd.s32 $0x2, s15;
	v50 =	vadd.s32 v36, v51;
	v49 =	vld [tilespmem:s23+$0xFFFFFF40]  }
0x3f3: {  	v51 =	vmov s8  }
0x3f4: {  	v51 =	vshrl.u32 v51, $0x3  }
0x3f5: {  	v51 =	vshll.u32 v51, v33  }
0x3f6: {  	v51 =	vbroadcast v51, $0x0  }
0x3f7: {  	[tilespmem:v50+s25+$0x0] =	vst.idx.msk $0xffff, v49  }
0x3f8: {  	v50 =	vadd.s32 v37, v51;
	v49 =	vld [tilespmem:s23+$0xFFFFFF50];
	_ =	sdelay $0x4  }
0x3f9: {  	[tilespmem:v50+s25+$0x0] =	vst.idx.msk $0xffff, v49  }
0x3fa: {  	s8 =	sadd.s32 $0x3, s15;
	v50 =	vadd.s32 v38, v51;
	v49 =	vld [tilespmem:s23+$0xFFFFFF60]  }
0x3fb: {  	v51 =	vmov s8  }
0x3fc: {  	v51 =	vshrl.u32 v51, $0x3  }
0x3fd: {  	v51 =	vshll.u32 v51, v33  }
0x3fe: {  	v51 =	vbroadcast v51, $0x0  }
0x3ff: {  	[tilespmem:v50+s25+$0x0] =	vst.idx.msk $0xffff, v49  }
0x400: {  	v50 =	vadd.s32 v39, v51;
	v49 =	vld [tilespmem:s23+$0xFFFFFF70];
	_ =	sdelay $0x4  }
0x401: {  	[tilespmem:v50+s25+$0x0] =	vst.idx.msk $0xffff, v49  }
0x402: {  	s8 =	sadd.s32 $0x4, s15;
	v50 =	vadd.s32 v40, v51;
	v49 =	vld [tilespmem:s23+$0xFFFFFF80]  }
0x403: {  	v51 =	vmov s8  }
0x404: {  	v51 =	vshrl.u32 v51, $0x3  }
0x405: {  	v51 =	vshll.u32 v51, v33  }
0x406: {  	v51 =	vbroadcast v51, $0x0  }
0x407: {  	[tilespmem:v50+s25+$0x0] =	vst.idx.msk $0xffff, v49  }
0x408: {  	v50 =	vadd.s32 v41, v51;
	v49 =	vld [tilespmem:s23+$0xFFFFFF90];
	_ =	sdelay $0x4  }
0x409: {  	[tilespmem:v50+s25+$0x0] =	vst.idx.msk $0xffff, v49  }
0x40a: {  	s8 =	sadd.s32 $0x5, s15;
	v50 =	vadd.s32 v42, v51;
	v49 =	vld [tilespmem:s23+$0xFFFFFFA0]  }
0x40b: {  	v51 =	vmov s8  }
0x40c: {  	v51 =	vshrl.u32 v51, $0x3  }
0x40d: {  	v51 =	vshll.u32 v51, v33  }
0x40e: {  	v51 =	vbroadcast v51, $0x0  }
0x40f: {  	[tilespmem:v50+s25+$0x0] =	vst.idx.msk $0xffff, v49  }
0x410: {  	v50 =	vadd.s32 v43, v51;
	v49 =	vld [tilespmem:s23+$0xFFFFFFB0];
	_ =	sdelay $0x4  }
0x411: {  	[tilespmem:v50+s25+$0x0] =	vst.idx.msk $0xffff, v49  }
0x412: {  	s8 =	sadd.s32 $0x6, s15;
	v50 =	vadd.s32 v44, v51;
	v49 =	vld [tilespmem:s23+$0xFFFFFFC0]  }
0x413: {  	v51 =	vmov s8  }
0x414: {  	v51 =	vshrl.u32 v51, $0x3  }
0x415: {  	v51 =	vshll.u32 v51, v33  }
0x416: {  	v51 =	vbroadcast v51, $0x0  }
0x417: {  	[tilespmem:v50+s25+$0x0] =	vst.idx.msk $0xffff, v49  }
0x418: {  	v50 =	vadd.s32 v45, v51;
	v49 =	vld [tilespmem:s23+$0xFFFFFFD0];
	_ =	sdelay $0x4  }
0x419: {  	[tilespmem:v50+s25+$0x0] =	vst.idx.msk $0xffff, v49  }
0x41a: {  	s8 =	sadd.s32 $0x7, s15;
	s15 =	smov.u32 s7;
	v50 =	vadd.s32 v46, v51;
	v49 =	vld [tilespmem:s23+$0xFFFFFFE0]  }
0x41b: {  	v51 =	vmov s8  }
0x41c: {  	v51 =	vshrl.u32 v51, $0x3  }
0x41d: {  	v51 =	vshll.u32 v51, v33  }
0x41e: {  	v51 =	vbroadcast v51, $0x0  }
0x41f: {  	[tilespmem:v50+s25+$0x0] =	vst.idx.msk $0xffff, v49  }
0x420: {  	v50 =	vadd.s32 v47, v51;
	v49 =	vld [tilespmem:s23+$0xFFFFFFF0];
	_ =	sdelay $0x2  }
.Ltmp8:
0x421: {  	(pc) =	sbr.rel @p1 .LBB2_13-.Ltmp8, $4  }
0x422: {  	_ = 	snop  }
0x423: {  	[tilespmem:v50+s25+$0x0] =	vst.idx.msk $0xffff, v49  }
0x424: {  	v50 =	vadd.s32 v48, v51;
	v49 =	vld [tilespmem:s23+$0x0]  }
0x425: {  	s7 =	sadd.s32 $0x8, s7;
	v51 =	vmov s15  }
0x426: {  	_ = 	snop  }
0x427: {  	v51 =	vshrl.u32 v51, $0x3  }
0x428: {  	v51 =	vshll.u32 v51, v33  }
0x429: {  	v51 =	vbroadcast v51, $0x0  }
0x42a: {  	s7 =	sadd.s32 $0x100, s23;
	[tilespmem:v50+s25+$0x0] =	vst.idx.msk $0xffff, v49  }
0x42b: {  	v49 =	vld [tilespmem:s7+$0xFFFFFF10];
	v59 =	vadd.s32 v30, v51;
	_ =	sdelay $0x4  }
0x42c: {  	[tilespmem:v59+s25+$0x0] =	vst.idx.msk $0xffff, v49  }
0x42d: {  	s8 =	sadd.s32 $0x1, s15;
	v60 =	vadd.s32 v34, v51;
	v49 =	vld [tilespmem:s7+$0xFFFFFF20]  }
0x42e: {  	v61 =	vmov s8  }
0x42f: {  	v51 =	vshrl.u32 v61, $0x3  }
0x430: {  	v51 =	vshll.u32 v51, v33  }
0x431: {  	v51 =	vbroadcast v51, $0x0  }
0x432: {  	[tilespmem:v60+s25+$0x0] =	vst.idx.msk $0xffff, v49  }
0x433: {  	v62 =	vadd.s32 v35, v51;
	v49 =	vld [tilespmem:s7+$0xFFFFFF30];
	_ =	sdelay $0x4  }
0x434: {  	[tilespmem:v62+s25+$0x0] =	vst.idx.msk $0xffff, v49  }
0x435: {  	s6 =	sadd.s32 $0x2, s15;
	v63 =	vadd.s32 v36, v51;
	v49 =	vld [tilespmem:s7+$0xFFFFFF40]  }
0x436: {  	v54 =	vmov s6  }
0x437: {  	v51 =	vshrl.u32 v54, $0x3  }
0x438: {  	v51 =	vshll.u32 v51, v33  }
0x439: {  	v51 =	vbroadcast v51, $0x0  }
0x43a: {  	[tilespmem:v63+s25+$0x0] =	vst.idx.msk $0xffff, v49  }
0x43b: {  	v55 =	vadd.s32 v37, v51;
	v49 =	vld [tilespmem:s7+$0xFFFFFF50];
	_ =	sdelay $0x4  }
0x43c: {  	[tilespmem:v55+s25+$0x0] =	vst.idx.msk $0xffff, v49  }
0x43d: {  	s9 =	sadd.s32 $0x3, s15;
	v56 =	vadd.s32 v38, v51;
	v49 =	vld [tilespmem:s7+$0xFFFFFF60]  }
0x43e: {  	v57 =	vmov s9  }
0x43f: {  	v51 =	vshrl.u32 v57, $0x3  }
0x440: {  	v51 =	vshll.u32 v51, v33  }
0x441: {  	v51 =	vbroadcast v51, $0x0  }
0x442: {  	[tilespmem:v56+s25+$0x0] =	vst.idx.msk $0xffff, v49  }
0x443: {  	v58 =	vadd.s32 v39, v51;
	v49 =	vld [tilespmem:s7+$0xFFFFFF70];
	_ =	sdelay $0x4  }
0x444: {  	[tilespmem:v58+s25+$0x0] =	vst.idx.msk $0xffff, v49  }
0x445: {  	s10 =	sadd.s32 $0x4, s15;
	v59 =	vadd.s32 v40, v51;
	v49 =	vld [tilespmem:s7+$0xFFFFFF80]  }
0x446: {  	v60 =	vmov s10  }
0x447: {  	v51 =	vshrl.u32 v60, $0x3  }
0x448: {  	v51 =	vshll.u32 v51, v33  }
0x449: {  	v51 =	vbroadcast v51, $0x0  }
0x44a: {  	[tilespmem:v59+s25+$0x0] =	vst.idx.msk $0xffff, v49  }
0x44b: {  	v61 =	vadd.s32 v41, v51;
	v49 =	vld [tilespmem:s7+$0xFFFFFF90];
	_ =	sdelay $0x4  }
0x44c: {  	[tilespmem:v61+s25+$0x0] =	vst.idx.msk $0xffff, v49  }
0x44d: {  	s11 =	sadd.s32 $0x5, s15;
	v62 =	vadd.s32 v42, v51;
	v49 =	vld [tilespmem:s7+$0xFFFFFFA0]  }
0x44e: {  	v63 =	vmov s11  }
0x44f: {  	v51 =	vshrl.u32 v63, $0x3  }
0x450: {  	v51 =	vshll.u32 v51, v33  }
0x451: {  	v51 =	vbroadcast v51, $0x0  }
0x452: {  	[tilespmem:v62+s25+$0x0] =	vst.idx.msk $0xffff, v49  }
0x453: {  	v53 =	vadd.s32 v43, v51;
	v49 =	vld [tilespmem:s7+$0xFFFFFFB0];
	_ =	sdelay $0x4  }
0x454: {  	[tilespmem:v53+s25+$0x0] =	vst.idx.msk $0xffff, v49  }
0x455: {  	s12 =	sadd.s32 $0x6, s15;
	v54 =	vadd.s32 v44, v51;
	v49 =	vld [tilespmem:s7+$0xFFFFFFC0]  }
0x456: {  	v55 =	vmov s12  }
0x457: {  	v51 =	vshrl.u32 v55, $0x3  }
0x458: {  	v51 =	vshll.u32 v51, v33  }
0x459: {  	v51 =	vbroadcast v51, $0x0  }
0x45a: {  	[tilespmem:v54+s25+$0x0] =	vst.idx.msk $0xffff, v49  }
0x45b: {  	v56 =	vadd.s32 v45, v51;
	v49 =	vld [tilespmem:s7+$0xFFFFFFD0];
	_ =	sdelay $0x4  }
0x45c: {  	[tilespmem:v56+s25+$0x0] =	vst.idx.msk $0xffff, v49  }
0x45d: {  	s15 =	sadd.s32 $0x7, s15;
	v57 =	vadd.s32 v46, v51;
	v49 =	vld [tilespmem:s7+$0xFFFFFFE0]  }
0x45e: {  	v58 =	vmov s15  }
0x45f: {  	v51 =	vshrl.u32 v58, $0x3  }
0x460: {  	v51 =	vshll.u32 v51, v33  }
0x461: {  	v51 =	vbroadcast v51, $0x0  }
0x462: {  	[tilespmem:v57+s25+$0x0] =	vst.idx.msk $0xffff, v49  }
0x463: {  	v59 =	vadd.s32 v47, v51;
	v49 =	vld [tilespmem:s7+$0xFFFFFFF0];
	_ =	sdelay $0x4  }
0x464: {  	[tilespmem:v59+s25+$0x0] =	vst.idx.msk $0xffff, v49  }
0x465: {  	v60 =	vadd.s32 v48, v51;
	v49 =	vld [tilespmem:s7+$0x0];
	_ =	sdelay $0x1  }
0x466: {  	s23 =	rddreg [dreg:$0x9]  }
0x467: {  	s7 =	sor.u32 s23, s17  }
0x468: {  	s7 =	sshrl.u32 s7, $0x3  }
0x469: {  	s8 =	sadd.s32 s2, s7;
	[tilespmem:v60+s25+$0x0] =	vst.idx.msk $0xffff, v49  }
0x46a: {  	[hbm4b:s8+s3] =	stream.linear.scatter [tilespmem:s25], [sflag:$0x2], $0x80, $0x38;
	[tilespmem:$0x13600] =	vst v63  }
0x46b: {  	s23 =	simm.s32 $0x11488;
	s26 =	sadd.s32 $0x10, s8  }
0x46c: {  	[hbm4b:s26+s3] =	stream.linear.scatter [tilespmem:s23], [sflag:$0x2], $0x80, $0x38;
	[tilespmem:$0x13600] =	vst v63  }
0x46d: {  	s9 =	simm.s32 $0x11510;
	s6 =	sadd.s32 $0x20, s8  }
0x46e: {  	[hbm4b:s6+s3] =	stream.linear.scatter [tilespmem:s9], [sflag:$0x2], $0x80, $0x38;
	[tilespmem:$0x13600] =	vst v63  }
0x46f: {  	s10 =	sadd.s32 $0x30, s8;
	s9 =	simm.s32 $0x11598  }
0x470: {  	[hbm4b:s10+s3] =	stream.linear.scatter [tilespmem:s9], [sflag:$0x2], $0x80, $0x38;
	[tilespmem:$0x13600] =	vst v63  }
0x471: {  	s11 =	sadd.s32 $0x40, s8;
	s10 =	simm.s32 $0x11620  }
0x472: {  	[hbm4b:s11+s3] =	stream.linear.scatter [tilespmem:s10], [sflag:$0x2], $0x80, $0x38;
	[tilespmem:$0x13600] =	vst v63  }
0x473: {  	s12 =	sadd.s32 $0x50, s8;
	s10 =	simm.s32 $0x116A8  }
0x474: {  	[hbm4b:s12+s3] =	stream.linear.scatter [tilespmem:s10], [sflag:$0x2], $0x80, $0x38;
	[tilespmem:$0x13600] =	vst v63  }
0x475: {  	s26 =	sadd.s32 $0x60, s8;
	s11 =	simm.s32 $0x11730  }
0x476: {  	[hbm4b:s26+s3] =	stream.linear.scatter [tilespmem:s11], [sflag:$0x2], $0x80, $0x38;
	[tilespmem:$0x13600] =	vst v63  }
0x477: {  	s8 =	sadd.s32 $0x70, s8;
	s6 =	sor.u32 $0x4000, s7;
	s11 =	simm.s32 $0x117B8  }
0x478: {  	[hbm4b:s8+s3] =	stream.linear.scatter [tilespmem:s11], [sflag:$0x2], $0x80, $0x38;
	[tilespmem:$0x13600] =	vst v63  }
0x479: {  	s12 =	simm.s32 $0x11840;
	s8 =	sadd.s32 s2, s6  }
0x47a: {  	[hbm4b:s8+s3] =	stream.linear.scatter [tilespmem:s12], [sflag:$0x2], $0x80, $0x38;
	[tilespmem:$0x13600] =	vst v63  }
0x47b: {  	s26 =	sadd.s32 $0x10, s8;
	s12 =	simm.s32 $0x118C8  }
0x47c: {  	[hbm4b:s26+s3] =	stream.linear.scatter [tilespmem:s12], [sflag:$0x2], $0x80, $0x38;
	[tilespmem:$0x13600] =	vst v63  }
0x47d: {  	s6 =	sadd.s32 $0x20, s8;
	s12 =	simm.s32 $0x11950  }
0x47e: {  	[hbm4b:s6+s3] =	stream.linear.scatter [tilespmem:s12], [sflag:$0x2], $0x80, $0x38;
	[tilespmem:$0x13600] =	vst v63  }
0x47f: {  	s26 =	sadd.s32 $0x30, s8;
	s6 =	simm.s32 $0x119D8  }
0x480: {  	[hbm4b:s26+s3] =	stream.linear.scatter [tilespmem:s6], [sflag:$0x2], $0x80, $0x38;
	[tilespmem:$0x13600] =	vst v63  }
0x481: {  	s26 =	sadd.s32 $0x40, s8;
	s6 =	simm.s32 $0x11A60  }
0x482: {  	[hbm4b:s26+s3] =	stream.linear.scatter [tilespmem:s6], [sflag:$0x2], $0x80, $0x38;
	[tilespmem:$0x13600] =	vst v63  }
0x483: {  	s15 =	sadd.s32 $0x50, s8;
	s26 =	simm.s32 $0x11AE8  }
0x484: {  	[hbm4b:s15+s3] =	stream.linear.scatter [tilespmem:s26], [sflag:$0x2], $0x80, $0x38;
	[tilespmem:$0x13600] =	vst v63  }
0x485: {  	s15 =	sadd.s32 $0x60, s8;
	s26 =	simm.s32 $0x11B70  }
0x486: {  	[hbm4b:s15+s3] =	stream.linear.scatter [tilespmem:s26], [sflag:$0x2], $0x80, $0x38;
	[tilespmem:$0x13600] =	vst v63  }
0x487: {  	s8 =	sadd.s32 $0x70, s8;
	s15 =	simm.s32 $0x11BF8  }
0x488: {  	[hbm4b:s8+s3] =	stream.linear.scatter [tilespmem:s15], [sflag:$0x2], $0x80, $0x38;
	[tilespmem:$0x13600] =	vst v63  }
0x489: {  	s15 =	sor.u32 $0x8000, s7  }
0x48a: {  	s8 =	sadd.s32 s2, s15;
	s15 =	simm.s32 $0x11C80  }
0x48b: {  	[hbm4b:s8+s3] =	stream.linear.scatter [tilespmem:s15], [sflag:$0x2], $0x80, $0x38;
	[tilespmem:$0x13600] =	vst v63  }
0x48c: {  	s28 =	simm.s32 $0x11D08;
	s15 =	sadd.s32 $0x10, s8  }
0x48d: {  	[hbm4b:s15+s3] =	stream.linear.scatter [tilespmem:s28], [sflag:$0x2], $0x80, $0x38;
	[tilespmem:$0x13600] =	vst v63  }
0x48e: {  	s15 =	sadd.s32 $0x20, s8;
	s28 =	simm.s32 $0x11D90  }
0x48f: {  	[hbm4b:s15+s3] =	stream.linear.scatter [tilespmem:s28], [sflag:$0x2], $0x80, $0x38;
	[tilespmem:$0x13600] =	vst v63  }
0x490: {  	s29 =	simm.s32 $0x11E18;
	s15 =	sadd.s32 $0x30, s8  }
0x491: {  	[hbm4b:s15+s3] =	stream.linear.scatter [tilespmem:s29], [sflag:$0x2], $0x80, $0x38;
	[tilespmem:$0x13600] =	vst v63  }
0x492: {  	s15 =	sadd.s32 $0x40, s8;
	s29 =	simm.s32 $0x11EA0  }
0x493: {  	[hbm4b:s15+s3] =	stream.linear.scatter [tilespmem:s29], [sflag:$0x2], $0x80, $0x38;
	[tilespmem:$0x13600] =	vst v63  }
0x494: {  	s30 =	simm.s32 $0x11F28;
	s15 =	sadd.s32 $0x50, s8  }
0x495: {  	[hbm4b:s15+s3] =	stream.linear.scatter [tilespmem:s30], [sflag:$0x2], $0x80, $0x38;
	[tilespmem:$0x13600] =	vst v63  }
0x496: {  	s15 =	sadd.s32 $0x60, s8;
	s30 =	simm.s32 $0x11FB0  }
0x497: {  	[hbm4b:s15+s3] =	stream.linear.scatter [tilespmem:s30], [sflag:$0x2], $0x80, $0x38;
	[tilespmem:$0x13600] =	vst v63  }
0x498: {  	s7 =	sor.u32 $0xC000, s7;
	s8 =	sadd.s32 $0x70, s8;
	s15 =	simm.s32 $0x12038  }
0x499: {  	[hbm4b:s8+s3] =	stream.linear.scatter [tilespmem:s15], [sflag:$0x2], $0x80, $0x38;
	[tilespmem:$0x13600] =	vst v63  }
0x49a: {  	s7 =	sadd.s32 s2, s7;
	s15 =	simm.s32 $0x120C0  }
0x49b: {  	[hbm4b:s7+s3] =	stream.linear.scatter [tilespmem:s15], [sflag:$0x2], $0x80, $0x38;
	[tilespmem:$0x13600] =	vst v63  }
0x49c: {  	s8 =	sadd.s32 $0x10, s7;
	s15 =	simm.s32 $0x12148  }
0x49d: {  	[hbm4b:s8+s3] =	stream.linear.scatter [tilespmem:s15], [sflag:$0x2], $0x80, $0x38;
	[tilespmem:$0x13600] =	vst v63  }
0x49e: {  	s8 =	sadd.s32 $0x20, s7;
	s15 =	simm.s32 $0x121D0  }
0x49f: {  	[hbm4b:s8+s3] =	stream.linear.scatter [tilespmem:s15], [sflag:$0x2], $0x80, $0x38;
	[tilespmem:$0x13600] =	vst v63  }
0x4a0: {  	s8 =	sadd.s32 $0x30, s7;
	s15 =	simm.s32 $0x12258  }
0x4a1: {  	[hbm4b:s8+s3] =	stream.linear.scatter [tilespmem:s15], [sflag:$0x2], $0x80, $0x38;
	[tilespmem:$0x13600] =	vst v63  }
0x4a2: {  	s8 =	sadd.s32 $0x40, s7;
	s15 =	simm.s32 $0x122E0  }
0x4a3: {  	[hbm4b:s8+s3] =	stream.linear.scatter [tilespmem:s15], [sflag:$0x2], $0x80, $0x38;
	[tilespmem:$0x13600] =	vst v63  }
0x4a4: {  	s8 =	sadd.s32 $0x50, s7;
	s15 =	simm.s32 $0x12368  }
0x4a5: {  	[hbm4b:s8+s3] =	stream.linear.scatter [tilespmem:s15], [sflag:$0x2], $0x80, $0x38;
	[tilespmem:$0x13600] =	vst v63  }
0x4a6: {  	s8 =	sadd.s32 $0x60, s7;
	s15 =	simm.s32 $0x123F0  }
0x4a7: {  	[hbm4b:s8+s3] =	stream.linear.scatter [tilespmem:s15], [sflag:$0x2], $0x80, $0x38;
	[tilespmem:$0x13600] =	vst v63  }
0x4a8: {  	s7 =	sadd.s32 $0x70, s7;
	s15 =	simm.s32 $0x12478  }
0x4a9: {  	[hbm4b:s7+s3] =	stream.linear.scatter [tilespmem:s15], [sflag:$0x2], $0x80, $0x38;
	[tilespmem:$0x13600] =	vst v63  }
0x4aa: {  	s8 =	simm.s32 @!p0 $0x80;
	s7 =	sadd.s32 @!p0 $0x7300, s20;
	s15 =	simm.s32 @!p0 $0xF400  }
0x4ab: {  	[tilespmem:s15], [sflag:$0x1] =	stream.indirect.gather @!p0 [hbm4b:s4+s8], $0x20, s7, s8, $0xb8;
	[tilespmem:$0x13600] =	vst v63  }
0x4ac: {  	_ =	swait.ge [sflag:s24], $0x1000  }
0x4ad: {  	[sflag:s24] =	ssyncset.done $0x0  }
0x4ae: {  	[sflag:s24] =	ssyncadd.s32 $0xFFFFF000  }
0x4af: {  	_ =	swait.ge [sflag:s1], $0x400  }
0x4b0: {  	[sflag:s1] =	ssyncset.done $0x0  }
0x4b1: {  	[sflag:s1] =	ssyncadd.s32 $0xFFFFFC00  }
0x4b2: {  	_ =	swait.ge [sflag:s1], $0x400  }
0x4b3: {  	[sflag:s1] =	ssyncset.done $0x0  }
0x4b4: {  	[sflag:s1] =	ssyncadd.s32 $0xFFFFFC00  }
0x4b5: {  	s8 =	simm.s32 $0x0;
	_ =	swait.ge [sflag:s1], $0x400  }
0x4b6: {  	v61 =	vmov s8;
	[sflag:s1] =	ssyncset.done $0x0  }
0x4b7: {  	v49 =	vshrl.u32 v61, $0x3;
	[sflag:s1] =	ssyncadd.s32 $0xFFFFFC00  }
0x4b8: {  	v49 =	vshll.u32 v49, v33;
	_ =	swait.ge [sflag:s1], $0x400  }
0x4b9: {  	v49 =	vbroadcast v49, $0x0;
	[sflag:s1] =	ssyncset.done $0x0  }
0x4ba: {  	s20 =	simm.s32 $0x104F0;
	[sflag:s1] =	ssyncadd.s32 $0xFFFFFC00  }
0x4bb: {  	v63 =	vadd.s32 v30, v49;
	v62 =	vld [tilespmem:s20+$0xFFFFFF10];
	_ =	sdelay $0x4  }
0x4bc: {  	[tilespmem:v63+s0+$0x0] =	vst.idx.msk $0xffff, v62  }
0x4bd: {  	s15 =	simm.s32 $0x1;
	v49 =	vadd.s32 v34, v49;
	v50 =	vld [tilespmem:s20+$0xFFFFFF20]  }
0x4be: {  	v54 =	vmov s15  }
0x4bf: {  	v51 =	vshrl.u32 v54, $0x3  }
0x4c0: {  	v51 =	vshll.u32 v51, v33  }
0x4c1: {  	v51 =	vbroadcast v51, $0x0  }
0x4c2: {  	[tilespmem:v49+s0+$0x0] =	vst.idx.msk $0xffff, v50  }
0x4c3: {  	v55 =	vadd.s32 v35, v51;
	v49 =	vld [tilespmem:s20+$0xFFFFFF30];
	_ =	sdelay $0x4  }
0x4c4: {  	[tilespmem:v55+s0+$0x0] =	vst.idx.msk $0xffff, v49  }
0x4c5: {  	s8 =	simm.s32 $0x2;
	v56 =	vadd.s32 v36, v51;
	v49 =	vld [tilespmem:s20+$0xFFFFFF40]  }
0x4c6: {  	v57 =	vmov s8  }
0x4c7: {  	v51 =	vshrl.u32 v57, $0x3  }
0x4c8: {  	v51 =	vshll.u32 v51, v33  }
0x4c9: {  	v51 =	vbroadcast v51, $0x0  }
0x4ca: {  	[tilespmem:v56+s0+$0x0] =	vst.idx.msk $0xffff, v49  }
0x4cb: {  	v58 =	vadd.s32 v37, v51;
	v49 =	vld [tilespmem:s20+$0xFFFFFF50];
	_ =	sdelay $0x4  }
0x4cc: {  	[tilespmem:v58+s0+$0x0] =	vst.idx.msk $0xffff, v49  }
0x4cd: {  	s15 =	simm.s32 $0x3;
	v59 =	vadd.s32 v38, v51;
	v49 =	vld [tilespmem:s20+$0xFFFFFF60]  }
0x4ce: {  	v60 =	vmov s15  }
0x4cf: {  	v51 =	vshrl.u32 v60, $0x3  }
0x4d0: {  	v51 =	vshll.u32 v51, v33  }
0x4d1: {  	v51 =	vbroadcast v51, $0x0  }
0x4d2: {  	[tilespmem:v59+s0+$0x0] =	vst.idx.msk $0xffff, v49  }
0x4d3: {  	v61 =	vadd.s32 v39, v51;
	v49 =	vld [tilespmem:s20+$0xFFFFFF70];
	_ =	sdelay $0x4  }
0x4d4: {  	[tilespmem:v61+s0+$0x0] =	vst.idx.msk $0xffff, v49  }
0x4d5: {  	s8 =	simm.s32 $0x4;
	v62 =	vadd.s32 v40, v51;
	v49 =	vld [tilespmem:s20+$0xFFFFFF80]  }
0x4d6: {  	v63 =	vmov s8  }
0x4d7: {  	v51 =	vshrl.u32 v63, $0x3  }
0x4d8: {  	v51 =	vshll.u32 v51, v33  }
0x4d9: {  	v51 =	vbroadcast v51, $0x0  }
0x4da: {  	[tilespmem:v62+s0+$0x0] =	vst.idx.msk $0xffff, v49  }
0x4db: {  	v54 =	vadd.s32 v41, v51;
	v49 =	vld [tilespmem:s20+$0xFFFFFF90];
	_ =	sdelay $0x4  }
0x4dc: {  	[tilespmem:v54+s0+$0x0] =	vst.idx.msk $0xffff, v49  }
0x4dd: {  	s15 =	simm.s32 $0x5;
	v55 =	vadd.s32 v42, v51;
	v49 =	vld [tilespmem:s20+$0xFFFFFFA0]  }
0x4de: {  	v56 =	vmov s15  }
0x4df: {  	v51 =	vshrl.u32 v56, $0x3  }
0x4e0: {  	v51 =	vshll.u32 v51, v33  }
0x4e1: {  	v51 =	vbroadcast v51, $0x0  }
0x4e2: {  	[tilespmem:v55+s0+$0x0] =	vst.idx.msk $0xffff, v49  }
0x4e3: {  	v57 =	vadd.s32 v43, v51;
	v49 =	vld [tilespmem:s20+$0xFFFFFFB0];
	_ =	sdelay $0x4  }
0x4e4: {  	[tilespmem:v57+s0+$0x0] =	vst.idx.msk $0xffff, v49  }
0x4e5: {  	s8 =	simm.s32 $0x6;
	v58 =	vadd.s32 v44, v51;
	v49 =	vld [tilespmem:s20+$0xFFFFFFC0]  }
0x4e6: {  	v59 =	vmov s8  }
0x4e7: {  	v51 =	vshrl.u32 v59, $0x3  }
0x4e8: {  	v51 =	vshll.u32 v51, v33  }
0x4e9: {  	v51 =	vbroadcast v51, $0x0  }
0x4ea: {  	[tilespmem:v58+s0+$0x0] =	vst.idx.msk $0xffff, v49  }
0x4eb: {  	v60 =	vadd.s32 v45, v51;
	v49 =	vld [tilespmem:s20+$0xFFFFFFD0];
	_ =	sdelay $0x4  }
0x4ec: {  	[tilespmem:v60+s0+$0x0] =	vst.idx.msk $0xffff, v49  }
0x4ed: {  	s15 =	simm.s32 $0x7;
	v61 =	vadd.s32 v46, v51;
	v49 =	vld [tilespmem:s20+$0xFFFFFFE0]  }
0x4ee: {  	v62 =	vmov s15  }
0x4ef: {  	v51 =	vshrl.u32 v62, $0x3  }
0x4f0: {  	v51 =	vshll.u32 v51, v33  }
0x4f1: {  	v51 =	vbroadcast v51, $0x0  }
0x4f2: {  	[tilespmem:v61+s0+$0x0] =	vst.idx.msk $0xffff, v49  }
0x4f3: {  	v63 =	vadd.s32 v47, v51;
	v49 =	vld [tilespmem:s20+$0xFFFFFFF0];
	_ =	sdelay $0x4  }
0x4f4: {  	[tilespmem:v63+s0+$0x0] =	vst.idx.msk $0xffff, v49  }
0x4f5: {  	s15 =	simm.s32 $0x8;
	v50 =	vadd.s32 v48, v51;
	v49 =	vld [tilespmem:s20+$0x0]  }
0x4f6: {  	s7 =	simm.s32 $0x10;
	v51 =	vmov s15  }
.LBB2_15:
0x4f7: {  	p1 =	slt.u32 s7, $0x78;
	v51 =	vshrl.u32 v51, $0x3  }
0x4f8: {  	v51 =	vshll.u32 v51, v33  }
0x4f9: {  	v51 =	vbroadcast v51, $0x0  }
0x4fa: {  	s20 =	sadd.s32 $0x100, s20;
	[tilespmem:v50+s0+$0x0] =	vst.idx.msk $0xffff, v49  }
0x4fb: {  	v49 =	vld [tilespmem:s20+$0xFFFFFF10];
	v50 =	vadd.s32 v30, v51;
	_ =	sdelay $0x4  }
0x4fc: {  	[tilespmem:v50+s0+$0x0] =	vst.idx.msk $0xffff, v49  }
0x4fd: {  	s8 =	sadd.s32 $0x1, s15;
	v50 =	vadd.s32 v34, v51;
	v49 =	vld [tilespmem:s20+$0xFFFFFF20]  }
0x4fe: {  	v51 =	vmov s8  }
0x4ff: {  	v51 =	vshrl.u32 v51, $0x3  }
0x500: {  	v51 =	vshll.u32 v51, v33  }
0x501: {  	v51 =	vbroadcast v51, $0x0  }
0x502: {  	[tilespmem:v50+s0+$0x0] =	vst.idx.msk $0xffff, v49  }
0x503: {  	v50 =	vadd.s32 v35, v51;
	v49 =	vld [tilespmem:s20+$0xFFFFFF30];
	_ =	sdelay $0x4  }
0x504: {  	[tilespmem:v50+s0+$0x0] =	vst.idx.msk $0xffff, v49  }
0x505: {  	s8 =	sadd.s32 $0x2, s15;
	v50 =	vadd.s32 v36, v51;
	v49 =	vld [tilespmem:s20+$0xFFFFFF40]  }
0x506: {  	v51 =	vmov s8  }
0x507: {  	v51 =	vshrl.u32 v51, $0x3  }
0x508: {  	v51 =	vshll.u32 v51, v33  }
0x509: {  	v51 =	vbroadcast v51, $0x0  }
0x50a: {  	[tilespmem:v50+s0+$0x0] =	vst.idx.msk $0xffff, v49  }
0x50b: {  	v50 =	vadd.s32 v37, v51;
	v49 =	vld [tilespmem:s20+$0xFFFFFF50];
	_ =	sdelay $0x4  }
0x50c: {  	[tilespmem:v50+s0+$0x0] =	vst.idx.msk $0xffff, v49  }
0x50d: {  	s8 =	sadd.s32 $0x3, s15;
	v50 =	vadd.s32 v38, v51;
	v49 =	vld [tilespmem:s20+$0xFFFFFF60]  }
0x50e: {  	v51 =	vmov s8  }
0x50f: {  	v51 =	vshrl.u32 v51, $0x3  }
0x510: {  	v51 =	vshll.u32 v51, v33  }
0x511: {  	v51 =	vbroadcast v51, $0x0  }
0x512: {  	[tilespmem:v50+s0+$0x0] =	vst.idx.msk $0xffff, v49  }
0x513: {  	v50 =	vadd.s32 v39, v51;
	v49 =	vld [tilespmem:s20+$0xFFFFFF70];
	_ =	sdelay $0x4  }
0x514: {  	[tilespmem:v50+s0+$0x0] =	vst.idx.msk $0xffff, v49  }
0x515: {  	s8 =	sadd.s32 $0x4, s15;
	v50 =	vadd.s32 v40, v51;
	v49 =	vld [tilespmem:s20+$0xFFFFFF80]  }
0x516: {  	v51 =	vmov s8  }
0x517: {  	v51 =	vshrl.u32 v51, $0x3  }
0x518: {  	v51 =	vshll.u32 v51, v33  }
0x519: {  	v51 =	vbroadcast v51, $0x0  }
0x51a: {  	[tilespmem:v50+s0+$0x0] =	vst.idx.msk $0xffff, v49  }
0x51b: {  	v50 =	vadd.s32 v41, v51;
	v49 =	vld [tilespmem:s20+$0xFFFFFF90];
	_ =	sdelay $0x4  }
0x51c: {  	[tilespmem:v50+s0+$0x0] =	vst.idx.msk $0xffff, v49  }
0x51d: {  	s8 =	sadd.s32 $0x5, s15;
	v50 =	vadd.s32 v42, v51;
	v49 =	vld [tilespmem:s20+$0xFFFFFFA0]  }
0x51e: {  	v51 =	vmov s8  }
0x51f: {  	v51 =	vshrl.u32 v51, $0x3  }
0x520: {  	v51 =	vshll.u32 v51, v33  }
0x521: {  	v51 =	vbroadcast v51, $0x0  }
0x522: {  	[tilespmem:v50+s0+$0x0] =	vst.idx.msk $0xffff, v49  }
0x523: {  	v50 =	vadd.s32 v43, v51;
	v49 =	vld [tilespmem:s20+$0xFFFFFFB0];
	_ =	sdelay $0x4  }
0x524: {  	[tilespmem:v50+s0+$0x0] =	vst.idx.msk $0xffff, v49  }
0x525: {  	s8 =	sadd.s32 $0x6, s15;
	v50 =	vadd.s32 v44, v51;
	v49 =	vld [tilespmem:s20+$0xFFFFFFC0]  }
0x526: {  	v51 =	vmov s8  }
0x527: {  	v51 =	vshrl.u32 v51, $0x3  }
0x528: {  	v51 =	vshll.u32 v51, v33  }
0x529: {  	v51 =	vbroadcast v51, $0x0  }
0x52a: {  	[tilespmem:v50+s0+$0x0] =	vst.idx.msk $0xffff, v49  }
0x52b: {  	v50 =	vadd.s32 v45, v51;
	v49 =	vld [tilespmem:s20+$0xFFFFFFD0];
	_ =	sdelay $0x4  }
0x52c: {  	[tilespmem:v50+s0+$0x0] =	vst.idx.msk $0xffff, v49  }
0x52d: {  	s8 =	sadd.s32 $0x7, s15;
	s15 =	smov.u32 s7;
	v50 =	vadd.s32 v46, v51;
	v49 =	vld [tilespmem:s20+$0xFFFFFFE0]  }
0x52e: {  	v51 =	vmov s8  }
0x52f: {  	v51 =	vshrl.u32 v51, $0x3  }
0x530: {  	v51 =	vshll.u32 v51, v33  }
0x531: {  	v51 =	vbroadcast v51, $0x0  }
0x532: {  	[tilespmem:v50+s0+$0x0] =	vst.idx.msk $0xffff, v49  }
0x533: {  	v50 =	vadd.s32 v47, v51;
	v49 =	vld [tilespmem:s20+$0xFFFFFFF0];
	_ =	sdelay $0x2  }
.Ltmp9:
0x534: {  	(pc) =	sbr.rel @p1 .LBB2_15-.Ltmp9, $4  }
0x535: {  	_ = 	snop  }
0x536: {  	[tilespmem:v50+s0+$0x0] =	vst.idx.msk $0xffff, v49  }
0x537: {  	v50 =	vadd.s32 v48, v51;
	v49 =	vld [tilespmem:s20+$0x0]  }
0x538: {  	s7 =	sadd.s32 $0x8, s7;
	v51 =	vmov s15  }
0x539: {  	_ = 	snop  }
0x53a: {  	v51 =	vshrl.u32 v51, $0x3  }
0x53b: {  	v51 =	vshll.u32 v51, v33  }
0x53c: {  	v51 =	vbroadcast v51, $0x0  }
0x53d: {  	s7 =	sadd.s32 $0x100, s20;
	[tilespmem:v50+s0+$0x0] =	vst.idx.msk $0xffff, v49  }
0x53e: {  	v49 =	vld [tilespmem:s7+$0xFFFFFF10];
	v62 =	vadd.s32 v30, v51;
	_ =	sdelay $0x4  }
0x53f: {  	[tilespmem:v62+s0+$0x0] =	vst.idx.msk $0xffff, v49  }
0x540: {  	s8 =	sadd.s32 $0x1, s15;
	v63 =	vadd.s32 v34, v51;
	v49 =	vld [tilespmem:s7+$0xFFFFFF20]  }
0x541: {  	v54 =	vmov s8  }
0x542: {  	v51 =	vshrl.u32 v54, $0x3  }
0x543: {  	v51 =	vshll.u32 v51, v33  }
0x544: {  	v51 =	vbroadcast v51, $0x0  }
0x545: {  	[tilespmem:v63+s0+$0x0] =	vst.idx.msk $0xffff, v49  }
0x546: {  	v55 =	vadd.s32 v35, v51;
	v49 =	vld [tilespmem:s7+$0xFFFFFF30];
	_ =	sdelay $0x4  }
0x547: {  	[tilespmem:v55+s0+$0x0] =	vst.idx.msk $0xffff, v49  }
0x548: {  	s20 =	sadd.s32 $0x2, s15;
	v56 =	vadd.s32 v36, v51;
	v49 =	vld [tilespmem:s7+$0xFFFFFF40]  }
0x549: {  	v57 =	vmov s20  }
0x54a: {  	v51 =	vshrl.u32 v57, $0x3  }
0x54b: {  	v51 =	vshll.u32 v51, v33  }
0x54c: {  	v51 =	vbroadcast v51, $0x0  }
0x54d: {  	[tilespmem:v56+s0+$0x0] =	vst.idx.msk $0xffff, v49  }
0x54e: {  	v58 =	vadd.s32 v37, v51;
	v49 =	vld [tilespmem:s7+$0xFFFFFF50];
	_ =	sdelay $0x4  }
0x54f: {  	[tilespmem:v58+s0+$0x0] =	vst.idx.msk $0xffff, v49  }
0x550: {  	s20 =	sadd.s32 $0x3, s15;
	v59 =	vadd.s32 v38, v51;
	v49 =	vld [tilespmem:s7+$0xFFFFFF60]  }
0x551: {  	v60 =	vmov s20  }
0x552: {  	v51 =	vshrl.u32 v60, $0x3  }
0x553: {  	v51 =	vshll.u32 v51, v33  }
0x554: {  	v51 =	vbroadcast v51, $0x0  }
0x555: {  	[tilespmem:v59+s0+$0x0] =	vst.idx.msk $0xffff, v49  }
0x556: {  	v61 =	vadd.s32 v39, v51;
	v49 =	vld [tilespmem:s7+$0xFFFFFF70];
	_ =	sdelay $0x4  }
0x557: {  	[tilespmem:v61+s0+$0x0] =	vst.idx.msk $0xffff, v49  }
0x558: {  	s20 =	sadd.s32 $0x4, s15;
	v62 =	vadd.s32 v40, v51;
	v49 =	vld [tilespmem:s7+$0xFFFFFF80]  }
0x559: {  	v63 =	vmov s20  }
0x55a: {  	v51 =	vshrl.u32 v63, $0x3  }
0x55b: {  	v51 =	vshll.u32 v51, v33  }
0x55c: {  	v51 =	vbroadcast v51, $0x0  }
0x55d: {  	[tilespmem:v62+s0+$0x0] =	vst.idx.msk $0xffff, v49  }
0x55e: {  	v53 =	vadd.s32 v41, v51;
	v49 =	vld [tilespmem:s7+$0xFFFFFF90];
	_ =	sdelay $0x4  }
0x55f: {  	[tilespmem:v53+s0+$0x0] =	vst.idx.msk $0xffff, v49  }
0x560: {  	s20 =	sadd.s32 $0x5, s15;
	v54 =	vadd.s32 v42, v51;
	v49 =	vld [tilespmem:s7+$0xFFFFFFA0]  }
0x561: {  	v55 =	vmov s20  }
0x562: {  	v51 =	vshrl.u32 v55, $0x3  }
0x563: {  	v51 =	vshll.u32 v51, v33  }
0x564: {  	v51 =	vbroadcast v51, $0x0  }
0x565: {  	[tilespmem:v54+s0+$0x0] =	vst.idx.msk $0xffff, v49  }
0x566: {  	v56 =	vadd.s32 v43, v51;
	v49 =	vld [tilespmem:s7+$0xFFFFFFB0];
	_ =	sdelay $0x4  }
0x567: {  	[tilespmem:v56+s0+$0x0] =	vst.idx.msk $0xffff, v49  }
0x568: {  	s20 =	sadd.s32 $0x6, s15;
	v57 =	vadd.s32 v44, v51;
	v49 =	vld [tilespmem:s7+$0xFFFFFFC0]  }
0x569: {  	v58 =	vmov s20  }
0x56a: {  	v51 =	vshrl.u32 v58, $0x3  }
0x56b: {  	v51 =	vshll.u32 v51, v33  }
0x56c: {  	v51 =	vbroadcast v51, $0x0  }
0x56d: {  	[tilespmem:v57+s0+$0x0] =	vst.idx.msk $0xffff, v49  }
0x56e: {  	v59 =	vadd.s32 v45, v51;
	v49 =	vld [tilespmem:s7+$0xFFFFFFD0];
	_ =	sdelay $0x4  }
0x56f: {  	[tilespmem:v59+s0+$0x0] =	vst.idx.msk $0xffff, v49  }
0x570: {  	s20 =	sadd.s32 $0x7, s15;
	v60 =	vadd.s32 v46, v51;
	v49 =	vld [tilespmem:s7+$0xFFFFFFE0]  }
0x571: {  	v61 =	vmov s20  }
0x572: {  	v51 =	vshrl.u32 v61, $0x3  }
0x573: {  	v51 =	vshll.u32 v51, v33  }
0x574: {  	v51 =	vbroadcast v51, $0x0  }
0x575: {  	[tilespmem:v60+s0+$0x0] =	vst.idx.msk $0xffff, v49  }
0x576: {  	v62 =	vadd.s32 v47, v51;
	v49 =	vld [tilespmem:s7+$0xFFFFFFF0];
	_ =	sdelay $0x4  }
0x577: {  	[tilespmem:v62+s0+$0x0] =	vst.idx.msk $0xffff, v49  }
0x578: {  	v63 =	vadd.s32 v48, v51;
	v49 =	vld [tilespmem:s7+$0x0];
	_ =	sdelay $0x1  }
0x579: {  	s15 =	rddreg [dreg:$0xa]  }
0x57a: {  	s7 =	sor.u32 s15, s17  }
0x57b: {  	s7 =	sshrl.u32 s7, $0x3  }
0x57c: {  	s8 =	sadd.s32 s2, s7;
	[tilespmem:v63+s0+$0x0] =	vst.idx.msk $0xffff, v49  }
0x57d: {  	[hbm4b:s8+s3] =	stream.linear.scatter [tilespmem:s0], [sflag:$0x2], $0x80, $0x38;
	[tilespmem:$0x13600] =	vst v63  }
0x57e: {  	s20 =	simm.s32 $0x12588;
	s17 =	sadd.s32 $0x10, s8  }
0x57f: {  	[hbm4b:s17+s3] =	stream.linear.scatter [tilespmem:s20], [sflag:$0x2], $0x80, $0x38;
	[tilespmem:$0x13600] =	vst v63  }
0x580: {  	s17 =	sadd.s32 $0x20, s8;
	s20 =	simm.s32 $0x12610  }
0x581: {  	[hbm4b:s17+s3] =	stream.linear.scatter [tilespmem:s20], [sflag:$0x2], $0x80, $0x38;
	[tilespmem:$0x13600] =	vst v63  }
0x582: {  	s17 =	sadd.s32 $0x30, s8;
	s20 =	simm.s32 $0x12698  }
0x583: {  	[hbm4b:s17+s3] =	stream.linear.scatter [tilespmem:s20], [sflag:$0x2], $0x80, $0x38;
	[tilespmem:$0x13600] =	vst v63  }
0x584: {  	s17 =	sadd.s32 $0x40, s8;
	s20 =	simm.s32 $0x12720  }
0x585: {  	[hbm4b:s17+s3] =	stream.linear.scatter [tilespmem:s20], [sflag:$0x2], $0x80, $0x38;
	[tilespmem:$0x13600] =	vst v63  }
0x586: {  	s17 =	sadd.s32 $0x50, s8;
	s20 =	simm.s32 $0x127A8  }
0x587: {  	[hbm4b:s17+s3] =	stream.linear.scatter [tilespmem:s20], [sflag:$0x2], $0x80, $0x38;
	[tilespmem:$0x13600] =	vst v63  }
0x588: {  	s17 =	sadd.s32 $0x60, s8;
	s20 =	simm.s32 $0x12830  }
0x589: {  	[hbm4b:s17+s3] =	stream.linear.scatter [tilespmem:s20], [sflag:$0x2], $0x80, $0x38;
	[tilespmem:$0x13600] =	vst v63  }
0x58a: {  	s8 =	sadd.s32 $0x70, s8;
	s20 =	simm.s32 $0x128B8;
	s17 =	sor.u32 $0x4000, s7  }
0x58b: {  	[hbm4b:s8+s3] =	stream.linear.scatter [tilespmem:s20], [sflag:$0x2], $0x80, $0x38;
	[tilespmem:$0x13600] =	vst v63  }
0x58c: {  	s8 =	sadd.s32 s2, s17;
	s20 =	simm.s32 $0x12940  }
0x58d: {  	[hbm4b:s8+s3] =	stream.linear.scatter [tilespmem:s20], [sflag:$0x2], $0x80, $0x38;
	[tilespmem:$0x13600] =	vst v63  }
0x58e: {  	s17 =	sadd.s32 $0x10, s8;
	s20 =	simm.s32 $0x129C8  }
0x58f: {  	[hbm4b:s17+s3] =	stream.linear.scatter [tilespmem:s20], [sflag:$0x2], $0x80, $0x38;
	[tilespmem:$0x13600] =	vst v63  }
0x590: {  	s17 =	sadd.s32 $0x20, s8;
	s20 =	simm.s32 $0x12A50  }
0x591: {  	[hbm4b:s17+s3] =	stream.linear.scatter [tilespmem:s20], [sflag:$0x2], $0x80, $0x38;
	[tilespmem:$0x13600] =	vst v63  }
0x592: {  	s17 =	sadd.s32 $0x30, s8;
	s20 =	simm.s32 $0x12AD8  }
0x593: {  	[hbm4b:s17+s3] =	stream.linear.scatter [tilespmem:s20], [sflag:$0x2], $0x80, $0x38;
	[tilespmem:$0x13600] =	vst v63  }
0x594: {  	s17 =	sadd.s32 $0x40, s8;
	s20 =	simm.s32 $0x12B60  }
0x595: {  	[hbm4b:s17+s3] =	stream.linear.scatter [tilespmem:s20], [sflag:$0x2], $0x80, $0x38;
	[tilespmem:$0x13600] =	vst v63  }
0x596: {  	s17 =	sadd.s32 $0x50, s8;
	s20 =	simm.s32 $0x12BE8  }
0x597: {  	[hbm4b:s17+s3] =	stream.linear.scatter [tilespmem:s20], [sflag:$0x2], $0x80, $0x38;
	[tilespmem:$0x13600] =	vst v63  }
0x598: {  	s17 =	sadd.s32 $0x60, s8;
	s20 =	simm.s32 $0x12C70  }
0x599: {  	[hbm4b:s17+s3] =	stream.linear.scatter [tilespmem:s20], [sflag:$0x2], $0x80, $0x38;
	[tilespmem:$0x13600] =	vst v63  }
0x59a: {  	s8 =	sadd.s32 $0x70, s8;
	s20 =	simm.s32 $0x12CF8;
	s17 =	sor.u32 $0x8000, s7  }
0x59b: {  	[hbm4b:s8+s3] =	stream.linear.scatter [tilespmem:s20], [sflag:$0x2], $0x80, $0x38;
	[tilespmem:$0x13600] =	vst v63  }
0x59c: {  	s8 =	sadd.s32 s2, s17;
	s20 =	simm.s32 $0x12D80  }
0x59d: {  	[hbm4b:s8+s3] =	stream.linear.scatter [tilespmem:s20], [sflag:$0x2], $0x80, $0x38;
	[tilespmem:$0x13600] =	vst v63  }
0x59e: {  	s17 =	sadd.s32 $0x10, s8;
	s20 =	simm.s32 $0x12E08  }
0x59f: {  	[hbm4b:s17+s3] =	stream.linear.scatter [tilespmem:s20], [sflag:$0x2], $0x80, $0x38;
	[tilespmem:$0x13600] =	vst v63  }
0x5a0: {  	s17 =	sadd.s32 $0x20, s8;
	s20 =	simm.s32 $0x12E90  }
0x5a1: {  	[hbm4b:s17+s3] =	stream.linear.scatter [tilespmem:s20], [sflag:$0x2], $0x80, $0x38;
	[tilespmem:$0x13600] =	vst v63  }
0x5a2: {  	s17 =	sadd.s32 $0x30, s8;
	s20 =	simm.s32 $0x12F18  }
0x5a3: {  	[hbm4b:s17+s3] =	stream.linear.scatter [tilespmem:s20], [sflag:$0x2], $0x80, $0x38;
	[tilespmem:$0x13600] =	vst v63  }
0x5a4: {  	s17 =	sadd.s32 $0x40, s8;
	s20 =	simm.s32 $0x12FA0  }
0x5a5: {  	[hbm4b:s17+s3] =	stream.linear.scatter [tilespmem:s20], [sflag:$0x2], $0x80, $0x38;
	[tilespmem:$0x13600] =	vst v63  }
0x5a6: {  	s17 =	sadd.s32 $0x50, s8;
	s20 =	simm.s32 $0x13028  }
0x5a7: {  	[hbm4b:s17+s3] =	stream.linear.scatter [tilespmem:s20], [sflag:$0x2], $0x80, $0x38;
	[tilespmem:$0x13600] =	vst v63  }
0x5a8: {  	s17 =	sadd.s32 $0x60, s8;
	s20 =	simm.s32 $0x130B0  }
0x5a9: {  	[hbm4b:s17+s3] =	stream.linear.scatter [tilespmem:s20], [sflag:$0x2], $0x80, $0x38;
	[tilespmem:$0x13600] =	vst v63  }
0x5aa: {  	s7 =	sor.u32 $0xC000, s7;
	s8 =	sadd.s32 $0x70, s8;
	s20 =	simm.s32 $0x13138  }
0x5ab: {  	[hbm4b:s8+s3] =	stream.linear.scatter [tilespmem:s20], [sflag:$0x2], $0x80, $0x38;
	[tilespmem:$0x13600] =	vst v63  }
0x5ac: {  	s7 =	sadd.s32 s2, s7  }
0x5ad: {  	[hbm4b:s7+s3] =	stream.linear.scatter [tilespmem:s31], [sflag:$0x2], $0x80, $0x38;
	[tilespmem:$0x13600] =	vst v63  }
0x5ae: {  	s15 =	sadd.s32 $0x10, s7  }
0x5af: {  	[hbm4b:s15+s3] =	stream.linear.scatter [tilespmem:s16], [sflag:$0x2], $0x80, $0x38;
	[tilespmem:$0x13600] =	vst v63  }
0x5b0: {  	s17 =	sadd.s32 $0x20, s7  }
0x5b1: {  	[hbm4b:s17+s3] =	stream.linear.scatter [tilespmem:s18], [sflag:$0x2], $0x80, $0x38;
	[tilespmem:$0x13600] =	vst v63  }
0x5b2: {  	s20 =	sadd.s32 $0x30, s7  }
0x5b3: {  	[hbm4b:s20+s3] =	stream.linear.scatter [tilespmem:s19], [sflag:$0x2], $0x80, $0x38;
	[tilespmem:$0x13600] =	vst v63  }
0x5b4: {  	s15 =	sadd.s32 $0x40, s7  }
0x5b5: {  	[hbm4b:s15+s3] =	stream.linear.scatter [tilespmem:s21], [sflag:$0x2], $0x80, $0x38;
	[tilespmem:$0x13600] =	vst v63  }
0x5b6: {  	s17 =	sadd.s32 $0x50, s7  }
0x5b7: {  	[hbm4b:s17+s3] =	stream.linear.scatter [tilespmem:s22], [sflag:$0x2], $0x80, $0x38;
	[tilespmem:$0x13600] =	vst v63  }
.Ltmp10:
0x5b8: {  	_ = 	snop;
	(pc) =	sbr.rel @p0 .LBB2_18-.Ltmp10, $4  }
0x5b9: {  	s20 =	sadd.s32 $0x60, s7  }
0x5ba: {  	[hbm4b:s20+s3] =	stream.linear.scatter [tilespmem:s5], [sflag:$0x2], $0x80, $0x38;
	[tilespmem:$0x13600] =	vst v63  }
0x5bb: {  	s7 =	sadd.s32 $0x70, s7  }
0x5bc: {  	[hbm4b:s7+s3] =	stream.linear.scatter [tilespmem:s13], [sflag:$0x2], $0x80, $0x38;
	[tilespmem:$0x13600] =	vst v63  }
.Ltmp11:
0x5bd: {  	(pc) =	sbr.rel .LBB2_4-.Ltmp11, $4  }
0x5be: {  	s7 =	sshll.u32 s14, $0x9  }
0x5bf: {  	s8 =	simm.s32 $0x80;
	s7 =	sand.u32 $0x3FFFFE00, s7  }
0x5c0: {  	s15 =	simm.s32 $0x10400;
	s14 =	sadd.s32 $0x1, s14;
	s7 =	sadd.s32 $0x7380, s7  }
0x5c1: {  	[tilespmem:s15], [sflag:$0x1] =	stream.indirect.gather [hbm4b:s4+s8], $0x20, s7, s8, $0xb8;
	[tilespmem:$0x13600] =	vst v63  }
.LBB2_19:
0x5c2: {  	_ =	sfence.sel $0x180000  }
0x5c3: {  	[bflag:$0x0] =	sbarrier.arrive $0xFFFF  }
0x5c4: {  	_ =	strace $0x90000047  }
0x5c5: {  	s0 =	stileid.u32;
	[bflag:$0x2] =	sbarrier.arrive $0xFFFF  }
0x5c6: {  	p0 =	sne.s32 s0, $0x0;
	s0 =	rddreg [dreg:$0x2]  }
0x5c7: {  	s0 =	sadd.s32 @!p0 $0x100000, s0  }
0x5c8: {  	[sflag:s0] =	ssyncadd.tile.s32 @!p0 $0x1;
	_ =	shalt  }
.Lfunc_end2:
_tile_overlayer_lowered:
.L_overlay_start_2:
0x5c9: {  	(tag) =	ssettag $0x2  }
0x5ca: {  	s0 =	rddreg [dreg:$0x0];
	s2 =	stileid.u32  }
0x5cb: {  	s1 =	rddreg [dreg:$0x1];
	p0 =	sne.s32 s2, $0x0  }
0x5cc: {  	s3 =	rddreg [dreg:$0x2];
	[bflag:$0x3] =	sbarrier.arrive $0xFFFF;
	s2 =	simm.s32 @!p0 $0x1C03  }
0x5cd: {  	[timem:s3], [sflag:s2] =	dma.local @!p0 [hbm:s0], s1  }
0x5ce: {  	s0 =	simm.s32 @!p0 $0x3  }
0x5cf: {  	_ =	swait.ge @!p0 [sflag:s0], s1  }
0x5d0: {  	s1 =	ssub.s32 @!p0 $0x0, s1;
	[sflag:s0] =	ssyncset.done @!p0 $0x0  }
0x5d1: {  	[sflag:s0] =	ssyncadd.s32 @!p0 s1  }
0x5d2: {  	[bflag:$0x3] =	sbarrier.arrive $0xFFFF  }
0x5d3: {  	_ =	shalt  }

</sc_bundles>
